<compile_context>
chip_gen: v7x
topology: tpu7x:2x2x1
jax: 0.10.2.dev20260603
libtpu: 0.0.44.dev20260713+nightly
codegen_flags: <defaults>
</compile_context>

<pallas_src>
import functools

import jax
import jax.numpy as jnp
from jax import lax
from jax.experimental import pallas as pl
from jax.experimental.pallas import tpu as pltpu
from jax.experimental.pallas import tpu_sc as plsc

N_NODES = 10000
N_EDGES = 320000
N_QUERY = 100000
D = 128
NEG_SLOPE = 0.2
BN_EPS = 1e-5

NPAD = 10240

NC = 2
NS = 16
NW = NC * NS

EPW = N_EDGES // NW
CH = 80
NCH = EPW // CH

QPAD = 102400
QPW = QPAD // NW
NCHQ = QPW // CH

ROWS_PER_TILE = NPAD // NS



def _proj_body(x_ref, w_ref, avs_ref, avd_ref, xw_ref, as_ref, ad_ref, sv_ref):
    xw = jnp.dot(x_ref[...], w_ref[...], preferred_element_type=jnp.float32)
    xw_ref[...] = xw
    als = jnp.dot(xw, avs_ref[...].reshape(D, 1), preferred_element_type=jnp.float32,
                  precision=lax.Precision.HIGHEST)
    ald = jnp.dot(xw, avd_ref[...].reshape(D, 1), preferred_element_type=jnp.float32,
                  precision=lax.Precision.HIGHEST)
    as_ref[...] = als[:, 0]
    ad_ref[...] = ald[:, 0]
    sv_ref[...] = jnp.full((16,), jnp.max(als) + jnp.max(ald), dtype=jnp.float32)


_proj = pl.pallas_call(
    _proj_body,
    out_shape=[
        jax.ShapeDtypeStruct((NPAD, D), jnp.float32),
        jax.ShapeDtypeStruct((NPAD,), jnp.float32),
        jax.ShapeDtypeStruct((NPAD,), jnp.float32),
        jax.ShapeDtypeStruct((16,), jnp.float32),
    ],
)


def _make_combine(use_bn):
    def body(num_ref, den_ref, b_ref, g_ref, be_ref, o_ref):
        num = num_ref[0] + num_ref[1]
        den = jnp.maximum(den_ref[0] + den_ref[1], 1e-30)
        x = num / den[:, None] + b_ref[...][None, :]
        if use_bn:
            scale = g_ref[...] * (1.0 / jnp.sqrt(1.0 + BN_EPS))
            x = x * scale[None, :] + be_ref[...][None, :]
            x = jnp.maximum(x, 0.0)
        o_ref[...] = x

    return pl.pallas_call(
        body,
        out_shape=jax.ShapeDtypeStruct((NPAD, D), jnp.float32),
    )


_combine_bn = _make_combine(True)
_combine_plain = _make_combine(False)

BQ = 2048


def _mlp_body(h_ref, w1_ref, b1_ref, w2_ref, b2_ref, o_ref):
    h = h_ref[...]
    z = lax.dot_general(h, w1_ref[...], (((1,), (1,)), ((), ())),
                        preferred_element_type=jnp.float32)
    z = jnp.maximum(z + b1_ref[...][None, :], 0.0)
    o = jnp.dot(z, w2_ref[...], preferred_element_type=jnp.float32)
    o = o + b2_ref[0]
    o_ref[...] = 1.0 / (1.0 + jnp.exp(-o))


_mlp = pl.pallas_call(
    _mlp_body,
    grid=(QPAD // BQ,),
    in_specs=[
        pl.BlockSpec((BQ, D), lambda i: (i, 0)),
        pl.BlockSpec((D, D), lambda i: (0, 0)),
        pl.BlockSpec((D,), lambda i: (0,)),
        pl.BlockSpec((D, 1), lambda i: (0, 0)),
        pl.BlockSpec(memory_space=pltpu.SMEM),
    ],
    out_specs=pl.BlockSpec((BQ, 1), lambda i: (i, 0)),
    out_shape=jax.ShapeDtypeStruct((QPAD, 1), jnp.float32),
)



_MESH = plsc.VectorSubcoreMesh(core_axis_name="c", subcore_axis_name="s")


@functools.partial(
    pl.kernel,
    mesh=_MESH,
    compiler_params=pltpu.CompilerParams(needs_layout_passes=False),
    out_type=[
        jax.ShapeDtypeStruct((NC, NPAD, D), jnp.float32),
        jax.ShapeDtypeStruct((NC, NPAD), jnp.float32),
    ],
    scratch_types=[
        pltpu.VMEM((3, CH), jnp.int32),
        pltpu.VMEM((4, CH), jnp.int32),
        pltpu.VMEM((2, CH), jnp.float32),
        pltpu.VMEM((2, CH), jnp.float32),
        pltpu.VMEM((4, CH), jnp.float32),
        pltpu.VMEM((3, CH, D), jnp.float32),
        pltpu.VMEM((16,), jnp.float32),
        pltpu.VMEM((ROWS_PER_TILE,), jnp.float32),
        pltpu.VMEM_SHARED((NPAD, D), jnp.float32),
        pltpu.VMEM_SHARED((NPAD,), jnp.float32),
        pltpu.SemaphoreType.DMA,
        pltpu.SemaphoreType.DMA,
        pltpu.SemaphoreType.DMA,
        pltpu.SemaphoreType.DMA,
        pltpu.SemaphoreType.DMA,
        pltpu.SemaphoreType.DMA,
        pltpu.SemaphoreType.DMA,
    ],
)
def _sc_aggregate(src_hbm, dst_hbm, asrc_hbm, adst_hbm, sv_hbm, xw_hbm,
                  num_out, den_out,
                  src_v, dst_v, avs_v, avd_v, w_v, rows_v, sv_v, zd_v,
                  num_sh, den_sh,
                  sem_si, sem_di, sem_a, sem_d, sem_r, sem_sd, sem_sn):
    cid = lax.axis_index("c")
    sid = lax.axis_index("s")
    wid = sid * NC + cid
    zeros16 = jnp.zeros((16,), jnp.float32)

    def _zb(r, carry):
        for j in range(D // 16):
            rows_v[0, r, pl.ds(j * 16, 16)] = zeros16
        return carry

    lax.fori_loop(0, CH, _zb, 0)
    for g in range(ROWS_PER_TILE // 16):
        zd_v[pl.ds(g * 16, 16)] = zeros16

    row0 = sid * ROWS_PER_TILE
    for k in range(ROWS_PER_TILE // CH):
        pltpu.sync_copy(rows_v.at[0], num_sh.at[pl.ds(row0 + k * CH, CH), :])
    pltpu.sync_copy(zd_v, den_sh.at[pl.ds(row0, ROWS_PER_TILE)])

    pltpu.sync_copy(sv_hbm, sv_v)
    svv = sv_v[...]

    plsc.subcore_barrier()

    def idx_src(ci, slot):
        return pltpu.make_async_copy(src_hbm.at[wid, ci], src_v.at[slot], sem_si)

    def idx_dst(ci, slot):
        return pltpu.make_async_copy(dst_hbm.at[wid, ci], dst_v.at[slot], sem_di)

    def g_avs(s3, s2):
        return pltpu.make_async_copy(asrc_hbm.at[src_v.at[s3]], avs_v.at[s2], sem_a)

    def g_avd(s4, s2):
        return pltpu.make_async_copy(adst_hbm.at[dst_v.at[s4]], avd_v.at[s2], sem_d)

    def g_rows(s3):
        return pltpu.make_async_copy(xw_hbm.at[src_v.at[s3]], rows_v.at[s3], sem_r)

    def s_den(s4):
        return pltpu.make_async_copy(w_v.at[s4], den_sh.at[dst_v.at[s4]], sem_sd)

    def s_num(s3, s4):
        return pltpu.make_async_copy(rows_v.at[s3], num_sh.at[dst_v.at[s4]], sem_sn)

    idx_src(0, 0).start()
    idx_dst(0, 0).start()
    idx_src(1, 1).start()
    idx_dst(1, 1).start()
    idx_src(0, 0).wait()
    idx_dst(0, 0).wait()
    g_avs(0, 0).start()
    g_avd(0, 0).start()
    g_rows(0).start()

    def _chunk(ci, carry):
        s3 = lax.rem(ci, 3)
        s4 = lax.rem(ci, 4)
        s2 = lax.rem(ci, 2)

        @pl.when(ci >= 2)
        def _():
            p3 = lax.rem(ci - 2, 3)
            p4 = lax.rem(ci - 2, 4)
            s_den(p4).wait()
            s_num(p3, p4).wait()

        @pl.when(ci + 2 < NCH)
        def _():
            n3 = lax.rem(ci + 2, 3)
            n4 = lax.rem(ci + 2, 4)
            idx_src(ci + 2, n3).start()
            idx_dst(ci + 2, n4).start()

        @pl.when(ci + 1 < NCH)
        def _():
            n3 = lax.rem(ci + 1, 3)
            n4 = lax.rem(ci + 1, 4)
            n2 = lax.rem(ci + 1, 2)
            idx_src(ci + 1, n3).wait()
            idx_dst(ci + 1, n4).wait()
            g_avs(n3, n2).start()
            g_avd(n4, n2).start()
            g_rows(n3).start()

        g_avs(s3, s2).wait()
        g_avd(s4, s2).wait()
        for g in range(CH // 16):
            e = avs_v[s2, pl.ds(g * 16, 16)] + avd_v[s2, pl.ds(g * 16, 16)]
            e = jnp.where(e >= 0.0, e, e * NEG_SLOPE)
            w_v[s4, pl.ds(g * 16, 16)] = jnp.exp(e - svv)
        s_den(s4).start(add=True)

        g_rows(s3).wait()

        s4v = jnp.full((16,), s4, jnp.int32)

        def _scale(p, c2):
            r0 = p * 2
            w0 = plsc.load_gather(w_v, [s4v, jnp.full((16,), r0, jnp.int32)])
            w1 = plsc.load_gather(w_v, [s4v, jnp.full((16,), r0 + 1, jnp.int32)])
            for j in range(D // 16):
                rows_v[s3, r0, pl.ds(j * 16, 16)] = (
                    rows_v[s3, r0, pl.ds(j * 16, 16)] * w0)
                rows_v[s3, r0 + 1, pl.ds(j * 16, 16)] = (
                    rows_v[s3, r0 + 1, pl.ds(j * 16, 16)] * w1)
            return c2

        lax.fori_loop(0, CH // 2, _scale, 0)
        s_num(s3, s4).start(add=True)
        return carry

    lax.fori_loop(0, NCH, _chunk, 0)

    for ci in (NCH - 2, NCH - 1):
        s_den(ci % 4).wait()
        s_num(ci % 3, ci % 4).wait()

    plsc.subcore_barrier()

    pltpu.sync_copy(num_sh.at[pl.ds(row0, ROWS_PER_TILE), :],
                    num_out.at[cid, pl.ds(row0, ROWS_PER_TILE), :])
    pltpu.sync_copy(den_sh.at[pl.ds(row0, ROWS_PER_TILE)],
                    den_out.at[cid, pl.ds(row0, ROWS_PER_TILE)])


@functools.partial(
    pl.kernel,
    mesh=_MESH,
    compiler_params=pltpu.CompilerParams(needs_layout_passes=False),
    out_type=jax.ShapeDtypeStruct((QPAD, D), jnp.float32),
    scratch_types=[
        pltpu.VMEM((3, CH), jnp.int32),
        pltpu.VMEM((3, CH), jnp.int32),
        pltpu.VMEM((3, CH, D), jnp.float32),
        pltpu.VMEM((3, CH, D), jnp.float32),
        pltpu.SemaphoreType.DMA,
        pltpu.SemaphoreType.DMA,
        pltpu.SemaphoreType.DMA,
        pltpu.SemaphoreType.DMA,
        pltpu.SemaphoreType.DMA,
    ],
)
def _sc_link(e0_hbm, e1_hbm, x_hbm, h_out, e0_v, e1_v, r0_v, r1_v,
             sem_i0, sem_i1, sem_g0, sem_g1, sem_w):
    cid = lax.axis_index("c")
    sid = lax.axis_index("s")
    wid = sid * NC + cid

    def idx0(ci, slot):
        return pltpu.make_async_copy(e0_hbm.at[wid, ci], e0_v.at[slot], sem_i0)

    def idx1(ci, slot):
        return pltpu.make_async_copy(e1_hbm.at[wid, ci], e1_v.at[slot], sem_i1)

    def g0(s3):
        return pltpu.make_async_copy(x_hbm.at[e0_v.at[s3]], r0_v.at[s3], sem_g0)

    def g1(s3):
        return pltpu.make_async_copy(x_hbm.at[e1_v.at[s3]], r1_v.at[s3], sem_g1)

    def wr(ci, s3):
        return pltpu.make_async_copy(
            r0_v.at[s3], h_out.at[pl.ds(wid * QPW + ci * CH, CH), :], sem_w)

    idx0(0, 0).start()
    idx1(0, 0).start()
    idx0(1, 1).start()
    idx1(1, 1).start()
    idx0(0, 0).wait()
    idx1(0, 0).wait()
    g0(0).start()
    g1(0).start()

    def _chunk(ci, carry):
        s3 = lax.rem(ci, 3)

        @pl.when(ci >= 2)
        def _():
            p3 = lax.rem(ci - 2, 3)
            wr(ci - 2, p3).wait()

        @pl.when(ci + 2 < NCHQ)
        def _():
            n3 = lax.rem(ci + 2, 3)
            idx0(ci + 2, n3).start()
            idx1(ci + 2, n3).start()

        @pl.when(ci + 1 < NCHQ)
        def _():
            n3 = lax.rem(ci + 1, 3)
            idx0(ci + 1, n3).wait()
            idx1(ci + 1, n3).wait()
            g0(n3).start()
            g1(n3).start()

        g0(s3).wait()
        g1(s3).wait()

        def _mul(p, c2):
            r0 = p * 2
            for j in range(D // 16):
                r0_v[s3, r0, pl.ds(j * 16, 16)] = (
                    r0_v[s3, r0, pl.ds(j * 16, 16)]
                    * r1_v[s3, r0, pl.ds(j * 16, 16)])
                r0_v[s3, r0 + 1, pl.ds(j * 16, 16)] = (
                    r0_v[s3, r0 + 1, pl.ds(j * 16, 16)]
                    * r1_v[s3, r0 + 1, pl.ds(j * 16, 16)])
            return c2

        lax.fori_loop(0, CH // 2, _mul, 0)
        wr(ci, s3).start()
        return carry

    lax.fori_loop(0, NCHQ, _chunk, 0)

    for ci in (NCHQ - 2, NCHQ - 1):
        wr(ci, ci % 3).wait()



def kernel(edge_index, edges, emb, W1, a_s1, a_d1, b1, g1, be1,
           W2, a_s2, a_d2, b2, pW1, pb1, pW2, pb2):
    src2 = edge_index[0].reshape(NW, NCH, CH)
    dst2 = edge_index[1].reshape(NW, NCH, CH)
    qpad = QPAD - N_QUERY
    e0 = jnp.concatenate([edges[0], jnp.zeros((qpad,), edges.dtype)]).reshape(NW, NCHQ, CH)
    e1 = jnp.concatenate([edges[1], jnp.zeros((qpad,), edges.dtype)]).reshape(NW, NCHQ, CH)
    embp = jnp.pad(emb, ((0, NPAD - N_NODES), (0, 0)))

    xw1, as1, ad1, sv1 = _proj(embp, W1, a_s1, a_d1)
    num1, den1 = _sc_aggregate(src2, dst2, as1, ad1, sv1, xw1)
    x1 = _combine_bn(num1, den1, b1, g1, be1)

    xw2, as2, ad2, sv2 = _proj(x1, W2, a_s2, a_d2)
    num2, den2 = _sc_aggregate(src2, dst2, as2, ad2, sv2, xw2)
    x2 = _combine_plain(num2, den2, b2, g1, be1)

    h = _sc_link(e0, e1, x2)
    p = _mlp(h, pW1, pb1, pW2.T, pb2)
    return p[:N_QUERY, 0]

# --- scband reference (transcript-rebuilt; emitter-appended) ---
"""Pipeline reference for scband-gat-60550448939056 (READ-ONLY COPY).

The authoritative reference and input builder live on the scoring server;
editing this copy changes nothing except your own understanding.
"""

import jax, jax.numpy as jnp
import numpy as np

N_NODES = 10000
N_EDGES = 320000
N_QUERY = 100000
D = 128
NEG_SLOPE = 0.2
BN_EPS = 1e-5


def setup_inputs(seed: int = 0) -> dict:
    key = jax.random.key(seed)
    ks = jax.random.split(key, 20)
    inp = {}
    inp["edge_index"] = jax.random.randint(ks[0], (2, N_EDGES), 0, N_NODES, dtype=jnp.int32)
    inp["edges"] = jax.random.randint(ks[1], (2, N_QUERY), 0, N_NODES, dtype=jnp.int32)
    # learned parameters
    inp["emb"] = jax.random.normal(ks[2], (N_NODES, D), dtype=jnp.float32)
    inp["W1"] = jax.random.normal(ks[3], (D, D), dtype=jnp.float32) * (1.0 / np.sqrt(D))
    inp["a_s1"] = jax.random.normal(ks[4], (D,), dtype=jnp.float32) * 0.1
    inp["a_d1"] = jax.random.normal(ks[5], (D,), dtype=jnp.float32) * 0.1
    inp["b1"] = jnp.zeros((D,), dtype=jnp.float32)
    inp["g1"] = jnp.ones((D,), dtype=jnp.float32)
    inp["be1"] = jnp.zeros((D,), dtype=jnp.float32)
    inp["W2"] = jax.random.normal(ks[6], (D, D), dtype=jnp.float32) * (1.0 / np.sqrt(D))
    inp["a_s2"] = jax.random.normal(ks[7], (D,), dtype=jnp.float32) * 0.1
    inp["a_d2"] = jax.random.normal(ks[8], (D,), dtype=jnp.float32) * 0.1
    inp["b2"] = jnp.zeros((D,), dtype=jnp.float32)
    inp["pW1"] = jax.random.normal(ks[9], (D, D), dtype=jnp.float32) * (1.0 / np.sqrt(D))
    inp["pb1"] = jnp.zeros((D,), dtype=jnp.float32)
    inp["pW2"] = jax.random.normal(ks[10], (1, D), dtype=jnp.float32) * (1.0 / np.sqrt(D))
    inp["pb2"] = jnp.zeros((1,), dtype=jnp.float32)
    return inp


def gat_conv(x, src, dst, W, a_s, a_d, b):
    # PyG-style GATConv, heads=1
    xw = x @ W  # [N, D]
    alpha_src = xw @ a_s  # [N]
    alpha_dst = xw @ a_d  # [N]
    e = jax.nn.leaky_relu(alpha_src[src] + alpha_dst[dst], NEG_SLOPE)  # [E]
    emax = jax.ops.segment_max(e, dst, num_segments=N_NODES)
    emax = jnp.where(jnp.isfinite(emax), emax, 0.0)
    ee = jnp.exp(e - emax[dst])
    den = jax.ops.segment_sum(ee, dst, num_segments=N_NODES)
    alpha = ee / (den[dst] + 1e-16)
    out = jax.ops.segment_sum(xw[src] * alpha[:, None], dst, num_segments=N_NODES)
    return out + b


def reference(edge_index, edges, emb, W1, a_s1, a_d1, b1, g1, be1, W2, a_s2, a_d2, b2, pW1, pb1, pW2, pb2):
    src = edge_index[0]
    dst = edge_index[1]
    # layer 1 + BatchNorm (eval: running_mean=0, running_var=1) + ReLU (dropout off in eval)
    x = gat_conv(emb, src, dst, W1, a_s1, a_d1, b1)
    x = (x / jnp.sqrt(1.0 + BN_EPS)) * g1 + be1
    x = jax.nn.relu(x)
    # layer 2 (concat=False, heads=1)
    x = gat_conv(x, src, dst, W2, a_s2, a_d2, b2)
    # LinkPredictor: h = x_i * x_j -> MLP -> sigmoid
    h = x[edges[0]] * x[edges[1]]
    h = jax.nn.relu(h @ pW1.T + pb1)
    h = h @ pW2.T + pb2
    return jax.nn.sigmoid(h)[:, 0]

if __name__ == "__main__":
    import jax
    _d = setup_inputs()
    print(jax.jit(kernel)(*tuple(_d.values())))

</pallas_src>

<mosaic_0001>
#map = affine_map<(d0, d1) -> (0, 0, 0)>
#map1 = affine_map<(d0, d1) -> (0, 0)>
module attributes {stable_mosaic.version = 14 : i64} {
  func.func @_sc_link(%arg0: i32, %arg1: i32, %arg2: memref<32x40x80xi32, #tpu.memory_space<hbm>>, %arg3: memref<32x40x80xi32, #tpu.memory_space<hbm>>, %arg4: memref<10240x128xf32, #tpu.memory_space<hbm>>, %arg5: memref<102400x128xf32, #tpu.memory_space<hbm>>, %arg6: memref<3x80xi32, #tpu.memory_space<vmem>>, %arg7: memref<3x80xi32, #tpu.memory_space<vmem>>, %arg8: memref<3x80x128xf32, #tpu.memory_space<vmem>>, %arg9: memref<3x80x128xf32, #tpu.memory_space<vmem>>, %arg10: memref<!tpu.dma_semaphore, #tpu.memory_space<semaphore_mem>>, %arg11: memref<!tpu.dma_semaphore, #tpu.memory_space<semaphore_mem>>, %arg12: memref<!tpu.dma_semaphore, #tpu.memory_space<semaphore_mem>>, %arg13: memref<!tpu.dma_semaphore, #tpu.memory_space<semaphore_mem>>, %arg14: memref<!tpu.dma_semaphore, #tpu.memory_space<semaphore_mem>>) attributes {dimension_semantics = [#tpu.dimension_semantics<core_parallel>, #tpu.dimension_semantics<subcore_parallel>], iteration_bounds = array<i64: 2, 16>, scalar_prefetch = 0 : i64, scratch_operands = 9 : i64, tpu.core_type = #tpu.core_type<sc_vector_subcore>, window_params = [{transform_indices = #map}, {transform_indices = #map}, {transform_indices = #map1}, {transform_indices = #map1}]} {
    %mul3A = arith.constant 2 : i32
    %mul3A_0 = arith.muli %arg1, %mul3A : i32
    %add3A = arith.addi %mul3A_0, %arg0 : i32
    %dma_start3A = arith.constant 0 : i32
    %dma_start3A_1 = arith.constant 0 : i32
    %dma_start3A_2 = arith.constant 0 : i32
    %dma_start3A_3 = tpu.memref_slice %arg6[%dma_start3A_1, %dma_start3A_2] : memref<3x80xi32, #tpu.memory_space<vmem>> -> memref<1x80xi32, #tpu.memory_space<vmem>>
    %dma_start3A_4 = tpu.memref_squeeze %dma_start3A_3 : memref<1x80xi32, #tpu.memory_space<vmem>> -> memref<80xi32, #tpu.memory_space<vmem>>
    %dma_start3A_5 = arith.constant 0 : i32
    %dma_start3A_6 = tpu.memref_slice %arg2[%add3A, %dma_start3A, %dma_start3A_5] : memref<32x40x80xi32, #tpu.memory_space<hbm>> -> memref<1x1x80xi32, #tpu.memory_space<hbm>>
    %dma_start3A_7 = tpu.memref_squeeze %dma_start3A_6 : memref<1x1x80xi32, #tpu.memory_space<hbm>> -> memref<80xi32, #tpu.memory_space<hbm>>
    %dma_start3A_8 = arith.constant 0 : i32
    %dma_start3A_9 = tpu.memref_slice %arg6[%dma_start3A_1, %dma_start3A_8] : memref<3x80xi32, #tpu.memory_space<vmem>> -> memref<1x80xi32, #tpu.memory_space<vmem>>
    %dma_start3A_10 = tpu.memref_squeeze %dma_start3A_9 : memref<1x80xi32, #tpu.memory_space<vmem>> -> memref<80xi32, #tpu.memory_space<vmem>>
    %dma_start3A_11 = arith.constant 0 : i32
    %dma_start3A_12 = tpu.memref_slice %arg2[%add3A, %dma_start3A, %dma_start3A_11] : memref<32x40x80xi32, #tpu.memory_space<hbm>> -> memref<1x1x80xi32, #tpu.memory_space<hbm>>
    %dma_start3A_13 = tpu.memref_squeeze %dma_start3A_12 : memref<1x1x80xi32, #tpu.memory_space<hbm>> -> memref<80xi32, #tpu.memory_space<hbm>>
    tpu.enqueue_dma source(%dma_start3A_13 : memref<80xi32, #tpu.memory_space<hbm>>) target(%dma_start3A_10 : memref<80xi32, #tpu.memory_space<vmem>>) target_semaphore(%arg10 : memref<!tpu.dma_semaphore, #tpu.memory_space<semaphore_mem>>)
    %dma_start3A_14 = arith.constant 0 : i32
    %dma_start3A_15 = arith.constant 0 : i32
    %dma_start3A_16 = arith.constant 0 : i32
    %dma_start3A_17 = tpu.memref_slice %arg7[%dma_start3A_15, %dma_start3A_16] : memref<3x80xi32, #tpu.memory_space<vmem>> -> memref<1x80xi32, #tpu.memory_space<vmem>>
    %dma_start3A_18 = tpu.memref_squeeze %dma_start3A_17 : memref<1x80xi32, #tpu.memory_space<vmem>> -> memref<80xi32, #tpu.memory_space<vmem>>
    %dma_start3A_19 = arith.constant 0 : i32
    %dma_start3A_20 = tpu.memref_slice %arg3[%add3A, %dma_start3A_14, %dma_start3A_19] : memref<32x40x80xi32, #tpu.memory_space<hbm>> -> memref<1x1x80xi32, #tpu.memory_space<hbm>>
    %dma_start3A_21 = tpu.memref_squeeze %dma_start3A_20 : memref<1x1x80xi32, #tpu.memory_space<hbm>> -> memref<80xi32, #tpu.memory_space<hbm>>
    %dma_start3A_22 = arith.constant 0 : i32
    %dma_start3A_23 = tpu.memref_slice %arg7[%dma_start3A_15, %dma_start3A_22] : memref<3x80xi32, #tpu.memory_space<vmem>> -> memref<1x80xi32, #tpu.memory_space<vmem>>
    %dma_start3A_24 = tpu.memref_squeeze %dma_start3A_23 : memref<1x80xi32, #tpu.memory_space<vmem>> -> memref<80xi32, #tpu.memory_space<vmem>>
    %dma_start3A_25 = arith.constant 0 : i32
    %dma_start3A_26 = tpu.memref_slice %arg3[%add3A, %dma_start3A_14, %dma_start3A_25] : memref<32x40x80xi32, #tpu.memory_space<hbm>> -> memref<1x1x80xi32, #tpu.memory_space<hbm>>
    %dma_start3A_27 = tpu.memref_squeeze %dma_start3A_26 : memref<1x1x80xi32, #tpu.memory_space<hbm>> -> memref<80xi32, #tpu.memory_space<hbm>>
    tpu.enqueue_dma source(%dma_start3A_27 : memref<80xi32, #tpu.memory_space<hbm>>) target(%dma_start3A_24 : memref<80xi32, #tpu.memory_space<vmem>>) target_semaphore(%arg11 : memref<!tpu.dma_semaphore, #tpu.memory_space<semaphore_mem>>)
    %dma_start3A_28 = arith.constant 1 : i32
    %dma_start3A_29 = arith.constant 1 : i32
    %dma_start3A_30 = arith.constant 0 : i32
    %dma_start3A_31 = tpu.memref_slice %arg6[%dma_start3A_29, %dma_start3A_30] : memref<3x80xi32, #tpu.memory_space<vmem>> -> memref<1x80xi32, #tpu.memory_space<vmem>>
    %dma_start3A_32 = tpu.memref_squeeze %dma_start3A_31 : memref<1x80xi32, #tpu.memory_space<vmem>> -> memref<80xi32, #tpu.memory_space<vmem>>
    %dma_start3A_33 = arith.constant 0 : i32
    %dma_start3A_34 = tpu.memref_slice %arg2[%add3A, %dma_start3A_28, %dma_start3A_33] : memref<32x40x80xi32, #tpu.memory_space<hbm>> -> memref<1x1x80xi32, #tpu.memory_space<hbm>>
    %dma_start3A_35 = tpu.memref_squeeze %dma_start3A_34 : memref<1x1x80xi32, #tpu.memory_space<hbm>> -> memref<80xi32, #tpu.memory_space<hbm>>
    %dma_start3A_36 = arith.constant 0 : i32
    %dma_start3A_37 = tpu.memref_slice %arg6[%dma_start3A_29, %dma_start3A_36] : memref<3x80xi32, #tpu.memory_space<vmem>> -> memref<1x80xi32, #tpu.memory_space<vmem>>
    %dma_start3A_38 = tpu.memref_squeeze %dma_start3A_37 : memref<1x80xi32, #tpu.memory_space<vmem>> -> memref<80xi32, #tpu.memory_space<vmem>>
    %dma_start3A_39 = arith.constant 0 : i32
    %dma_start3A_40 = tpu.memref_slice %arg2[%add3A, %dma_start3A_28, %dma_start3A_39] : memref<32x40x80xi32, #tpu.memory_space<hbm>> -> memref<1x1x80xi32, #tpu.memory_space<hbm>>
    %dma_start3A_41 = tpu.memref_squeeze %dma_start3A_40 : memref<1x1x80xi32, #tpu.memory_space<hbm>> -> memref<80xi32, #tpu.memory_space<hbm>>
    tpu.enqueue_dma source(%dma_start3A_41 : memref<80xi32, #tpu.memory_space<hbm>>) target(%dma_start3A_38 : memref<80xi32, #tpu.memory_space<vmem>>) target_semaphore(%arg10 : memref<!tpu.dma_semaphore, #tpu.memory_space<semaphore_mem>>)
    %dma_start3A_42 = arith.constant 1 : i32
    %dma_start3A_43 = arith.constant 1 : i32
    %dma_start3A_44 = arith.constant 0 : i32
    %dma_start3A_45 = tpu.memref_slice %arg7[%dma_start3A_43, %dma_start3A_44] : memref<3x80xi32, #tpu.memory_space<vmem>> -> memref<1x80xi32, #tpu.memory_space<vmem>>
    %dma_start3A_46 = tpu.memref_squeeze %dma_start3A_45 : memref<1x80xi32, #tpu.memory_space<vmem>> -> memref<80xi32, #tpu.memory_space<vmem>>
    %dma_start3A_47 = arith.constant 0 : i32
    %dma_start3A_48 = tpu.memref_slice %arg3[%add3A, %dma_start3A_42, %dma_start3A_47] : memref<32x40x80xi32, #tpu.memory_space<hbm>> -> memref<1x1x80xi32, #tpu.memory_space<hbm>>
    %dma_start3A_49 = tpu.memref_squeeze %dma_start3A_48 : memref<1x1x80xi32, #tpu.memory_space<hbm>> -> memref<80xi32, #tpu.memory_space<hbm>>
    %dma_start3A_50 = arith.constant 0 : i32
    %dma_start3A_51 = tpu.memref_slice %arg7[%dma_start3A_43, %dma_start3A_50] : memref<3x80xi32, #tpu.memory_space<vmem>> -> memref<1x80xi32, #tpu.memory_space<vmem>>
    %dma_start3A_52 = tpu.memref_squeeze %dma_start3A_51 : memref<1x80xi32, #tpu.memory_space<vmem>> -> memref<80xi32, #tpu.memory_space<vmem>>
    %dma_start3A_53 = arith.constant 0 : i32
    %dma_start3A_54 = tpu.memref_slice %arg3[%add3A, %dma_start3A_42, %dma_start3A_53] : memref<32x40x80xi32, #tpu.memory_space<hbm>> -> memref<1x1x80xi32, #tpu.memory_space<hbm>>
    %dma_start3A_55 = tpu.memref_squeeze %dma_start3A_54 : memref<1x1x80xi32, #tpu.memory_space<hbm>> -> memref<80xi32, #tpu.memory_space<hbm>>
    tpu.enqueue_dma source(%dma_start3A_55 : memref<80xi32, #tpu.memory_space<hbm>>) target(%dma_start3A_52 : memref<80xi32, #tpu.memory_space<vmem>>) target_semaphore(%arg11 : memref<!tpu.dma_semaphore, #tpu.memory_space<semaphore_mem>>)
    %dma_wait3A = arith.constant 0 : i32
    %dma_wait3A_56 = arith.constant 0 : i32
    %dma_wait3A_57 = arith.constant 0 : i32
    %dma_wait3A_58 = tpu.memref_slice %arg6[%dma_wait3A_56, %dma_wait3A_57] : memref<3x80xi32, #tpu.memory_space<vmem>> -> memref<1x80xi32, #tpu.memory_space<vmem>>
    %dma_wait3A_59 = tpu.memref_squeeze %dma_wait3A_58 : memref<1x80xi32, #tpu.memory_space<vmem>> -> memref<80xi32, #tpu.memory_space<vmem>>
    %dma_wait3A_60 = arith.constant 0 : i32
    %dma_wait3A_61 = tpu.memref_slice %arg2[%add3A, %dma_wait3A, %dma_wait3A_60] : memref<32x40x80xi32, #tpu.memory_space<hbm>> -> memref<1x1x80xi32, #tpu.memory_space<hbm>>
    %dma_wait3A_62 = tpu.memref_squeeze %dma_wait3A_61 : memref<1x1x80xi32, #tpu.memory_space<hbm>> -> memref<80xi32, #tpu.memory_space<hbm>>
    %dma_wait3A_63 = arith.constant 0 : i32
    %dma_wait3A_64 = tpu.memref_slice %arg6[%dma_wait3A_56, %dma_wait3A_63] : memref<3x80xi32, #tpu.memory_space<vmem>> -> memref<1x80xi32, #tpu.memory_space<vmem>>
    %dma_wait3A_65 = tpu.memref_squeeze %dma_wait3A_64 : memref<1x80xi32, #tpu.memory_space<vmem>> -> memref<80xi32, #tpu.memory_space<vmem>>
    %dma_wait3A_66 = arith.constant 0 : i32
    %dma_wait3A_67 = tpu.memref_slice %arg2[%add3A, %dma_wait3A, %dma_wait3A_66] : memref<32x40x80xi32, #tpu.memory_space<hbm>> -> memref<1x1x80xi32, #tpu.memory_space<hbm>>
    %dma_wait3A_68 = tpu.memref_squeeze %dma_wait3A_67 : memref<1x1x80xi32, #tpu.memory_space<hbm>> -> memref<80xi32, #tpu.memory_space<hbm>>
    tpu.wait_dma2 semaphore(%arg10 : memref<!tpu.dma_semaphore, #tpu.memory_space<semaphore_mem>>) src(%dma_wait3A_68 : memref<80xi32, #tpu.memory_space<hbm>>) dst(%dma_wait3A_65 : memref<80xi32, #tpu.memory_space<vmem>>)
    %dma_wait3A_69 = arith.constant 0 : i32
    %dma_wait3A_70 = arith.constant 0 : i32
    %dma_wait3A_71 = arith.constant 0 : i32
    %dma_wait3A_72 = tpu.memref_slice %arg7[%dma_wait3A_70, %dma_wait3A_71] : memref<3x80xi32, #tpu.memory_space<vmem>> -> memref<1x80xi32, #tpu.memory_space<vmem>>
    %dma_wait3A_73 = tpu.memref_squeeze %dma_wait3A_72 : memref<1x80xi32, #tpu.memory_space<vmem>> -> memref<80xi32, #tpu.memory_space<vmem>>
    %dma_wait3A_74 = arith.constant 0 : i32
    %dma_wait3A_75 = tpu.memref_slice %arg3[%add3A, %dma_wait3A_69, %dma_wait3A_74] : memref<32x40x80xi32, #tpu.memory_space<hbm>> -> memref<1x1x80xi32, #tpu.memory_space<hbm>>
    %dma_wait3A_76 = tpu.memref_squeeze %dma_wait3A_75 : memref<1x1x80xi32, #tpu.memory_space<hbm>> -> memref<80xi32, #tpu.memory_space<hbm>>
    %dma_wait3A_77 = arith.constant 0 : i32
    %dma_wait3A_78 = tpu.memref_slice %arg7[%dma_wait3A_70, %dma_wait3A_77] : memref<3x80xi32, #tpu.memory_space<vmem>> -> memref<1x80xi32, #tpu.memory_space<vmem>>
    %dma_wait3A_79 = tpu.memref_squeeze %dma_wait3A_78 : memref<1x80xi32, #tpu.memory_space<vmem>> -> memref<80xi32, #tpu.memory_space<vmem>>
    %dma_wait3A_80 = arith.constant 0 : i32
    %dma_wait3A_81 = tpu.memref_slice %arg3[%add3A, %dma_wait3A_69, %dma_wait3A_80] : memref<32x40x80xi32, #tpu.memory_space<hbm>> -> memref<1x1x80xi32, #tpu.memory_space<hbm>>
    %dma_wait3A_82 = tpu.memref_squeeze %dma_wait3A_81 : memref<1x1x80xi32, #tpu.memory_space<hbm>> -> memref<80xi32, #tpu.memory_space<hbm>>
    tpu.wait_dma2 semaphore(%arg11 : memref<!tpu.dma_semaphore, #tpu.memory_space<semaphore_mem>>) src(%dma_wait3A_82 : memref<80xi32, #tpu.memory_space<hbm>>) dst(%dma_wait3A_79 : memref<80xi32, #tpu.memory_space<vmem>>)
    %dma_start3A_83 = arith.constant 0 : i32
    %dma_start3A_84 = arith.constant 0 : i32
    %dma_start3A_85 = arith.constant 0 : i32
    %dma_start3A_86 = arith.constant 0 : i32
    %dma_start3A_87 = tpu.memref_slice %arg8[%dma_start3A_84, %dma_start3A_85, %dma_start3A_86] : memref<3x80x128xf32, #tpu.memory_space<vmem>> -> memref<1x80x128xf32, #tpu.memory_space<vmem>>
    %dma_start3A_88 = tpu.memref_squeeze %dma_start3A_87 : memref<1x80x128xf32, #tpu.memory_space<vmem>> -> memref<80x128xf32, #tpu.memory_space<vmem>>
    %dma_start3A_89 = arith.constant 0 : i32
    %dma_start3A_90 = tpu.memref_slice %arg6[%dma_start3A_83, %dma_start3A_89] : memref<3x80xi32, #tpu.memory_space<vmem>> -> memref<1x80xi32, #tpu.memory_space<vmem>>
    %dma_start3A_91 = tpu.memref_squeeze %dma_start3A_90 : memref<1x80xi32, #tpu.memory_space<vmem>> -> memref<80xi32, #tpu.memory_space<vmem>>
    %dma_start3A_92 = arith.constant 0 : i32
    %dma_start3A_93 = arith.constant 0 : i32
    %dma_start3A_94 = tpu.memref_slice %arg4[%dma_start3A_92, %dma_start3A_93] : memref<10240x128xf32, #tpu.memory_space<hbm>> -> memref<10240x128xf32, #tpu.memory_space<hbm>>
    tpu.enqueue_indirect_dma source(%dma_start3A_94 : memref<10240x128xf32, #tpu.memory_space<hbm>>) target(%dma_start3A_88 : memref<80x128xf32, #tpu.memory_space<vmem>>) offsets(%dma_start3A_91 : memref<80xi32, #tpu.memory_space<vmem>>) semaphore(%arg12 : memref<!tpu.dma_semaphore, #tpu.memory_space<semaphore_mem>>)
    %dma_start3A_95 = arith.constant 0 : i32
    %dma_start3A_96 = arith.constant 0 : i32
    %dma_start3A_97 = arith.constant 0 : i32
    %dma_start3A_98 = arith.constant 0 : i32
    %dma_start3A_99 = tpu.memref_slice %arg9[%dma_start3A_96, %dma_start3A_97, %dma_start3A_98] : memref<3x80x128xf32, #tpu.memory_space<vmem>> -> memref<1x80x128xf32, #tpu.memory_space<vmem>>
    %dma_start3A_100 = tpu.memref_squeeze %dma_start3A_99 : memref<1x80x128xf32, #tpu.memory_space<vmem>> -> memref<80x128xf32, #tpu.memory_space<vmem>>
    %dma_start3A_101 = arith.constant 0 : i32
    %dma_start3A_102 = tpu.memref_slice %arg7[%dma_start3A_95, %dma_start3A_101] : memref<3x80xi32, #tpu.memory_space<vmem>> -> memref<1x80xi32, #tpu.memory_space<vmem>>
    %dma_start3A_103 = tpu.memref_squeeze %dma_start3A_102 : memref<1x80xi32, #tpu.memory_space<vmem>> -> memref<80xi32, #tpu.memory_space<vmem>>
    %dma_start3A_104 = arith.constant 0 : i32
    %dma_start3A_105 = arith.constant 0 : i32
    %dma_start3A_106 = tpu.memref_slice %arg4[%dma_start3A_104, %dma_start3A_105] : memref<10240x128xf32, #tpu.memory_space<hbm>> -> memref<10240x128xf32, #tpu.memory_space<hbm>>
    tpu.enqueue_indirect_dma source(%dma_start3A_106 : memref<10240x128xf32, #tpu.memory_space<hbm>>) target(%dma_start3A_100 : memref<80x128xf32, #tpu.memory_space<vmem>>) offsets(%dma_start3A_103 : memref<80xi32, #tpu.memory_space<vmem>>) semaphore(%arg13 : memref<!tpu.dma_semaphore, #tpu.memory_space<semaphore_mem>>)
    %scan3A = arith.constant 0 : i32
    %scan3A_107 = arith.constant 0 : i32
    %scan3A_108 = arith.constant 40 : i32
    %scan3A_109 = arith.addi %scan3A_107, %scan3A_108 : i32
    %scan3A_110 = arith.constant 1 : i32
    scf.for %scan3A_146 = %scan3A_107 to %scan3A_109 step %scan3A_110  : i32 {
      %rem3A = arith.constant 3 : i32
      %rem3A_147 = arith.remsi %scan3A_146, %rem3A : i32
      %ge3A = arith.constant 2 : i32
      %ge3A_148 = arith.cmpi sge, %scan3A_146, %ge3A : i32
      %convert_element_type3A = arith.extui %ge3A_148 : i1 to i32
      %cond3A = arith.constant 0 : i32
      %cond3A_149 = arith.cmpi ne, %convert_element_type3A, %cond3A : i32
      scf.if %cond3A_149 {
        %sub3A = arith.constant 2 : i32
        %sub3A_206 = arith.subi %scan3A_146, %sub3A : i32
        %rem3A_207 = arith.constant 3 : i32
        %rem3A_208 = arith.remsi %sub3A_206, %rem3A_207 : i32
        %sub3A_209 = arith.constant 2 : i32
        %sub3A_210 = arith.subi %scan3A_146, %sub3A_209 : i32
        %mul3A_211 = arith.constant 3200 : i32
        %mul3A_212 = arith.muli %add3A, %mul3A_211 : i32
        %mul3A_213 = arith.constant 80 : i32
        %mul3A_214 = arith.muli %sub3A_210, %mul3A_213 : i32
        %add3A_215 = arith.addi %mul3A_212, %mul3A_214 : i32
        %dma_wait3A_216 = arith.constant 0 : i32
        %dma_wait3A_217 = arith.constant 0 : i32
        %dma_wait3A_218 = tpu.memref_slice %arg8[%rem3A_208, %dma_wait3A_216, %dma_wait3A_217] : memref<3x80x128xf32, #tpu.memory_space<vmem>> -> memref<1x80x128xf32, #tpu.memory_space<vmem>>
        %dma_wait3A_219 = tpu.memref_squeeze %dma_wait3A_218 : memref<1x80x128xf32, #tpu.memory_space<vmem>> -> memref<80x128xf32, #tpu.memory_space<vmem>>
        %dma_wait3A_220 = arith.constant 0 : i32
        %dma_wait3A_221 = tpu.memref_slice %arg5[%add3A_215, %dma_wait3A_220] : memref<102400x128xf32, #tpu.memory_space<hbm>> -> memref<80x128xf32, #tpu.memory_space<hbm>>
        %dma_wait3A_222 = arith.constant 0 : i32
        %dma_wait3A_223 = tpu.memref_slice %arg5[%add3A_215, %dma_wait3A_222] : memref<102400x128xf32, #tpu.memory_space<hbm>> -> memref<80x128xf32, #tpu.memory_space<hbm>>
        %dma_wait3A_224 = arith.constant 0 : i32
        %dma_wait3A_225 = arith.constant 0 : i32
        %dma_wait3A_226 = tpu.memref_slice %arg8[%rem3A_208, %dma_wait3A_224, %dma_wait3A_225] : memref<3x80x128xf32, #tpu.memory_space<vmem>> -> memref<1x80x128xf32, #tpu.memory_space<vmem>>
        %dma_wait3A_227 = tpu.memref_squeeze %dma_wait3A_226 : memref<1x80x128xf32, #tpu.memory_space<vmem>> -> memref<80x128xf32, #tpu.memory_space<vmem>>
        tpu.wait_dma2 semaphore(%arg14 : memref<!tpu.dma_semaphore, #tpu.memory_space<semaphore_mem>>) src(%dma_wait3A_227 : memref<80x128xf32, #tpu.memory_space<vmem>>) dst(%dma_wait3A_223 : memref<80x128xf32, #tpu.memory_space<hbm>>)
      } else {
      }
      %add3A_150 = arith.constant 2 : i32
      %add3A_151 = arith.addi %scan3A_146, %add3A_150 : i32
      %lt3A = arith.constant 40 : i32
      %lt3A_152 = arith.cmpi slt, %add3A_151, %lt3A : i32
      %convert_element_type3A_153 = arith.extui %lt3A_152 : i1 to i32
      %cond3A_154 = arith.constant 0 : i32
      %cond3A_155 = arith.cmpi ne, %convert_element_type3A_153, %cond3A_154 : i32
      scf.if %cond3A_155 {
        %add3A_206 = arith.constant 2 : i32
        %add3A_207 = arith.addi %scan3A_146, %add3A_206 : i32
        %rem3A_208 = arith.constant 3 : i32
        %rem3A_209 = arith.remsi %add3A_207, %rem3A_208 : i32
        %add3A_210 = arith.constant 2 : i32
        %add3A_211 = arith.addi %scan3A_146, %add3A_210 : i32
        %dma_start3A_212 = arith.constant 0 : i32
        %dma_start3A_213 = tpu.memref_slice %arg6[%rem3A_209, %dma_start3A_212] : memref<3x80xi32, #tpu.memory_space<vmem>> -> memref<1x80xi32, #tpu.memory_space<vmem>>
        %dma_start3A_214 = tpu.memref_squeeze %dma_start3A_213 : memref<1x80xi32, #tpu.memory_space<vmem>> -> memref<80xi32, #tpu.memory_space<vmem>>
        %dma_start3A_215 = arith.constant 0 : i32
        %dma_start3A_216 = tpu.memref_slice %arg2[%add3A, %add3A_211, %dma_start3A_215] : memref<32x40x80xi32, #tpu.memory_space<hbm>> -> memref<1x1x80xi32, #tpu.memory_space<hbm>>
        %dma_start3A_217 = tpu.memref_squeeze %dma_start3A_216 : memref<1x1x80xi32, #tpu.memory_space<hbm>> -> memref<80xi32, #tpu.memory_space<hbm>>
        %dma_start3A_218 = arith.constant 0 : i32
        %dma_start3A_219 = tpu.memref_slice %arg6[%rem3A_209, %dma_start3A_218] : memref<3x80xi32, #tpu.memory_space<vmem>> -> memref<1x80xi32, #tpu.memory_space<vmem>>
        %dma_start3A_220 = tpu.memref_squeeze %dma_start3A_219 : memref<1x80xi32, #tpu.memory_space<vmem>> -> memref<80xi32, #tpu.memory_space<vmem>>
        %dma_start3A_221 = arith.constant 0 : i32
        %dma_start3A_222 = tpu.memref_slice %arg2[%add3A, %add3A_211, %dma_start3A_221] : memref<32x40x80xi32, #tpu.memory_space<hbm>> -> memref<1x1x80xi32, #tpu.memory_space<hbm>>
        %dma_start3A_223 = tpu.memref_squeeze %dma_start3A_222 : memref<1x1x80xi32, #tpu.memory_space<hbm>> -> memref<80xi32, #tpu.memory_space<hbm>>
        tpu.enqueue_dma source(%dma_start3A_223 : memref<80xi32, #tpu.memory_space<hbm>>) target(%dma_start3A_220 : memref<80xi32, #tpu.memory_space<vmem>>) target_semaphore(%arg10 : memref<!tpu.dma_semaphore, #tpu.memory_space<semaphore_mem>>)
        %add3A_224 = arith.constant 2 : i32
        %add3A_225 = arith.addi %scan3A_146, %add3A_224 : i32
        %dma_start3A_226 = arith.constant 0 : i32
        %dma_start3A_227 = tpu.memref_slice %arg7[%rem3A_209, %dma_start3A_226] : memref<3x80xi32, #tpu.memory_space<vmem>> -> memref<1x80xi32, #tpu.memory_space<vmem>>
        %dma_start3A_228 = tpu.memref_squeeze %dma_start3A_227 : memref<1x80xi32, #tpu.memory_space<vmem>> -> memref<80xi32, #tpu.memory_space<vmem>>
        %dma_start3A_229 = arith.constant 0 : i32
        %dma_start3A_230 = tpu.memref_slice %arg3[%add3A, %add3A_225, %dma_start3A_229] : memref<32x40x80xi32, #tpu.memory_space<hbm>> -> memref<1x1x80xi32, #tpu.memory_space<hbm>>
        %dma_start3A_231 = tpu.memref_squeeze %dma_start3A_230 : memref<1x1x80xi32, #tpu.memory_space<hbm>> -> memref<80xi32, #tpu.memory_space<hbm>>
        %dma_start3A_232 = arith.constant 0 : i32
        %dma_start3A_233 = tpu.memref_slice %arg7[%rem3A_209, %dma_start3A_232] : memref<3x80xi32, #tpu.memory_space<vmem>> -> memref<1x80xi32, #tpu.memory_space<vmem>>
        %dma_start3A_234 = tpu.memref_squeeze %dma_start3A_233 : memref<1x80xi32, #tpu.memory_space<vmem>> -> memref<80xi32, #tpu.memory_space<vmem>>
        %dma_start3A_235 = arith.constant 0 : i32
        %dma_start3A_236 = tpu.memref_slice %arg3[%add3A, %add3A_225, %dma_start3A_235] : memref<32x40x80xi32, #tpu.memory_space<hbm>> -> memref<1x1x80xi32, #tpu.memory_space<hbm>>
        %dma_start3A_237 = tpu.memref_squeeze %dma_start3A_236 : memref<1x1x80xi32, #tpu.memory_space<hbm>> -> memref<80xi32, #tpu.memory_space<hbm>>
        tpu.enqueue_dma source(%dma_start3A_237 : memref<80xi32, #tpu.memory_space<hbm>>) target(%dma_start3A_234 : memref<80xi32, #tpu.memory_space<vmem>>) target_semaphore(%arg11 : memref<!tpu.dma_semaphore, #tpu.memory_space<semaphore_mem>>)
      } else {
      }
      %add3A_156 = arith.constant 1 : i32
      %add3A_157 = arith.addi %scan3A_146, %add3A_156 : i32
      %lt3A_158 = arith.constant 40 : i32
      %lt3A_159 = arith.cmpi slt, %add3A_157, %lt3A_158 : i32
      %convert_element_type3A_160 = arith.extui %lt3A_159 : i1 to i32
      %cond3A_161 = arith.constant 0 : i32
      %cond3A_162 = arith.cmpi ne, %convert_element_type3A_160, %cond3A_161 : i32
      scf.if %cond3A_162 {
        %add3A_206 = arith.constant 1 : i32
        %add3A_207 = arith.addi %scan3A_146, %add3A_206 : i32
        %rem3A_208 = arith.constant 3 : i32
        %rem3A_209 = arith.remsi %add3A_207, %rem3A_208 : i32
        %add3A_210 = arith.constant 1 : i32
        %add3A_211 = arith.addi %scan3A_146, %add3A_210 : i32
        %dma_wait3A_212 = arith.constant 0 : i32
        %dma_wait3A_213 = tpu.memref_slice %arg6[%rem3A_209, %dma_wait3A_212] : memref<3x80xi32, #tpu.memory_space<vmem>> -> memref<1x80xi32, #tpu.memory_space<vmem>>
        %dma_wait3A_214 = tpu.memref_squeeze %dma_wait3A_213 : memref<1x80xi32, #tpu.memory_space<vmem>> -> memref<80xi32, #tpu.memory_space<vmem>>
        %dma_wait3A_215 = arith.constant 0 : i32
        %dma_wait3A_216 = tpu.memref_slice %arg2[%add3A, %add3A_211, %dma_wait3A_215] : memref<32x40x80xi32, #tpu.memory_space<hbm>> -> memref<1x1x80xi32, #tpu.memory_space<hbm>>
        %dma_wait3A_217 = tpu.memref_squeeze %dma_wait3A_216 : memref<1x1x80xi32, #tpu.memory_space<hbm>> -> memref<80xi32, #tpu.memory_space<hbm>>
        %dma_wait3A_218 = arith.constant 0 : i32
        %dma_wait3A_219 = tpu.memref_slice %arg6[%rem3A_209, %dma_wait3A_218] : memref<3x80xi32, #tpu.memory_space<vmem>> -> memref<1x80xi32, #tpu.memory_space<vmem>>
        %dma_wait3A_220 = tpu.memref_squeeze %dma_wait3A_219 : memref<1x80xi32, #tpu.memory_space<vmem>> -> memref<80xi32, #tpu.memory_space<vmem>>
        %dma_wait3A_221 = arith.constant 0 : i32
        %dma_wait3A_222 = tpu.memref_slice %arg2[%add3A, %add3A_211, %dma_wait3A_221] : memref<32x40x80xi32, #tpu.memory_space<hbm>> -> memref<1x1x80xi32, #tpu.memory_space<hbm>>
        %dma_wait3A_223 = tpu.memref_squeeze %dma_wait3A_222 : memref<1x1x80xi32, #tpu.memory_space<hbm>> -> memref<80xi32, #tpu.memory_space<hbm>>
        tpu.wait_dma2 semaphore(%arg10 : memref<!tpu.dma_semaphore, #tpu.memory_space<semaphore_mem>>) src(%dma_wait3A_223 : memref<80xi32, #tpu.memory_space<hbm>>) dst(%dma_wait3A_220 : memref<80xi32, #tpu.memory_space<vmem>>)
        %add3A_224 = arith.constant 1 : i32
        %add3A_225 = arith.addi %scan3A_146, %add3A_224 : i32
        %dma_wait3A_226 = arith.constant 0 : i32
        %dma_wait3A_227 = tpu.memref_slice %arg7[%rem3A_209, %dma_wait3A_226] : memref<3x80xi32, #tpu.memory_space<vmem>> -> memref<1x80xi32, #tpu.memory_space<vmem>>
        %dma_wait3A_228 = tpu.memref_squeeze %dma_wait3A_227 : memref<1x80xi32, #tpu.memory_space<vmem>> -> memref<80xi32, #tpu.memory_space<vmem>>
        %dma_wait3A_229 = arith.constant 0 : i32
        %dma_wait3A_230 = tpu.memref_slice %arg3[%add3A, %add3A_225, %dma_wait3A_229] : memref<32x40x80xi32, #tpu.memory_space<hbm>> -> memref<1x1x80xi32, #tpu.memory_space<hbm>>
        %dma_wait3A_231 = tpu.memref_squeeze %dma_wait3A_230 : memref<1x1x80xi32, #tpu.memory_space<hbm>> -> memref<80xi32, #tpu.memory_space<hbm>>
        %dma_wait3A_232 = arith.constant 0 : i32
        %dma_wait3A_233 = tpu.memref_slice %arg7[%rem3A_209, %dma_wait3A_232] : memref<3x80xi32, #tpu.memory_space<vmem>> -> memref<1x80xi32, #tpu.memory_space<vmem>>
        %dma_wait3A_234 = tpu.memref_squeeze %dma_wait3A_233 : memref<1x80xi32, #tpu.memory_space<vmem>> -> memref<80xi32, #tpu.memory_space<vmem>>
        %dma_wait3A_235 = arith.constant 0 : i32
        %dma_wait3A_236 = tpu.memref_slice %arg3[%add3A, %add3A_225, %dma_wait3A_235] : memref<32x40x80xi32, #tpu.memory_space<hbm>> -> memref<1x1x80xi32, #tpu.memory_space<hbm>>
        %dma_wait3A_237 = tpu.memref_squeeze %dma_wait3A_236 : memref<1x1x80xi32, #tpu.memory_space<hbm>> -> memref<80xi32, #tpu.memory_space<hbm>>
        tpu.wait_dma2 semaphore(%arg11 : memref<!tpu.dma_semaphore, #tpu.memory_space<semaphore_mem>>) src(%dma_wait3A_237 : memref<80xi32, #tpu.memory_space<hbm>>) dst(%dma_wait3A_234 : memref<80xi32, #tpu.memory_space<vmem>>)
        %dma_start3A_238 = arith.constant 0 : i32
        %dma_start3A_239 = arith.constant 0 : i32
        %dma_start3A_240 = tpu.memref_slice %arg8[%rem3A_209, %dma_start3A_238, %dma_start3A_239] : memref<3x80x128xf32, #tpu.memory_space<vmem>> -> memref<1x80x128xf32, #tpu.memory_space<vmem>>
        %dma_start3A_241 = tpu.memref_squeeze %dma_start3A_240 : memref<1x80x128xf32, #tpu.memory_space<vmem>> -> memref<80x128xf32, #tpu.memory_space<vmem>>
        %dma_start3A_242 = arith.constant 0 : i32
        %dma_start3A_243 = tpu.memref_slice %arg6[%rem3A_209, %dma_start3A_242] : memref<3x80xi32, #tpu.memory_space<vmem>> -> memref<1x80xi32, #tpu.memory_space<vmem>>
        %dma_start3A_244 = tpu.memref_squeeze %dma_start3A_243 : memref<1x80xi32, #tpu.memory_space<vmem>> -> memref<80xi32, #tpu.memory_space<vmem>>
        %dma_start3A_245 = arith.constant 0 : i32
        %dma_start3A_246 = arith.constant 0 : i32
        %dma_start3A_247 = tpu.memref_slice %arg4[%dma_start3A_245, %dma_start3A_246] : memref<10240x128xf32, #tpu.memory_space<hbm>> -> memref<10240x128xf32, #tpu.memory_space<hbm>>
        tpu.enqueue_indirect_dma source(%dma_start3A_247 : memref<10240x128xf32, #tpu.memory_space<hbm>>) target(%dma_start3A_241 : memref<80x128xf32, #tpu.memory_space<vmem>>) offsets(%dma_start3A_244 : memref<80xi32, #tpu.memory_space<vmem>>) semaphore(%arg12 : memref<!tpu.dma_semaphore, #tpu.memory_space<semaphore_mem>>)
        %dma_start3A_248 = arith.constant 0 : i32
        %dma_start3A_249 = arith.constant 0 : i32
        %dma_start3A_250 = tpu.memref_slice %arg9[%rem3A_209, %dma_start3A_248, %dma_start3A_249] : memref<3x80x128xf32, #tpu.memory_space<vmem>> -> memref<1x80x128xf32, #tpu.memory_space<vmem>>
        %dma_start3A_251 = tpu.memref_squeeze %dma_start3A_250 : memref<1x80x128xf32, #tpu.memory_space<vmem>> -> memref<80x128xf32, #tpu.memory_space<vmem>>
        %dma_start3A_252 = arith.constant 0 : i32
        %dma_start3A_253 = tpu.memref_slice %arg7[%rem3A_209, %dma_start3A_252] : memref<3x80xi32, #tpu.memory_space<vmem>> -> memref<1x80xi32, #tpu.memory_space<vmem>>
        %dma_start3A_254 = tpu.memref_squeeze %dma_start3A_253 : memref<1x80xi32, #tpu.memory_space<vmem>> -> memref<80xi32, #tpu.memory_space<vmem>>
        %dma_start3A_255 = arith.constant 0 : i32
        %dma_start3A_256 = arith.constant 0 : i32
        %dma_start3A_257 = tpu.memref_slice %arg4[%dma_start3A_255, %dma_start3A_256] : memref<10240x128xf32, #tpu.memory_space<hbm>> -> memref<10240x128xf32, #tpu.memory_space<hbm>>
        tpu.enqueue_indirect_dma source(%dma_start3A_257 : memref<10240x128xf32, #tpu.memory_space<hbm>>) target(%dma_start3A_251 : memref<80x128xf32, #tpu.memory_space<vmem>>) offsets(%dma_start3A_254 : memref<80xi32, #tpu.memory_space<vmem>>) semaphore(%arg13 : memref<!tpu.dma_semaphore, #tpu.memory_space<semaphore_mem>>)
      } else {
      }
      %dma_wait3A_163 = arith.constant 0 : i32
      %dma_wait3A_164 = arith.constant 0 : i32
      %dma_wait3A_165 = tpu.memref_slice %arg8[%rem3A_147, %dma_wait3A_163, %dma_wait3A_164] : memref<3x80x128xf32, #tpu.memory_space<vmem>> -> memref<1x80x128xf32, #tpu.memory_space<vmem>>
      %dma_wait3A_166 = tpu.memref_squeeze %dma_wait3A_165 : memref<1x80x128xf32, #tpu.memory_space<vmem>> -> memref<80x128xf32, #tpu.memory_space<vmem>>
      %dma_wait3A_167 = arith.constant 0 : i32
      %dma_wait3A_168 = tpu.memref_slice %arg6[%rem3A_147, %dma_wait3A_167] : memref<3x80xi32, #tpu.memory_space<vmem>> -> memref<1x80xi32, #tpu.memory_space<vmem>>
      %dma_wait3A_169 = tpu.memref_squeeze %dma_wait3A_168 : memref<1x80xi32, #tpu.memory_space<vmem>> -> memref<80xi32, #tpu.memory_space<vmem>>
      %dma_wait3A_170 = arith.constant 0 : i32
      %dma_wait3A_171 = arith.constant 0 : i32
      %dma_wait3A_172 = tpu.memref_slice %arg4[%dma_wait3A_170, %dma_wait3A_171] : memref<10240x128xf32, #tpu.memory_space<hbm>> -> memref<10240x128xf32, #tpu.memory_space<hbm>>
      tpu.wait_indirect_dma semaphore(%arg12 : memref<!tpu.dma_semaphore, #tpu.memory_space<semaphore_mem>>) src(%dma_wait3A_172 : memref<10240x128xf32, #tpu.memory_space<hbm>>) dst(%dma_wait3A_166 : memref<80x128xf32, #tpu.memory_space<vmem>>)
      %dma_wait3A_173 = arith.constant 0 : i32
      %dma_wait3A_174 = arith.constant 0 : i32
      %dma_wait3A_175 = tpu.memref_slice %arg9[%rem3A_147, %dma_wait3A_173, %dma_wait3A_174] : memref<3x80x128xf32, #tpu.memory_space<vmem>> -> memref<1x80x128xf32, #tpu.memory_space<vmem>>
      %dma_wait3A_176 = tpu.memref_squeeze %dma_wait3A_175 : memref<1x80x128xf32, #tpu.memory_space<vmem>> -> memref<80x128xf32, #tpu.memory_space<vmem>>
      %dma_wait3A_177 = arith.constant 0 : i32
      %dma_wait3A_178 = tpu.memref_slice %arg7[%rem3A_147, %dma_wait3A_177] : memref<3x80xi32, #tpu.memory_space<vmem>> -> memref<1x80xi32, #tpu.memory_space<vmem>>
      %dma_wait3A_179 = tpu.memref_squeeze %dma_wait3A_178 : memref<1x80xi32, #tpu.memory_space<vmem>> -> memref<80xi32, #tpu.memory_space<vmem>>
      %dma_wait3A_180 = arith.constant 0 : i32
      %dma_wait3A_181 = arith.constant 0 : i32
      %dma_wait3A_182 = tpu.memref_slice %arg4[%dma_wait3A_180, %dma_wait3A_181] : memref<10240x128xf32, #tpu.memory_space<hbm>> -> memref<10240x128xf32, #tpu.memory_space<hbm>>
      tpu.wait_indirect_dma semaphore(%arg13 : memref<!tpu.dma_semaphore, #tpu.memory_space<semaphore_mem>>) src(%dma_wait3A_182 : memref<10240x128xf32, #tpu.memory_space<hbm>>) dst(%dma_wait3A_176 : memref<80x128xf32, #tpu.memory_space<vmem>>)
      %scan3A_183 = arith.constant 0 : i32
      %scan3A_184 = arith.constant 0 : i32
      %scan3A_185 = arith.constant 40 : i32
      %scan3A_186 = arith.addi %scan3A_184, %scan3A_185 : i32
      %scan3A_187 = arith.constant 1 : i32
      scf.for %scan3A_206 = %scan3A_184 to %scan3A_186 step %scan3A_187  : i32 {
        %mul3A_207 = arith.constant 2 : i32
        %mul3A_208 = arith.muli %scan3A_206, %mul3A_207 : i32
        %get3A = arith.index_cast %rem3A_147 : i32 to index
        %get3A_209 = arith.index_cast %mul3A_208 : i32 to index
        %get3A_210 = arith.constant 0 : index
        %get3A_211 = tpu.vector_load %arg8[%get3A, %get3A_209, %get3A_210] {strides = array<i32>} : memref<3x80x128xf32, #tpu.memory_space<vmem>>, vector<16xf32>,
        %get3A_212 = arith.index_cast %rem3A_147 : i32 to index
        %get3A_213 = arith.index_cast %mul3A_208 : i32 to index
        %get3A_214 = arith.constant 0 : index
        %get3A_215 = tpu.vector_load %arg9[%get3A_212, %get3A_213, %get3A_214] {strides = array<i32>} : memref<3x80x128xf32, #tpu.memory_space<vmem>>, vector<16xf32>,
        %mul3A_216 = arith.mulf %get3A_211, %get3A_215 : vector<16xf32>
        %swap3A = arith.index_cast %rem3A_147 : i32 to index
        %swap3A_217 = arith.index_cast %mul3A_208 : i32 to index
        %swap3A_218 = arith.constant 0 : index
        %swap3A_219 = tpu.vector_load %arg8[%swap3A, %swap3A_217, %swap3A_218] {strides = array<i32>} : memref<3x80x128xf32, #tpu.memory_space<vmem>>, vector<16xf32>,
        tpu.vector_store %arg8[%swap3A, %swap3A_217, %swap3A_218], %mul3A_216 {strides = array<i32>} : memref<3x80x128xf32, #tpu.memory_space<vmem>>, vector<16xf32>,
        %add3A_220 = arith.constant 1 : i32
        %add3A_221 = arith.addi %mul3A_208, %add3A_220 : i32
        %get3A_222 = arith.index_cast %rem3A_147 : i32 to index
        %get3A_223 = arith.index_cast %add3A_221 : i32 to index
        %get3A_224 = arith.constant 0 : index
        %get3A_225 = tpu.vector_load %arg8[%get3A_222, %get3A_223, %get3A_224] {strides = array<i32>} : memref<3x80x128xf32, #tpu.memory_space<vmem>>, vector<16xf32>,
        %add3A_226 = arith.constant 1 : i32
        %add3A_227 = arith.addi %mul3A_208, %add3A_226 : i32
        %get3A_228 = arith.index_cast %rem3A_147 : i32 to index
        %get3A_229 = arith.index_cast %add3A_227 : i32 to index
        %get3A_230 = arith.constant 0 : index
        %get3A_231 = tpu.vector_load %arg9[%get3A_228, %get3A_229, %get3A_230] {strides = array<i32>} : memref<3x80x128xf32, #tpu.memory_space<vmem>>, vector<16xf32>,
        %mul3A_232 = arith.mulf %get3A_225, %get3A_231 : vector<16xf32>
        %add3A_233 = arith.constant 1 : i32
        %add3A_234 = arith.addi %mul3A_208, %add3A_233 : i32
        %swap3A_235 = arith.index_cast %rem3A_147 : i32 to index
        %swap3A_236 = arith.index_cast %add3A_234 : i32 to index
        %swap3A_237 = arith.constant 0 : index
        %swap3A_238 = tpu.vector_load %arg8[%swap3A_235, %swap3A_236, %swap3A_237] {strides = array<i32>} : memref<3x80x128xf32, #tpu.memory_space<vmem>>, vector<16xf32>,
        tpu.vector_store %arg8[%swap3A_235, %swap3A_236, %swap3A_237], %mul3A_232 {strides = array<i32>} : memref<3x80x128xf32, #tpu.memory_space<vmem>>, vector<16xf32>,
        %get3A_239 = arith.index_cast %rem3A_147 : i32 to index
        %get3A_240 = arith.index_cast %mul3A_208 : i32 to index
        %get3A_241 = arith.constant 16 : index
        %get3A_242 = tpu.vector_load %arg8[%get3A_239, %get3A_240, %get3A_241] {strides = array<i32>} : memref<3x80x128xf32, #tpu.memory_space<vmem>>, vector<16xf32>,
        %get3A_243 = arith.index_cast %rem3A_147 : i32 to index
        %get3A_244 = arith.index_cast %mul3A_208 : i32 to index
        %get3A_245 = arith.constant 16 : index
        %get3A_246 = tpu.vector_load %arg9[%get3A_243, %get3A_244, %get3A_245] {strides = array<i32>} : memref<3x80x128xf32, #tpu.memory_space<vmem>>, vector<16xf32>,
        %mul3A_247 = arith.mulf %get3A_242, %get3A_246 : vector<16xf32>
        %swap3A_248 = arith.index_cast %rem3A_147 : i32 to index
        %swap3A_249 = arith.index_cast %mul3A_208 : i32 to index
        %swap3A_250 = arith.constant 16 : index
        %swap3A_251 = tpu.vector_load %arg8[%swap3A_248, %swap3A_249, %swap3A_250] {strides = array<i32>} : memref<3x80x128xf32, #tpu.memory_space<vmem>>, vector<16xf32>,
        tpu.vector_store %arg8[%swap3A_248, %swap3A_249, %swap3A_250], %mul3A_247 {strides = array<i32>} : memref<3x80x128xf32, #tpu.memory_space<vmem>>, vector<16xf32>,
        %add3A_252 = arith.constant 1 : i32
        %add3A_253 = arith.addi %mul3A_208, %add3A_252 : i32
        %get3A_254 = arith.index_cast %rem3A_147 : i32 to index
        %get3A_255 = arith.index_cast %add3A_253 : i32 to index
        %get3A_256 = arith.constant 16 : index
        %get3A_257 = tpu.vector_load %arg8[%get3A_254, %get3A_255, %get3A_256] {strides = array<i32>} : memref<3x80x128xf32, #tpu.memory_space<vmem>>, vector<16xf32>,
        %add3A_258 = arith.constant 1 : i32
        %add3A_259 = arith.addi %mul3A_208, %add3A_258 : i32
        %get3A_260 = arith.index_cast %rem3A_147 : i32 to index
        %get3A_261 = arith.index_cast %add3A_259 : i32 to index
        %get3A_262 = arith.constant 16 : index
        %get3A_263 = tpu.vector_load %arg9[%get3A_260, %get3A_261, %get3A_262] {strides = array<i32>} : memref<3x80x128xf32, #tpu.memory_space<vmem>>, vector<16xf32>,
        %mul3A_264 = arith.mulf %get3A_257, %get3A_263 : vector<16xf32>
        %add3A_265 = arith.constant 1 : i32
        %add3A_266 = arith.addi %mul3A_208, %add3A_265 : i32
        %swap3A_267 = arith.index_cast %rem3A_147 : i32 to index
        %swap3A_268 = arith.index_cast %add3A_266 : i32 to index
        %swap3A_269 = arith.constant 16 : index
        %swap3A_270 = tpu.vector_load %arg8[%swap3A_267, %swap3A_268, %swap3A_269] {strides = array<i32>} : memref<3x80x128xf32, #tpu.memory_space<vmem>>, vector<16xf32>,
        tpu.vector_store %arg8[%swap3A_267, %swap3A_268, %swap3A_269], %mul3A_264 {strides = array<i32>} : memref<3x80x128xf32, #tpu.memory_space<vmem>>, vector<16xf32>,
        %get3A_271 = arith.index_cast %rem3A_147 : i32 to index
        %get3A_272 = arith.index_cast %mul3A_208 : i32 to index
        %get3A_273 = arith.constant 32 : index
        %get3A_274 = tpu.vector_load %arg8[%get3A_271, %get3A_272, %get3A_273] {strides = array<i32>} : memref<3x80x128xf32, #tpu.memory_space<vmem>>, vector<16xf32>,
        %get3A_275 = arith.index_cast %rem3A_147 : i32 to index
        %get3A_276 = arith.index_cast %mul3A_208 : i32 to index
        %get3A_277 = arith.constant 32 : index
        %get3A_278 = tpu.vector_load %arg9[%get3A_275, %get3A_276, %get3A_277] {strides = array<i32>} : memref<3x80x128xf32, #tpu.memory_space<vmem>>, vector<16xf32>,
        %mul3A_279 = arith.mulf %get3A_274, %get3A_278 : vector<16xf32>
        %swap3A_280 = arith.index_cast %rem3A_147 : i32 to index
        %swap3A_281 = arith.index_cast %mul3A_208 : i32 to index
        %swap3A_282 = arith.constant 32 : index
        %swap3A_283 = tpu.vector_load %arg8[%swap3A_280, %swap3A_281, %swap3A_282] {strides = array<i32>} : memref<3x80x128xf32, #tpu.memory_space<vmem>>, vector<16xf32>,
        tpu.vector_store %arg8[%swap3A_280, %swap3A_281, %swap3A_282], %mul3A_279 {strides = array<i32>} : memref<3x80x128xf32, #tpu.memory_space<vmem>>, vector<16xf32>,
        %add3A_284 = arith.constant 1 : i32
        %add3A_285 = arith.addi %mul3A_208, %add3A_284 : i32
        %get3A_286 = arith.index_cast %rem3A_147 : i32 to index
        %get3A_287 = arith.index_cast %add3A_285 : i32 to index
        %get3A_288 = arith.constant 32 : index
        %get3A_289 = tpu.vector_load %arg8[%get3A_286, %get3A_287, %get3A_288] {strides = array<i32>} : memref<3x80x128xf32, #tpu.memory_space<vmem>>, vector<16xf32>,
        %add3A_290 = arith.constant 1 : i32
        %add3A_291 = arith.addi %mul3A_208, %add3A_290 : i32
        %get3A_292 = arith.index_cast %rem3A_147 : i32 to index
        %get3A_293 = arith.index_cast %add3A_291 : i32 to index
        %get3A_294 = arith.constant 32 : index
        %get3A_295 = tpu.vector_load %arg9[%get3A_292, %get3A_293, %get3A_294] {strides = array<i32>} : memref<3x80x128xf32, #tpu.memory_space<vmem>>, vector<16xf32>,
        %mul3A_296 = arith.mulf %get3A_289, %get3A_295 : vector<16xf32>
        %add3A_297 = arith.constant 1 : i32
        %add3A_298 = arith.addi %mul3A_208, %add3A_297 : i32
        %swap3A_299 = arith.index_cast %rem3A_147 : i32 to index
        %swap3A_300 = arith.index_cast %add3A_298 : i32 to index
        %swap3A_301 = arith.constant 32 : index
        %swap3A_302 = tpu.vector_load %arg8[%swap3A_299, %swap3A_300, %swap3A_301] {strides = array<i32>} : memref<3x80x128xf32, #tpu.memory_space<vmem>>, vector<16xf32>,
        tpu.vector_store %arg8[%swap3A_299, %swap3A_300, %swap3A_301], %mul3A_296 {strides = array<i32>} : memref<3x80x128xf32, #tpu.memory_space<vmem>>, vector<16xf32>,
        %get3A_303 = arith.index_cast %rem3A_147 : i32 to index
        %get3A_304 = arith.index_cast %mul3A_208 : i32 to index
        %get3A_305 = arith.constant 48 : index
        %get3A_306 = tpu.vector_load %arg8[%get3A_303, %get3A_304, %get3A_305] {strides = array<i32>} : memref<3x80x128xf32, #tpu.memory_space<vmem>>, vector<16xf32>,
        %get3A_307 = arith.index_cast %rem3A_147 : i32 to index
        %get3A_308 = arith.index_cast %mul3A_208 : i32 to index
        %get3A_309 = arith.constant 48 : index
        %get3A_310 = tpu.vector_load %arg9[%get3A_307, %get3A_308, %get3A_309] {strides = array<i32>} : memref<3x80x128xf32, #tpu.memory_space<vmem>>, vector<16xf32>,
        %mul3A_311 = arith.mulf %get3A_306, %get3A_310 : vector<16xf32>
        %swap3A_312 = arith.index_cast %rem3A_147 : i32 to index
        %swap3A_313 = arith.index_cast %mul3A_208 : i32 to index
        %swap3A_314 = arith.constant 48 : index
        %swap3A_315 = tpu.vector_load %arg8[%swap3A_312, %swap3A_313, %swap3A_314] {strides = array<i32>} : memref<3x80x128xf32, #tpu.memory_space<vmem>>, vector<16xf32>,
        tpu.vector_store %arg8[%swap3A_312, %swap3A_313, %swap3A_314], %mul3A_311 {strides = array<i32>} : memref<3x80x128xf32, #tpu.memory_space<vmem>>, vector<16xf32>,
        %add3A_316 = arith.constant 1 : i32
        %add3A_317 = arith.addi %mul3A_208, %add3A_316 : i32
        %get3A_318 = arith.index_cast %rem3A_147 : i32 to index
        %get3A_319 = arith.index_cast %add3A_317 : i32 to index
        %get3A_320 = arith.constant 48 : index
        %get3A_321 = tpu.vector_load %arg8[%get3A_318, %get3A_319, %get3A_320] {strides = array<i32>} : memref<3x80x128xf32, #tpu.memory_space<vmem>>, vector<16xf32>,
        %add3A_322 = arith.constant 1 : i32
        %add3A_323 = arith.addi %mul3A_208, %add3A_322 : i32
        %get3A_324 = arith.index_cast %rem3A_147 : i32 to index
        %get3A_325 = arith.index_cast %add3A_323 : i32 to index
        %get3A_326 = arith.constant 48 : index
        %get3A_327 = tpu.vector_load %arg9[%get3A_324, %get3A_325, %get3A_326] {strides = array<i32>} : memref<3x80x128xf32, #tpu.memory_space<vmem>>, vector<16xf32>,
        %mul3A_328 = arith.mulf %get3A_321, %get3A_327 : vector<16xf32>
        %add3A_329 = arith.constant 1 : i32
        %add3A_330 = arith.addi %mul3A_208, %add3A_329 : i32
        %swap3A_331 = arith.index_cast %rem3A_147 : i32 to index
        %swap3A_332 = arith.index_cast %add3A_330 : i32 to index
        %swap3A_333 = arith.constant 48 : index
        %swap3A_334 = tpu.vector_load %arg8[%swap3A_331, %swap3A_332, %swap3A_333] {strides = array<i32>} : memref<3x80x128xf32, #tpu.memory_space<vmem>>, vector<16xf32>,
        tpu.vector_store %arg8[%swap3A_331, %swap3A_332, %swap3A_333], %mul3A_328 {strides = array<i32>} : memref<3x80x128xf32, #tpu.memory_space<vmem>>, vector<16xf32>,
        %get3A_335 = arith.index_cast %rem3A_147 : i32 to index
        %get3A_336 = arith.index_cast %mul3A_208 : i32 to index
        %get3A_337 = arith.constant 64 : index
        %get3A_338 = tpu.vector_load %arg8[%get3A_335, %get3A_336, %get3A_337] {strides = array<i32>} : memref<3x80x128xf32, #tpu.memory_space<vmem>>, vector<16xf32>,
        %get3A_339 = arith.index_cast %rem3A_147 : i32 to index
        %get3A_340 = arith.index_cast %mul3A_208 : i32 to index
        %get3A_341 = arith.constant 64 : index
        %get3A_342 = tpu.vector_load %arg9[%get3A_339, %get3A_340, %get3A_341] {strides = array<i32>} : memref<3x80x128xf32, #tpu.memory_space<vmem>>, vector<16xf32>,
        %mul3A_343 = arith.mulf %get3A_338, %get3A_342 : vector<16xf32>
        %swap3A_344 = arith.index_cast %rem3A_147 : i32 to index
        %swap3A_345 = arith.index_cast %mul3A_208 : i32 to index
        %swap3A_346 = arith.constant 64 : index
        %swap3A_347 = tpu.vector_load %arg8[%swap3A_344, %swap3A_345, %swap3A_346] {strides = array<i32>} : memref<3x80x128xf32, #tpu.memory_space<vmem>>, vector<16xf32>,
        tpu.vector_store %arg8[%swap3A_344, %swap3A_345, %swap3A_346], %mul3A_343 {strides = array<i32>} : memref<3x80x128xf32, #tpu.memory_space<vmem>>, vector<16xf32>,
        %add3A_348 = arith.constant 1 : i32
        %add3A_349 = arith.addi %mul3A_208, %add3A_348 : i32
        %get3A_350 = arith.index_cast %rem3A_147 : i32 to index
        %get3A_351 = arith.index_cast %add3A_349 : i32 to index
        %get3A_352 = arith.constant 64 : index
        %get3A_353 = tpu.vector_load %arg8[%get3A_350, %get3A_351, %get3A_352] {strides = array<i32>} : memref<3x80x128xf32, #tpu.memory_space<vmem>>, vector<16xf32>,
        %add3A_354 = arith.constant 1 : i32
        %add3A_355 = arith.addi %mul3A_208, %add3A_354 : i32
        %get3A_356 = arith.index_cast %rem3A_147 : i32 to index
        %get3A_357 = arith.index_cast %add3A_355 : i32 to index
        %get3A_358 = arith.constant 64 : index
        %get3A_359 = tpu.vector_load %arg9[%get3A_356, %get3A_357, %get3A_358] {strides = array<i32>} : memref<3x80x128xf32, #tpu.memory_space<vmem>>, vector<16xf32>,
        %mul3A_360 = arith.mulf %get3A_353, %get3A_359 : vector<16xf32>
        %add3A_361 = arith.constant 1 : i32
        %add3A_362 = arith.addi %mul3A_208, %add3A_361 : i32
        %swap3A_363 = arith.index_cast %rem3A_147 : i32 to index
        %swap3A_364 = arith.index_cast %add3A_362 : i32 to index
        %swap3A_365 = arith.constant 64 : index
        %swap3A_366 = tpu.vector_load %arg8[%swap3A_363, %swap3A_364, %swap3A_365] {strides = array<i32>} : memref<3x80x128xf32, #tpu.memory_space<vmem>>, vector<16xf32>,
        tpu.vector_store %arg8[%swap3A_363, %swap3A_364, %swap3A_365], %mul3A_360 {strides = array<i32>} : memref<3x80x128xf32, #tpu.memory_space<vmem>>, vector<16xf32>,
        %get3A_367 = arith.index_cast %rem3A_147 : i32 to index
        %get3A_368 = arith.index_cast %mul3A_208 : i32 to index
        %get3A_369 = arith.constant 80 : index
        %get3A_370 = tpu.vector_load %arg8[%get3A_367, %get3A_368, %get3A_369] {strides = array<i32>} : memref<3x80x128xf32, #tpu.memory_space<vmem>>, vector<16xf32>,
        %get3A_371 = arith.index_cast %rem3A_147 : i32 to index
        %get3A_372 = arith.index_cast %mul3A_208 : i32 to index
        %get3A_373 = arith.constant 80 : index
        %get3A_374 = tpu.vector_load %arg9[%get3A_371, %get3A_372, %get3A_373] {strides = array<i32>} : memref<3x80x128xf32, #tpu.memory_space<vmem>>, vector<16xf32>,
        %mul3A_375 = arith.mulf %get3A_370, %get3A_374 : vector<16xf32>
        %swap3A_376 = arith.index_cast %rem3A_147 : i32 to index
        %swap3A_377 = arith.index_cast %mul3A_208 : i32 to index
        %swap3A_378 = arith.constant 80 : index
        %swap3A_379 = tpu.vector_load %arg8[%swap3A_376, %swap3A_377, %swap3A_378] {strides = array<i32>} : memref<3x80x128xf32, #tpu.memory_space<vmem>>, vector<16xf32>,
        tpu.vector_store %arg8[%swap3A_376, %swap3A_377, %swap3A_378], %mul3A_375 {strides = array<i32>} : memref<3x80x128xf32, #tpu.memory_space<vmem>>, vector<16xf32>,
        %add3A_380 = arith.constant 1 : i32
        %add3A_381 = arith.addi %mul3A_208, %add3A_380 : i32
        %get3A_382 = arith.index_cast %rem3A_147 : i32 to index
        %get3A_383 = arith.index_cast %add3A_381 : i32 to index
        %get3A_384 = arith.constant 80 : index
        %get3A_385 = tpu.vector_load %arg8[%get3A_382, %get3A_383, %get3A_384] {strides = array<i32>} : memref<3x80x128xf32, #tpu.memory_space<vmem>>, vector<16xf32>,
        %add3A_386 = arith.constant 1 : i32
        %add3A_387 = arith.addi %mul3A_208, %add3A_386 : i32
        %get3A_388 = arith.index_cast %rem3A_147 : i32 to index
        %get3A_389 = arith.index_cast %add3A_387 : i32 to index
        %get3A_390 = arith.constant 80 : index
        %get3A_391 = tpu.vector_load %arg9[%get3A_388, %get3A_389, %get3A_390] {strides = array<i32>} : memref<3x80x128xf32, #tpu.memory_space<vmem>>, vector<16xf32>,
        %mul3A_392 = arith.mulf %get3A_385, %get3A_391 : vector<16xf32>
        %add3A_393 = arith.constant 1 : i32
        %add3A_394 = arith.addi %mul3A_208, %add3A_393 : i32
        %swap3A_395 = arith.index_cast %rem3A_147 : i32 to index
        %swap3A_396 = arith.index_cast %add3A_394 : i32 to index
        %swap3A_397 = arith.constant 80 : index
        %swap3A_398 = tpu.vector_load %arg8[%swap3A_395, %swap3A_396, %swap3A_397] {strides = array<i32>} : memref<3x80x128xf32, #tpu.memory_space<vmem>>, vector<16xf32>,
        tpu.vector_store %arg8[%swap3A_395, %swap3A_396, %swap3A_397], %mul3A_392 {strides = array<i32>} : memref<3x80x128xf32, #tpu.memory_space<vmem>>, vector<16xf32>,
        %get3A_399 = arith.index_cast %rem3A_147 : i32 to index
        %get3A_400 = arith.index_cast %mul3A_208 : i32 to index
        %get3A_401 = arith.constant 96 : index
        %get3A_402 = tpu.vector_load %arg8[%get3A_399, %get3A_400, %get3A_401] {strides = array<i32>} : memref<3x80x128xf32, #tpu.memory_space<vmem>>, vector<16xf32>,
        %get3A_403 = arith.index_cast %rem3A_147 : i32 to index
        %get3A_404 = arith.index_cast %mul3A_208 : i32 to index
        %get3A_405 = arith.constant 96 : index
        %get3A_406 = tpu.vector_load %arg9[%get3A_403, %get3A_404, %get3A_405] {strides = array<i32>} : memref<3x80x128xf32, #tpu.memory_space<vmem>>, vector<16xf32>,
        %mul3A_407 = arith.mulf %get3A_402, %get3A_406 : vector<16xf32>
        %swap3A_408 = arith.index_cast %rem3A_147 : i32 to index
        %swap3A_409 = arith.index_cast %mul3A_208 : i32 to index
        %swap3A_410 = arith.constant 96 : index
        %swap3A_411 = tpu.vector_load %arg8[%swap3A_408, %swap3A_409, %swap3A_410] {strides = array<i32>} : memref<3x80x128xf32, #tpu.memory_space<vmem>>, vector<16xf32>,
        tpu.vector_store %arg8[%swap3A_408, %swap3A_409, %swap3A_410], %mul3A_407 {strides = array<i32>} : memref<3x80x128xf32, #tpu.memory_space<vmem>>, vector<16xf32>,
        %add3A_412 = arith.constant 1 : i32
        %add3A_413 = arith.addi %mul3A_208, %add3A_412 : i32
        %get3A_414 = arith.index_cast %rem3A_147 : i32 to index
        %get3A_415 = arith.index_cast %add3A_413 : i32 to index
        %get3A_416 = arith.constant 96 : index
        %get3A_417 = tpu.vector_load %arg8[%get3A_414, %get3A_415, %get3A_416] {strides = array<i32>} : memref<3x80x128xf32, #tpu.memory_space<vmem>>, vector<16xf32>,
        %add3A_418 = arith.constant 1 : i32
        %add3A_419 = arith.addi %mul3A_208, %add3A_418 : i32
        %get3A_420 = arith.index_cast %rem3A_147 : i32 to index
        %get3A_421 = arith.index_cast %add3A_419 : i32 to index
        %get3A_422 = arith.constant 96 : index
        %get3A_423 = tpu.vector_load %arg9[%get3A_420, %get3A_421, %get3A_422] {strides = array<i32>} : memref<3x80x128xf32, #tpu.memory_space<vmem>>, vector<16xf32>,
        %mul3A_424 = arith.mulf %get3A_417, %get3A_423 : vector<16xf32>
        %add3A_425 = arith.constant 1 : i32
        %add3A_426 = arith.addi %mul3A_208, %add3A_425 : i32
        %swap3A_427 = arith.index_cast %rem3A_147 : i32 to index
        %swap3A_428 = arith.index_cast %add3A_426 : i32 to index
        %swap3A_429 = arith.constant 96 : index
        %swap3A_430 = tpu.vector_load %arg8[%swap3A_427, %swap3A_428, %swap3A_429] {strides = array<i32>} : memref<3x80x128xf32, #tpu.memory_space<vmem>>, vector<16xf32>,
        tpu.vector_store %arg8[%swap3A_427, %swap3A_428, %swap3A_429], %mul3A_424 {strides = array<i32>} : memref<3x80x128xf32, #tpu.memory_space<vmem>>, vector<16xf32>,
        %get3A_431 = arith.index_cast %rem3A_147 : i32 to index
        %get3A_432 = arith.index_cast %mul3A_208 : i32 to index
        %get3A_433 = arith.constant 112 : index
        %get3A_434 = tpu.vector_load %arg8[%get3A_431, %get3A_432, %get3A_433] {strides = array<i32>} : memref<3x80x128xf32, #tpu.memory_space<vmem>>, vector<16xf32>,
        %get3A_435 = arith.index_cast %rem3A_147 : i32 to index
        %get3A_436 = arith.index_cast %mul3A_208 : i32 to index
        %get3A_437 = arith.constant 112 : index
        %get3A_438 = tpu.vector_load %arg9[%get3A_435, %get3A_436, %get3A_437] {strides = array<i32>} : memref<3x80x128xf32, #tpu.memory_space<vmem>>, vector<16xf32>,
        %mul3A_439 = arith.mulf %get3A_434, %get3A_438 : vector<16xf32>
        %swap3A_440 = arith.index_cast %rem3A_147 : i32 to index
        %swap3A_441 = arith.index_cast %mul3A_208 : i32 to index
        %swap3A_442 = arith.constant 112 : index
        %swap3A_443 = tpu.vector_load %arg8[%swap3A_440, %swap3A_441, %swap3A_442] {strides = array<i32>} : memref<3x80x128xf32, #tpu.memory_space<vmem>>, vector<16xf32>,
        tpu.vector_store %arg8[%swap3A_440, %swap3A_441, %swap3A_442], %mul3A_439 {strides = array<i32>} : memref<3x80x128xf32, #tpu.memory_space<vmem>>, vector<16xf32>,
        %add3A_444 = arith.constant 1 : i32
        %add3A_445 = arith.addi %mul3A_208, %add3A_444 : i32
        %get3A_446 = arith.index_cast %rem3A_147 : i32 to index
        %get3A_447 = arith.index_cast %add3A_445 : i32 to index
        %get3A_448 = arith.constant 112 : index
        %get3A_449 = tpu.vector_load %arg8[%get3A_446, %get3A_447, %get3A_448] {strides = array<i32>} : memref<3x80x128xf32, #tpu.memory_space<vmem>>, vector<16xf32>,
        %add3A_450 = arith.constant 1 : i32
        %add3A_451 = arith.addi %mul3A_208, %add3A_450 : i32
        %get3A_452 = arith.index_cast %rem3A_147 : i32 to index
        %get3A_453 = arith.index_cast %add3A_451 : i32 to index
        %get3A_454 = arith.constant 112 : index
        %get3A_455 = tpu.vector_load %arg9[%get3A_452, %get3A_453, %get3A_454] {strides = array<i32>} : memref<3x80x128xf32, #tpu.memory_space<vmem>>, vector<16xf32>,
        %mul3A_456 = arith.mulf %get3A_449, %get3A_455 : vector<16xf32>
        %add3A_457 = arith.constant 1 : i32
        %add3A_458 = arith.addi %mul3A_208, %add3A_457 : i32
        %swap3A_459 = arith.index_cast %rem3A_147 : i32 to index
        %swap3A_460 = arith.index_cast %add3A_458 : i32 to index
        %swap3A_461 = arith.constant 112 : index
        %swap3A_462 = tpu.vector_load %arg8[%swap3A_459, %swap3A_460, %swap3A_461] {strides = array<i32>} : memref<3x80x128xf32, #tpu.memory_space<vmem>>, vector<16xf32>,
        tpu.vector_store %arg8[%swap3A_459, %swap3A_460, %swap3A_461], %mul3A_456 {strides = array<i32>} : memref<3x80x128xf32, #tpu.memory_space<vmem>>, vector<16xf32>,
      }
      %scan3A_188 = arith.constant 40 : i32
      %mul3A_189 = arith.constant 3200 : i32
      %mul3A_190 = arith.muli %add3A, %mul3A_189 : i32
      %mul3A_191 = arith.constant 80 : i32
      %mul3A_192 = arith.muli %scan3A_146, %mul3A_191 : i32
      %add3A_193 = arith.addi %mul3A_190, %mul3A_192 : i32
      %dma_start3A_194 = arith.constant 0 : i32
      %dma_start3A_195 = arith.constant 0 : i32
      %dma_start3A_196 = tpu.memref_slice %arg8[%rem3A_147, %dma_start3A_194, %dma_start3A_195] : memref<3x80x128xf32, #tpu.memory_space<vmem>> -> memref<1x80x128xf32, #tpu.memory_space<vmem>>
      %dma_start3A_197 = tpu.memref_squeeze %dma_start3A_196 : memref<1x80x128xf32, #tpu.memory_space<vmem>> -> memref<80x128xf32, #tpu.memory_space<vmem>>
      %dma_start3A_198 = arith.constant 0 : i32
      %dma_start3A_199 = tpu.memref_slice %arg5[%add3A_193, %dma_start3A_198] : memref<102400x128xf32, #tpu.memory_space<hbm>> -> memref<80x128xf32, #tpu.memory_space<hbm>>
      %dma_start3A_200 = arith.constant 0 : i32
      %dma_start3A_201 = tpu.memref_slice %arg5[%add3A_193, %dma_start3A_200] : memref<102400x128xf32, #tpu.memory_space<hbm>> -> memref<80x128xf32, #tpu.memory_space<hbm>>
      %dma_start3A_202 = arith.constant 0 : i32
      %dma_start3A_203 = arith.constant 0 : i32
      %dma_start3A_204 = tpu.memref_slice %arg8[%rem3A_147, %dma_start3A_202, %dma_start3A_203] : memref<3x80x128xf32, #tpu.memory_space<vmem>> -> memref<1x80x128xf32, #tpu.memory_space<vmem>>
      %dma_start3A_205 = tpu.memref_squeeze %dma_start3A_204 : memref<1x80x128xf32, #tpu.memory_space<vmem>> -> memref<80x128xf32, #tpu.memory_space<vmem>>
      tpu.enqueue_dma source(%dma_start3A_205 : memref<80x128xf32, #tpu.memory_space<vmem>>) target(%dma_start3A_201 : memref<80x128xf32, #tpu.memory_space<hbm>>) target_semaphore(%arg14 : memref<!tpu.dma_semaphore, #tpu.memory_space<semaphore_mem>>)
    }
    %scan3A_111 = arith.constant 40 : i32
    %mul3A_112 = arith.constant 3200 : i32
    %mul3A_113 = arith.muli %add3A, %mul3A_112 : i32
    %add3A_114 = arith.constant 3040 : i32
    %add3A_115 = arith.addi %mul3A_113, %add3A_114 : i32
    %dma_wait3A_116 = arith.constant 2 : i32
    %dma_wait3A_117 = arith.constant 0 : i32
    %dma_wait3A_118 = arith.constant 0 : i32
    %dma_wait3A_119 = tpu.memref_slice %arg8[%dma_wait3A_116, %dma_wait3A_117, %dma_wait3A_118] : memref<3x80x128xf32, #tpu.memory_space<vmem>> -> memref<1x80x128xf32, #tpu.memory_space<vmem>>
    %dma_wait3A_120 = tpu.memref_squeeze %dma_wait3A_119 : memref<1x80x128xf32, #tpu.memory_space<vmem>> -> memref<80x128xf32, #tpu.memory_space<vmem>>
    %dma_wait3A_121 = arith.constant 0 : i32
    %dma_wait3A_122 = tpu.memref_slice %arg5[%add3A_115, %dma_wait3A_121] : memref<102400x128xf32, #tpu.memory_space<hbm>> -> memref<80x128xf32, #tpu.memory_space<hbm>>
    %dma_wait3A_123 = arith.constant 0 : i32
    %dma_wait3A_124 = tpu.memref_slice %arg5[%add3A_115, %dma_wait3A_123] : memref<102400x128xf32, #tpu.memory_space<hbm>> -> memref<80x128xf32, #tpu.memory_space<hbm>>
    %dma_wait3A_125 = arith.constant 0 : i32
    %dma_wait3A_126 = arith.constant 0 : i32
    %dma_wait3A_127 = tpu.memref_slice %arg8[%dma_wait3A_116, %dma_wait3A_125, %dma_wait3A_126] : memref<3x80x128xf32, #tpu.memory_space<vmem>> -> memref<1x80x128xf32, #tpu.memory_space<vmem>>
    %dma_wait3A_128 = tpu.memref_squeeze %dma_wait3A_127 : memref<1x80x128xf32, #tpu.memory_space<vmem>> -> memref<80x128xf32, #tpu.memory_space<vmem>>
    tpu.wait_dma2 semaphore(%arg14 : memref<!tpu.dma_semaphore, #tpu.memory_space<semaphore_mem>>) src(%dma_wait3A_128 : memref<80x128xf32, #tpu.memory_space<vmem>>) dst(%dma_wait3A_124 : memref<80x128xf32, #tpu.memory_space<hbm>>)
    %mul3A_129 = arith.constant 3200 : i32
    %mul3A_130 = arith.muli %add3A, %mul3A_129 : i32
    %add3A_131 = arith.constant 3120 : i32
    %add3A_132 = arith.addi %mul3A_130, %add3A_131 : i32
    %dma_wait3A_133 = arith.constant 0 : i32
    %dma_wait3A_134 = arith.constant 0 : i32
    %dma_wait3A_135 = arith.constant 0 : i32
    %dma_wait3A_136 = tpu.memref_slice %arg8[%dma_wait3A_133, %dma_wait3A_134, %dma_wait3A_135] : memref<3x80x128xf32, #tpu.memory_space<vmem>> -> memref<1x80x128xf32, #tpu.memory_space<vmem>>
    %dma_wait3A_137 = tpu.memref_squeeze %dma_wait3A_136 : memref<1x80x128xf32, #tpu.memory_space<vmem>> -> memref<80x128xf32, #tpu.memory_space<vmem>>
    %dma_wait3A_138 = arith.constant 0 : i32
    %dma_wait3A_139 = tpu.memref_slice %arg5[%add3A_132, %dma_wait3A_138] : memref<102400x128xf32, #tpu.memory_space<hbm>> -> memref<80x128xf32, #tpu.memory_space<hbm>>
    %dma_wait3A_140 = arith.constant 0 : i32
    %dma_wait3A_141 = tpu.memref_slice %arg5[%add3A_132, %dma_wait3A_140] : memref<102400x128xf32, #tpu.memory_space<hbm>> -> memref<80x128xf32, #tpu.memory_space<hbm>>
    %dma_wait3A_142 = arith.constant 0 : i32
    %dma_wait3A_143 = arith.constant 0 : i32
    %dma_wait3A_144 = tpu.memref_slice %arg8[%dma_wait3A_133, %dma_wait3A_142, %dma_wait3A_143] : memref<3x80x128xf32, #tpu.memory_space<vmem>> -> memref<1x80x128xf32, #tpu.memory_space<vmem>>
    %dma_wait3A_145 = tpu.memref_squeeze %dma_wait3A_144 : memref<1x80x128xf32, #tpu.memory_space<vmem>> -> memref<80x128xf32, #tpu.memory_space<vmem>>
    tpu.wait_dma2 semaphore(%arg14 : memref<!tpu.dma_semaphore, #tpu.memory_space<semaphore_mem>>) src(%dma_wait3A_145 : memref<80x128xf32, #tpu.memory_space<vmem>>) dst(%dma_wait3A_141 : memref<80x128xf32, #tpu.memory_space<hbm>>)
    return
  }
}

#map = affine_map<(d0, d1) -> (0, 0, 0)>
#map1 = affine_map<(d0, d1) -> (0)>
#map2 = affine_map<(d0, d1) -> (0, 0)>
module attributes {stable_mosaic.version = 14 : i64} {
  func.func @_sc_aggregate(%arg0: i32, %arg1: i32, %arg2: memref<32x125x80xi32, #tpu.memory_space<hbm>>, %arg3: memref<32x125x80xi32, #tpu.memory_space<hbm>>, %arg4: memref<10240xf32, #tpu.memory_space<hbm>>, %arg5: memref<10240xf32, #tpu.memory_space<hbm>>, %arg6: memref<16xf32, #tpu.memory_space<hbm>>, %arg7: memref<10240x128xf32, #tpu.memory_space<hbm>>, %arg8: memref<2x10240x128xf32, #tpu.memory_space<hbm>>, %arg9: memref<2x10240xf32, #tpu.memory_space<hbm>>, %arg10: memref<3x80xi32, #tpu.memory_space<vmem>>, %arg11: memref<4x80xi32, #tpu.memory_space<vmem>>, %arg12: memref<2x80xf32, #tpu.memory_space<vmem>>, %arg13: memref<2x80xf32, #tpu.memory_space<vmem>>, %arg14: memref<4x80xf32, #tpu.memory_space<vmem>>, %arg15: memref<3x80x128xf32, #tpu.memory_space<vmem>>, %arg16: memref<16xf32, #tpu.memory_space<vmem>>, %arg17: memref<640xf32, #tpu.memory_space<vmem>>, %arg18: memref<10240x128xf32, #tpu.memory_space<vmem_shared>>, %arg19: memref<10240xf32, #tpu.memory_space<vmem_shared>>, %arg20: memref<!tpu.dma_semaphore, #tpu.memory_space<semaphore_mem>>, %arg21: memref<!tpu.dma_semaphore, #tpu.memory_space<semaphore_mem>>, %arg22: memref<!tpu.dma_semaphore, #tpu.memory_space<semaphore_mem>>, %arg23: memref<!tpu.dma_semaphore, #tpu.memory_space<semaphore_mem>>, %arg24: memref<!tpu.dma_semaphore, #tpu.memory_space<semaphore_mem>>, %arg25: memref<!tpu.dma_semaphore, #tpu.memory_space<semaphore_mem>>, %arg26: memref<!tpu.dma_semaphore, #tpu.memory_space<semaphore_mem>>) attributes {dimension_semantics = [#tpu.dimension_semantics<core_parallel>, #tpu.dimension_semantics<subcore_parallel>], iteration_bounds = array<i64: 2, 16>, scalar_prefetch = 0 : i64, scratch_operands = 17 : i64, tpu.core_type = #tpu.core_type<sc_vector_subcore>, window_params = [{transform_indices = #map}, {transform_indices = #map}, {transform_indices = #map1}, {transform_indices = #map1}, {transform_indices = #map1}, {transform_indices = #map2}, {transform_indices = #map}, {transform_indices = #map2}]} {
    %mul3A = arith.constant 2 : i32
    %mul3A_0 = arith.muli %arg1, %mul3A : i32
    %add3A = arith.addi %mul3A_0, %arg0 : i32
    %broadcast_in_dim3A = arith.constant 0.000000e+00 : f32
    %broadcast_in_dim3A_1 = vector.broadcast %broadcast_in_dim3A : f32 to vector<16xf32>
    %scan3A = arith.constant 0 : i32
    %scan3A_2 = arith.constant 0 : i32
    %scan3A_3 = arith.constant 80 : i32
    %scan3A_4 = arith.addi %scan3A_2, %scan3A_3 : i32
    %scan3A_5 = arith.constant 1 : i32
    scf.for %scan3A_277 = %scan3A_2 to %scan3A_4 step %scan3A_5  : i32 {
      %swap3A_278 = arith.constant 0 : i32
      %swap3A_279 = arith.index_cast %swap3A_278 : i32 to index
      %swap3A_280 = arith.index_cast %scan3A_277 : i32 to index
      %swap3A_281 = arith.constant 0 : index
      %swap3A_282 = tpu.vector_load %arg15[%swap3A_279, %swap3A_280, %swap3A_281] {strides = array<i32>} : memref<3x80x128xf32, #tpu.memory_space<vmem>>, vector<16xf32>,
      tpu.vector_store %arg15[%swap3A_279, %swap3A_280, %swap3A_281], %broadcast_in_dim3A_1 {strides = array<i32>} : memref<3x80x128xf32, #tpu.memory_space<vmem>>, vector<16xf32>,
      %swap3A_283 = arith.constant 0 : i32
      %swap3A_284 = arith.index_cast %swap3A_283 : i32 to index
      %swap3A_285 = arith.index_cast %scan3A_277 : i32 to index
      %swap3A_286 = arith.constant 16 : index
      %swap3A_287 = tpu.vector_load %arg15[%swap3A_284, %swap3A_285, %swap3A_286] {strides = array<i32>} : memref<3x80x128xf32, #tpu.memory_space<vmem>>, vector<16xf32>,
      tpu.vector_store %arg15[%swap3A_284, %swap3A_285, %swap3A_286], %broadcast_in_dim3A_1 {strides = array<i32>} : memref<3x80x128xf32, #tpu.memory_space<vmem>>, vector<16xf32>,
      %swap3A_288 = arith.constant 0 : i32
      %swap3A_289 = arith.index_cast %swap3A_288 : i32 to index
      %swap3A_290 = arith.index_cast %scan3A_277 : i32 to index
      %swap3A_291 = arith.constant 32 : index
      %swap3A_292 = tpu.vector_load %arg15[%swap3A_289, %swap3A_290, %swap3A_291] {strides = array<i32>} : memref<3x80x128xf32, #tpu.memory_space<vmem>>, vector<16xf32>,
      tpu.vector_store %arg15[%swap3A_289, %swap3A_290, %swap3A_291], %broadcast_in_dim3A_1 {strides = array<i32>} : memref<3x80x128xf32, #tpu.memory_space<vmem>>, vector<16xf32>,
      %swap3A_293 = arith.constant 0 : i32
      %swap3A_294 = arith.index_cast %swap3A_293 : i32 to index
      %swap3A_295 = arith.index_cast %scan3A_277 : i32 to index
      %swap3A_296 = arith.constant 48 : index
      %swap3A_297 = tpu.vector_load %arg15[%swap3A_294, %swap3A_295, %swap3A_296] {strides = array<i32>} : memref<3x80x128xf32, #tpu.memory_space<vmem>>, vector<16xf32>,
      tpu.vector_store %arg15[%swap3A_294, %swap3A_295, %swap3A_296], %broadcast_in_dim3A_1 {strides = array<i32>} : memref<3x80x128xf32, #tpu.memory_space<vmem>>, vector<16xf32>,
      %swap3A_298 = arith.constant 0 : i32
      %swap3A_299 = arith.index_cast %swap3A_298 : i32 to index
      %swap3A_300 = arith.index_cast %scan3A_277 : i32 to index
      %swap3A_301 = arith.constant 64 : index
      %swap3A_302 = tpu.vector_load %arg15[%swap3A_299, %swap3A_300, %swap3A_301] {strides = array<i32>} : memref<3x80x128xf32, #tpu.memory_space<vmem>>, vector<16xf32>,
      tpu.vector_store %arg15[%swap3A_299, %swap3A_300, %swap3A_301], %broadcast_in_dim3A_1 {strides = array<i32>} : memref<3x80x128xf32, #tpu.memory_space<vmem>>, vector<16xf32>,
      %swap3A_303 = arith.constant 0 : i32
      %swap3A_304 = arith.index_cast %swap3A_303 : i32 to index
      %swap3A_305 = arith.index_cast %scan3A_277 : i32 to index
      %swap3A_306 = arith.constant 80 : index
      %swap3A_307 = tpu.vector_load %arg15[%swap3A_304, %swap3A_305, %swap3A_306] {strides = array<i32>} : memref<3x80x128xf32, #tpu.memory_space<vmem>>, vector<16xf32>,
      tpu.vector_store %arg15[%swap3A_304, %swap3A_305, %swap3A_306], %broadcast_in_dim3A_1 {strides = array<i32>} : memref<3x80x128xf32, #tpu.memory_space<vmem>>, vector<16xf32>,
      %swap3A_308 = arith.constant 0 : i32
      %swap3A_309 = arith.index_cast %swap3A_308 : i32 to index
      %swap3A_310 = arith.index_cast %scan3A_277 : i32 to index
      %swap3A_311 = arith.constant 96 : index
      %swap3A_312 = tpu.vector_load %arg15[%swap3A_309, %swap3A_310, %swap3A_311] {strides = array<i32>} : memref<3x80x128xf32, #tpu.memory_space<vmem>>, vector<16xf32>,
      tpu.vector_store %arg15[%swap3A_309, %swap3A_310, %swap3A_311], %broadcast_in_dim3A_1 {strides = array<i32>} : memref<3x80x128xf32, #tpu.memory_space<vmem>>, vector<16xf32>,
      %swap3A_313 = arith.constant 0 : i32
      %swap3A_314 = arith.index_cast %swap3A_313 : i32 to index
      %swap3A_315 = arith.index_cast %scan3A_277 : i32 to index
      %swap3A_316 = arith.constant 112 : index
      %swap3A_317 = tpu.vector_load %arg15[%swap3A_314, %swap3A_315, %swap3A_316] {strides = array<i32>} : memref<3x80x128xf32, #tpu.memory_space<vmem>>, vector<16xf32>,
      tpu.vector_store %arg15[%swap3A_314, %swap3A_315, %swap3A_316], %broadcast_in_dim3A_1 {strides = array<i32>} : memref<3x80x128xf32, #tpu.memory_space<vmem>>, vector<16xf32>,
    }
    %scan3A_6 = arith.constant 80 : i32
    %swap3A = arith.constant 0 : index
    %swap3A_7 = tpu.vector_load %arg17[%swap3A] {strides = array<i32>} : memref<640xf32, #tpu.memory_space<vmem>>, vector<16xf32>,
    tpu.vector_store %arg17[%swap3A], %broadcast_in_dim3A_1 {strides = array<i32>} : memref<640xf32, #tpu.memory_space<vmem>>, vector<16xf32>,
    %swap3A_8 = arith.constant 16 : index
    %swap3A_9 = tpu.vector_load %arg17[%swap3A_8] {strides = array<i32>} : memref<640xf32, #tpu.memory_space<vmem>>, vector<16xf32>,
    tpu.vector_store %arg17[%swap3A_8], %broadcast_in_dim3A_1 {strides = array<i32>} : memref<640xf32, #tpu.memory_space<vmem>>, vector<16xf32>,
    %swap3A_10 = arith.constant 32 : index
    %swap3A_11 = tpu.vector_load %arg17[%swap3A_10] {strides = array<i32>} : memref<640xf32, #tpu.memory_space<vmem>>, vector<16xf32>,
    tpu.vector_store %arg17[%swap3A_10], %broadcast_in_dim3A_1 {strides = array<i32>} : memref<640xf32, #tpu.memory_space<vmem>>, vector<16xf32>,
    %swap3A_12 = arith.constant 48 : index
    %swap3A_13 = tpu.vector_load %arg17[%swap3A_12] {strides = array<i32>} : memref<640xf32, #tpu.memory_space<vmem>>, vector<16xf32>,
    tpu.vector_store %arg17[%swap3A_12], %broadcast_in_dim3A_1 {strides = array<i32>} : memref<640xf32, #tpu.memory_space<vmem>>, vector<16xf32>,
    %swap3A_14 = arith.constant 64 : index
    %swap3A_15 = tpu.vector_load %arg17[%swap3A_14] {strides = array<i32>} : memref<640xf32, #tpu.memory_space<vmem>>, vector<16xf32>,
    tpu.vector_store %arg17[%swap3A_14], %broadcast_in_dim3A_1 {strides = array<i32>} : memref<640xf32, #tpu.memory_space<vmem>>, vector<16xf32>,
    %swap3A_16 = arith.constant 80 : index
    %swap3A_17 = tpu.vector_load %arg17[%swap3A_16] {strides = array<i32>} : memref<640xf32, #tpu.memory_space<vmem>>, vector<16xf32>,
    tpu.vector_store %arg17[%swap3A_16], %broadcast_in_dim3A_1 {strides = array<i32>} : memref<640xf32, #tpu.memory_space<vmem>>, vector<16xf32>,
    %swap3A_18 = arith.constant 96 : index
    %swap3A_19 = tpu.vector_load %arg17[%swap3A_18] {strides = array<i32>} : memref<640xf32, #tpu.memory_space<vmem>>, vector<16xf32>,
    tpu.vector_store %arg17[%swap3A_18], %broadcast_in_dim3A_1 {strides = array<i32>} : memref<640xf32, #tpu.memory_space<vmem>>, vector<16xf32>,
    %swap3A_20 = arith.constant 112 : index
    %swap3A_21 = tpu.vector_load %arg17[%swap3A_20] {strides = array<i32>} : memref<640xf32, #tpu.memory_space<vmem>>, vector<16xf32>,
    tpu.vector_store %arg17[%swap3A_20], %broadcast_in_dim3A_1 {strides = array<i32>} : memref<640xf32, #tpu.memory_space<vmem>>, vector<16xf32>,
    %swap3A_22 = arith.constant 128 : index
    %swap3A_23 = tpu.vector_load %arg17[%swap3A_22] {strides = array<i32>} : memref<640xf32, #tpu.memory_space<vmem>>, vector<16xf32>,
    tpu.vector_store %arg17[%swap3A_22], %broadcast_in_dim3A_1 {strides = array<i32>} : memref<640xf32, #tpu.memory_space<vmem>>, vector<16xf32>,
    %swap3A_24 = arith.constant 144 : index
    %swap3A_25 = tpu.vector_load %arg17[%swap3A_24] {strides = array<i32>} : memref<640xf32, #tpu.memory_space<vmem>>, vector<16xf32>,
    tpu.vector_store %arg17[%swap3A_24], %broadcast_in_dim3A_1 {strides = array<i32>} : memref<640xf32, #tpu.memory_space<vmem>>, vector<16xf32>,
    %swap3A_26 = arith.constant 160 : index
    %swap3A_27 = tpu.vector_load %arg17[%swap3A_26] {strides = array<i32>} : memref<640xf32, #tpu.memory_space<vmem>>, vector<16xf32>,
    tpu.vector_store %arg17[%swap3A_26], %broadcast_in_dim3A_1 {strides = array<i32>} : memref<640xf32, #tpu.memory_space<vmem>>, vector<16xf32>,
    %swap3A_28 = arith.constant 176 : index
    %swap3A_29 = tpu.vector_load %arg17[%swap3A_28] {strides = array<i32>} : memref<640xf32, #tpu.memory_space<vmem>>, vector<16xf32>,
    tpu.vector_store %arg17[%swap3A_28], %broadcast_in_dim3A_1 {strides = array<i32>} : memref<640xf32, #tpu.memory_space<vmem>>, vector<16xf32>,
    %swap3A_30 = arith.constant 192 : index
    %swap3A_31 = tpu.vector_load %arg17[%swap3A_30] {strides = array<i32>} : memref<640xf32, #tpu.memory_space<vmem>>, vector<16xf32>,
    tpu.vector_store %arg17[%swap3A_30], %broadcast_in_dim3A_1 {strides = array<i32>} : memref<640xf32, #tpu.memory_space<vmem>>, vector<16xf32>,
    %swap3A_32 = arith.constant 208 : index
    %swap3A_33 = tpu.vector_load %arg17[%swap3A_32] {strides = array<i32>} : memref<640xf32, #tpu.memory_space<vmem>>, vector<16xf32>,
    tpu.vector_store %arg17[%swap3A_32], %broadcast_in_dim3A_1 {strides = array<i32>} : memref<640xf32, #tpu.memory_space<vmem>>, vector<16xf32>,
    %swap3A_34 = arith.constant 224 : index
    %swap3A_35 = tpu.vector_load %arg17[%swap3A_34] {strides = array<i32>} : memref<640xf32, #tpu.memory_space<vmem>>, vector<16xf32>,
    tpu.vector_store %arg17[%swap3A_34], %broadcast_in_dim3A_1 {strides = array<i32>} : memref<640xf32, #tpu.memory_space<vmem>>, vector<16xf32>,
    %swap3A_36 = arith.constant 240 : index
    %swap3A_37 = tpu.vector_load %arg17[%swap3A_36] {strides = array<i32>} : memref<640xf32, #tpu.memory_space<vmem>>, vector<16xf32>,
    tpu.vector_store %arg17[%swap3A_36], %broadcast_in_dim3A_1 {strides = array<i32>} : memref<640xf32, #tpu.memory_space<vmem>>, vector<16xf32>,
    %swap3A_38 = arith.constant 256 : index
    %swap3A_39 = tpu.vector_load %arg17[%swap3A_38] {strides = array<i32>} : memref<640xf32, #tpu.memory_space<vmem>>, vector<16xf32>,
    tpu.vector_store %arg17[%swap3A_38], %broadcast_in_dim3A_1 {strides = array<i32>} : memref<640xf32, #tpu.memory_space<vmem>>, vector<16xf32>,
    %swap3A_40 = arith.constant 272 : index
    %swap3A_41 = tpu.vector_load %arg17[%swap3A_40] {strides = array<i32>} : memref<640xf32, #tpu.memory_space<vmem>>, vector<16xf32>,
    tpu.vector_store %arg17[%swap3A_40], %broadcast_in_dim3A_1 {strides = array<i32>} : memref<640xf32, #tpu.memory_space<vmem>>, vector<16xf32>,
    %swap3A_42 = arith.constant 288 : index
    %swap3A_43 = tpu.vector_load %arg17[%swap3A_42] {strides = array<i32>} : memref<640xf32, #tpu.memory_space<vmem>>, vector<16xf32>,
    tpu.vector_store %arg17[%swap3A_42], %broadcast_in_dim3A_1 {strides = array<i32>} : memref<640xf32, #tpu.memory_space<vmem>>, vector<16xf32>,
    %swap3A_44 = arith.constant 304 : index
    %swap3A_45 = tpu.vector_load %arg17[%swap3A_44] {strides = array<i32>} : memref<640xf32, #tpu.memory_space<vmem>>, vector<16xf32>,
    tpu.vector_store %arg17[%swap3A_44], %broadcast_in_dim3A_1 {strides = array<i32>} : memref<640xf32, #tpu.memory_space<vmem>>, vector<16xf32>,
    %swap3A_46 = arith.constant 320 : index
    %swap3A_47 = tpu.vector_load %arg17[%swap3A_46] {strides = array<i32>} : memref<640xf32, #tpu.memory_space<vmem>>, vector<16xf32>,
    tpu.vector_store %arg17[%swap3A_46], %broadcast_in_dim3A_1 {strides = array<i32>} : memref<640xf32, #tpu.memory_space<vmem>>, vector<16xf32>,
    %swap3A_48 = arith.constant 336 : index
    %swap3A_49 = tpu.vector_load %arg17[%swap3A_48] {strides = array<i32>} : memref<640xf32, #tpu.memory_space<vmem>>, vector<16xf32>,
    tpu.vector_store %arg17[%swap3A_48], %broadcast_in_dim3A_1 {strides = array<i32>} : memref<640xf32, #tpu.memory_space<vmem>>, vector<16xf32>,
    %swap3A_50 = arith.constant 352 : index
    %swap3A_51 = tpu.vector_load %arg17[%swap3A_50] {strides = array<i32>} : memref<640xf32, #tpu.memory_space<vmem>>, vector<16xf32>,
    tpu.vector_store %arg17[%swap3A_50], %broadcast_in_dim3A_1 {strides = array<i32>} : memref<640xf32, #tpu.memory_space<vmem>>, vector<16xf32>,
    %swap3A_52 = arith.constant 368 : index
    %swap3A_53 = tpu.vector_load %arg17[%swap3A_52] {strides = array<i32>} : memref<640xf32, #tpu.memory_space<vmem>>, vector<16xf32>,
    tpu.vector_store %arg17[%swap3A_52], %broadcast_in_dim3A_1 {strides = array<i32>} : memref<640xf32, #tpu.memory_space<vmem>>, vector<16xf32>,
    %swap3A_54 = arith.constant 384 : index
    %swap3A_55 = tpu.vector_load %arg17[%swap3A_54] {strides = array<i32>} : memref<640xf32, #tpu.memory_space<vmem>>, vector<16xf32>,
    tpu.vector_store %arg17[%swap3A_54], %broadcast_in_dim3A_1 {strides = array<i32>} : memref<640xf32, #tpu.memory_space<vmem>>, vector<16xf32>,
    %swap3A_56 = arith.constant 400 : index
    %swap3A_57 = tpu.vector_load %arg17[%swap3A_56] {strides = array<i32>} : memref<640xf32, #tpu.memory_space<vmem>>, vector<16xf32>,
    tpu.vector_store %arg17[%swap3A_56], %broadcast_in_dim3A_1 {strides = array<i32>} : memref<640xf32, #tpu.memory_space<vmem>>, vector<16xf32>,
    %swap3A_58 = arith.constant 416 : index
    %swap3A_59 = tpu.vector_load %arg17[%swap3A_58] {strides = array<i32>} : memref<640xf32, #tpu.memory_space<vmem>>, vector<16xf32>,
    tpu.vector_store %arg17[%swap3A_58], %broadcast_in_dim3A_1 {strides = array<i32>} : memref<640xf32, #tpu.memory_space<vmem>>, vector<16xf32>,
    %swap3A_60 = arith.constant 432 : index
    %swap3A_61 = tpu.vector_load %arg17[%swap3A_60] {strides = array<i32>} : memref<640xf32, #tpu.memory_space<vmem>>, vector<16xf32>,
    tpu.vector_store %arg17[%swap3A_60], %broadcast_in_dim3A_1 {strides = array<i32>} : memref<640xf32, #tpu.memory_space<vmem>>, vector<16xf32>,
    %swap3A_62 = arith.constant 448 : index
    %swap3A_63 = tpu.vector_load %arg17[%swap3A_62] {strides = array<i32>} : memref<640xf32, #tpu.memory_space<vmem>>, vector<16xf32>,
    tpu.vector_store %arg17[%swap3A_62], %broadcast_in_dim3A_1 {strides = array<i32>} : memref<640xf32, #tpu.memory_space<vmem>>, vector<16xf32>,
    %swap3A_64 = arith.constant 464 : index
    %swap3A_65 = tpu.vector_load %arg17[%swap3A_64] {strides = array<i32>} : memref<640xf32, #tpu.memory_space<vmem>>, vector<16xf32>,
    tpu.vector_store %arg17[%swap3A_64], %broadcast_in_dim3A_1 {strides = array<i32>} : memref<640xf32, #tpu.memory_space<vmem>>, vector<16xf32>,
    %swap3A_66 = arith.constant 480 : index
    %swap3A_67 = tpu.vector_load %arg17[%swap3A_66] {strides = array<i32>} : memref<640xf32, #tpu.memory_space<vmem>>, vector<16xf32>,
    tpu.vector_store %arg17[%swap3A_66], %broadcast_in_dim3A_1 {strides = array<i32>} : memref<640xf32, #tpu.memory_space<vmem>>, vector<16xf32>,
    %swap3A_68 = arith.constant 496 : index
    %swap3A_69 = tpu.vector_load %arg17[%swap3A_68] {strides = array<i32>} : memref<640xf32, #tpu.memory_space<vmem>>, vector<16xf32>,
    tpu.vector_store %arg17[%swap3A_68], %broadcast_in_dim3A_1 {strides = array<i32>} : memref<640xf32, #tpu.memory_space<vmem>>, vector<16xf32>,
    %swap3A_70 = arith.constant 512 : index
    %swap3A_71 = tpu.vector_load %arg17[%swap3A_70] {strides = array<i32>} : memref<640xf32, #tpu.memory_space<vmem>>, vector<16xf32>,
    tpu.vector_store %arg17[%swap3A_70], %broadcast_in_dim3A_1 {strides = array<i32>} : memref<640xf32, #tpu.memory_space<vmem>>, vector<16xf32>,
    %swap3A_72 = arith.constant 528 : index
    %swap3A_73 = tpu.vector_load %arg17[%swap3A_72] {strides = array<i32>} : memref<640xf32, #tpu.memory_space<vmem>>, vector<16xf32>,
    tpu.vector_store %arg17[%swap3A_72], %broadcast_in_dim3A_1 {strides = array<i32>} : memref<640xf32, #tpu.memory_space<vmem>>, vector<16xf32>,
    %swap3A_74 = arith.constant 544 : index
    %swap3A_75 = tpu.vector_load %arg17[%swap3A_74] {strides = array<i32>} : memref<640xf32, #tpu.memory_space<vmem>>, vector<16xf32>,
    tpu.vector_store %arg17[%swap3A_74], %broadcast_in_dim3A_1 {strides = array<i32>} : memref<640xf32, #tpu.memory_space<vmem>>, vector<16xf32>,
    %swap3A_76 = arith.constant 560 : index
    %swap3A_77 = tpu.vector_load %arg17[%swap3A_76] {strides = array<i32>} : memref<640xf32, #tpu.memory_space<vmem>>, vector<16xf32>,
    tpu.vector_store %arg17[%swap3A_76], %broadcast_in_dim3A_1 {strides = array<i32>} : memref<640xf32, #tpu.memory_space<vmem>>, vector<16xf32>,
    %swap3A_78 = arith.constant 576 : index
    %swap3A_79 = tpu.vector_load %arg17[%swap3A_78] {strides = array<i32>} : memref<640xf32, #tpu.memory_space<vmem>>, vector<16xf32>,
    tpu.vector_store %arg17[%swap3A_78], %broadcast_in_dim3A_1 {strides = array<i32>} : memref<640xf32, #tpu.memory_space<vmem>>, vector<16xf32>,
    %swap3A_80 = arith.constant 592 : index
    %swap3A_81 = tpu.vector_load %arg17[%swap3A_80] {strides = array<i32>} : memref<640xf32, #tpu.memory_space<vmem>>, vector<16xf32>,
    tpu.vector_store %arg17[%swap3A_80], %broadcast_in_dim3A_1 {strides = array<i32>} : memref<640xf32, #tpu.memory_space<vmem>>, vector<16xf32>,
    %swap3A_82 = arith.constant 608 : index
    %swap3A_83 = tpu.vector_load %arg17[%swap3A_82] {strides = array<i32>} : memref<640xf32, #tpu.memory_space<vmem>>, vector<16xf32>,
    tpu.vector_store %arg17[%swap3A_82], %broadcast_in_dim3A_1 {strides = array<i32>} : memref<640xf32, #tpu.memory_space<vmem>>, vector<16xf32>,
    %swap3A_84 = arith.constant 624 : index
    %swap3A_85 = tpu.vector_load %arg17[%swap3A_84] {strides = array<i32>} : memref<640xf32, #tpu.memory_space<vmem>>, vector<16xf32>,
    tpu.vector_store %arg17[%swap3A_84], %broadcast_in_dim3A_1 {strides = array<i32>} : memref<640xf32, #tpu.memory_space<vmem>>, vector<16xf32>,
    %mul3A_86 = arith.constant 640 : i32
    %mul3A_87 = arith.muli %arg1, %mul3A_86 : i32
    %add3A_88 = arith.constant 0 : i32
    %add3A_89 = arith.addi %mul3A_87, %add3A_88 : i32
    %run_scoped3A = arith.constant 0 : i32
    "tpu.region"() ({
      %run_scoped3A_277 = tpu.sem_alloc : memref<!tpu.dma_semaphore, #tpu.memory_space<semaphore_mem>>
      %dma_start3A_278 = arith.constant 0 : i32
      %dma_start3A_279 = arith.constant 0 : i32
      %dma_start3A_280 = tpu.memref_slice %arg15[%run_scoped3A, %dma_start3A_278, %dma_start3A_279] : memref<3x80x128xf32, #tpu.memory_space<vmem>> -> memref<1x80x128xf32, #tpu.memory_space<vmem>>
      %dma_start3A_281 = tpu.memref_squeeze %dma_start3A_280 : memref<1x80x128xf32, #tpu.memory_space<vmem>> -> memref<80x128xf32, #tpu.memory_space<vmem>>
      %dma_start3A_282 = arith.constant 0 : i32
      %dma_start3A_283 = tpu.memref_slice %arg18[%add3A_89, %dma_start3A_282] : memref<10240x128xf32, #tpu.memory_space<vmem_shared>> -> memref<80x128xf32, #tpu.memory_space<vmem_shared>>
      %dma_start3A_284 = arith.constant 0 : i32
      %dma_start3A_285 = tpu.memref_slice %arg18[%add3A_89, %dma_start3A_284] : memref<10240x128xf32, #tpu.memory_space<vmem_shared>> -> memref<80x128xf32, #tpu.memory_space<vmem_shared>>
      %dma_start3A_286 = arith.constant 0 : i32
      %dma_start3A_287 = arith.constant 0 : i32
      %dma_start3A_288 = tpu.memref_slice %arg15[%run_scoped3A, %dma_start3A_286, %dma_start3A_287] : memref<3x80x128xf32, #tpu.memory_space<vmem>> -> memref<1x80x128xf32, #tpu.memory_space<vmem>>
      %dma_start3A_289 = tpu.memref_squeeze %dma_start3A_288 : memref<1x80x128xf32, #tpu.memory_space<vmem>> -> memref<80x128xf32, #tpu.memory_space<vmem>>
      tpu.enqueue_dma source(%dma_start3A_289 : memref<80x128xf32, #tpu.memory_space<vmem>>) target(%dma_start3A_285 : memref<80x128xf32, #tpu.memory_space<vmem_shared>>) target_semaphore(%run_scoped3A_277 : memref<!tpu.dma_semaphore, #tpu.memory_space<semaphore_mem>>)
      %dma_wait3A_290 = arith.constant 0 : i32
      %dma_wait3A_291 = arith.constant 0 : i32
      %dma_wait3A_292 = tpu.memref_slice %arg15[%run_scoped3A, %dma_wait3A_290, %dma_wait3A_291] : memref<3x80x128xf32, #tpu.memory_space<vmem>> -> memref<1x80x128xf32, #tpu.memory_space<vmem>>
      %dma_wait3A_293 = tpu.memref_squeeze %dma_wait3A_292 : memref<1x80x128xf32, #tpu.memory_space<vmem>> -> memref<80x128xf32, #tpu.memory_space<vmem>>
      %dma_wait3A_294 = arith.constant 0 : i32
      %dma_wait3A_295 = tpu.memref_slice %arg18[%add3A_89, %dma_wait3A_294] : memref<10240x128xf32, #tpu.memory_space<vmem_shared>> -> memref<80x128xf32, #tpu.memory_space<vmem_shared>>
      %dma_wait3A_296 = arith.constant 0 : i32
      %dma_wait3A_297 = tpu.memref_slice %arg18[%add3A_89, %dma_wait3A_296] : memref<10240x128xf32, #tpu.memory_space<vmem_shared>> -> memref<80x128xf32, #tpu.memory_space<vmem_shared>>
      %dma_wait3A_298 = arith.constant 0 : i32
      %dma_wait3A_299 = arith.constant 0 : i32
      %dma_wait3A_300 = tpu.memref_slice %arg15[%run_scoped3A, %dma_wait3A_298, %dma_wait3A_299] : memref<3x80x128xf32, #tpu.memory_space<vmem>> -> memref<1x80x128xf32, #tpu.memory_space<vmem>>
      %dma_wait3A_301 = tpu.memref_squeeze %dma_wait3A_300 : memref<1x80x128xf32, #tpu.memory_space<vmem>> -> memref<80x128xf32, #tpu.memory_space<vmem>>
      tpu.wait_dma2 semaphore(%run_scoped3A_277 : memref<!tpu.dma_semaphore, #tpu.memory_space<semaphore_mem>>) src(%dma_wait3A_301 : memref<80x128xf32, #tpu.memory_space<vmem>>) dst(%dma_wait3A_297 : memref<80x128xf32, #tpu.memory_space<vmem_shared>>)
      tpu.yield
    }) : () -> ()
    %add3A_90 = arith.constant 80 : i32
    %add3A_91 = arith.addi %mul3A_87, %add3A_90 : i32
    %run_scoped3A_92 = arith.constant 0 : i32
    "tpu.region"() ({
      %run_scoped3A_277 = tpu.sem_alloc : memref<!tpu.dma_semaphore, #tpu.memory_space<semaphore_mem>>
      %dma_start3A_278 = arith.constant 0 : i32
      %dma_start3A_279 = arith.constant 0 : i32
      %dma_start3A_280 = tpu.memref_slice %arg15[%run_scoped3A_92, %dma_start3A_278, %dma_start3A_279] : memref<3x80x128xf32, #tpu.memory_space<vmem>> -> memref<1x80x128xf32, #tpu.memory_space<vmem>>
      %dma_start3A_281 = tpu.memref_squeeze %dma_start3A_280 : memref<1x80x128xf32, #tpu.memory_space<vmem>> -> memref<80x128xf32, #tpu.memory_space<vmem>>
      %dma_start3A_282 = arith.constant 0 : i32
      %dma_start3A_283 = tpu.memref_slice %arg18[%add3A_91, %dma_start3A_282] : memref<10240x128xf32, #tpu.memory_space<vmem_shared>> -> memref<80x128xf32, #tpu.memory_space<vmem_shared>>
      %dma_start3A_284 = arith.constant 0 : i32
      %dma_start3A_285 = tpu.memref_slice %arg18[%add3A_91, %dma_start3A_284] : memref<10240x128xf32, #tpu.memory_space<vmem_shared>> -> memref<80x128xf32, #tpu.memory_space<vmem_shared>>
      %dma_start3A_286 = arith.constant 0 : i32
      %dma_start3A_287 = arith.constant 0 : i32
      %dma_start3A_288 = tpu.memref_slice %arg15[%run_scoped3A_92, %dma_start3A_286, %dma_start3A_287] : memref<3x80x128xf32, #tpu.memory_space<vmem>> -> memref<1x80x128xf32, #tpu.memory_space<vmem>>
      %dma_start3A_289 = tpu.memref_squeeze %dma_start3A_288 : memref<1x80x128xf32, #tpu.memory_space<vmem>> -> memref<80x128xf32, #tpu.memory_space<vmem>>
      tpu.enqueue_dma source(%dma_start3A_289 : memref<80x128xf32, #tpu.memory_space<vmem>>) target(%dma_start3A_285 : memref<80x128xf32, #tpu.memory_space<vmem_shared>>) target_semaphore(%run_scoped3A_277 : memref<!tpu.dma_semaphore, #tpu.memory_space<semaphore_mem>>)
      %dma_wait3A_290 = arith.constant 0 : i32
      %dma_wait3A_291 = arith.constant 0 : i32
      %dma_wait3A_292 = tpu.memref_slice %arg15[%run_scoped3A_92, %dma_wait3A_290, %dma_wait3A_291] : memref<3x80x128xf32, #tpu.memory_space<vmem>> -> memref<1x80x128xf32, #tpu.memory_space<vmem>>
      %dma_wait3A_293 = tpu.memref_squeeze %dma_wait3A_292 : memref<1x80x128xf32, #tpu.memory_space<vmem>> -> memref<80x128xf32, #tpu.memory_space<vmem>>
      %dma_wait3A_294 = arith.constant 0 : i32
      %dma_wait3A_295 = tpu.memref_slice %arg18[%add3A_91, %dma_wait3A_294] : memref<10240x128xf32, #tpu.memory_space<vmem_shared>> -> memref<80x128xf32, #tpu.memory_space<vmem_shared>>
      %dma_wait3A_296 = arith.constant 0 : i32
      %dma_wait3A_297 = tpu.memref_slice %arg18[%add3A_91, %dma_wait3A_296] : memref<10240x128xf32, #tpu.memory_space<vmem_shared>> -> memref<80x128xf32, #tpu.memory_space<vmem_shared>>
      %dma_wait3A_298 = arith.constant 0 : i32
      %dma_wait3A_299 = arith.constant 0 : i32
      %dma_wait3A_300 = tpu.memref_slice %arg15[%run_scoped3A_92, %dma_wait3A_298, %dma_wait3A_299] : memref<3x80x128xf32, #tpu.memory_space<vmem>> -> memref<1x80x128xf32, #tpu.memory_space<vmem>>
      %dma_wait3A_301 = tpu.memref_squeeze %dma_wait3A_300 : memref<1x80x128xf32, #tpu.memory_space<vmem>> -> memref<80x128xf32, #tpu.memory_space<vmem>>
      tpu.wait_dma2 semaphore(%run_scoped3A_277 : memref<!tpu.dma_semaphore, #tpu.memory_space<semaphore_mem>>) src(%dma_wait3A_301 : memref<80x128xf32, #tpu.memory_space<vmem>>) dst(%dma_wait3A_297 : memref<80x128xf32, #tpu.memory_space<vmem_shared>>)
      tpu.yield
    }) : () -> ()
    %add3A_93 = arith.constant 160 : i32
    %add3A_94 = arith.addi %mul3A_87, %add3A_93 : i32
    %run_scoped3A_95 = arith.constant 0 : i32
    "tpu.region"() ({
      %run_scoped3A_277 = tpu.sem_alloc : memref<!tpu.dma_semaphore, #tpu.memory_space<semaphore_mem>>
      %dma_start3A_278 = arith.constant 0 : i32
      %dma_start3A_279 = arith.constant 0 : i32
      %dma_start3A_280 = tpu.memref_slice %arg15[%run_scoped3A_95, %dma_start3A_278, %dma_start3A_279] : memref<3x80x128xf32, #tpu.memory_space<vmem>> -> memref<1x80x128xf32, #tpu.memory_space<vmem>>
      %dma_start3A_281 = tpu.memref_squeeze %dma_start3A_280 : memref<1x80x128xf32, #tpu.memory_space<vmem>> -> memref<80x128xf32, #tpu.memory_space<vmem>>
      %dma_start3A_282 = arith.constant 0 : i32
      %dma_start3A_283 = tpu.memref_slice %arg18[%add3A_94, %dma_start3A_282] : memref<10240x128xf32, #tpu.memory_space<vmem_shared>> -> memref<80x128xf32, #tpu.memory_space<vmem_shared>>
      %dma_start3A_284 = arith.constant 0 : i32
      %dma_start3A_285 = tpu.memref_slice %arg18[%add3A_94, %dma_start3A_284] : memref<10240x128xf32, #tpu.memory_space<vmem_shared>> -> memref<80x128xf32, #tpu.memory_space<vmem_shared>>
      %dma_start3A_286 = arith.constant 0 : i32
      %dma_start3A_287 = arith.constant 0 : i32
      %dma_start3A_288 = tpu.memref_slice %arg15[%run_scoped3A_95, %dma_start3A_286, %dma_start3A_287] : memref<3x80x128xf32, #tpu.memory_space<vmem>> -> memref<1x80x128xf32, #tpu.memory_space<vmem>>
      %dma_start3A_289 = tpu.memref_squeeze %dma_start3A_288 : memref<1x80x128xf32, #tpu.memory_space<vmem>> -> memref<80x128xf32, #tpu.memory_space<vmem>>
      tpu.enqueue_dma source(%dma_start3A_289 : memref<80x128xf32, #tpu.memory_space<vmem>>) target(%dma_start3A_285 : memref<80x128xf32, #tpu.memory_space<vmem_shared>>) target_semaphore(%run_scoped3A_277 : memref<!tpu.dma_semaphore, #tpu.memory_space<semaphore_mem>>)
      %dma_wait3A_290 = arith.constant 0 : i32
      %dma_wait3A_291 = arith.constant 0 : i32
      %dma_wait3A_292 = tpu.memref_slice %arg15[%run_scoped3A_95, %dma_wait3A_290, %dma_wait3A_291] : memref<3x80x128xf32, #tpu.memory_space<vmem>> -> memref<1x80x128xf32, #tpu.memory_space<vmem>>
      %dma_wait3A_293 = tpu.memref_squeeze %dma_wait3A_292 : memref<1x80x128xf32, #tpu.memory_space<vmem>> -> memref<80x128xf32, #tpu.memory_space<vmem>>
      %dma_wait3A_294 = arith.constant 0 : i32
      %dma_wait3A_295 = tpu.memref_slice %arg18[%add3A_94, %dma_wait3A_294] : memref<10240x128xf32, #tpu.memory_space<vmem_shared>> -> memref<80x128xf32, #tpu.memory_space<vmem_shared>>
      %dma_wait3A_296 = arith.constant 0 : i32
      %dma_wait3A_297 = tpu.memref_slice %arg18[%add3A_94, %dma_wait3A_296] : memref<10240x128xf32, #tpu.memory_space<vmem_shared>> -> memref<80x128xf32, #tpu.memory_space<vmem_shared>>
      %dma_wait3A_298 = arith.constant 0 : i32
      %dma_wait3A_299 = arith.constant 0 : i32
      %dma_wait3A_300 = tpu.memref_slice %arg15[%run_scoped3A_95, %dma_wait3A_298, %dma_wait3A_299] : memref<3x80x128xf32, #tpu.memory_space<vmem>> -> memref<1x80x128xf32, #tpu.memory_space<vmem>>
      %dma_wait3A_301 = tpu.memref_squeeze %dma_wait3A_300 : memref<1x80x128xf32, #tpu.memory_space<vmem>> -> memref<80x128xf32, #tpu.memory_space<vmem>>
      tpu.wait_dma2 semaphore(%run_scoped3A_277 : memref<!tpu.dma_semaphore, #tpu.memory_space<semaphore_mem>>) src(%dma_wait3A_301 : memref<80x128xf32, #tpu.memory_space<vmem>>) dst(%dma_wait3A_297 : memref<80x128xf32, #tpu.memory_space<vmem_shared>>)
      tpu.yield
    }) : () -> ()
    %add3A_96 = arith.constant 240 : i32
    %add3A_97 = arith.addi %mul3A_87, %add3A_96 : i32
    %run_scoped3A_98 = arith.constant 0 : i32
    "tpu.region"() ({
      %run_scoped3A_277 = tpu.sem_alloc : memref<!tpu.dma_semaphore, #tpu.memory_space<semaphore_mem>>
      %dma_start3A_278 = arith.constant 0 : i32
      %dma_start3A_279 = arith.constant 0 : i32
      %dma_start3A_280 = tpu.memref_slice %arg15[%run_scoped3A_98, %dma_start3A_278, %dma_start3A_279] : memref<3x80x128xf32, #tpu.memory_space<vmem>> -> memref<1x80x128xf32, #tpu.memory_space<vmem>>
      %dma_start3A_281 = tpu.memref_squeeze %dma_start3A_280 : memref<1x80x128xf32, #tpu.memory_space<vmem>> -> memref<80x128xf32, #tpu.memory_space<vmem>>
      %dma_start3A_282 = arith.constant 0 : i32
      %dma_start3A_283 = tpu.memref_slice %arg18[%add3A_97, %dma_start3A_282] : memref<10240x128xf32, #tpu.memory_space<vmem_shared>> -> memref<80x128xf32, #tpu.memory_space<vmem_shared>>
      %dma_start3A_284 = arith.constant 0 : i32
      %dma_start3A_285 = tpu.memref_slice %arg18[%add3A_97, %dma_start3A_284] : memref<10240x128xf32, #tpu.memory_space<vmem_shared>> -> memref<80x128xf32, #tpu.memory_space<vmem_shared>>
      %dma_start3A_286 = arith.constant 0 : i32
      %dma_start3A_287 = arith.constant 0 : i32
      %dma_start3A_288 = tpu.memref_slice %arg15[%run_scoped3A_98, %dma_start3A_286, %dma_start3A_287] : memref<3x80x128xf32, #tpu.memory_space<vmem>> -> memref<1x80x128xf32, #tpu.memory_space<vmem>>
      %dma_start3A_289 = tpu.memref_squeeze %dma_start3A_288 : memref<1x80x128xf32, #tpu.memory_space<vmem>> -> memref<80x128xf32, #tpu.memory_space<vmem>>
      tpu.enqueue_dma source(%dma_start3A_289 : memref<80x128xf32, #tpu.memory_space<vmem>>) target(%dma_start3A_285 : memref<80x128xf32, #tpu.memory_space<vmem_shared>>) target_semaphore(%run_scoped3A_277 : memref<!tpu.dma_semaphore, #tpu.memory_space<semaphore_mem>>)
      %dma_wait3A_290 = arith.constant 0 : i32
      %dma_wait3A_291 = arith.constant 0 : i32
      %dma_wait3A_292 = tpu.memref_slice %arg15[%run_scoped3A_98, %dma_wait3A_290, %dma_wait3A_291] : memref<3x80x128xf32, #tpu.memory_space<vmem>> -> memref<1x80x128xf32, #tpu.memory_space<vmem>>
      %dma_wait3A_293 = tpu.memref_squeeze %dma_wait3A_292 : memref<1x80x128xf32, #tpu.memory_space<vmem>> -> memref<80x128xf32, #tpu.memory_space<vmem>>
      %dma_wait3A_294 = arith.constant 0 : i32
      %dma_wait3A_295 = tpu.memref_slice %arg18[%add3A_97, %dma_wait3A_294] : memref<10240x128xf32, #tpu.memory_space<vmem_shared>> -> memref<80x128xf32, #tpu.memory_space<vmem_shared>>
      %dma_wait3A_296 = arith.constant 0 : i32
      %dma_wait3A_297 = tpu.memref_slice %arg18[%add3A_97, %dma_wait3A_296] : memref<10240x128xf32, #tpu.memory_space<vmem_shared>> -> memref<80x128xf32, #tpu.memory_space<vmem_shared>>
      %dma_wait3A_298 = arith.constant 0 : i32
      %dma_wait3A_299 = arith.constant 0 : i32
      %dma_wait3A_300 = tpu.memref_slice %arg15[%run_scoped3A_98, %dma_wait3A_298, %dma_wait3A_299] : memref<3x80x128xf32, #tpu.memory_space<vmem>> -> memref<1x80x128xf32, #tpu.memory_space<vmem>>
      %dma_wait3A_301 = tpu.memref_squeeze %dma_wait3A_300 : memref<1x80x128xf32, #tpu.memory_space<vmem>> -> memref<80x128xf32, #tpu.memory_space<vmem>>
      tpu.wait_dma2 semaphore(%run_scoped3A_277 : memref<!tpu.dma_semaphore, #tpu.memory_space<semaphore_mem>>) src(%dma_wait3A_301 : memref<80x128xf32, #tpu.memory_space<vmem>>) dst(%dma_wait3A_297 : memref<80x128xf32, #tpu.memory_space<vmem_shared>>)
      tpu.yield
    }) : () -> ()
    %add3A_99 = arith.constant 320 : i32
    %add3A_100 = arith.addi %mul3A_87, %add3A_99 : i32
    %run_scoped3A_101 = arith.constant 0 : i32
    "tpu.region"() ({
      %run_scoped3A_277 = tpu.sem_alloc : memref<!tpu.dma_semaphore, #tpu.memory_space<semaphore_mem>>
      %dma_start3A_278 = arith.constant 0 : i32
      %dma_start3A_279 = arith.constant 0 : i32
      %dma_start3A_280 = tpu.memref_slice %arg15[%run_scoped3A_101, %dma_start3A_278, %dma_start3A_279] : memref<3x80x128xf32, #tpu.memory_space<vmem>> -> memref<1x80x128xf32, #tpu.memory_space<vmem>>
      %dma_start3A_281 = tpu.memref_squeeze %dma_start3A_280 : memref<1x80x128xf32, #tpu.memory_space<vmem>> -> memref<80x128xf32, #tpu.memory_space<vmem>>
      %dma_start3A_282 = arith.constant 0 : i32
      %dma_start3A_283 = tpu.memref_slice %arg18[%add3A_100, %dma_start3A_282] : memref<10240x128xf32, #tpu.memory_space<vmem_shared>> -> memref<80x128xf32, #tpu.memory_space<vmem_shared>>
      %dma_start3A_284 = arith.constant 0 : i32
      %dma_start3A_285 = tpu.memref_slice %arg18[%add3A_100, %dma_start3A_284] : memref<10240x128xf32, #tpu.memory_space<vmem_shared>> -> memref<80x128xf32, #tpu.memory_space<vmem_shared>>
      %dma_start3A_286 = arith.constant 0 : i32
      %dma_start3A_287 = arith.constant 0 : i32
      %dma_start3A_288 = tpu.memref_slice %arg15[%run_scoped3A_101, %dma_start3A_286, %dma_start3A_287] : memref<3x80x128xf32, #tpu.memory_space<vmem>> -> memref<1x80x128xf32, #tpu.memory_space<vmem>>
      %dma_start3A_289 = tpu.memref_squeeze %dma_start3A_288 : memref<1x80x128xf32, #tpu.memory_space<vmem>> -> memref<80x128xf32, #tpu.memory_space<vmem>>
      tpu.enqueue_dma source(%dma_start3A_289 : memref<80x128xf32, #tpu.memory_space<vmem>>) target(%dma_start3A_285 : memref<80x128xf32, #tpu.memory_space<vmem_shared>>) target_semaphore(%run_scoped3A_277 : memref<!tpu.dma_semaphore, #tpu.memory_space<semaphore_mem>>)
      %dma_wait3A_290 = arith.constant 0 : i32
      %dma_wait3A_291 = arith.constant 0 : i32
      %dma_wait3A_292 = tpu.memref_slice %arg15[%run_scoped3A_101, %dma_wait3A_290, %dma_wait3A_291] : memref<3x80x128xf32, #tpu.memory_space<vmem>> -> memref<1x80x128xf32, #tpu.memory_space<vmem>>
      %dma_wait3A_293 = tpu.memref_squeeze %dma_wait3A_292 : memref<1x80x128xf32, #tpu.memory_space<vmem>> -> memref<80x128xf32, #tpu.memory_space<vmem>>
      %dma_wait3A_294 = arith.constant 0 : i32
      %dma_wait3A_295 = tpu.memref_slice %arg18[%add3A_100, %dma_wait3A_294] : memref<10240x128xf32, #tpu.memory_space<vmem_shared>> -> memref<80x128xf32, #tpu.memory_space<vmem_shared>>
      %dma_wait3A_296 = arith.constant 0 : i32
      %dma_wait3A_297 = tpu.memref_slice %arg18[%add3A_100, %dma_wait3A_296] : memref<10240x128xf32, #tpu.memory_space<vmem_shared>> -> memref<80x128xf32, #tpu.memory_space<vmem_shared>>
      %dma_wait3A_298 = arith.constant 0 : i32
      %dma_wait3A_299 = arith.constant 0 : i32
      %dma_wait3A_300 = tpu.memref_slice %arg15[%run_scoped3A_101, %dma_wait3A_298, %dma_wait3A_299] : memref<3x80x128xf32, #tpu.memory_space<vmem>> -> memref<1x80x128xf32, #tpu.memory_space<vmem>>
      %dma_wait3A_301 = tpu.memref_squeeze %dma_wait3A_300 : memref<1x80x128xf32, #tpu.memory_space<vmem>> -> memref<80x128xf32, #tpu.memory_space<vmem>>
      tpu.wait_dma2 semaphore(%run_scoped3A_277 : memref<!tpu.dma_semaphore, #tpu.memory_space<semaphore_mem>>) src(%dma_wait3A_301 : memref<80x128xf32, #tpu.memory_space<vmem>>) dst(%dma_wait3A_297 : memref<80x128xf32, #tpu.memory_space<vmem_shared>>)
      tpu.yield
    }) : () -> ()
    %add3A_102 = arith.constant 400 : i32
    %add3A_103 = arith.addi %mul3A_87, %add3A_102 : i32
    %run_scoped3A_104 = arith.constant 0 : i32
    "tpu.region"() ({
      %run_scoped3A_277 = tpu.sem_alloc : memref<!tpu.dma_semaphore, #tpu.memory_space<semaphore_mem>>
      %dma_start3A_278 = arith.constant 0 : i32
      %dma_start3A_279 = arith.constant 0 : i32
      %dma_start3A_280 = tpu.memref_slice %arg15[%run_scoped3A_104, %dma_start3A_278, %dma_start3A_279] : memref<3x80x128xf32, #tpu.memory_space<vmem>> -> memref<1x80x128xf32, #tpu.memory_space<vmem>>
      %dma_start3A_281 = tpu.memref_squeeze %dma_start3A_280 : memref<1x80x128xf32, #tpu.memory_space<vmem>> -> memref<80x128xf32, #tpu.memory_space<vmem>>
      %dma_start3A_282 = arith.constant 0 : i32
      %dma_start3A_283 = tpu.memref_slice %arg18[%add3A_103, %dma_start3A_282] : memref<10240x128xf32, #tpu.memory_space<vmem_shared>> -> memref<80x128xf32, #tpu.memory_space<vmem_shared>>
      %dma_start3A_284 = arith.constant 0 : i32
      %dma_start3A_285 = tpu.memref_slice %arg18[%add3A_103, %dma_start3A_284] : memref<10240x128xf32, #tpu.memory_space<vmem_shared>> -> memref<80x128xf32, #tpu.memory_space<vmem_shared>>
      %dma_start3A_286 = arith.constant 0 : i32
      %dma_start3A_287 = arith.constant 0 : i32
      %dma_start3A_288 = tpu.memref_slice %arg15[%run_scoped3A_104, %dma_start3A_286, %dma_start3A_287] : memref<3x80x128xf32, #tpu.memory_space<vmem>> -> memref<1x80x128xf32, #tpu.memory_space<vmem>>
      %dma_start3A_289 = tpu.memref_squeeze %dma_start3A_288 : memref<1x80x128xf32, #tpu.memory_space<vmem>> -> memref<80x128xf32, #tpu.memory_space<vmem>>
      tpu.enqueue_dma source(%dma_start3A_289 : memref<80x128xf32, #tpu.memory_space<vmem>>) target(%dma_start3A_285 : memref<80x128xf32, #tpu.memory_space<vmem_shared>>) target_semaphore(%run_scoped3A_277 : memref<!tpu.dma_semaphore, #tpu.memory_space<semaphore_mem>>)
      %dma_wait3A_290 = arith.constant 0 : i32
      %dma_wait3A_291 = arith.constant 0 : i32
      %dma_wait3A_292 = tpu.memref_slice %arg15[%run_scoped3A_104, %dma_wait3A_290, %dma_wait3A_291] : memref<3x80x128xf32, #tpu.memory_space<vmem>> -> memref<1x80x128xf32, #tpu.memory_space<vmem>>
      %dma_wait3A_293 = tpu.memref_squeeze %dma_wait3A_292 : memref<1x80x128xf32, #tpu.memory_space<vmem>> -> memref<80x128xf32, #tpu.memory_space<vmem>>
      %dma_wait3A_294 = arith.constant 0 : i32
      %dma_wait3A_295 = tpu.memref_slice %arg18[%add3A_103, %dma_wait3A_294] : memref<10240x128xf32, #tpu.memory_space<vmem_shared>> -> memref<80x128xf32, #tpu.memory_space<vmem_shared>>
      %dma_wait3A_296 = arith.constant 0 : i32
      %dma_wait3A_297 = tpu.memref_slice %arg18[%add3A_103, %dma_wait3A_296] : memref<10240x128xf32, #tpu.memory_space<vmem_shared>> -> memref<80x128xf32, #tpu.memory_space<vmem_shared>>
      %dma_wait3A_298 = arith.constant 0 : i32
      %dma_wait3A_299 = arith.constant 0 : i32
      %dma_wait3A_300 = tpu.memref_slice %arg15[%run_scoped3A_104, %dma_wait3A_298, %dma_wait3A_299] : memref<3x80x128xf32, #tpu.memory_space<vmem>> -> memref<1x80x128xf32, #tpu.memory_space<vmem>>
      %dma_wait3A_301 = tpu.memref_squeeze %dma_wait3A_300 : memref<1x80x128xf32, #tpu.memory_space<vmem>> -> memref<80x128xf32, #tpu.memory_space<vmem>>
      tpu.wait_dma2 semaphore(%run_scoped3A_277 : memref<!tpu.dma_semaphore, #tpu.memory_space<semaphore_mem>>) src(%dma_wait3A_301 : memref<80x128xf32, #tpu.memory_space<vmem>>) dst(%dma_wait3A_297 : memref<80x128xf32, #tpu.memory_space<vmem_shared>>)
      tpu.yield
    }) : () -> ()
    %add3A_105 = arith.constant 480 : i32
    %add3A_106 = arith.addi %mul3A_87, %add3A_105 : i32
    %run_scoped3A_107 = arith.constant 0 : i32
    "tpu.region"() ({
      %run_scoped3A_277 = tpu.sem_alloc : memref<!tpu.dma_semaphore, #tpu.memory_space<semaphore_mem>>
      %dma_start3A_278 = arith.constant 0 : i32
      %dma_start3A_279 = arith.constant 0 : i32
      %dma_start3A_280 = tpu.memref_slice %arg15[%run_scoped3A_107, %dma_start3A_278, %dma_start3A_279] : memref<3x80x128xf32, #tpu.memory_space<vmem>> -> memref<1x80x128xf32, #tpu.memory_space<vmem>>
      %dma_start3A_281 = tpu.memref_squeeze %dma_start3A_280 : memref<1x80x128xf32, #tpu.memory_space<vmem>> -> memref<80x128xf32, #tpu.memory_space<vmem>>
      %dma_start3A_282 = arith.constant 0 : i32
      %dma_start3A_283 = tpu.memref_slice %arg18[%add3A_106, %dma_start3A_282] : memref<10240x128xf32, #tpu.memory_space<vmem_shared>> -> memref<80x128xf32, #tpu.memory_space<vmem_shared>>
      %dma_start3A_284 = arith.constant 0 : i32
      %dma_start3A_285 = tpu.memref_slice %arg18[%add3A_106, %dma_start3A_284] : memref<10240x128xf32, #tpu.memory_space<vmem_shared>> -> memref<80x128xf32, #tpu.memory_space<vmem_shared>>
      %dma_start3A_286 = arith.constant 0 : i32
      %dma_start3A_287 = arith.constant 0 : i32
      %dma_start3A_288 = tpu.memref_slice %arg15[%run_scoped3A_107, %dma_start3A_286, %dma_start3A_287] : memref<3x80x128xf32, #tpu.memory_space<vmem>> -> memref<1x80x128xf32, #tpu.memory_space<vmem>>
      %dma_start3A_289 = tpu.memref_squeeze %dma_start3A_288 : memref<1x80x128xf32, #tpu.memory_space<vmem>> -> memref<80x128xf32, #tpu.memory_space<vmem>>
      tpu.enqueue_dma source(%dma_start3A_289 : memref<80x128xf32, #tpu.memory_space<vmem>>) target(%dma_start3A_285 : memref<80x128xf32, #tpu.memory_space<vmem_shared>>) target_semaphore(%run_scoped3A_277 : memref<!tpu.dma_semaphore, #tpu.memory_space<semaphore_mem>>)
      %dma_wait3A_290 = arith.constant 0 : i32
      %dma_wait3A_291 = arith.constant 0 : i32
      %dma_wait3A_292 = tpu.memref_slice %arg15[%run_scoped3A_107, %dma_wait3A_290, %dma_wait3A_291] : memref<3x80x128xf32, #tpu.memory_space<vmem>> -> memref<1x80x128xf32, #tpu.memory_space<vmem>>
      %dma_wait3A_293 = tpu.memref_squeeze %dma_wait3A_292 : memref<1x80x128xf32, #tpu.memory_space<vmem>> -> memref<80x128xf32, #tpu.memory_space<vmem>>
      %dma_wait3A_294 = arith.constant 0 : i32
      %dma_wait3A_295 = tpu.memref_slice %arg18[%add3A_106, %dma_wait3A_294] : memref<10240x128xf32, #tpu.memory_space<vmem_shared>> -> memref<80x128xf32, #tpu.memory_space<vmem_shared>>
      %dma_wait3A_296 = arith.constant 0 : i32
      %dma_wait3A_297 = tpu.memref_slice %arg18[%add3A_106, %dma_wait3A_296] : memref<10240x128xf32, #tpu.memory_space<vmem_shared>> -> memref<80x128xf32, #tpu.memory_space<vmem_shared>>
      %dma_wait3A_298 = arith.constant 0 : i32
      %dma_wait3A_299 = arith.constant 0 : i32
      %dma_wait3A_300 = tpu.memref_slice %arg15[%run_scoped3A_107, %dma_wait3A_298, %dma_wait3A_299] : memref<3x80x128xf32, #tpu.memory_space<vmem>> -> memref<1x80x128xf32, #tpu.memory_space<vmem>>
      %dma_wait3A_301 = tpu.memref_squeeze %dma_wait3A_300 : memref<1x80x128xf32, #tpu.memory_space<vmem>> -> memref<80x128xf32, #tpu.memory_space<vmem>>
      tpu.wait_dma2 semaphore(%run_scoped3A_277 : memref<!tpu.dma_semaphore, #tpu.memory_space<semaphore_mem>>) src(%dma_wait3A_301 : memref<80x128xf32, #tpu.memory_space<vmem>>) dst(%dma_wait3A_297 : memref<80x128xf32, #tpu.memory_space<vmem_shared>>)
      tpu.yield
    }) : () -> ()
    %add3A_108 = arith.constant 560 : i32
    %add3A_109 = arith.addi %mul3A_87, %add3A_108 : i32
    %run_scoped3A_110 = arith.constant 0 : i32
    "tpu.region"() ({
      %run_scoped3A_277 = tpu.sem_alloc : memref<!tpu.dma_semaphore, #tpu.memory_space<semaphore_mem>>
      %dma_start3A_278 = arith.constant 0 : i32
      %dma_start3A_279 = arith.constant 0 : i32
      %dma_start3A_280 = tpu.memref_slice %arg15[%run_scoped3A_110, %dma_start3A_278, %dma_start3A_279] : memref<3x80x128xf32, #tpu.memory_space<vmem>> -> memref<1x80x128xf32, #tpu.memory_space<vmem>>
      %dma_start3A_281 = tpu.memref_squeeze %dma_start3A_280 : memref<1x80x128xf32, #tpu.memory_space<vmem>> -> memref<80x128xf32, #tpu.memory_space<vmem>>
      %dma_start3A_282 = arith.constant 0 : i32
      %dma_start3A_283 = tpu.memref_slice %arg18[%add3A_109, %dma_start3A_282] : memref<10240x128xf32, #tpu.memory_space<vmem_shared>> -> memref<80x128xf32, #tpu.memory_space<vmem_shared>>
      %dma_start3A_284 = arith.constant 0 : i32
      %dma_start3A_285 = tpu.memref_slice %arg18[%add3A_109, %dma_start3A_284] : memref<10240x128xf32, #tpu.memory_space<vmem_shared>> -> memref<80x128xf32, #tpu.memory_space<vmem_shared>>
      %dma_start3A_286 = arith.constant 0 : i32
      %dma_start3A_287 = arith.constant 0 : i32
      %dma_start3A_288 = tpu.memref_slice %arg15[%run_scoped3A_110, %dma_start3A_286, %dma_start3A_287] : memref<3x80x128xf32, #tpu.memory_space<vmem>> -> memref<1x80x128xf32, #tpu.memory_space<vmem>>
      %dma_start3A_289 = tpu.memref_squeeze %dma_start3A_288 : memref<1x80x128xf32, #tpu.memory_space<vmem>> -> memref<80x128xf32, #tpu.memory_space<vmem>>
      tpu.enqueue_dma source(%dma_start3A_289 : memref<80x128xf32, #tpu.memory_space<vmem>>) target(%dma_start3A_285 : memref<80x128xf32, #tpu.memory_space<vmem_shared>>) target_semaphore(%run_scoped3A_277 : memref<!tpu.dma_semaphore, #tpu.memory_space<semaphore_mem>>)
      %dma_wait3A_290 = arith.constant 0 : i32
      %dma_wait3A_291 = arith.constant 0 : i32
      %dma_wait3A_292 = tpu.memref_slice %arg15[%run_scoped3A_110, %dma_wait3A_290, %dma_wait3A_291] : memref<3x80x128xf32, #tpu.memory_space<vmem>> -> memref<1x80x128xf32, #tpu.memory_space<vmem>>
      %dma_wait3A_293 = tpu.memref_squeeze %dma_wait3A_292 : memref<1x80x128xf32, #tpu.memory_space<vmem>> -> memref<80x128xf32, #tpu.memory_space<vmem>>
      %dma_wait3A_294 = arith.constant 0 : i32
      %dma_wait3A_295 = tpu.memref_slice %arg18[%add3A_109, %dma_wait3A_294] : memref<10240x128xf32, #tpu.memory_space<vmem_shared>> -> memref<80x128xf32, #tpu.memory_space<vmem_shared>>
      %dma_wait3A_296 = arith.constant 0 : i32
      %dma_wait3A_297 = tpu.memref_slice %arg18[%add3A_109, %dma_wait3A_296] : memref<10240x128xf32, #tpu.memory_space<vmem_shared>> -> memref<80x128xf32, #tpu.memory_space<vmem_shared>>
      %dma_wait3A_298 = arith.constant 0 : i32
      %dma_wait3A_299 = arith.constant 0 : i32
      %dma_wait3A_300 = tpu.memref_slice %arg15[%run_scoped3A_110, %dma_wait3A_298, %dma_wait3A_299] : memref<3x80x128xf32, #tpu.memory_space<vmem>> -> memref<1x80x128xf32, #tpu.memory_space<vmem>>
      %dma_wait3A_301 = tpu.memref_squeeze %dma_wait3A_300 : memref<1x80x128xf32, #tpu.memory_space<vmem>> -> memref<80x128xf32, #tpu.memory_space<vmem>>
      tpu.wait_dma2 semaphore(%run_scoped3A_277 : memref<!tpu.dma_semaphore, #tpu.memory_space<semaphore_mem>>) src(%dma_wait3A_301 : memref<80x128xf32, #tpu.memory_space<vmem>>) dst(%dma_wait3A_297 : memref<80x128xf32, #tpu.memory_space<vmem_shared>>)
      tpu.yield
    }) : () -> ()
    "tpu.region"() ({
      %run_scoped3A_277 = tpu.sem_alloc : memref<!tpu.dma_semaphore, #tpu.memory_space<semaphore_mem>>
      %dma_start3A_278 = tpu.memref_slice %arg19[%mul3A_87] : memref<10240xf32, #tpu.memory_space<vmem_shared>> -> memref<640xf32, #tpu.memory_space<vmem_shared>>
      %dma_start3A_279 = tpu.memref_slice %arg19[%mul3A_87] : memref<10240xf32, #tpu.memory_space<vmem_shared>> -> memref<640xf32, #tpu.memory_space<vmem_shared>>
      tpu.enqueue_dma source(%arg17 : memref<640xf32, #tpu.memory_space<vmem>>) target(%dma_start3A_279 : memref<640xf32, #tpu.memory_space<vmem_shared>>) target_semaphore(%run_scoped3A_277 : memref<!tpu.dma_semaphore, #tpu.memory_space<semaphore_mem>>)
      %dma_wait3A_280 = tpu.memref_slice %arg19[%mul3A_87] : memref<10240xf32, #tpu.memory_space<vmem_shared>> -> memref<640xf32, #tpu.memory_space<vmem_shared>>
      %dma_wait3A_281 = tpu.memref_slice %arg19[%mul3A_87] : memref<10240xf32, #tpu.memory_space<vmem_shared>> -> memref<640xf32, #tpu.memory_space<vmem_shared>>
      tpu.wait_dma2 semaphore(%run_scoped3A_277 : memref<!tpu.dma_semaphore, #tpu.memory_space<semaphore_mem>>) src(%arg17 : memref<640xf32, #tpu.memory_space<vmem>>) dst(%dma_wait3A_281 : memref<640xf32, #tpu.memory_space<vmem_shared>>)
      tpu.yield
    }) : () -> ()
    "tpu.region"() ({
      %run_scoped3A_277 = tpu.sem_alloc : memref<!tpu.dma_semaphore, #tpu.memory_space<semaphore_mem>>
      tpu.enqueue_dma source(%arg6 : memref<16xf32, #tpu.memory_space<hbm>>) target(%arg16 : memref<16xf32, #tpu.memory_space<vmem>>) target_semaphore(%run_scoped3A_277 : memref<!tpu.dma_semaphore, #tpu.memory_space<semaphore_mem>>)
      tpu.wait_dma2 semaphore(%run_scoped3A_277 : memref<!tpu.dma_semaphore, #tpu.memory_space<semaphore_mem>>) src(%arg6 : memref<16xf32, #tpu.memory_space<hbm>>) dst(%arg16 : memref<16xf32, #tpu.memory_space<vmem>>)
      tpu.yield
    }) : () -> ()
    %get3A = arith.constant 0 : index
    %get3A_111 = tpu.vector_load %arg16[%get3A] {strides = array<i32>} : memref<16xf32, #tpu.memory_space<vmem>>, vector<16xf32>,
    %barrier3A = arith.constant 0 : index
    tpu.barrier barrier_id(%barrier3A)
    %dma_start3A = arith.constant 0 : i32
    %dma_start3A_112 = arith.constant 0 : i32
    %dma_start3A_113 = arith.constant 0 : i32
    %dma_start3A_114 = tpu.memref_slice %arg10[%dma_start3A_112, %dma_start3A_113] : memref<3x80xi32, #tpu.memory_space<vmem>> -> memref<1x80xi32, #tpu.memory_space<vmem>>
    %dma_start3A_115 = tpu.memref_squeeze %dma_start3A_114 : memref<1x80xi32, #tpu.memory_space<vmem>> -> memref<80xi32, #tpu.memory_space<vmem>>
    %dma_start3A_116 = arith.constant 0 : i32
    %dma_start3A_117 = tpu.memref_slice %arg2[%add3A, %dma_start3A, %dma_start3A_116] : memref<32x125x80xi32, #tpu.memory_space<hbm>> -> memref<1x1x80xi32, #tpu.memory_space<hbm>>
    %dma_start3A_118 = tpu.memref_squeeze %dma_start3A_117 : memref<1x1x80xi32, #tpu.memory_space<hbm>> -> memref<80xi32, #tpu.memory_space<hbm>>
    %dma_start3A_119 = arith.constant 0 : i32
    %dma_start3A_120 = tpu.memref_slice %arg10[%dma_start3A_112, %dma_start3A_119] : memref<3x80xi32, #tpu.memory_space<vmem>> -> memref<1x80xi32, #tpu.memory_space<vmem>>
    %dma_start3A_121 = tpu.memref_squeeze %dma_start3A_120 : memref<1x80xi32, #tpu.memory_space<vmem>> -> memref<80xi32, #tpu.memory_space<vmem>>
    %dma_start3A_122 = arith.constant 0 : i32
    %dma_start3A_123 = tpu.memref_slice %arg2[%add3A, %dma_start3A, %dma_start3A_122] : memref<32x125x80xi32, #tpu.memory_space<hbm>> -> memref<1x1x80xi32, #tpu.memory_space<hbm>>
    %dma_start3A_124 = tpu.memref_squeeze %dma_start3A_123 : memref<1x1x80xi32, #tpu.memory_space<hbm>> -> memref<80xi32, #tpu.memory_space<hbm>>
    tpu.enqueue_dma source(%dma_start3A_124 : memref<80xi32, #tpu.memory_space<hbm>>) target(%dma_start3A_121 : memref<80xi32, #tpu.memory_space<vmem>>) target_semaphore(%arg20 : memref<!tpu.dma_semaphore, #tpu.memory_space<semaphore_mem>>)
    %dma_start3A_125 = arith.constant 0 : i32
    %dma_start3A_126 = arith.constant 0 : i32
    %dma_start3A_127 = arith.constant 0 : i32
    %dma_start3A_128 = tpu.memref_slice %arg11[%dma_start3A_126, %dma_start3A_127] : memref<4x80xi32, #tpu.memory_space<vmem>> -> memref<1x80xi32, #tpu.memory_space<vmem>>
    %dma_start3A_129 = tpu.memref_squeeze %dma_start3A_128 : memref<1x80xi32, #tpu.memory_space<vmem>> -> memref<80xi32, #tpu.memory_space<vmem>>
    %dma_start3A_130 = arith.constant 0 : i32
    %dma_start3A_131 = tpu.memref_slice %arg3[%add3A, %dma_start3A_125, %dma_start3A_130] : memref<32x125x80xi32, #tpu.memory_space<hbm>> -> memref<1x1x80xi32, #tpu.memory_space<hbm>>
    %dma_start3A_132 = tpu.memref_squeeze %dma_start3A_131 : memref<1x1x80xi32, #tpu.memory_space<hbm>> -> memref<80xi32, #tpu.memory_space<hbm>>
    %dma_start3A_133 = arith.constant 0 : i32
    %dma_start3A_134 = tpu.memref_slice %arg11[%dma_start3A_126, %dma_start3A_133] : memref<4x80xi32, #tpu.memory_space<vmem>> -> memref<1x80xi32, #tpu.memory_space<vmem>>
    %dma_start3A_135 = tpu.memref_squeeze %dma_start3A_134 : memref<1x80xi32, #tpu.memory_space<vmem>> -> memref<80xi32, #tpu.memory_space<vmem>>
    %dma_start3A_136 = arith.constant 0 : i32
    %dma_start3A_137 = tpu.memref_slice %arg3[%add3A, %dma_start3A_125, %dma_start3A_136] : memref<32x125x80xi32, #tpu.memory_space<hbm>> -> memref<1x1x80xi32, #tpu.memory_space<hbm>>
    %dma_start3A_138 = tpu.memref_squeeze %dma_start3A_137 : memref<1x1x80xi32, #tpu.memory_space<hbm>> -> memref<80xi32, #tpu.memory_space<hbm>>
    tpu.enqueue_dma source(%dma_start3A_138 : memref<80xi32, #tpu.memory_space<hbm>>) target(%dma_start3A_135 : memref<80xi32, #tpu.memory_space<vmem>>) target_semaphore(%arg21 : memref<!tpu.dma_semaphore, #tpu.memory_space<semaphore_mem>>)
    %dma_start3A_139 = arith.constant 1 : i32
    %dma_start3A_140 = arith.constant 1 : i32
    %dma_start3A_141 = arith.constant 0 : i32
    %dma_start3A_142 = tpu.memref_slice %arg10[%dma_start3A_140, %dma_start3A_141] : memref<3x80xi32, #tpu.memory_space<vmem>> -> memref<1x80xi32, #tpu.memory_space<vmem>>
    %dma_start3A_143 = tpu.memref_squeeze %dma_start3A_142 : memref<1x80xi32, #tpu.memory_space<vmem>> -> memref<80xi32, #tpu.memory_space<vmem>>
    %dma_start3A_144 = arith.constant 0 : i32
    %dma_start3A_145 = tpu.memref_slice %arg2[%add3A, %dma_start3A_139, %dma_start3A_144] : memref<32x125x80xi32, #tpu.memory_space<hbm>> -> memref<1x1x80xi32, #tpu.memory_space<hbm>>
    %dma_start3A_146 = tpu.memref_squeeze %dma_start3A_145 : memref<1x1x80xi32, #tpu.memory_space<hbm>> -> memref<80xi32, #tpu.memory_space<hbm>>
    %dma_start3A_147 = arith.constant 0 : i32
    %dma_start3A_148 = tpu.memref_slice %arg10[%dma_start3A_140, %dma_start3A_147] : memref<3x80xi32, #tpu.memory_space<vmem>> -> memref<1x80xi32, #tpu.memory_space<vmem>>
    %dma_start3A_149 = tpu.memref_squeeze %dma_start3A_148 : memref<1x80xi32, #tpu.memory_space<vmem>> -> memref<80xi32, #tpu.memory_space<vmem>>
    %dma_start3A_150 = arith.constant 0 : i32
    %dma_start3A_151 = tpu.memref_slice %arg2[%add3A, %dma_start3A_139, %dma_start3A_150] : memref<32x125x80xi32, #tpu.memory_space<hbm>> -> memref<1x1x80xi32, #tpu.memory_space<hbm>>
    %dma_start3A_152 = tpu.memref_squeeze %dma_start3A_151 : memref<1x1x80xi32, #tpu.memory_space<hbm>> -> memref<80xi32, #tpu.memory_space<hbm>>
    tpu.enqueue_dma source(%dma_start3A_152 : memref<80xi32, #tpu.memory_space<hbm>>) target(%dma_start3A_149 : memref<80xi32, #tpu.memory_space<vmem>>) target_semaphore(%arg20 : memref<!tpu.dma_semaphore, #tpu.memory_space<semaphore_mem>>)
    %dma_start3A_153 = arith.constant 1 : i32
    %dma_start3A_154 = arith.constant 1 : i32
    %dma_start3A_155 = arith.constant 0 : i32
    %dma_start3A_156 = tpu.memref_slice %arg11[%dma_start3A_154, %dma_start3A_155] : memref<4x80xi32, #tpu.memory_space<vmem>> -> memref<1x80xi32, #tpu.memory_space<vmem>>
    %dma_start3A_157 = tpu.memref_squeeze %dma_start3A_156 : memref<1x80xi32, #tpu.memory_space<vmem>> -> memref<80xi32, #tpu.memory_space<vmem>>
    %dma_start3A_158 = arith.constant 0 : i32
    %dma_start3A_159 = tpu.memref_slice %arg3[%add3A, %dma_start3A_153, %dma_start3A_158] : memref<32x125x80xi32, #tpu.memory_space<hbm>> -> memref<1x1x80xi32, #tpu.memory_space<hbm>>
    %dma_start3A_160 = tpu.memref_squeeze %dma_start3A_159 : memref<1x1x80xi32, #tpu.memory_space<hbm>> -> memref<80xi32, #tpu.memory_space<hbm>>
    %dma_start3A_161 = arith.constant 0 : i32
    %dma_start3A_162 = tpu.memref_slice %arg11[%dma_start3A_154, %dma_start3A_161] : memref<4x80xi32, #tpu.memory_space<vmem>> -> memref<1x80xi32, #tpu.memory_space<vmem>>
    %dma_start3A_163 = tpu.memref_squeeze %dma_start3A_162 : memref<1x80xi32, #tpu.memory_space<vmem>> -> memref<80xi32, #tpu.memory_space<vmem>>
    %dma_start3A_164 = arith.constant 0 : i32
    %dma_start3A_165 = tpu.memref_slice %arg3[%add3A, %dma_start3A_153, %dma_start3A_164] : memref<32x125x80xi32, #tpu.memory_space<hbm>> -> memref<1x1x80xi32, #tpu.memory_space<hbm>>
    %dma_start3A_166 = tpu.memref_squeeze %dma_start3A_165 : memref<1x1x80xi32, #tpu.memory_space<hbm>> -> memref<80xi32, #tpu.memory_space<hbm>>
    tpu.enqueue_dma source(%dma_start3A_166 : memref<80xi32, #tpu.memory_space<hbm>>) target(%dma_start3A_163 : memref<80xi32, #tpu.memory_space<vmem>>) target_semaphore(%arg21 : memref<!tpu.dma_semaphore, #tpu.memory_space<semaphore_mem>>)
    %dma_wait3A = arith.constant 0 : i32
    %dma_wait3A_167 = arith.constant 0 : i32
    %dma_wait3A_168 = arith.constant 0 : i32
    %dma_wait3A_169 = tpu.memref_slice %arg10[%dma_wait3A_167, %dma_wait3A_168] : memref<3x80xi32, #tpu.memory_space<vmem>> -> memref<1x80xi32, #tpu.memory_space<vmem>>
    %dma_wait3A_170 = tpu.memref_squeeze %dma_wait3A_169 : memref<1x80xi32, #tpu.memory_space<vmem>> -> memref<80xi32, #tpu.memory_space<vmem>>
    %dma_wait3A_171 = arith.constant 0 : i32
    %dma_wait3A_172 = tpu.memref_slice %arg2[%add3A, %dma_wait3A, %dma_wait3A_171] : memref<32x125x80xi32, #tpu.memory_space<hbm>> -> memref<1x1x80xi32, #tpu.memory_space<hbm>>
    %dma_wait3A_173 = tpu.memref_squeeze %dma_wait3A_172 : memref<1x1x80xi32, #tpu.memory_space<hbm>> -> memref<80xi32, #tpu.memory_space<hbm>>
    %dma_wait3A_174 = arith.constant 0 : i32
    %dma_wait3A_175 = tpu.memref_slice %arg10[%dma_wait3A_167, %dma_wait3A_174] : memref<3x80xi32, #tpu.memory_space<vmem>> -> memref<1x80xi32, #tpu.memory_space<vmem>>
    %dma_wait3A_176 = tpu.memref_squeeze %dma_wait3A_175 : memref<1x80xi32, #tpu.memory_space<vmem>> -> memref<80xi32, #tpu.memory_space<vmem>>
    %dma_wait3A_177 = arith.constant 0 : i32
    %dma_wait3A_178 = tpu.memref_slice %arg2[%add3A, %dma_wait3A, %dma_wait3A_177] : memref<32x125x80xi32, #tpu.memory_space<hbm>> -> memref<1x1x80xi32, #tpu.memory_space<hbm>>
    %dma_wait3A_179 = tpu.memref_squeeze %dma_wait3A_178 : memref<1x1x80xi32, #tpu.memory_space<hbm>> -> memref<80xi32, #tpu.memory_space<hbm>>
    tpu.wait_dma2 semaphore(%arg20 : memref<!tpu.dma_semaphore, #tpu.memory_space<semaphore_mem>>) src(%dma_wait3A_179 : memref<80xi32, #tpu.memory_space<hbm>>) dst(%dma_wait3A_176 : memref<80xi32, #tpu.memory_space<vmem>>)
    %dma_wait3A_180 = arith.constant 0 : i32
    %dma_wait3A_181 = arith.constant 0 : i32
    %dma_wait3A_182 = arith.constant 0 : i32
    %dma_wait3A_183 = tpu.memref_slice %arg11[%dma_wait3A_181, %dma_wait3A_182] : memref<4x80xi32, #tpu.memory_space<vmem>> -> memref<1x80xi32, #tpu.memory_space<vmem>>
    %dma_wait3A_184 = tpu.memref_squeeze %dma_wait3A_183 : memref<1x80xi32, #tpu.memory_space<vmem>> -> memref<80xi32, #tpu.memory_space<vmem>>
    %dma_wait3A_185 = arith.constant 0 : i32
    %dma_wait3A_186 = tpu.memref_slice %arg3[%add3A, %dma_wait3A_180, %dma_wait3A_185] : memref<32x125x80xi32, #tpu.memory_space<hbm>> -> memref<1x1x80xi32, #tpu.memory_space<hbm>>
    %dma_wait3A_187 = tpu.memref_squeeze %dma_wait3A_186 : memref<1x1x80xi32, #tpu.memory_space<hbm>> -> memref<80xi32, #tpu.memory_space<hbm>>
    %dma_wait3A_188 = arith.constant 0 : i32
    %dma_wait3A_189 = tpu.memref_slice %arg11[%dma_wait3A_181, %dma_wait3A_188] : memref<4x80xi32, #tpu.memory_space<vmem>> -> memref<1x80xi32, #tpu.memory_space<vmem>>
    %dma_wait3A_190 = tpu.memref_squeeze %dma_wait3A_189 : memref<1x80xi32, #tpu.memory_space<vmem>> -> memref<80xi32, #tpu.memory_space<vmem>>
    %dma_wait3A_191 = arith.constant 0 : i32
    %dma_wait3A_192 = tpu.memref_slice %arg3[%add3A, %dma_wait3A_180, %dma_wait3A_191] : memref<32x125x80xi32, #tpu.memory_space<hbm>> -> memref<1x1x80xi32, #tpu.memory_space<hbm>>
    %dma_wait3A_193 = tpu.memref_squeeze %dma_wait3A_192 : memref<1x1x80xi32, #tpu.memory_space<hbm>> -> memref<80xi32, #tpu.memory_space<hbm>>
    tpu.wait_dma2 semaphore(%arg21 : memref<!tpu.dma_semaphore, #tpu.memory_space<semaphore_mem>>) src(%dma_wait3A_193 : memref<80xi32, #tpu.memory_space<hbm>>) dst(%dma_wait3A_190 : memref<80xi32, #tpu.memory_space<vmem>>)
    %dma_start3A_194 = arith.constant 0 : i32
    %dma_start3A_195 = arith.constant 0 : i32
    %dma_start3A_196 = arith.constant 0 : i32
    %dma_start3A_197 = tpu.memref_slice %arg12[%dma_start3A_195, %dma_start3A_196] : memref<2x80xf32, #tpu.memory_space<vmem>> -> memref<1x80xf32, #tpu.memory_space<vmem>>
    %dma_start3A_198 = tpu.memref_squeeze %dma_start3A_197 : memref<1x80xf32, #tpu.memory_space<vmem>> -> memref<80xf32, #tpu.memory_space<vmem>>
    %dma_start3A_199 = arith.constant 0 : i32
    %dma_start3A_200 = tpu.memref_slice %arg10[%dma_start3A_194, %dma_start3A_199] : memref<3x80xi32, #tpu.memory_space<vmem>> -> memref<1x80xi32, #tpu.memory_space<vmem>>
    %dma_start3A_201 = tpu.memref_squeeze %dma_start3A_200 : memref<1x80xi32, #tpu.memory_space<vmem>> -> memref<80xi32, #tpu.memory_space<vmem>>
    %dma_start3A_202 = arith.constant 0 : i32
    %dma_start3A_203 = tpu.memref_slice %arg4[%dma_start3A_202] : memref<10240xf32, #tpu.memory_space<hbm>> -> memref<10240xf32, #tpu.memory_space<hbm>>
    tpu.enqueue_indirect_dma source(%dma_start3A_203 : memref<10240xf32, #tpu.memory_space<hbm>>) target(%dma_start3A_198 : memref<80xf32, #tpu.memory_space<vmem>>) offsets(%dma_start3A_201 : memref<80xi32, #tpu.memory_space<vmem>>) semaphore(%arg22 : memref<!tpu.dma_semaphore, #tpu.memory_space<semaphore_mem>>)
    %dma_start3A_204 = arith.constant 0 : i32
    %dma_start3A_205 = arith.constant 0 : i32
    %dma_start3A_206 = arith.constant 0 : i32
    %dma_start3A_207 = tpu.memref_slice %arg13[%dma_start3A_205, %dma_start3A_206] : memref<2x80xf32, #tpu.memory_space<vmem>> -> memref<1x80xf32, #tpu.memory_space<vmem>>
    %dma_start3A_208 = tpu.memref_squeeze %dma_start3A_207 : memref<1x80xf32, #tpu.memory_space<vmem>> -> memref<80xf32, #tpu.memory_space<vmem>>
    %dma_start3A_209 = arith.constant 0 : i32
    %dma_start3A_210 = tpu.memref_slice %arg11[%dma_start3A_204, %dma_start3A_209] : memref<4x80xi32, #tpu.memory_space<vmem>> -> memref<1x80xi32, #tpu.memory_space<vmem>>
    %dma_start3A_211 = tpu.memref_squeeze %dma_start3A_210 : memref<1x80xi32, #tpu.memory_space<vmem>> -> memref<80xi32, #tpu.memory_space<vmem>>
    %dma_start3A_212 = arith.constant 0 : i32
    %dma_start3A_213 = tpu.memref_slice %arg5[%dma_start3A_212] : memref<10240xf32, #tpu.memory_space<hbm>> -> memref<10240xf32, #tpu.memory_space<hbm>>
    tpu.enqueue_indirect_dma source(%dma_start3A_213 : memref<10240xf32, #tpu.memory_space<hbm>>) target(%dma_start3A_208 : memref<80xf32, #tpu.memory_space<vmem>>) offsets(%dma_start3A_211 : memref<80xi32, #tpu.memory_space<vmem>>) semaphore(%arg23 : memref<!tpu.dma_semaphore, #tpu.memory_space<semaphore_mem>>)
    %dma_start3A_214 = arith.constant 0 : i32
    %dma_start3A_215 = arith.constant 0 : i32
    %dma_start3A_216 = arith.constant 0 : i32
    %dma_start3A_217 = arith.constant 0 : i32
    %dma_start3A_218 = tpu.memref_slice %arg15[%dma_start3A_215, %dma_start3A_216, %dma_start3A_217] : memref<3x80x128xf32, #tpu.memory_space<vmem>> -> memref<1x80x128xf32, #tpu.memory_space<vmem>>
    %dma_start3A_219 = tpu.memref_squeeze %dma_start3A_218 : memref<1x80x128xf32, #tpu.memory_space<vmem>> -> memref<80x128xf32, #tpu.memory_space<vmem>>
    %dma_start3A_220 = arith.constant 0 : i32
    %dma_start3A_221 = tpu.memref_slice %arg10[%dma_start3A_214, %dma_start3A_220] : memref<3x80xi32, #tpu.memory_space<vmem>> -> memref<1x80xi32, #tpu.memory_space<vmem>>
    %dma_start3A_222 = tpu.memref_squeeze %dma_start3A_221 : memref<1x80xi32, #tpu.memory_space<vmem>> -> memref<80xi32, #tpu.memory_space<vmem>>
    %dma_start3A_223 = arith.constant 0 : i32
    %dma_start3A_224 = arith.constant 0 : i32
    %dma_start3A_225 = tpu.memref_slice %arg7[%dma_start3A_223, %dma_start3A_224] : memref<10240x128xf32, #tpu.memory_space<hbm>> -> memref<10240x128xf32, #tpu.memory_space<hbm>>
    tpu.enqueue_indirect_dma source(%dma_start3A_225 : memref<10240x128xf32, #tpu.memory_space<hbm>>) target(%dma_start3A_219 : memref<80x128xf32, #tpu.memory_space<vmem>>) offsets(%dma_start3A_222 : memref<80xi32, #tpu.memory_space<vmem>>) semaphore(%arg24 : memref<!tpu.dma_semaphore, #tpu.memory_space<semaphore_mem>>)
    %scan3A_226 = arith.constant 0 : i32
    %scan3A_227 = arith.constant 0 : i32
    %scan3A_228 = arith.constant 125 : i32
    %scan3A_229 = arith.addi %scan3A_227, %scan3A_228 : i32
    %scan3A_230 = arith.constant 1 : i32
    scf.for %scan3A_277 = %scan3A_227 to %scan3A_229 step %scan3A_230  : i32 {
      %rem3A = arith.constant 3 : i32
      %rem3A_278 = arith.remsi %scan3A_277, %rem3A : i32
      %rem3A_279 = arith.constant 4 : i32
      %rem3A_280 = arith.remsi %scan3A_277, %rem3A_279 : i32
      %rem3A_281 = arith.constant 2 : i32
      %rem3A_282 = arith.remsi %scan3A_277, %rem3A_281 : i32
      %ge3A = arith.constant 2 : i32
      %ge3A_283 = arith.cmpi sge, %scan3A_277, %ge3A : i32
      %convert_element_type3A = arith.extui %ge3A_283 : i1 to i32
      %cond3A = arith.constant 0 : i32
      %cond3A_284 = arith.cmpi ne, %convert_element_type3A, %cond3A : i32
      scf.if %cond3A_284 {
        %sub3A_441 = arith.constant 2 : i32
        %sub3A_442 = arith.subi %scan3A_277, %sub3A_441 : i32
        %rem3A_443 = arith.constant 3 : i32
        %rem3A_444 = arith.remsi %sub3A_442, %rem3A_443 : i32
        %sub3A_445 = arith.constant 2 : i32
        %sub3A_446 = arith.subi %scan3A_277, %sub3A_445 : i32
        %rem3A_447 = arith.constant 4 : i32
        %rem3A_448 = arith.remsi %sub3A_446, %rem3A_447 : i32
        %dma_wait3A_449 = arith.constant 0 : i32
        %dma_wait3A_450 = tpu.memref_slice %arg14[%rem3A_448, %dma_wait3A_449] : memref<4x80xf32, #tpu.memory_space<vmem>> -> memref<1x80xf32, #tpu.memory_space<vmem>>
        %dma_wait3A_451 = tpu.memref_squeeze %dma_wait3A_450 : memref<1x80xf32, #tpu.memory_space<vmem>> -> memref<80xf32, #tpu.memory_space<vmem>>
        %dma_wait3A_452 = arith.constant 0 : i32
        %dma_wait3A_453 = tpu.memref_slice %arg11[%rem3A_448, %dma_wait3A_452] : memref<4x80xi32, #tpu.memory_space<vmem>> -> memref<1x80xi32, #tpu.memory_space<vmem>>
        %dma_wait3A_454 = tpu.memref_squeeze %dma_wait3A_453 : memref<1x80xi32, #tpu.memory_space<vmem>> -> memref<80xi32, #tpu.memory_space<vmem>>
        %dma_wait3A_455 = arith.constant 0 : i32
        %dma_wait3A_456 = tpu.memref_slice %arg19[%dma_wait3A_455] : memref<10240xf32, #tpu.memory_space<vmem_shared>> -> memref<10240xf32, #tpu.memory_space<vmem_shared>>
        tpu.wait_indirect_dma semaphore(%arg25 : memref<!tpu.dma_semaphore, #tpu.memory_space<semaphore_mem>>) src(%dma_wait3A_451 : memref<80xf32, #tpu.memory_space<vmem>>) dst(%dma_wait3A_456 : memref<10240xf32, #tpu.memory_space<vmem_shared>>)
        %dma_wait3A_457 = arith.constant 0 : i32
        %dma_wait3A_458 = arith.constant 0 : i32
        %dma_wait3A_459 = tpu.memref_slice %arg15[%rem3A_444, %dma_wait3A_457, %dma_wait3A_458] : memref<3x80x128xf32, #tpu.memory_space<vmem>> -> memref<1x80x128xf32, #tpu.memory_space<vmem>>
        %dma_wait3A_460 = tpu.memref_squeeze %dma_wait3A_459 : memref<1x80x128xf32, #tpu.memory_space<vmem>> -> memref<80x128xf32, #tpu.memory_space<vmem>>
        %dma_wait3A_461 = arith.constant 0 : i32
        %dma_wait3A_462 = tpu.memref_slice %arg11[%rem3A_448, %dma_wait3A_461] : memref<4x80xi32, #tpu.memory_space<vmem>> -> memref<1x80xi32, #tpu.memory_space<vmem>>
        %dma_wait3A_463 = tpu.memref_squeeze %dma_wait3A_462 : memref<1x80xi32, #tpu.memory_space<vmem>> -> memref<80xi32, #tpu.memory_space<vmem>>
        %dma_wait3A_464 = arith.constant 0 : i32
        %dma_wait3A_465 = arith.constant 0 : i32
        %dma_wait3A_466 = tpu.memref_slice %arg18[%dma_wait3A_464, %dma_wait3A_465] : memref<10240x128xf32, #tpu.memory_space<vmem_shared>> -> memref<10240x128xf32, #tpu.memory_space<vmem_shared>>
        tpu.wait_indirect_dma semaphore(%arg26 : memref<!tpu.dma_semaphore, #tpu.memory_space<semaphore_mem>>) src(%dma_wait3A_460 : memref<80x128xf32, #tpu.memory_space<vmem>>) dst(%dma_wait3A_466 : memref<10240x128xf32, #tpu.memory_space<vmem_shared>>)
      } else {
      }
      %add3A_285 = arith.constant 2 : i32
      %add3A_286 = arith.addi %scan3A_277, %add3A_285 : i32
      %lt3A = arith.constant 125 : i32
      %lt3A_287 = arith.cmpi slt, %add3A_286, %lt3A : i32
      %convert_element_type3A_288 = arith.extui %lt3A_287 : i1 to i32
      %cond3A_289 = arith.constant 0 : i32
      %cond3A_290 = arith.cmpi ne, %convert_element_type3A_288, %cond3A_289 : i32
      scf.if %cond3A_290 {
        %add3A_441 = arith.constant 2 : i32
        %add3A_442 = arith.addi %scan3A_277, %add3A_441 : i32
        %rem3A_443 = arith.constant 3 : i32
        %rem3A_444 = arith.remsi %add3A_442, %rem3A_443 : i32
        %add3A_445 = arith.constant 2 : i32
        %add3A_446 = arith.addi %scan3A_277, %add3A_445 : i32
        %rem3A_447 = arith.constant 4 : i32
        %rem3A_448 = arith.remsi %add3A_446, %rem3A_447 : i32
        %add3A_449 = arith.constant 2 : i32
        %add3A_450 = arith.addi %scan3A_277, %add3A_449 : i32
        %dma_start3A_451 = arith.constant 0 : i32
        %dma_start3A_452 = tpu.memref_slice %arg10[%rem3A_444, %dma_start3A_451] : memref<3x80xi32, #tpu.memory_space<vmem>> -> memref<1x80xi32, #tpu.memory_space<vmem>>
        %dma_start3A_453 = tpu.memref_squeeze %dma_start3A_452 : memref<1x80xi32, #tpu.memory_space<vmem>> -> memref<80xi32, #tpu.memory_space<vmem>>
        %dma_start3A_454 = arith.constant 0 : i32
        %dma_start3A_455 = tpu.memref_slice %arg2[%add3A, %add3A_450, %dma_start3A_454] : memref<32x125x80xi32, #tpu.memory_space<hbm>> -> memref<1x1x80xi32, #tpu.memory_space<hbm>>
        %dma_start3A_456 = tpu.memref_squeeze %dma_start3A_455 : memref<1x1x80xi32, #tpu.memory_space<hbm>> -> memref<80xi32, #tpu.memory_space<hbm>>
        %dma_start3A_457 = arith.constant 0 : i32
        %dma_start3A_458 = tpu.memref_slice %arg10[%rem3A_444, %dma_start3A_457] : memref<3x80xi32, #tpu.memory_space<vmem>> -> memref<1x80xi32, #tpu.memory_space<vmem>>
        %dma_start3A_459 = tpu.memref_squeeze %dma_start3A_458 : memref<1x80xi32, #tpu.memory_space<vmem>> -> memref<80xi32, #tpu.memory_space<vmem>>
        %dma_start3A_460 = arith.constant 0 : i32
        %dma_start3A_461 = tpu.memref_slice %arg2[%add3A, %add3A_450, %dma_start3A_460] : memref<32x125x80xi32, #tpu.memory_space<hbm>> -> memref<1x1x80xi32, #tpu.memory_space<hbm>>
        %dma_start3A_462 = tpu.memref_squeeze %dma_start3A_461 : memref<1x1x80xi32, #tpu.memory_space<hbm>> -> memref<80xi32, #tpu.memory_space<hbm>>
        tpu.enqueue_dma source(%dma_start3A_462 : memref<80xi32, #tpu.memory_space<hbm>>) target(%dma_start3A_459 : memref<80xi32, #tpu.memory_space<vmem>>) target_semaphore(%arg20 : memref<!tpu.dma_semaphore, #tpu.memory_space<semaphore_mem>>)
        %add3A_463 = arith.constant 2 : i32
        %add3A_464 = arith.addi %scan3A_277, %add3A_463 : i32
        %dma_start3A_465 = arith.constant 0 : i32
        %dma_start3A_466 = tpu.memref_slice %arg11[%rem3A_448, %dma_start3A_465] : memref<4x80xi32, #tpu.memory_space<vmem>> -> memref<1x80xi32, #tpu.memory_space<vmem>>
        %dma_start3A_467 = tpu.memref_squeeze %dma_start3A_466 : memref<1x80xi32, #tpu.memory_space<vmem>> -> memref<80xi32, #tpu.memory_space<vmem>>
        %dma_start3A_468 = arith.constant 0 : i32
        %dma_start3A_469 = tpu.memref_slice %arg3[%add3A, %add3A_464, %dma_start3A_468] : memref<32x125x80xi32, #tpu.memory_space<hbm>> -> memref<1x1x80xi32, #tpu.memory_space<hbm>>
        %dma_start3A_470 = tpu.memref_squeeze %dma_start3A_469 : memref<1x1x80xi32, #tpu.memory_space<hbm>> -> memref<80xi32, #tpu.memory_space<hbm>>
        %dma_start3A_471 = arith.constant 0 : i32
        %dma_start3A_472 = tpu.memref_slice %arg11[%rem3A_448, %dma_start3A_471] : memref<4x80xi32, #tpu.memory_space<vmem>> -> memref<1x80xi32, #tpu.memory_space<vmem>>
        %dma_start3A_473 = tpu.memref_squeeze %dma_start3A_472 : memref<1x80xi32, #tpu.memory_space<vmem>> -> memref<80xi32, #tpu.memory_space<vmem>>
        %dma_start3A_474 = arith.constant 0 : i32
        %dma_start3A_475 = tpu.memref_slice %arg3[%add3A, %add3A_464, %dma_start3A_474] : memref<32x125x80xi32, #tpu.memory_space<hbm>> -> memref<1x1x80xi32, #tpu.memory_space<hbm>>
        %dma_start3A_476 = tpu.memref_squeeze %dma_start3A_475 : memref<1x1x80xi32, #tpu.memory_space<hbm>> -> memref<80xi32, #tpu.memory_space<hbm>>
        tpu.enqueue_dma source(%dma_start3A_476 : memref<80xi32, #tpu.memory_space<hbm>>) target(%dma_start3A_473 : memref<80xi32, #tpu.memory_space<vmem>>) target_semaphore(%arg21 : memref<!tpu.dma_semaphore, #tpu.memory_space<semaphore_mem>>)
      } else {
      }
      %add3A_291 = arith.constant 1 : i32
      %add3A_292 = arith.addi %scan3A_277, %add3A_291 : i32
      %lt3A_293 = arith.constant 125 : i32
      %lt3A_294 = arith.cmpi slt, %add3A_292, %lt3A_293 : i32
      %convert_element_type3A_295 = arith.extui %lt3A_294 : i1 to i32
      %cond3A_296 = arith.constant 0 : i32
      %cond3A_297 = arith.cmpi ne, %convert_element_type3A_295, %cond3A_296 : i32
      scf.if %cond3A_297 {
        %add3A_441 = arith.constant 1 : i32
        %add3A_442 = arith.addi %scan3A_277, %add3A_441 : i32
        %rem3A_443 = arith.constant 3 : i32
        %rem3A_444 = arith.remsi %add3A_442, %rem3A_443 : i32
        %add3A_445 = arith.constant 1 : i32
        %add3A_446 = arith.addi %scan3A_277, %add3A_445 : i32
        %rem3A_447 = arith.constant 4 : i32
        %rem3A_448 = arith.remsi %add3A_446, %rem3A_447 : i32
        %add3A_449 = arith.constant 1 : i32
        %add3A_450 = arith.addi %scan3A_277, %add3A_449 : i32
        %rem3A_451 = arith.constant 2 : i32
        %rem3A_452 = arith.remsi %add3A_450, %rem3A_451 : i32
        %add3A_453 = arith.constant 1 : i32
        %add3A_454 = arith.addi %scan3A_277, %add3A_453 : i32
        %dma_wait3A_455 = arith.constant 0 : i32
        %dma_wait3A_456 = tpu.memref_slice %arg10[%rem3A_444, %dma_wait3A_455] : memref<3x80xi32, #tpu.memory_space<vmem>> -> memref<1x80xi32, #tpu.memory_space<vmem>>
        %dma_wait3A_457 = tpu.memref_squeeze %dma_wait3A_456 : memref<1x80xi32, #tpu.memory_space<vmem>> -> memref<80xi32, #tpu.memory_space<vmem>>
        %dma_wait3A_458 = arith.constant 0 : i32
        %dma_wait3A_459 = tpu.memref_slice %arg2[%add3A, %add3A_454, %dma_wait3A_458] : memref<32x125x80xi32, #tpu.memory_space<hbm>> -> memref<1x1x80xi32, #tpu.memory_space<hbm>>
        %dma_wait3A_460 = tpu.memref_squeeze %dma_wait3A_459 : memref<1x1x80xi32, #tpu.memory_space<hbm>> -> memref<80xi32, #tpu.memory_space<hbm>>
        %dma_wait3A_461 = arith.constant 0 : i32
        %dma_wait3A_462 = tpu.memref_slice %arg10[%rem3A_444, %dma_wait3A_461] : memref<3x80xi32, #tpu.memory_space<vmem>> -> memref<1x80xi32, #tpu.memory_space<vmem>>
        %dma_wait3A_463 = tpu.memref_squeeze %dma_wait3A_462 : memref<1x80xi32, #tpu.memory_space<vmem>> -> memref<80xi32, #tpu.memory_space<vmem>>
        %dma_wait3A_464 = arith.constant 0 : i32
        %dma_wait3A_465 = tpu.memref_slice %arg2[%add3A, %add3A_454, %dma_wait3A_464] : memref<32x125x80xi32, #tpu.memory_space<hbm>> -> memref<1x1x80xi32, #tpu.memory_space<hbm>>
        %dma_wait3A_466 = tpu.memref_squeeze %dma_wait3A_465 : memref<1x1x80xi32, #tpu.memory_space<hbm>> -> memref<80xi32, #tpu.memory_space<hbm>>
        tpu.wait_dma2 semaphore(%arg20 : memref<!tpu.dma_semaphore, #tpu.memory_space<semaphore_mem>>) src(%dma_wait3A_466 : memref<80xi32, #tpu.memory_space<hbm>>) dst(%dma_wait3A_463 : memref<80xi32, #tpu.memory_space<vmem>>)
        %add3A_467 = arith.constant 1 : i32
        %add3A_468 = arith.addi %scan3A_277, %add3A_467 : i32
        %dma_wait3A_469 = arith.constant 0 : i32
        %dma_wait3A_470 = tpu.memref_slice %arg11[%rem3A_448, %dma_wait3A_469] : memref<4x80xi32, #tpu.memory_space<vmem>> -> memref<1x80xi32, #tpu.memory_space<vmem>>
        %dma_wait3A_471 = tpu.memref_squeeze %dma_wait3A_470 : memref<1x80xi32, #tpu.memory_space<vmem>> -> memref<80xi32, #tpu.memory_space<vmem>>
        %dma_wait3A_472 = arith.constant 0 : i32
        %dma_wait3A_473 = tpu.memref_slice %arg3[%add3A, %add3A_468, %dma_wait3A_472] : memref<32x125x80xi32, #tpu.memory_space<hbm>> -> memref<1x1x80xi32, #tpu.memory_space<hbm>>
        %dma_wait3A_474 = tpu.memref_squeeze %dma_wait3A_473 : memref<1x1x80xi32, #tpu.memory_space<hbm>> -> memref<80xi32, #tpu.memory_space<hbm>>
        %dma_wait3A_475 = arith.constant 0 : i32
        %dma_wait3A_476 = tpu.memref_slice %arg11[%rem3A_448, %dma_wait3A_475] : memref<4x80xi32, #tpu.memory_space<vmem>> -> memref<1x80xi32, #tpu.memory_space<vmem>>
        %dma_wait3A_477 = tpu.memref_squeeze %dma_wait3A_476 : memref<1x80xi32, #tpu.memory_space<vmem>> -> memref<80xi32, #tpu.memory_space<vmem>>
        %dma_wait3A_478 = arith.constant 0 : i32
        %dma_wait3A_479 = tpu.memref_slice %arg3[%add3A, %add3A_468, %dma_wait3A_478] : memref<32x125x80xi32, #tpu.memory_space<hbm>> -> memref<1x1x80xi32, #tpu.memory_space<hbm>>
        %dma_wait3A_480 = tpu.memref_squeeze %dma_wait3A_479 : memref<1x1x80xi32, #tpu.memory_space<hbm>> -> memref<80xi32, #tpu.memory_space<hbm>>
        tpu.wait_dma2 semaphore(%arg21 : memref<!tpu.dma_semaphore, #tpu.memory_space<semaphore_mem>>) src(%dma_wait3A_480 : memref<80xi32, #tpu.memory_space<hbm>>) dst(%dma_wait3A_477 : memref<80xi32, #tpu.memory_space<vmem>>)
        %dma_start3A_481 = arith.constant 0 : i32
        %dma_start3A_482 = tpu.memref_slice %arg12[%rem3A_452, %dma_start3A_481] : memref<2x80xf32, #tpu.memory_space<vmem>> -> memref<1x80xf32, #tpu.memory_space<vmem>>
        %dma_start3A_483 = tpu.memref_squeeze %dma_start3A_482 : memref<1x80xf32, #tpu.memory_space<vmem>> -> memref<80xf32, #tpu.memory_space<vmem>>
        %dma_start3A_484 = arith.constant 0 : i32
        %dma_start3A_485 = tpu.memref_slice %arg10[%rem3A_444, %dma_start3A_484] : memref<3x80xi32, #tpu.memory_space<vmem>> -> memref<1x80xi32, #tpu.memory_space<vmem>>
        %dma_start3A_486 = tpu.memref_squeeze %dma_start3A_485 : memref<1x80xi32, #tpu.memory_space<vmem>> -> memref<80xi32, #tpu.memory_space<vmem>>
        %dma_start3A_487 = arith.constant 0 : i32
        %dma_start3A_488 = tpu.memref_slice %arg4[%dma_start3A_487] : memref<10240xf32, #tpu.memory_space<hbm>> -> memref<10240xf32, #tpu.memory_space<hbm>>
        tpu.enqueue_indirect_dma source(%dma_start3A_488 : memref<10240xf32, #tpu.memory_space<hbm>>) target(%dma_start3A_483 : memref<80xf32, #tpu.memory_space<vmem>>) offsets(%dma_start3A_486 : memref<80xi32, #tpu.memory_space<vmem>>) semaphore(%arg22 : memref<!tpu.dma_semaphore, #tpu.memory_space<semaphore_mem>>)
        %dma_start3A_489 = arith.constant 0 : i32
        %dma_start3A_490 = tpu.memref_slice %arg13[%rem3A_452, %dma_start3A_489] : memref<2x80xf32, #tpu.memory_space<vmem>> -> memref<1x80xf32, #tpu.memory_space<vmem>>
        %dma_start3A_491 = tpu.memref_squeeze %dma_start3A_490 : memref<1x80xf32, #tpu.memory_space<vmem>> -> memref<80xf32, #tpu.memory_space<vmem>>
        %dma_start3A_492 = arith.constant 0 : i32
        %dma_start3A_493 = tpu.memref_slice %arg11[%rem3A_448, %dma_start3A_492] : memref<4x80xi32, #tpu.memory_space<vmem>> -> memref<1x80xi32, #tpu.memory_space<vmem>>
        %dma_start3A_494 = tpu.memref_squeeze %dma_start3A_493 : memref<1x80xi32, #tpu.memory_space<vmem>> -> memref<80xi32, #tpu.memory_space<vmem>>
        %dma_start3A_495 = arith.constant 0 : i32
        %dma_start3A_496 = tpu.memref_slice %arg5[%dma_start3A_495] : memref<10240xf32, #tpu.memory_space<hbm>> -> memref<10240xf32, #tpu.memory_space<hbm>>
        tpu.enqueue_indirect_dma source(%dma_start3A_496 : memref<10240xf32, #tpu.memory_space<hbm>>) target(%dma_start3A_491 : memref<80xf32, #tpu.memory_space<vmem>>) offsets(%dma_start3A_494 : memref<80xi32, #tpu.memory_space<vmem>>) semaphore(%arg23 : memref<!tpu.dma_semaphore, #tpu.memory_space<semaphore_mem>>)
        %dma_start3A_497 = arith.constant 0 : i32
        %dma_start3A_498 = arith.constant 0 : i32
        %dma_start3A_499 = tpu.memref_slice %arg15[%rem3A_444, %dma_start3A_497, %dma_start3A_498] : memref<3x80x128xf32, #tpu.memory_space<vmem>> -> memref<1x80x128xf32, #tpu.memory_space<vmem>>
        %dma_start3A_500 = tpu.memref_squeeze %dma_start3A_499 : memref<1x80x128xf32, #tpu.memory_space<vmem>> -> memref<80x128xf32, #tpu.memory_space<vmem>>
        %dma_start3A_501 = arith.constant 0 : i32
        %dma_start3A_502 = tpu.memref_slice %arg10[%rem3A_444, %dma_start3A_501] : memref<3x80xi32, #tpu.memory_space<vmem>> -> memref<1x80xi32, #tpu.memory_space<vmem>>
        %dma_start3A_503 = tpu.memref_squeeze %dma_start3A_502 : memref<1x80xi32, #tpu.memory_space<vmem>> -> memref<80xi32, #tpu.memory_space<vmem>>
        %dma_start3A_504 = arith.constant 0 : i32
        %dma_start3A_505 = arith.constant 0 : i32
        %dma_start3A_506 = tpu.memref_slice %arg7[%dma_start3A_504, %dma_start3A_505] : memref<10240x128xf32, #tpu.memory_space<hbm>> -> memref<10240x128xf32, #tpu.memory_space<hbm>>
        tpu.enqueue_indirect_dma source(%dma_start3A_506 : memref<10240x128xf32, #tpu.memory_space<hbm>>) target(%dma_start3A_500 : memref<80x128xf32, #tpu.memory_space<vmem>>) offsets(%dma_start3A_503 : memref<80xi32, #tpu.memory_space<vmem>>) semaphore(%arg24 : memref<!tpu.dma_semaphore, #tpu.memory_space<semaphore_mem>>)
      } else {
      }
      %dma_wait3A_298 = arith.constant 0 : i32
      %dma_wait3A_299 = tpu.memref_slice %arg12[%rem3A_282, %dma_wait3A_298] : memref<2x80xf32, #tpu.memory_space<vmem>> -> memref<1x80xf32, #tpu.memory_space<vmem>>
      %dma_wait3A_300 = tpu.memref_squeeze %dma_wait3A_299 : memref<1x80xf32, #tpu.memory_space<vmem>> -> memref<80xf32, #tpu.memory_space<vmem>>
      %dma_wait3A_301 = arith.constant 0 : i32
      %dma_wait3A_302 = tpu.memref_slice %arg10[%rem3A_278, %dma_wait3A_301] : memref<3x80xi32, #tpu.memory_space<vmem>> -> memref<1x80xi32, #tpu.memory_space<vmem>>
      %dma_wait3A_303 = tpu.memref_squeeze %dma_wait3A_302 : memref<1x80xi32, #tpu.memory_space<vmem>> -> memref<80xi32, #tpu.memory_space<vmem>>
      %dma_wait3A_304 = arith.constant 0 : i32
      %dma_wait3A_305 = tpu.memref_slice %arg4[%dma_wait3A_304] : memref<10240xf32, #tpu.memory_space<hbm>> -> memref<10240xf32, #tpu.memory_space<hbm>>
      tpu.wait_indirect_dma semaphore(%arg22 : memref<!tpu.dma_semaphore, #tpu.memory_space<semaphore_mem>>) src(%dma_wait3A_305 : memref<10240xf32, #tpu.memory_space<hbm>>) dst(%dma_wait3A_300 : memref<80xf32, #tpu.memory_space<vmem>>)
      %dma_wait3A_306 = arith.constant 0 : i32
      %dma_wait3A_307 = tpu.memref_slice %arg13[%rem3A_282, %dma_wait3A_306] : memref<2x80xf32, #tpu.memory_space<vmem>> -> memref<1x80xf32, #tpu.memory_space<vmem>>
      %dma_wait3A_308 = tpu.memref_squeeze %dma_wait3A_307 : memref<1x80xf32, #tpu.memory_space<vmem>> -> memref<80xf32, #tpu.memory_space<vmem>>
      %dma_wait3A_309 = arith.constant 0 : i32
      %dma_wait3A_310 = tpu.memref_slice %arg11[%rem3A_280, %dma_wait3A_309] : memref<4x80xi32, #tpu.memory_space<vmem>> -> memref<1x80xi32, #tpu.memory_space<vmem>>
      %dma_wait3A_311 = tpu.memref_squeeze %dma_wait3A_310 : memref<1x80xi32, #tpu.memory_space<vmem>> -> memref<80xi32, #tpu.memory_space<vmem>>
      %dma_wait3A_312 = arith.constant 0 : i32
      %dma_wait3A_313 = tpu.memref_slice %arg5[%dma_wait3A_312] : memref<10240xf32, #tpu.memory_space<hbm>> -> memref<10240xf32, #tpu.memory_space<hbm>>
      tpu.wait_indirect_dma semaphore(%arg23 : memref<!tpu.dma_semaphore, #tpu.memory_space<semaphore_mem>>) src(%dma_wait3A_313 : memref<10240xf32, #tpu.memory_space<hbm>>) dst(%dma_wait3A_308 : memref<80xf32, #tpu.memory_space<vmem>>)
      %get3A_314 = arith.index_cast %rem3A_282 : i32 to index
      %get3A_315 = arith.constant 0 : index
      %get3A_316 = tpu.vector_load %arg12[%get3A_314, %get3A_315] {strides = array<i32>} : memref<2x80xf32, #tpu.memory_space<vmem>>, vector<16xf32>,
      %get3A_317 = arith.index_cast %rem3A_282 : i32 to index
      %get3A_318 = arith.constant 0 : index
      %get3A_319 = tpu.vector_load %arg13[%get3A_317, %get3A_318] {strides = array<i32>} : memref<2x80xf32, #tpu.memory_space<vmem>>, vector<16xf32>,
      %add3A_320 = arith.addf %get3A_316, %get3A_319 : vector<16xf32>
      %ge3A_321 = arith.constant 0.000000e+00 : f32
      %ge3A_322 = vector.broadcast %ge3A_321 : f32 to vector<16xf32>
      %ge3A_323 = arith.cmpf oge, %add3A_320, %ge3A_322 : vector<16xf32>
      %mul3A_324 = arith.constant 2.000000e-01 : f32
      %mul3A_325 = vector.broadcast %mul3A_324 : f32 to vector<16xf32>
      %mul3A_326 = arith.mulf %add3A_320, %mul3A_325 : vector<16xf32>
      %select_n3A = arith.select %ge3A_323, %add3A_320, %mul3A_326 : vector<16xi1>, vector<16xf32>
      %sub3A = arith.subf %select_n3A, %get3A_111 : vector<16xf32>
      %exp3A = math.exp %sub3A : vector<16xf32>
      %swap3A_327 = arith.index_cast %rem3A_280 : i32 to index
      %swap3A_328 = arith.constant 0 : index
      %swap3A_329 = tpu.vector_load %arg14[%swap3A_327, %swap3A_328] {strides = array<i32>} : memref<4x80xf32, #tpu.memory_space<vmem>>, vector<16xf32>,
      tpu.vector_store %arg14[%swap3A_327, %swap3A_328], %exp3A {strides = array<i32>} : memref<4x80xf32, #tpu.memory_space<vmem>>, vector<16xf32>,
      %get3A_330 = arith.index_cast %rem3A_282 : i32 to index
      %get3A_331 = arith.constant 16 : index
      %get3A_332 = tpu.vector_load %arg12[%get3A_330, %get3A_331] {strides = array<i32>} : memref<2x80xf32, #tpu.memory_space<vmem>>, vector<16xf32>,
      %get3A_333 = arith.index_cast %rem3A_282 : i32 to index
      %get3A_334 = arith.constant 16 : index
      %get3A_335 = tpu.vector_load %arg13[%get3A_333, %get3A_334] {strides = array<i32>} : memref<2x80xf32, #tpu.memory_space<vmem>>, vector<16xf32>,
      %add3A_336 = arith.addf %get3A_332, %get3A_335 : vector<16xf32>
      %ge3A_337 = arith.constant 0.000000e+00 : f32
      %ge3A_338 = vector.broadcast %ge3A_337 : f32 to vector<16xf32>
      %ge3A_339 = arith.cmpf oge, %add3A_336, %ge3A_338 : vector<16xf32>
      %mul3A_340 = arith.constant 2.000000e-01 : f32
      %mul3A_341 = vector.broadcast %mul3A_340 : f32 to vector<16xf32>
      %mul3A_342 = arith.mulf %add3A_336, %mul3A_341 : vector<16xf32>
      %select_n3A_343 = arith.select %ge3A_339, %add3A_336, %mul3A_342 : vector<16xi1>, vector<16xf32>
      %sub3A_344 = arith.subf %select_n3A_343, %get3A_111 : vector<16xf32>
      %exp3A_345 = math.exp %sub3A_344 : vector<16xf32>
      %swap3A_346 = arith.index_cast %rem3A_280 : i32 to index
      %swap3A_347 = arith.constant 16 : index
      %swap3A_348 = tpu.vector_load %arg14[%swap3A_346, %swap3A_347] {strides = array<i32>} : memref<4x80xf32, #tpu.memory_space<vmem>>, vector<16xf32>,
      tpu.vector_store %arg14[%swap3A_346, %swap3A_347], %exp3A_345 {strides = array<i32>} : memref<4x80xf32, #tpu.memory_space<vmem>>, vector<16xf32>,
      %get3A_349 = arith.index_cast %rem3A_282 : i32 to index
      %get3A_350 = arith.constant 32 : index
      %get3A_351 = tpu.vector_load %arg12[%get3A_349, %get3A_350] {strides = array<i32>} : memref<2x80xf32, #tpu.memory_space<vmem>>, vector<16xf32>,
      %get3A_352 = arith.index_cast %rem3A_282 : i32 to index
      %get3A_353 = arith.constant 32 : index
      %get3A_354 = tpu.vector_load %arg13[%get3A_352, %get3A_353] {strides = array<i32>} : memref<2x80xf32, #tpu.memory_space<vmem>>, vector<16xf32>,
      %add3A_355 = arith.addf %get3A_351, %get3A_354 : vector<16xf32>
      %ge3A_356 = arith.constant 0.000000e+00 : f32
      %ge3A_357 = vector.broadcast %ge3A_356 : f32 to vector<16xf32>
      %ge3A_358 = arith.cmpf oge, %add3A_355, %ge3A_357 : vector<16xf32>
      %mul3A_359 = arith.constant 2.000000e-01 : f32
      %mul3A_360 = vector.broadcast %mul3A_359 : f32 to vector<16xf32>
      %mul3A_361 = arith.mulf %add3A_355, %mul3A_360 : vector<16xf32>
      %select_n3A_362 = arith.select %ge3A_358, %add3A_355, %mul3A_361 : vector<16xi1>, vector<16xf32>
      %sub3A_363 = arith.subf %select_n3A_362, %get3A_111 : vector<16xf32>
      %exp3A_364 = math.exp %sub3A_363 : vector<16xf32>
      %swap3A_365 = arith.index_cast %rem3A_280 : i32 to index
      %swap3A_366 = arith.constant 32 : index
      %swap3A_367 = tpu.vector_load %arg14[%swap3A_365, %swap3A_366] {strides = array<i32>} : memref<4x80xf32, #tpu.memory_space<vmem>>, vector<16xf32>,
      tpu.vector_store %arg14[%swap3A_365, %swap3A_366], %exp3A_364 {strides = array<i32>} : memref<4x80xf32, #tpu.memory_space<vmem>>, vector<16xf32>,
      %get3A_368 = arith.index_cast %rem3A_282 : i32 to index
      %get3A_369 = arith.constant 48 : index
      %get3A_370 = tpu.vector_load %arg12[%get3A_368, %get3A_369] {strides = array<i32>} : memref<2x80xf32, #tpu.memory_space<vmem>>, vector<16xf32>,
      %get3A_371 = arith.index_cast %rem3A_282 : i32 to index
      %get3A_372 = arith.constant 48 : index
      %get3A_373 = tpu.vector_load %arg13[%get3A_371, %get3A_372] {strides = array<i32>} : memref<2x80xf32, #tpu.memory_space<vmem>>, vector<16xf32>,
      %add3A_374 = arith.addf %get3A_370, %get3A_373 : vector<16xf32>
      %ge3A_375 = arith.constant 0.000000e+00 : f32
      %ge3A_376 = vector.broadcast %ge3A_375 : f32 to vector<16xf32>
      %ge3A_377 = arith.cmpf oge, %add3A_374, %ge3A_376 : vector<16xf32>
      %mul3A_378 = arith.constant 2.000000e-01 : f32
      %mul3A_379 = vector.broadcast %mul3A_378 : f32 to vector<16xf32>
      %mul3A_380 = arith.mulf %add3A_374, %mul3A_379 : vector<16xf32>
      %select_n3A_381 = arith.select %ge3A_377, %add3A_374, %mul3A_380 : vector<16xi1>, vector<16xf32>
      %sub3A_382 = arith.subf %select_n3A_381, %get3A_111 : vector<16xf32>
      %exp3A_383 = math.exp %sub3A_382 : vector<16xf32>
      %swap3A_384 = arith.index_cast %rem3A_280 : i32 to index
      %swap3A_385 = arith.constant 48 : index
      %swap3A_386 = tpu.vector_load %arg14[%swap3A_384, %swap3A_385] {strides = array<i32>} : memref<4x80xf32, #tpu.memory_space<vmem>>, vector<16xf32>,
      tpu.vector_store %arg14[%swap3A_384, %swap3A_385], %exp3A_383 {strides = array<i32>} : memref<4x80xf32, #tpu.memory_space<vmem>>, vector<16xf32>,
      %get3A_387 = arith.index_cast %rem3A_282 : i32 to index
      %get3A_388 = arith.constant 64 : index
      %get3A_389 = tpu.vector_load %arg12[%get3A_387, %get3A_388] {strides = array<i32>} : memref<2x80xf32, #tpu.memory_space<vmem>>, vector<16xf32>,
      %get3A_390 = arith.index_cast %rem3A_282 : i32 to index
      %get3A_391 = arith.constant 64 : index
      %get3A_392 = tpu.vector_load %arg13[%get3A_390, %get3A_391] {strides = array<i32>} : memref<2x80xf32, #tpu.memory_space<vmem>>, vector<16xf32>,
      %add3A_393 = arith.addf %get3A_389, %get3A_392 : vector<16xf32>
      %ge3A_394 = arith.constant 0.000000e+00 : f32
      %ge3A_395 = vector.broadcast %ge3A_394 : f32 to vector<16xf32>
      %ge3A_396 = arith.cmpf oge, %add3A_393, %ge3A_395 : vector<16xf32>
      %mul3A_397 = arith.constant 2.000000e-01 : f32
      %mul3A_398 = vector.broadcast %mul3A_397 : f32 to vector<16xf32>
      %mul3A_399 = arith.mulf %add3A_393, %mul3A_398 : vector<16xf32>
      %select_n3A_400 = arith.select %ge3A_396, %add3A_393, %mul3A_399 : vector<16xi1>, vector<16xf32>
      %sub3A_401 = arith.subf %select_n3A_400, %get3A_111 : vector<16xf32>
      %exp3A_402 = math.exp %sub3A_401 : vector<16xf32>
      %swap3A_403 = arith.index_cast %rem3A_280 : i32 to index
      %swap3A_404 = arith.constant 64 : index
      %swap3A_405 = tpu.vector_load %arg14[%swap3A_403, %swap3A_404] {strides = array<i32>} : memref<4x80xf32, #tpu.memory_space<vmem>>, vector<16xf32>,
      tpu.vector_store %arg14[%swap3A_403, %swap3A_404], %exp3A_402 {strides = array<i32>} : memref<4x80xf32, #tpu.memory_space<vmem>>, vector<16xf32>,
      %dma_start3A_406 = arith.constant 0 : i32
      %dma_start3A_407 = tpu.memref_slice %arg14[%rem3A_280, %dma_start3A_406] : memref<4x80xf32, #tpu.memory_space<vmem>> -> memref<1x80xf32, #tpu.memory_space<vmem>>
      %dma_start3A_408 = tpu.memref_squeeze %dma_start3A_407 : memref<1x80xf32, #tpu.memory_space<vmem>> -> memref<80xf32, #tpu.memory_space<vmem>>
      %dma_start3A_409 = arith.constant 0 : i32
      %dma_start3A_410 = tpu.memref_slice %arg11[%rem3A_280, %dma_start3A_409] : memref<4x80xi32, #tpu.memory_space<vmem>> -> memref<1x80xi32, #tpu.memory_space<vmem>>
      %dma_start3A_411 = tpu.memref_squeeze %dma_start3A_410 : memref<1x80xi32, #tpu.memory_space<vmem>> -> memref<80xi32, #tpu.memory_space<vmem>>
      %dma_start3A_412 = arith.constant 0 : i32
      %dma_start3A_413 = tpu.memref_slice %arg19[%dma_start3A_412] : memref<10240xf32, #tpu.memory_space<vmem_shared>> -> memref<10240xf32, #tpu.memory_space<vmem_shared>>
      tpu.enqueue_indirect_dma source(%dma_start3A_408 : memref<80xf32, #tpu.memory_space<vmem>>) target(%dma_start3A_413 : memref<10240xf32, #tpu.memory_space<vmem_shared>>) offsets(%dma_start3A_411 : memref<80xi32, #tpu.memory_space<vmem>>) semaphore(%arg25 : memref<!tpu.dma_semaphore, #tpu.memory_space<semaphore_mem>>) {add = true}
      %dma_wait3A_414 = arith.constant 0 : i32
      %dma_wait3A_415 = arith.constant 0 : i32
      %dma_wait3A_416 = tpu.memref_slice %arg15[%rem3A_278, %dma_wait3A_414, %dma_wait3A_415] : memref<3x80x128xf32, #tpu.memory_space<vmem>> -> memref<1x80x128xf32, #tpu.memory_space<vmem>>
      %dma_wait3A_417 = tpu.memref_squeeze %dma_wait3A_416 : memref<1x80x128xf32, #tpu.memory_space<vmem>> -> memref<80x128xf32, #tpu.memory_space<vmem>>
      %dma_wait3A_418 = arith.constant 0 : i32
      %dma_wait3A_419 = tpu.memref_slice %arg10[%rem3A_278, %dma_wait3A_418] : memref<3x80xi32, #tpu.memory_space<vmem>> -> memref<1x80xi32, #tpu.memory_space<vmem>>
      %dma_wait3A_420 = tpu.memref_squeeze %dma_wait3A_419 : memref<1x80xi32, #tpu.memory_space<vmem>> -> memref<80xi32, #tpu.memory_space<vmem>>
      %dma_wait3A_421 = arith.constant 0 : i32
      %dma_wait3A_422 = arith.constant 0 : i32
      %dma_wait3A_423 = tpu.memref_slice %arg7[%dma_wait3A_421, %dma_wait3A_422] : memref<10240x128xf32, #tpu.memory_space<hbm>> -> memref<10240x128xf32, #tpu.memory_space<hbm>>
      tpu.wait_indirect_dma semaphore(%arg24 : memref<!tpu.dma_semaphore, #tpu.memory_space<semaphore_mem>>) src(%dma_wait3A_423 : memref<10240x128xf32, #tpu.memory_space<hbm>>) dst(%dma_wait3A_417 : memref<80x128xf32, #tpu.memory_space<vmem>>)
      %broadcast_in_dim3A_424 = vector.broadcast %rem3A_280 : i32 to vector<16xi32>
      %scan3A_425 = arith.constant 0 : i32
      %scan3A_426 = arith.constant 0 : i32
      %scan3A_427 = arith.constant 40 : i32
      %scan3A_428 = arith.addi %scan3A_426, %scan3A_427 : i32
      %scan3A_429 = arith.constant 1 : i32
      scf.for %scan3A_441 = %scan3A_426 to %scan3A_428 step %scan3A_429  : i32 {
        %mul3A_442 = arith.constant 2 : i32
        %mul3A_443 = arith.muli %scan3A_441, %mul3A_442 : i32
        %broadcast_in_dim3A_444 = vector.broadcast %mul3A_443 : i32 to vector<16xi32>
        %gather3A = tpu.vector_load_idx %arg14[%broadcast_in_dim3A_424, %broadcast_in_dim3A_444] : memref<4x80xf32, #tpu.memory_space<vmem>>[vector<16xi32>, vector<16xi32>], vector<16xf32>,
        %add3A_445 = arith.constant 1 : i32
        %add3A_446 = arith.addi %mul3A_443, %add3A_445 : i32
        %broadcast_in_dim3A_447 = vector.broadcast %add3A_446 : i32 to vector<16xi32>
        %gather3A_448 = tpu.vector_load_idx %arg14[%broadcast_in_dim3A_424, %broadcast_in_dim3A_447] : memref<4x80xf32, #tpu.memory_space<vmem>>[vector<16xi32>, vector<16xi32>], vector<16xf32>,
        %get3A_449 = arith.index_cast %rem3A_278 : i32 to index
        %get3A_450 = arith.index_cast %mul3A_443 : i32 to index
        %get3A_451 = arith.constant 0 : index
        %get3A_452 = tpu.vector_load %arg15[%get3A_449, %get3A_450, %get3A_451] {strides = array<i32>} : memref<3x80x128xf32, #tpu.memory_space<vmem>>, vector<16xf32>,
        %mul3A_453 = arith.mulf %get3A_452, %gather3A : vector<16xf32>
        %swap3A_454 = arith.index_cast %rem3A_278 : i32 to index
        %swap3A_455 = arith.index_cast %mul3A_443 : i32 to index
        %swap3A_456 = arith.constant 0 : index
        %swap3A_457 = tpu.vector_load %arg15[%swap3A_454, %swap3A_455, %swap3A_456] {strides = array<i32>} : memref<3x80x128xf32, #tpu.memory_space<vmem>>, vector<16xf32>,
        tpu.vector_store %arg15[%swap3A_454, %swap3A_455, %swap3A_456], %mul3A_453 {strides = array<i32>} : memref<3x80x128xf32, #tpu.memory_space<vmem>>, vector<16xf32>,
        %add3A_458 = arith.constant 1 : i32
        %add3A_459 = arith.addi %mul3A_443, %add3A_458 : i32
        %get3A_460 = arith.index_cast %rem3A_278 : i32 to index
        %get3A_461 = arith.index_cast %add3A_459 : i32 to index
        %get3A_462 = arith.constant 0 : index
        %get3A_463 = tpu.vector_load %arg15[%get3A_460, %get3A_461, %get3A_462] {strides = array<i32>} : memref<3x80x128xf32, #tpu.memory_space<vmem>>, vector<16xf32>,
        %mul3A_464 = arith.mulf %get3A_463, %gather3A_448 : vector<16xf32>
        %add3A_465 = arith.constant 1 : i32
        %add3A_466 = arith.addi %mul3A_443, %add3A_465 : i32
        %swap3A_467 = arith.index_cast %rem3A_278 : i32 to index
        %swap3A_468 = arith.index_cast %add3A_466 : i32 to index
        %swap3A_469 = arith.constant 0 : index
        %swap3A_470 = tpu.vector_load %arg15[%swap3A_467, %swap3A_468, %swap3A_469] {strides = array<i32>} : memref<3x80x128xf32, #tpu.memory_space<vmem>>, vector<16xf32>,
        tpu.vector_store %arg15[%swap3A_467, %swap3A_468, %swap3A_469], %mul3A_464 {strides = array<i32>} : memref<3x80x128xf32, #tpu.memory_space<vmem>>, vector<16xf32>,
        %get3A_471 = arith.index_cast %rem3A_278 : i32 to index
        %get3A_472 = arith.index_cast %mul3A_443 : i32 to index
        %get3A_473 = arith.constant 16 : index
        %get3A_474 = tpu.vector_load %arg15[%get3A_471, %get3A_472, %get3A_473] {strides = array<i32>} : memref<3x80x128xf32, #tpu.memory_space<vmem>>, vector<16xf32>,
        %mul3A_475 = arith.mulf %get3A_474, %gather3A : vector<16xf32>
        %swap3A_476 = arith.index_cast %rem3A_278 : i32 to index
        %swap3A_477 = arith.index_cast %mul3A_443 : i32 to index
        %swap3A_478 = arith.constant 16 : index
        %swap3A_479 = tpu.vector_load %arg15[%swap3A_476, %swap3A_477, %swap3A_478] {strides = array<i32>} : memref<3x80x128xf32, #tpu.memory_space<vmem>>, vector<16xf32>,
        tpu.vector_store %arg15[%swap3A_476, %swap3A_477, %swap3A_478], %mul3A_475 {strides = array<i32>} : memref<3x80x128xf32, #tpu.memory_space<vmem>>, vector<16xf32>,
        %add3A_480 = arith.constant 1 : i32
        %add3A_481 = arith.addi %mul3A_443, %add3A_480 : i32
        %get3A_482 = arith.index_cast %rem3A_278 : i32 to index
        %get3A_483 = arith.index_cast %add3A_481 : i32 to index
        %get3A_484 = arith.constant 16 : index
        %get3A_485 = tpu.vector_load %arg15[%get3A_482, %get3A_483, %get3A_484] {strides = array<i32>} : memref<3x80x128xf32, #tpu.memory_space<vmem>>, vector<16xf32>,
        %mul3A_486 = arith.mulf %get3A_485, %gather3A_448 : vector<16xf32>
        %add3A_487 = arith.constant 1 : i32
        %add3A_488 = arith.addi %mul3A_443, %add3A_487 : i32
        %swap3A_489 = arith.index_cast %rem3A_278 : i32 to index
        %swap3A_490 = arith.index_cast %add3A_488 : i32 to index
        %swap3A_491 = arith.constant 16 : index
        %swap3A_492 = tpu.vector_load %arg15[%swap3A_489, %swap3A_490, %swap3A_491] {strides = array<i32>} : memref<3x80x128xf32, #tpu.memory_space<vmem>>, vector<16xf32>,
        tpu.vector_store %arg15[%swap3A_489, %swap3A_490, %swap3A_491], %mul3A_486 {strides = array<i32>} : memref<3x80x128xf32, #tpu.memory_space<vmem>>, vector<16xf32>,
        %get3A_493 = arith.index_cast %rem3A_278 : i32 to index
        %get3A_494 = arith.index_cast %mul3A_443 : i32 to index
        %get3A_495 = arith.constant 32 : index
        %get3A_496 = tpu.vector_load %arg15[%get3A_493, %get3A_494, %get3A_495] {strides = array<i32>} : memref<3x80x128xf32, #tpu.memory_space<vmem>>, vector<16xf32>,
        %mul3A_497 = arith.mulf %get3A_496, %gather3A : vector<16xf32>
        %swap3A_498 = arith.index_cast %rem3A_278 : i32 to index
        %swap3A_499 = arith.index_cast %mul3A_443 : i32 to index
        %swap3A_500 = arith.constant 32 : index
        %swap3A_501 = tpu.vector_load %arg15[%swap3A_498, %swap3A_499, %swap3A_500] {strides = array<i32>} : memref<3x80x128xf32, #tpu.memory_space<vmem>>, vector<16xf32>,
        tpu.vector_store %arg15[%swap3A_498, %swap3A_499, %swap3A_500], %mul3A_497 {strides = array<i32>} : memref<3x80x128xf32, #tpu.memory_space<vmem>>, vector<16xf32>,
        %add3A_502 = arith.constant 1 : i32
        %add3A_503 = arith.addi %mul3A_443, %add3A_502 : i32
        %get3A_504 = arith.index_cast %rem3A_278 : i32 to index
        %get3A_505 = arith.index_cast %add3A_503 : i32 to index
        %get3A_506 = arith.constant 32 : index
        %get3A_507 = tpu.vector_load %arg15[%get3A_504, %get3A_505, %get3A_506] {strides = array<i32>} : memref<3x80x128xf32, #tpu.memory_space<vmem>>, vector<16xf32>,
        %mul3A_508 = arith.mulf %get3A_507, %gather3A_448 : vector<16xf32>
        %add3A_509 = arith.constant 1 : i32
        %add3A_510 = arith.addi %mul3A_443, %add3A_509 : i32
        %swap3A_511 = arith.index_cast %rem3A_278 : i32 to index
        %swap3A_512 = arith.index_cast %add3A_510 : i32 to index
        %swap3A_513 = arith.constant 32 : index
        %swap3A_514 = tpu.vector_load %arg15[%swap3A_511, %swap3A_512, %swap3A_513] {strides = array<i32>} : memref<3x80x128xf32, #tpu.memory_space<vmem>>, vector<16xf32>,
        tpu.vector_store %arg15[%swap3A_511, %swap3A_512, %swap3A_513], %mul3A_508 {strides = array<i32>} : memref<3x80x128xf32, #tpu.memory_space<vmem>>, vector<16xf32>,
        %get3A_515 = arith.index_cast %rem3A_278 : i32 to index
        %get3A_516 = arith.index_cast %mul3A_443 : i32 to index
        %get3A_517 = arith.constant 48 : index
        %get3A_518 = tpu.vector_load %arg15[%get3A_515, %get3A_516, %get3A_517] {strides = array<i32>} : memref<3x80x128xf32, #tpu.memory_space<vmem>>, vector<16xf32>,
        %mul3A_519 = arith.mulf %get3A_518, %gather3A : vector<16xf32>
        %swap3A_520 = arith.index_cast %rem3A_278 : i32 to index
        %swap3A_521 = arith.index_cast %mul3A_443 : i32 to index
        %swap3A_522 = arith.constant 48 : index
        %swap3A_523 = tpu.vector_load %arg15[%swap3A_520, %swap3A_521, %swap3A_522] {strides = array<i32>} : memref<3x80x128xf32, #tpu.memory_space<vmem>>, vector<16xf32>,
        tpu.vector_store %arg15[%swap3A_520, %swap3A_521, %swap3A_522], %mul3A_519 {strides = array<i32>} : memref<3x80x128xf32, #tpu.memory_space<vmem>>, vector<16xf32>,
        %add3A_524 = arith.constant 1 : i32
        %add3A_525 = arith.addi %mul3A_443, %add3A_524 : i32
        %get3A_526 = arith.index_cast %rem3A_278 : i32 to index
        %get3A_527 = arith.index_cast %add3A_525 : i32 to index
        %get3A_528 = arith.constant 48 : index
        %get3A_529 = tpu.vector_load %arg15[%get3A_526, %get3A_527, %get3A_528] {strides = array<i32>} : memref<3x80x128xf32, #tpu.memory_space<vmem>>, vector<16xf32>,
        %mul3A_530 = arith.mulf %get3A_529, %gather3A_448 : vector<16xf32>
        %add3A_531 = arith.constant 1 : i32
        %add3A_532 = arith.addi %mul3A_443, %add3A_531 : i32
        %swap3A_533 = arith.index_cast %rem3A_278 : i32 to index
        %swap3A_534 = arith.index_cast %add3A_532 : i32 to index
        %swap3A_535 = arith.constant 48 : index
        %swap3A_536 = tpu.vector_load %arg15[%swap3A_533, %swap3A_534, %swap3A_535] {strides = array<i32>} : memref<3x80x128xf32, #tpu.memory_space<vmem>>, vector<16xf32>,
        tpu.vector_store %arg15[%swap3A_533, %swap3A_534, %swap3A_535], %mul3A_530 {strides = array<i32>} : memref<3x80x128xf32, #tpu.memory_space<vmem>>, vector<16xf32>,
        %get3A_537 = arith.index_cast %rem3A_278 : i32 to index
        %get3A_538 = arith.index_cast %mul3A_443 : i32 to index
        %get3A_539 = arith.constant 64 : index
        %get3A_540 = tpu.vector_load %arg15[%get3A_537, %get3A_538, %get3A_539] {strides = array<i32>} : memref<3x80x128xf32, #tpu.memory_space<vmem>>, vector<16xf32>,
        %mul3A_541 = arith.mulf %get3A_540, %gather3A : vector<16xf32>
        %swap3A_542 = arith.index_cast %rem3A_278 : i32 to index
        %swap3A_543 = arith.index_cast %mul3A_443 : i32 to index
        %swap3A_544 = arith.constant 64 : index
        %swap3A_545 = tpu.vector_load %arg15[%swap3A_542, %swap3A_543, %swap3A_544] {strides = array<i32>} : memref<3x80x128xf32, #tpu.memory_space<vmem>>, vector<16xf32>,
        tpu.vector_store %arg15[%swap3A_542, %swap3A_543, %swap3A_544], %mul3A_541 {strides = array<i32>} : memref<3x80x128xf32, #tpu.memory_space<vmem>>, vector<16xf32>,
        %add3A_546 = arith.constant 1 : i32
        %add3A_547 = arith.addi %mul3A_443, %add3A_546 : i32
        %get3A_548 = arith.index_cast %rem3A_278 : i32 to index
        %get3A_549 = arith.index_cast %add3A_547 : i32 to index
        %get3A_550 = arith.constant 64 : index
        %get3A_551 = tpu.vector_load %arg15[%get3A_548, %get3A_549, %get3A_550] {strides = array<i32>} : memref<3x80x128xf32, #tpu.memory_space<vmem>>, vector<16xf32>,
        %mul3A_552 = arith.mulf %get3A_551, %gather3A_448 : vector<16xf32>
        %add3A_553 = arith.constant 1 : i32
        %add3A_554 = arith.addi %mul3A_443, %add3A_553 : i32
        %swap3A_555 = arith.index_cast %rem3A_278 : i32 to index
        %swap3A_556 = arith.index_cast %add3A_554 : i32 to index
        %swap3A_557 = arith.constant 64 : index
        %swap3A_558 = tpu.vector_load %arg15[%swap3A_555, %swap3A_556, %swap3A_557] {strides = array<i32>} : memref<3x80x128xf32, #tpu.memory_space<vmem>>, vector<16xf32>,
        tpu.vector_store %arg15[%swap3A_555, %swap3A_556, %swap3A_557], %mul3A_552 {strides = array<i32>} : memref<3x80x128xf32, #tpu.memory_space<vmem>>, vector<16xf32>,
        %get3A_559 = arith.index_cast %rem3A_278 : i32 to index
        %get3A_560 = arith.index_cast %mul3A_443 : i32 to index
        %get3A_561 = arith.constant 80 : index
        %get3A_562 = tpu.vector_load %arg15[%get3A_559, %get3A_560, %get3A_561] {strides = array<i32>} : memref<3x80x128xf32, #tpu.memory_space<vmem>>, vector<16xf32>,
        %mul3A_563 = arith.mulf %get3A_562, %gather3A : vector<16xf32>
        %swap3A_564 = arith.index_cast %rem3A_278 : i32 to index
        %swap3A_565 = arith.index_cast %mul3A_443 : i32 to index
        %swap3A_566 = arith.constant 80 : index
        %swap3A_567 = tpu.vector_load %arg15[%swap3A_564, %swap3A_565, %swap3A_566] {strides = array<i32>} : memref<3x80x128xf32, #tpu.memory_space<vmem>>, vector<16xf32>,
        tpu.vector_store %arg15[%swap3A_564, %swap3A_565, %swap3A_566], %mul3A_563 {strides = array<i32>} : memref<3x80x128xf32, #tpu.memory_space<vmem>>, vector<16xf32>,
        %add3A_568 = arith.constant 1 : i32
        %add3A_569 = arith.addi %mul3A_443, %add3A_568 : i32
        %get3A_570 = arith.index_cast %rem3A_278 : i32 to index
        %get3A_571 = arith.index_cast %add3A_569 : i32 to index
        %get3A_572 = arith.constant 80 : index
        %get3A_573 = tpu.vector_load %arg15[%get3A_570, %get3A_571, %get3A_572] {strides = array<i32>} : memref<3x80x128xf32, #tpu.memory_space<vmem>>, vector<16xf32>,
        %mul3A_574 = arith.mulf %get3A_573, %gather3A_448 : vector<16xf32>
        %add3A_575 = arith.constant 1 : i32
        %add3A_576 = arith.addi %mul3A_443, %add3A_575 : i32
        %swap3A_577 = arith.index_cast %rem3A_278 : i32 to index
        %swap3A_578 = arith.index_cast %add3A_576 : i32 to index
        %swap3A_579 = arith.constant 80 : index
        %swap3A_580 = tpu.vector_load %arg15[%swap3A_577, %swap3A_578, %swap3A_579] {strides = array<i32>} : memref<3x80x128xf32, #tpu.memory_space<vmem>>, vector<16xf32>,
        tpu.vector_store %arg15[%swap3A_577, %swap3A_578, %swap3A_579], %mul3A_574 {strides = array<i32>} : memref<3x80x128xf32, #tpu.memory_space<vmem>>, vector<16xf32>,
        %get3A_581 = arith.index_cast %rem3A_278 : i32 to index
        %get3A_582 = arith.index_cast %mul3A_443 : i32 to index
        %get3A_583 = arith.constant 96 : index
        %get3A_584 = tpu.vector_load %arg15[%get3A_581, %get3A_582, %get3A_583] {strides = array<i32>} : memref<3x80x128xf32, #tpu.memory_space<vmem>>, vector<16xf32>,
        %mul3A_585 = arith.mulf %get3A_584, %gather3A : vector<16xf32>
        %swap3A_586 = arith.index_cast %rem3A_278 : i32 to index
        %swap3A_587 = arith.index_cast %mul3A_443 : i32 to index
        %swap3A_588 = arith.constant 96 : index
        %swap3A_589 = tpu.vector_load %arg15[%swap3A_586, %swap3A_587, %swap3A_588] {strides = array<i32>} : memref<3x80x128xf32, #tpu.memory_space<vmem>>, vector<16xf32>,
        tpu.vector_store %arg15[%swap3A_586, %swap3A_587, %swap3A_588], %mul3A_585 {strides = array<i32>} : memref<3x80x128xf32, #tpu.memory_space<vmem>>, vector<16xf32>,
        %add3A_590 = arith.constant 1 : i32
        %add3A_591 = arith.addi %mul3A_443, %add3A_590 : i32
        %get3A_592 = arith.index_cast %rem3A_278 : i32 to index
        %get3A_593 = arith.index_cast %add3A_591 : i32 to index
        %get3A_594 = arith.constant 96 : index
        %get3A_595 = tpu.vector_load %arg15[%get3A_592, %get3A_593, %get3A_594] {strides = array<i32>} : memref<3x80x128xf32, #tpu.memory_space<vmem>>, vector<16xf32>,
        %mul3A_596 = arith.mulf %get3A_595, %gather3A_448 : vector<16xf32>
        %add3A_597 = arith.constant 1 : i32
        %add3A_598 = arith.addi %mul3A_443, %add3A_597 : i32
        %swap3A_599 = arith.index_cast %rem3A_278 : i32 to index
        %swap3A_600 = arith.index_cast %add3A_598 : i32 to index
        %swap3A_601 = arith.constant 96 : index
        %swap3A_602 = tpu.vector_load %arg15[%swap3A_599, %swap3A_600, %swap3A_601] {strides = array<i32>} : memref<3x80x128xf32, #tpu.memory_space<vmem>>, vector<16xf32>,
        tpu.vector_store %arg15[%swap3A_599, %swap3A_600, %swap3A_601], %mul3A_596 {strides = array<i32>} : memref<3x80x128xf32, #tpu.memory_space<vmem>>, vector<16xf32>,
        %get3A_603 = arith.index_cast %rem3A_278 : i32 to index
        %get3A_604 = arith.index_cast %mul3A_443 : i32 to index
        %get3A_605 = arith.constant 112 : index
        %get3A_606 = tpu.vector_load %arg15[%get3A_603, %get3A_604, %get3A_605] {strides = array<i32>} : memref<3x80x128xf32, #tpu.memory_space<vmem>>, vector<16xf32>,
        %mul3A_607 = arith.mulf %get3A_606, %gather3A : vector<16xf32>
        %swap3A_608 = arith.index_cast %rem3A_278 : i32 to index
        %swap3A_609 = arith.index_cast %mul3A_443 : i32 to index
        %swap3A_610 = arith.constant 112 : index
        %swap3A_611 = tpu.vector_load %arg15[%swap3A_608, %swap3A_609, %swap3A_610] {strides = array<i32>} : memref<3x80x128xf32, #tpu.memory_space<vmem>>, vector<16xf32>,
        tpu.vector_store %arg15[%swap3A_608, %swap3A_609, %swap3A_610], %mul3A_607 {strides = array<i32>} : memref<3x80x128xf32, #tpu.memory_space<vmem>>, vector<16xf32>,
        %add3A_612 = arith.constant 1 : i32
        %add3A_613 = arith.addi %mul3A_443, %add3A_612 : i32
        %get3A_614 = arith.index_cast %rem3A_278 : i32 to index
        %get3A_615 = arith.index_cast %add3A_613 : i32 to index
        %get3A_616 = arith.constant 112 : index
        %get3A_617 = tpu.vector_load %arg15[%get3A_614, %get3A_615, %get3A_616] {strides = array<i32>} : memref<3x80x128xf32, #tpu.memory_space<vmem>>, vector<16xf32>,
        %mul3A_618 = arith.mulf %get3A_617, %gather3A_448 : vector<16xf32>
        %add3A_619 = arith.constant 1 : i32
        %add3A_620 = arith.addi %mul3A_443, %add3A_619 : i32
        %swap3A_621 = arith.index_cast %rem3A_278 : i32 to index
        %swap3A_622 = arith.index_cast %add3A_620 : i32 to index
        %swap3A_623 = arith.constant 112 : index
        %swap3A_624 = tpu.vector_load %arg15[%swap3A_621, %swap3A_622, %swap3A_623] {strides = array<i32>} : memref<3x80x128xf32, #tpu.memory_space<vmem>>, vector<16xf32>,
        tpu.vector_store %arg15[%swap3A_621, %swap3A_622, %swap3A_623], %mul3A_618 {strides = array<i32>} : memref<3x80x128xf32, #tpu.memory_space<vmem>>, vector<16xf32>,
      }
      %scan3A_430 = arith.constant 40 : i32
      %dma_start3A_431 = arith.constant 0 : i32
      %dma_start3A_432 = arith.constant 0 : i32
      %dma_start3A_433 = tpu.memref_slice %arg15[%rem3A_278, %dma_start3A_431, %dma_start3A_432] : memref<3x80x128xf32, #tpu.memory_space<vmem>> -> memref<1x80x128xf32, #tpu.memory_space<vmem>>
      %dma_start3A_434 = tpu.memref_squeeze %dma_start3A_433 : memref<1x80x128xf32, #tpu.memory_space<vmem>> -> memref<80x128xf32, #tpu.memory_space<vmem>>
      %dma_start3A_435 = arith.constant 0 : i32
      %dma_start3A_436 = tpu.memref_slice %arg11[%rem3A_280, %dma_start3A_435] : memref<4x80xi32, #tpu.memory_space<vmem>> -> memref<1x80xi32, #tpu.memory_space<vmem>>
      %dma_start3A_437 = tpu.memref_squeeze %dma_start3A_436 : memref<1x80xi32, #tpu.memory_space<vmem>> -> memref<80xi32, #tpu.memory_space<vmem>>
      %dma_start3A_438 = arith.constant 0 : i32
      %dma_start3A_439 = arith.constant 0 : i32
      %dma_start3A_440 = tpu.memref_slice %arg18[%dma_start3A_438, %dma_start3A_439] : memref<10240x128xf32, #tpu.memory_space<vmem_shared>> -> memref<10240x128xf32, #tpu.memory_space<vmem_shared>>
      tpu.enqueue_indirect_dma source(%dma_start3A_434 : memref<80x128xf32, #tpu.memory_space<vmem>>) target(%dma_start3A_440 : memref<10240x128xf32, #tpu.memory_space<vmem_shared>>) offsets(%dma_start3A_437 : memref<80xi32, #tpu.memory_space<vmem>>) semaphore(%arg26 : memref<!tpu.dma_semaphore, #tpu.memory_space<semaphore_mem>>) {add = true}
    }
    %scan3A_231 = arith.constant 125 : i32
    %dma_wait3A_232 = arith.constant 3 : i32
    %dma_wait3A_233 = arith.constant 3 : i32
    %dma_wait3A_234 = arith.constant 0 : i32
    %dma_wait3A_235 = tpu.memref_slice %arg14[%dma_wait3A_232, %dma_wait3A_234] : memref<4x80xf32, #tpu.memory_space<vmem>> -> memref<1x80xf32, #tpu.memory_space<vmem>>
    %dma_wait3A_236 = tpu.memref_squeeze %dma_wait3A_235 : memref<1x80xf32, #tpu.memory_space<vmem>> -> memref<80xf32, #tpu.memory_space<vmem>>
    %dma_wait3A_237 = arith.constant 0 : i32
    %dma_wait3A_238 = tpu.memref_slice %arg11[%dma_wait3A_233, %dma_wait3A_237] : memref<4x80xi32, #tpu.memory_space<vmem>> -> memref<1x80xi32, #tpu.memory_space<vmem>>
    %dma_wait3A_239 = tpu.memref_squeeze %dma_wait3A_238 : memref<1x80xi32, #tpu.memory_space<vmem>> -> memref<80xi32, #tpu.memory_space<vmem>>
    %dma_wait3A_240 = arith.constant 0 : i32
    %dma_wait3A_241 = tpu.memref_slice %arg19[%dma_wait3A_240] : memref<10240xf32, #tpu.memory_space<vmem_shared>> -> memref<10240xf32, #tpu.memory_space<vmem_shared>>
    tpu.wait_indirect_dma semaphore(%arg25 : memref<!tpu.dma_semaphore, #tpu.memory_space<semaphore_mem>>) src(%dma_wait3A_236 : memref<80xf32, #tpu.memory_space<vmem>>) dst(%dma_wait3A_241 : memref<10240xf32, #tpu.memory_space<vmem_shared>>)
    %dma_wait3A_242 = arith.constant 0 : i32
    %dma_wait3A_243 = arith.constant 3 : i32
    %dma_wait3A_244 = arith.constant 0 : i32
    %dma_wait3A_245 = arith.constant 0 : i32
    %dma_wait3A_246 = tpu.memref_slice %arg15[%dma_wait3A_242, %dma_wait3A_244, %dma_wait3A_245] : memref<3x80x128xf32, #tpu.memory_space<vmem>> -> memref<1x80x128xf32, #tpu.memory_space<vmem>>
    %dma_wait3A_247 = tpu.memref_squeeze %dma_wait3A_246 : memref<1x80x128xf32, #tpu.memory_space<vmem>> -> memref<80x128xf32, #tpu.memory_space<vmem>>
    %dma_wait3A_248 = arith.constant 0 : i32
    %dma_wait3A_249 = tpu.memref_slice %arg11[%dma_wait3A_243, %dma_wait3A_248] : memref<4x80xi32, #tpu.memory_space<vmem>> -> memref<1x80xi32, #tpu.memory_space<vmem>>
    %dma_wait3A_250 = tpu.memref_squeeze %dma_wait3A_249 : memref<1x80xi32, #tpu.memory_space<vmem>> -> memref<80xi32, #tpu.memory_space<vmem>>
    %dma_wait3A_251 = arith.constant 0 : i32
    %dma_wait3A_252 = arith.constant 0 : i32
    %dma_wait3A_253 = tpu.memref_slice %arg18[%dma_wait3A_251, %dma_wait3A_252] : memref<10240x128xf32, #tpu.memory_space<vmem_shared>> -> memref<10240x128xf32, #tpu.memory_space<vmem_shared>>
    tpu.wait_indirect_dma semaphore(%arg26 : memref<!tpu.dma_semaphore, #tpu.memory_space<semaphore_mem>>) src(%dma_wait3A_247 : memref<80x128xf32, #tpu.memory_space<vmem>>) dst(%dma_wait3A_253 : memref<10240x128xf32, #tpu.memory_space<vmem_shared>>)
    %dma_wait3A_254 = arith.constant 0 : i32
    %dma_wait3A_255 = arith.constant 0 : i32
    %dma_wait3A_256 = arith.constant 0 : i32
    %dma_wait3A_257 = tpu.memref_slice %arg14[%dma_wait3A_254, %dma_wait3A_256] : memref<4x80xf32, #tpu.memory_space<vmem>> -> memref<1x80xf32, #tpu.memory_space<vmem>>
    %dma_wait3A_258 = tpu.memref_squeeze %dma_wait3A_257 : memref<1x80xf32, #tpu.memory_space<vmem>> -> memref<80xf32, #tpu.memory_space<vmem>>
    %dma_wait3A_259 = arith.constant 0 : i32
    %dma_wait3A_260 = tpu.memref_slice %arg11[%dma_wait3A_255, %dma_wait3A_259] : memref<4x80xi32, #tpu.memory_space<vmem>> -> memref<1x80xi32, #tpu.memory_space<vmem>>
    %dma_wait3A_261 = tpu.memref_squeeze %dma_wait3A_260 : memref<1x80xi32, #tpu.memory_space<vmem>> -> memref<80xi32, #tpu.memory_space<vmem>>
    %dma_wait3A_262 = arith.constant 0 : i32
    %dma_wait3A_263 = tpu.memref_slice %arg19[%dma_wait3A_262] : memref<10240xf32, #tpu.memory_space<vmem_shared>> -> memref<10240xf32, #tpu.memory_space<vmem_shared>>
    tpu.wait_indirect_dma semaphore(%arg25 : memref<!tpu.dma_semaphore, #tpu.memory_space<semaphore_mem>>) src(%dma_wait3A_258 : memref<80xf32, #tpu.memory_space<vmem>>) dst(%dma_wait3A_263 : memref<10240xf32, #tpu.memory_space<vmem_shared>>)
    %dma_wait3A_264 = arith.constant 1 : i32
    %dma_wait3A_265 = arith.constant 0 : i32
    %dma_wait3A_266 = arith.constant 0 : i32
    %dma_wait3A_267 = arith.constant 0 : i32
    %dma_wait3A_268 = tpu.memref_slice %arg15[%dma_wait3A_264, %dma_wait3A_266, %dma_wait3A_267] : memref<3x80x128xf32, #tpu.memory_space<vmem>> -> memref<1x80x128xf32, #tpu.memory_space<vmem>>
    %dma_wait3A_269 = tpu.memref_squeeze %dma_wait3A_268 : memref<1x80x128xf32, #tpu.memory_space<vmem>> -> memref<80x128xf32, #tpu.memory_space<vmem>>
    %dma_wait3A_270 = arith.constant 0 : i32
    %dma_wait3A_271 = tpu.memref_slice %arg11[%dma_wait3A_265, %dma_wait3A_270] : memref<4x80xi32, #tpu.memory_space<vmem>> -> memref<1x80xi32, #tpu.memory_space<vmem>>
    %dma_wait3A_272 = tpu.memref_squeeze %dma_wait3A_271 : memref<1x80xi32, #tpu.memory_space<vmem>> -> memref<80xi32, #tpu.memory_space<vmem>>
    %dma_wait3A_273 = arith.constant 0 : i32
    %dma_wait3A_274 = arith.constant 0 : i32
    %dma_wait3A_275 = tpu.memref_slice %arg18[%dma_wait3A_273, %dma_wait3A_274] : memref<10240x128xf32, #tpu.memory_space<vmem_shared>> -> memref<10240x128xf32, #tpu.memory_space<vmem_shared>>
    tpu.wait_indirect_dma semaphore(%arg26 : memref<!tpu.dma_semaphore, #tpu.memory_space<semaphore_mem>>) src(%dma_wait3A_269 : memref<80x128xf32, #tpu.memory_space<vmem>>) dst(%dma_wait3A_275 : memref<10240x128xf32, #tpu.memory_space<vmem_shared>>)
    %barrier3A_276 = arith.constant 0 : index
    tpu.barrier barrier_id(%barrier3A_276)
    "tpu.region"() ({
      %run_scoped3A_277 = tpu.sem_alloc : memref<!tpu.dma_semaphore, #tpu.memory_space<semaphore_mem>>
      %dma_start3A_278 = arith.constant 0 : i32
      %dma_start3A_279 = tpu.memref_slice %arg8[%arg0, %mul3A_87, %dma_start3A_278] : memref<2x10240x128xf32, #tpu.memory_space<hbm>> -> memref<1x640x128xf32, #tpu.memory_space<hbm>>
      %dma_start3A_280 = tpu.memref_squeeze %dma_start3A_279 : memref<1x640x128xf32, #tpu.memory_space<hbm>> -> memref<640x128xf32, #tpu.memory_space<hbm>>
      %dma_start3A_281 = arith.constant 0 : i32
      %dma_start3A_282 = tpu.memref_slice %arg18[%mul3A_87, %dma_start3A_281] : memref<10240x128xf32, #tpu.memory_space<vmem_shared>> -> memref<640x128xf32, #tpu.memory_space<vmem_shared>>
      tpu.enqueue_dma source(%dma_start3A_282 : memref<640x128xf32, #tpu.memory_space<vmem_shared>>) target(%dma_start3A_280 : memref<640x128xf32, #tpu.memory_space<hbm>>) target_semaphore(%run_scoped3A_277 : memref<!tpu.dma_semaphore, #tpu.memory_space<semaphore_mem>>)
      %dma_wait3A_283 = arith.constant 0 : i32
      %dma_wait3A_284 = tpu.memref_slice %arg8[%arg0, %mul3A_87, %dma_wait3A_283] : memref<2x10240x128xf32, #tpu.memory_space<hbm>> -> memref<1x640x128xf32, #tpu.memory_space<hbm>>
      %dma_wait3A_285 = tpu.memref_squeeze %dma_wait3A_284 : memref<1x640x128xf32, #tpu.memory_space<hbm>> -> memref<640x128xf32, #tpu.memory_space<hbm>>
      %dma_wait3A_286 = arith.constant 0 : i32
      %dma_wait3A_287 = tpu.memref_slice %arg18[%mul3A_87, %dma_wait3A_286] : memref<10240x128xf32, #tpu.memory_space<vmem_shared>> -> memref<640x128xf32, #tpu.memory_space<vmem_shared>>
      tpu.wait_dma2 semaphore(%run_scoped3A_277 : memref<!tpu.dma_semaphore, #tpu.memory_space<semaphore_mem>>) src(%dma_wait3A_287 : memref<640x128xf32, #tpu.memory_space<vmem_shared>>) dst(%dma_wait3A_285 : memref<640x128xf32, #tpu.memory_space<hbm>>)
      tpu.yield
    }) : () -> ()
    "tpu.region"() ({
      %run_scoped3A_277 = tpu.sem_alloc : memref<!tpu.dma_semaphore, #tpu.memory_space<semaphore_mem>>
      %dma_start3A_278 = tpu.memref_slice %arg9[%arg0, %mul3A_87] : memref<2x10240xf32, #tpu.memory_space<hbm>> -> memref<1x640xf32, #tpu.memory_space<hbm>>
      %dma_start3A_279 = tpu.memref_squeeze %dma_start3A_278 : memref<1x640xf32, #tpu.memory_space<hbm>> -> memref<640xf32, #tpu.memory_space<hbm>>
      %dma_start3A_280 = tpu.memref_slice %arg19[%mul3A_87] : memref<10240xf32, #tpu.memory_space<vmem_shared>> -> memref<640xf32, #tpu.memory_space<vmem_shared>>
      tpu.enqueue_dma source(%dma_start3A_280 : memref<640xf32, #tpu.memory_space<vmem_shared>>) target(%dma_start3A_279 : memref<640xf32, #tpu.memory_space<hbm>>) target_semaphore(%run_scoped3A_277 : memref<!tpu.dma_semaphore, #tpu.memory_space<semaphore_mem>>)
      %dma_wait3A_281 = tpu.memref_slice %arg9[%arg0, %mul3A_87] : memref<2x10240xf32, #tpu.memory_space<hbm>> -> memref<1x640xf32, #tpu.memory_space<hbm>>
      %dma_wait3A_282 = tpu.memref_squeeze %dma_wait3A_281 : memref<1x640xf32, #tpu.memory_space<hbm>> -> memref<640xf32, #tpu.memory_space<hbm>>
      %dma_wait3A_283 = tpu.memref_slice %arg19[%mul3A_87] : memref<10240xf32, #tpu.memory_space<vmem_shared>> -> memref<640xf32, #tpu.memory_space<vmem_shared>>
      tpu.wait_dma2 semaphore(%run_scoped3A_277 : memref<!tpu.dma_semaphore, #tpu.memory_space<semaphore_mem>>) src(%dma_wait3A_283 : memref<640xf32, #tpu.memory_space<vmem_shared>>) dst(%dma_wait3A_282 : memref<640xf32, #tpu.memory_space<hbm>>)
      tpu.yield
    }) : () -> ()
    return
  }
}

#map = affine_map<(d0, d1) -> (0, 0, 0)>
#map1 = affine_map<(d0, d1) -> (0)>
#map2 = affine_map<(d0, d1) -> (0, 0)>
module attributes {stable_mosaic.version = 14 : i64} {
  func.func @_sc_aggregate(%arg0: i32, %arg1: i32, %arg2: memref<32x125x80xi32, #tpu.memory_space<hbm>>, %arg3: memref<32x125x80xi32, #tpu.memory_space<hbm>>, %arg4: memref<10240xf32, #tpu.memory_space<hbm>>, %arg5: memref<10240xf32, #tpu.memory_space<hbm>>, %arg6: memref<16xf32, #tpu.memory_space<hbm>>, %arg7: memref<10240x128xf32, #tpu.memory_space<hbm>>, %arg8: memref<2x10240x128xf32, #tpu.memory_space<hbm>>, %arg9: memref<2x10240xf32, #tpu.memory_space<hbm>>, %arg10: memref<3x80xi32, #tpu.memory_space<vmem>>, %arg11: memref<4x80xi32, #tpu.memory_space<vmem>>, %arg12: memref<2x80xf32, #tpu.memory_space<vmem>>, %arg13: memref<2x80xf32, #tpu.memory_space<vmem>>, %arg14: memref<4x80xf32, #tpu.memory_space<vmem>>, %arg15: memref<3x80x128xf32, #tpu.memory_space<vmem>>, %arg16: memref<16xf32, #tpu.memory_space<vmem>>, %arg17: memref<640xf32, #tpu.memory_space<vmem>>, %arg18: memref<10240x128xf32, #tpu.memory_space<vmem_shared>>, %arg19: memref<10240xf32, #tpu.memory_space<vmem_shared>>, %arg20: memref<!tpu.dma_semaphore, #tpu.memory_space<semaphore_mem>>, %arg21: memref<!tpu.dma_semaphore, #tpu.memory_space<semaphore_mem>>, %arg22: memref<!tpu.dma_semaphore, #tpu.memory_space<semaphore_mem>>, %arg23: memref<!tpu.dma_semaphore, #tpu.memory_space<semaphore_mem>>, %arg24: memref<!tpu.dma_semaphore, #tpu.memory_space<semaphore_mem>>, %arg25: memref<!tpu.dma_semaphore, #tpu.memory_space<semaphore_mem>>, %arg26: memref<!tpu.dma_semaphore, #tpu.memory_space<semaphore_mem>>) attributes {dimension_semantics = [#tpu.dimension_semantics<core_parallel>, #tpu.dimension_semantics<subcore_parallel>], iteration_bounds = array<i64: 2, 16>, scalar_prefetch = 0 : i64, scratch_operands = 17 : i64, tpu.core_type = #tpu.core_type<sc_vector_subcore>, window_params = [{transform_indices = #map}, {transform_indices = #map}, {transform_indices = #map1}, {transform_indices = #map1}, {transform_indices = #map1}, {transform_indices = #map2}, {transform_indices = #map}, {transform_indices = #map2}]} {
    %mul3A = arith.constant 2 : i32
    %mul3A_0 = arith.muli %arg1, %mul3A : i32
    %add3A = arith.addi %mul3A_0, %arg0 : i32
    %broadcast_in_dim3A = arith.constant 0.000000e+00 : f32
    %broadcast_in_dim3A_1 = vector.broadcast %broadcast_in_dim3A : f32 to vector<16xf32>
    %scan3A = arith.constant 0 : i32
    %scan3A_2 = arith.constant 0 : i32
    %scan3A_3 = arith.constant 80 : i32
    %scan3A_4 = arith.addi %scan3A_2, %scan3A_3 : i32
    %scan3A_5 = arith.constant 1 : i32
    scf.for %scan3A_277 = %scan3A_2 to %scan3A_4 step %scan3A_5  : i32 {
      %swap3A_278 = arith.constant 0 : i32
      %swap3A_279 = arith.index_cast %swap3A_278 : i32 to index
      %swap3A_280 = arith.index_cast %scan3A_277 : i32 to index
      %swap3A_281 = arith.constant 0 : index
      %swap3A_282 = tpu.vector_load %arg15[%swap3A_279, %swap3A_280, %swap3A_281] {strides = array<i32>} : memref<3x80x128xf32, #tpu.memory_space<vmem>>, vector<16xf32>,
      tpu.vector_store %arg15[%swap3A_279, %swap3A_280, %swap3A_281], %broadcast_in_dim3A_1 {strides = array<i32>} : memref<3x80x128xf32, #tpu.memory_space<vmem>>, vector<16xf32>,
      %swap3A_283 = arith.constant 0 : i32
      %swap3A_284 = arith.index_cast %swap3A_283 : i32 to index
      %swap3A_285 = arith.index_cast %scan3A_277 : i32 to index
      %swap3A_286 = arith.constant 16 : index
      %swap3A_287 = tpu.vector_load %arg15[%swap3A_284, %swap3A_285, %swap3A_286] {strides = array<i32>} : memref<3x80x128xf32, #tpu.memory_space<vmem>>, vector<16xf32>,
      tpu.vector_store %arg15[%swap3A_284, %swap3A_285, %swap3A_286], %broadcast_in_dim3A_1 {strides = array<i32>} : memref<3x80x128xf32, #tpu.memory_space<vmem>>, vector<16xf32>,
      %swap3A_288 = arith.constant 0 : i32
      %swap3A_289 = arith.index_cast %swap3A_288 : i32 to index
      %swap3A_290 = arith.index_cast %scan3A_277 : i32 to index
      %swap3A_291 = arith.constant 32 : index
      %swap3A_292 = tpu.vector_load %arg15[%swap3A_289, %swap3A_290, %swap3A_291] {strides = array<i32>} : memref<3x80x128xf32, #tpu.memory_space<vmem>>, vector<16xf32>,
      tpu.vector_store %arg15[%swap3A_289, %swap3A_290, %swap3A_291], %broadcast_in_dim3A_1 {strides = array<i32>} : memref<3x80x128xf32, #tpu.memory_space<vmem>>, vector<16xf32>,
      %swap3A_293 = arith.constant 0 : i32
      %swap3A_294 = arith.index_cast %swap3A_293 : i32 to index
      %swap3A_295 = arith.index_cast %scan3A_277 : i32 to index
      %swap3A_296 = arith.constant 48 : index
      %swap3A_297 = tpu.vector_load %arg15[%swap3A_294, %swap3A_295, %swap3A_296] {strides = array<i32>} : memref<3x80x128xf32, #tpu.memory_space<vmem>>, vector<16xf32>,
      tpu.vector_store %arg15[%swap3A_294, %swap3A_295, %swap3A_296], %broadcast_in_dim3A_1 {strides = array<i32>} : memref<3x80x128xf32, #tpu.memory_space<vmem>>, vector<16xf32>,
      %swap3A_298 = arith.constant 0 : i32
      %swap3A_299 = arith.index_cast %swap3A_298 : i32 to index
      %swap3A_300 = arith.index_cast %scan3A_277 : i32 to index
      %swap3A_301 = arith.constant 64 : index
      %swap3A_302 = tpu.vector_load %arg15[%swap3A_299, %swap3A_300, %swap3A_301] {strides = array<i32>} : memref<3x80x128xf32, #tpu.memory_space<vmem>>, vector<16xf32>,
      tpu.vector_store %arg15[%swap3A_299, %swap3A_300, %swap3A_301], %broadcast_in_dim3A_1 {strides = array<i32>} : memref<3x80x128xf32, #tpu.memory_space<vmem>>, vector<16xf32>,
      %swap3A_303 = arith.constant 0 : i32
      %swap3A_304 = arith.index_cast %swap3A_303 : i32 to index
      %swap3A_305 = arith.index_cast %scan3A_277 : i32 to index
      %swap3A_306 = arith.constant 80 : index
      %swap3A_307 = tpu.vector_load %arg15[%swap3A_304, %swap3A_305, %swap3A_306] {strides = array<i32>} : memref<3x80x128xf32, #tpu.memory_space<vmem>>, vector<16xf32>,
      tpu.vector_store %arg15[%swap3A_304, %swap3A_305, %swap3A_306], %broadcast_in_dim3A_1 {strides = array<i32>} : memref<3x80x128xf32, #tpu.memory_space<vmem>>, vector<16xf32>,
      %swap3A_308 = arith.constant 0 : i32
      %swap3A_309 = arith.index_cast %swap3A_308 : i32 to index
      %swap3A_310 = arith.index_cast %scan3A_277 : i32 to index
      %swap3A_311 = arith.constant 96 : index
      %swap3A_312 = tpu.vector_load %arg15[%swap3A_309, %swap3A_310, %swap3A_311] {strides = array<i32>} : memref<3x80x128xf32, #tpu.memory_space<vmem>>, vector<16xf32>,
      tpu.vector_store %arg15[%swap3A_309, %swap3A_310, %swap3A_311], %broadcast_in_dim3A_1 {strides = array<i32>} : memref<3x80x128xf32, #tpu.memory_space<vmem>>, vector<16xf32>,
      %swap3A_313 = arith.constant 0 : i32
      %swap3A_314 = arith.index_cast %swap3A_313 : i32 to index
      %swap3A_315 = arith.index_cast %scan3A_277 : i32 to index
      %swap3A_316 = arith.constant 112 : index
      %swap3A_317 = tpu.vector_load %arg15[%swap3A_314, %swap3A_315, %swap3A_316] {strides = array<i32>} : memref<3x80x128xf32, #tpu.memory_space<vmem>>, vector<16xf32>,
      tpu.vector_store %arg15[%swap3A_314, %swap3A_315, %swap3A_316], %broadcast_in_dim3A_1 {strides = array<i32>} : memref<3x80x128xf32, #tpu.memory_space<vmem>>, vector<16xf32>,
    }
    %scan3A_6 = arith.constant 80 : i32
    %swap3A = arith.constant 0 : index
    %swap3A_7 = tpu.vector_load %arg17[%swap3A] {strides = array<i32>} : memref<640xf32, #tpu.memory_space<vmem>>, vector<16xf32>,
    tpu.vector_store %arg17[%swap3A], %broadcast_in_dim3A_1 {strides = array<i32>} : memref<640xf32, #tpu.memory_space<vmem>>, vector<16xf32>,
    %swap3A_8 = arith.constant 16 : index
    %swap3A_9 = tpu.vector_load %arg17[%swap3A_8] {strides = array<i32>} : memref<640xf32, #tpu.memory_space<vmem>>, vector<16xf32>,
    tpu.vector_store %arg17[%swap3A_8], %broadcast_in_dim3A_1 {strides = array<i32>} : memref<640xf32, #tpu.memory_space<vmem>>, vector<16xf32>,
    %swap3A_10 = arith.constant 32 : index
    %swap3A_11 = tpu.vector_load %arg17[%swap3A_10] {strides = array<i32>} : memref<640xf32, #tpu.memory_space<vmem>>, vector<16xf32>,
    tpu.vector_store %arg17[%swap3A_10], %broadcast_in_dim3A_1 {strides = array<i32>} : memref<640xf32, #tpu.memory_space<vmem>>, vector<16xf32>,
    %swap3A_12 = arith.constant 48 : index
    %swap3A_13 = tpu.vector_load %arg17[%swap3A_12] {strides = array<i32>} : memref<640xf32, #tpu.memory_space<vmem>>, vector<16xf32>,
    tpu.vector_store %arg17[%swap3A_12], %broadcast_in_dim3A_1 {strides = array<i32>} : memref<640xf32, #tpu.memory_space<vmem>>, vector<16xf32>,
    %swap3A_14 = arith.constant 64 : index
    %swap3A_15 = tpu.vector_load %arg17[%swap3A_14] {strides = array<i32>} : memref<640xf32, #tpu.memory_space<vmem>>, vector<16xf32>,
    tpu.vector_store %arg17[%swap3A_14], %broadcast_in_dim3A_1 {strides = array<i32>} : memref<640xf32, #tpu.memory_space<vmem>>, vector<16xf32>,
    %swap3A_16 = arith.constant 80 : index
    %swap3A_17 = tpu.vector_load %arg17[%swap3A_16] {strides = array<i32>} : memref<640xf32, #tpu.memory_space<vmem>>, vector<16xf32>,
    tpu.vector_store %arg17[%swap3A_16], %broadcast_in_dim3A_1 {strides = array<i32>} : memref<640xf32, #tpu.memory_space<vmem>>, vector<16xf32>,
    %swap3A_18 = arith.constant 96 : index
    %swap3A_19 = tpu.vector_load %arg17[%swap3A_18] {strides = array<i32>} : memref<640xf32, #tpu.memory_space<vmem>>, vector<16xf32>,
    tpu.vector_store %arg17[%swap3A_18], %broadcast_in_dim3A_1 {strides = array<i32>} : memref<640xf32, #tpu.memory_space<vmem>>, vector<16xf32>,
    %swap3A_20 = arith.constant 112 : index
    %swap3A_21 = tpu.vector_load %arg17[%swap3A_20] {strides = array<i32>} : memref<640xf32, #tpu.memory_space<vmem>>, vector<16xf32>,
    tpu.vector_store %arg17[%swap3A_20], %broadcast_in_dim3A_1 {strides = array<i32>} : memref<640xf32, #tpu.memory_space<vmem>>, vector<16xf32>,
    %swap3A_22 = arith.constant 128 : index
    %swap3A_23 = tpu.vector_load %arg17[%swap3A_22] {strides = array<i32>} : memref<640xf32, #tpu.memory_space<vmem>>, vector<16xf32>,
    tpu.vector_store %arg17[%swap3A_22], %broadcast_in_dim3A_1 {strides = array<i32>} : memref<640xf32, #tpu.memory_space<vmem>>, vector<16xf32>,
    %swap3A_24 = arith.constant 144 : index
    %swap3A_25 = tpu.vector_load %arg17[%swap3A_24] {strides = array<i32>} : memref<640xf32, #tpu.memory_space<vmem>>, vector<16xf32>,
    tpu.vector_store %arg17[%swap3A_24], %broadcast_in_dim3A_1 {strides = array<i32>} : memref<640xf32, #tpu.memory_space<vmem>>, vector<16xf32>,
    %swap3A_26 = arith.constant 160 : index
    %swap3A_27 = tpu.vector_load %arg17[%swap3A_26] {strides = array<i32>} : memref<640xf32, #tpu.memory_space<vmem>>, vector<16xf32>,
    tpu.vector_store %arg17[%swap3A_26], %broadcast_in_dim3A_1 {strides = array<i32>} : memref<640xf32, #tpu.memory_space<vmem>>, vector<16xf32>,
    %swap3A_28 = arith.constant 176 : index
    %swap3A_29 = tpu.vector_load %arg17[%swap3A_28] {strides = array<i32>} : memref<640xf32, #tpu.memory_space<vmem>>, vector<16xf32>,
    tpu.vector_store %arg17[%swap3A_28], %broadcast_in_dim3A_1 {strides = array<i32>} : memref<640xf32, #tpu.memory_space<vmem>>, vector<16xf32>,
    %swap3A_30 = arith.constant 192 : index
    %swap3A_31 = tpu.vector_load %arg17[%swap3A_30] {strides = array<i32>} : memref<640xf32, #tpu.memory_space<vmem>>, vector<16xf32>,
    tpu.vector_store %arg17[%swap3A_30], %broadcast_in_dim3A_1 {strides = array<i32>} : memref<640xf32, #tpu.memory_space<vmem>>, vector<16xf32>,
    %swap3A_32 = arith.constant 208 : index
    %swap3A_33 = tpu.vector_load %arg17[%swap3A_32] {strides = array<i32>} : memref<640xf32, #tpu.memory_space<vmem>>, vector<16xf32>,
    tpu.vector_store %arg17[%swap3A_32], %broadcast_in_dim3A_1 {strides = array<i32>} : memref<640xf32, #tpu.memory_space<vmem>>, vector<16xf32>,
    %swap3A_34 = arith.constant 224 : index
    %swap3A_35 = tpu.vector_load %arg17[%swap3A_34] {strides = array<i32>} : memref<640xf32, #tpu.memory_space<vmem>>, vector<16xf32>,
    tpu.vector_store %arg17[%swap3A_34], %broadcast_in_dim3A_1 {strides = array<i32>} : memref<640xf32, #tpu.memory_space<vmem>>, vector<16xf32>,
    %swap3A_36 = arith.constant 240 : index
    %swap3A_37 = tpu.vector_load %arg17[%swap3A_36] {strides = array<i32>} : memref<640xf32, #tpu.memory_space<vmem>>, vector<16xf32>,
    tpu.vector_store %arg17[%swap3A_36], %broadcast_in_dim3A_1 {strides = array<i32>} : memref<640xf32, #tpu.memory_space<vmem>>, vector<16xf32>,
    %swap3A_38 = arith.constant 256 : index
    %swap3A_39 = tpu.vector_load %arg17[%swap3A_38] {strides = array<i32>} : memref<640xf32, #tpu.memory_space<vmem>>, vector<16xf32>,
    tpu.vector_store %arg17[%swap3A_38], %broadcast_in_dim3A_1 {strides = array<i32>} : memref<640xf32, #tpu.memory_space<vmem>>, vector<16xf32>,
    %swap3A_40 = arith.constant 272 : index
    %swap3A_41 = tpu.vector_load %arg17[%swap3A_40] {strides = array<i32>} : memref<640xf32, #tpu.memory_space<vmem>>, vector<16xf32>,
    tpu.vector_store %arg17[%swap3A_40], %broadcast_in_dim3A_1 {strides = array<i32>} : memref<640xf32, #tpu.memory_space<vmem>>, vector<16xf32>,
    %swap3A_42 = arith.constant 288 : index
    %swap3A_43 = tpu.vector_load %arg17[%swap3A_42] {strides = array<i32>} : memref<640xf32, #tpu.memory_space<vmem>>, vector<16xf32>,
    tpu.vector_store %arg17[%swap3A_42], %broadcast_in_dim3A_1 {strides = array<i32>} : memref<640xf32, #tpu.memory_space<vmem>>, vector<16xf32>,
    %swap3A_44 = arith.constant 304 : index
    %swap3A_45 = tpu.vector_load %arg17[%swap3A_44] {strides = array<i32>} : memref<640xf32, #tpu.memory_space<vmem>>, vector<16xf32>,
    tpu.vector_store %arg17[%swap3A_44], %broadcast_in_dim3A_1 {strides = array<i32>} : memref<640xf32, #tpu.memory_space<vmem>>, vector<16xf32>,
    %swap3A_46 = arith.constant 320 : index
    %swap3A_47 = tpu.vector_load %arg17[%swap3A_46] {strides = array<i32>} : memref<640xf32, #tpu.memory_space<vmem>>, vector<16xf32>,
    tpu.vector_store %arg17[%swap3A_46], %broadcast_in_dim3A_1 {strides = array<i32>} : memref<640xf32, #tpu.memory_space<vmem>>, vector<16xf32>,
    %swap3A_48 = arith.constant 336 : index
    %swap3A_49 = tpu.vector_load %arg17[%swap3A_48] {strides = array<i32>} : memref<640xf32, #tpu.memory_space<vmem>>, vector<16xf32>,
    tpu.vector_store %arg17[%swap3A_48], %broadcast_in_dim3A_1 {strides = array<i32>} : memref<640xf32, #tpu.memory_space<vmem>>, vector<16xf32>,
    %swap3A_50 = arith.constant 352 : index
    %swap3A_51 = tpu.vector_load %arg17[%swap3A_50] {strides = array<i32>} : memref<640xf32, #tpu.memory_space<vmem>>, vector<16xf32>,
    tpu.vector_store %arg17[%swap3A_50], %broadcast_in_dim3A_1 {strides = array<i32>} : memref<640xf32, #tpu.memory_space<vmem>>, vector<16xf32>,
    %swap3A_52 = arith.constant 368 : index
    %swap3A_53 = tpu.vector_load %arg17[%swap3A_52] {strides = array<i32>} : memref<640xf32, #tpu.memory_space<vmem>>, vector<16xf32>,
    tpu.vector_store %arg17[%swap3A_52], %broadcast_in_dim3A_1 {strides = array<i32>} : memref<640xf32, #tpu.memory_space<vmem>>, vector<16xf32>,
    %swap3A_54 = arith.constant 384 : index
    %swap3A_55 = tpu.vector_load %arg17[%swap3A_54] {strides = array<i32>} : memref<640xf32, #tpu.memory_space<vmem>>, vector<16xf32>,
    tpu.vector_store %arg17[%swap3A_54], %broadcast_in_dim3A_1 {strides = array<i32>} : memref<640xf32, #tpu.memory_space<vmem>>, vector<16xf32>,
    %swap3A_56 = arith.constant 400 : index
    %swap3A_57 = tpu.vector_load %arg17[%swap3A_56] {strides = array<i32>} : memref<640xf32, #tpu.memory_space<vmem>>, vector<16xf32>,
    tpu.vector_store %arg17[%swap3A_56], %broadcast_in_dim3A_1 {strides = array<i32>} : memref<640xf32, #tpu.memory_space<vmem>>, vector<16xf32>,
    %swap3A_58 = arith.constant 416 : index
    %swap3A_59 = tpu.vector_load %arg17[%swap3A_58] {strides = array<i32>} : memref<640xf32, #tpu.memory_space<vmem>>, vector<16xf32>,
    tpu.vector_store %arg17[%swap3A_58], %broadcast_in_dim3A_1 {strides = array<i32>} : memref<640xf32, #tpu.memory_space<vmem>>, vector<16xf32>,
    %swap3A_60 = arith.constant 432 : index
    %swap3A_61 = tpu.vector_load %arg17[%swap3A_60] {strides = array<i32>} : memref<640xf32, #tpu.memory_space<vmem>>, vector<16xf32>,
    tpu.vector_store %arg17[%swap3A_60], %broadcast_in_dim3A_1 {strides = array<i32>} : memref<640xf32, #tpu.memory_space<vmem>>, vector<16xf32>,
    %swap3A_62 = arith.constant 448 : index
    %swap3A_63 = tpu.vector_load %arg17[%swap3A_62] {strides = array<i32>} : memref<640xf32, #tpu.memory_space<vmem>>, vector<16xf32>,
    tpu.vector_store %arg17[%swap3A_62], %broadcast_in_dim3A_1 {strides = array<i32>} : memref<640xf32, #tpu.memory_space<vmem>>, vector<16xf32>,
    %swap3A_64 = arith.constant 464 : index
    %swap3A_65 = tpu.vector_load %arg17[%swap3A_64] {strides = array<i32>} : memref<640xf32, #tpu.memory_space<vmem>>, vector<16xf32>,
    tpu.vector_store %arg17[%swap3A_64], %broadcast_in_dim3A_1 {strides = array<i32>} : memref<640xf32, #tpu.memory_space<vmem>>, vector<16xf32>,
    %swap3A_66 = arith.constant 480 : index
    %swap3A_67 = tpu.vector_load %arg17[%swap3A_66] {strides = array<i32>} : memref<640xf32, #tpu.memory_space<vmem>>, vector<16xf32>,
    tpu.vector_store %arg17[%swap3A_66], %broadcast_in_dim3A_1 {strides = array<i32>} : memref<640xf32, #tpu.memory_space<vmem>>, vector<16xf32>,
    %swap3A_68 = arith.constant 496 : index
    %swap3A_69 = tpu.vector_load %arg17[%swap3A_68] {strides = array<i32>} : memref<640xf32, #tpu.memory_space<vmem>>, vector<16xf32>,
    tpu.vector_store %arg17[%swap3A_68], %broadcast_in_dim3A_1 {strides = array<i32>} : memref<640xf32, #tpu.memory_space<vmem>>, vector<16xf32>,
    %swap3A_70 = arith.constant 512 : index
    %swap3A_71 = tpu.vector_load %arg17[%swap3A_70] {strides = array<i32>} : memref<640xf32, #tpu.memory_space<vmem>>, vector<16xf32>,
    tpu.vector_store %arg17[%swap3A_70], %broadcast_in_dim3A_1 {strides = array<i32>} : memref<640xf32, #tpu.memory_space<vmem>>, vector<16xf32>,
    %swap3A_72 = arith.constant 528 : index
    %swap3A_73 = tpu.vector_load %arg17[%swap3A_72] {strides = array<i32>} : memref<640xf32, #tpu.memory_space<vmem>>, vector<16xf32>,
    tpu.vector_store %arg17[%swap3A_72], %broadcast_in_dim3A_1 {strides = array<i32>} : memref<640xf32, #tpu.memory_space<vmem>>, vector<16xf32>,
    %swap3A_74 = arith.constant 544 : index
    %swap3A_75 = tpu.vector_load %arg17[%swap3A_74] {strides = array<i32>} : memref<640xf32, #tpu.memory_space<vmem>>, vector<16xf32>,
    tpu.vector_store %arg17[%swap3A_74], %broadcast_in_dim3A_1 {strides = array<i32>} : memref<640xf32, #tpu.memory_space<vmem>>, vector<16xf32>,
    %swap3A_76 = arith.constant 560 : index
    %swap3A_77 = tpu.vector_load %arg17[%swap3A_76] {strides = array<i32>} : memref<640xf32, #tpu.memory_space<vmem>>, vector<16xf32>,
    tpu.vector_store %arg17[%swap3A_76], %broadcast_in_dim3A_1 {strides = array<i32>} : memref<640xf32, #tpu.memory_space<vmem>>, vector<16xf32>,
    %swap3A_78 = arith.constant 576 : index
    %swap3A_79 = tpu.vector_load %arg17[%swap3A_78] {strides = array<i32>} : memref<640xf32, #tpu.memory_space<vmem>>, vector<16xf32>,
    tpu.vector_store %arg17[%swap3A_78], %broadcast_in_dim3A_1 {strides = array<i32>} : memref<640xf32, #tpu.memory_space<vmem>>, vector<16xf32>,
    %swap3A_80 = arith.constant 592 : index
    %swap3A_81 = tpu.vector_load %arg17[%swap3A_80] {strides = array<i32>} : memref<640xf32, #tpu.memory_space<vmem>>, vector<16xf32>,
    tpu.vector_store %arg17[%swap3A_80], %broadcast_in_dim3A_1 {strides = array<i32>} : memref<640xf32, #tpu.memory_space<vmem>>, vector<16xf32>,
    %swap3A_82 = arith.constant 608 : index
    %swap3A_83 = tpu.vector_load %arg17[%swap3A_82] {strides = array<i32>} : memref<640xf32, #tpu.memory_space<vmem>>, vector<16xf32>,
    tpu.vector_store %arg17[%swap3A_82], %broadcast_in_dim3A_1 {strides = array<i32>} : memref<640xf32, #tpu.memory_space<vmem>>, vector<16xf32>,
    %swap3A_84 = arith.constant 624 : index
    %swap3A_85 = tpu.vector_load %arg17[%swap3A_84] {strides = array<i32>} : memref<640xf32, #tpu.memory_space<vmem>>, vector<16xf32>,
    tpu.vector_store %arg17[%swap3A_84], %broadcast_in_dim3A_1 {strides = array<i32>} : memref<640xf32, #tpu.memory_space<vmem>>, vector<16xf32>,
    %mul3A_86 = arith.constant 640 : i32
    %mul3A_87 = arith.muli %arg1, %mul3A_86 : i32
    %add3A_88 = arith.constant 0 : i32
    %add3A_89 = arith.addi %mul3A_87, %add3A_88 : i32
    %run_scoped3A = arith.constant 0 : i32
    "tpu.region"() ({
      %run_scoped3A_277 = tpu.sem_alloc : memref<!tpu.dma_semaphore, #tpu.memory_space<semaphore_mem>>
      %dma_start3A_278 = arith.constant 0 : i32
      %dma_start3A_279 = arith.constant 0 : i32
      %dma_start3A_280 = tpu.memref_slice %arg15[%run_scoped3A, %dma_start3A_278, %dma_start3A_279] : memref<3x80x128xf32, #tpu.memory_space<vmem>> -> memref<1x80x128xf32, #tpu.memory_space<vmem>>
      %dma_start3A_281 = tpu.memref_squeeze %dma_start3A_280 : memref<1x80x128xf32, #tpu.memory_space<vmem>> -> memref<80x128xf32, #tpu.memory_space<vmem>>
      %dma_start3A_282 = arith.constant 0 : i32
      %dma_start3A_283 = tpu.memref_slice %arg18[%add3A_89, %dma_start3A_282] : memref<10240x128xf32, #tpu.memory_space<vmem_shared>> -> memref<80x128xf32, #tpu.memory_space<vmem_shared>>
      %dma_start3A_284 = arith.constant 0 : i32
      %dma_start3A_285 = tpu.memref_slice %arg18[%add3A_89, %dma_start3A_284] : memref<10240x128xf32, #tpu.memory_space<vmem_shared>> -> memref<80x128xf32, #tpu.memory_space<vmem_shared>>
      %dma_start3A_286 = arith.constant 0 : i32
      %dma_start3A_287 = arith.constant 0 : i32
      %dma_start3A_288 = tpu.memref_slice %arg15[%run_scoped3A, %dma_start3A_286, %dma_start3A_287] : memref<3x80x128xf32, #tpu.memory_space<vmem>> -> memref<1x80x128xf32, #tpu.memory_space<vmem>>
      %dma_start3A_289 = tpu.memref_squeeze %dma_start3A_288 : memref<1x80x128xf32, #tpu.memory_space<vmem>> -> memref<80x128xf32, #tpu.memory_space<vmem>>
      tpu.enqueue_dma source(%dma_start3A_289 : memref<80x128xf32, #tpu.memory_space<vmem>>) target(%dma_start3A_285 : memref<80x128xf32, #tpu.memory_space<vmem_shared>>) target_semaphore(%run_scoped3A_277 : memref<!tpu.dma_semaphore, #tpu.memory_space<semaphore_mem>>)
      %dma_wait3A_290 = arith.constant 0 : i32
      %dma_wait3A_291 = arith.constant 0 : i32
      %dma_wait3A_292 = tpu.memref_slice %arg15[%run_scoped3A, %dma_wait3A_290, %dma_wait3A_291] : memref<3x80x128xf32, #tpu.memory_space<vmem>> -> memref<1x80x128xf32, #tpu.memory_space<vmem>>
      %dma_wait3A_293 = tpu.memref_squeeze %dma_wait3A_292 : memref<1x80x128xf32, #tpu.memory_space<vmem>> -> memref<80x128xf32, #tpu.memory_space<vmem>>
      %dma_wait3A_294 = arith.constant 0 : i32
      %dma_wait3A_295 = tpu.memref_slice %arg18[%add3A_89, %dma_wait3A_294] : memref<10240x128xf32, #tpu.memory_space<vmem_shared>> -> memref<80x128xf32, #tpu.memory_space<vmem_shared>>
      %dma_wait3A_296 = arith.constant 0 : i32
      %dma_wait3A_297 = tpu.memref_slice %arg18[%add3A_89, %dma_wait3A_296] : memref<10240x128xf32, #tpu.memory_space<vmem_shared>> -> memref<80x128xf32, #tpu.memory_space<vmem_shared>>
      %dma_wait3A_298 = arith.constant 0 : i32
      %dma_wait3A_299 = arith.constant 0 : i32
      %dma_wait3A_300 = tpu.memref_slice %arg15[%run_scoped3A, %dma_wait3A_298, %dma_wait3A_299] : memref<3x80x128xf32, #tpu.memory_space<vmem>> -> memref<1x80x128xf32, #tpu.memory_space<vmem>>
      %dma_wait3A_301 = tpu.memref_squeeze %dma_wait3A_300 : memref<1x80x128xf32, #tpu.memory_space<vmem>> -> memref<80x128xf32, #tpu.memory_space<vmem>>
      tpu.wait_dma2 semaphore(%run_scoped3A_277 : memref<!tpu.dma_semaphore, #tpu.memory_space<semaphore_mem>>) src(%dma_wait3A_301 : memref<80x128xf32, #tpu.memory_space<vmem>>) dst(%dma_wait3A_297 : memref<80x128xf32, #tpu.memory_space<vmem_shared>>)
      tpu.yield
    }) : () -> ()
    %add3A_90 = arith.constant 80 : i32
    %add3A_91 = arith.addi %mul3A_87, %add3A_90 : i32
    %run_scoped3A_92 = arith.constant 0 : i32
    "tpu.region"() ({
      %run_scoped3A_277 = tpu.sem_alloc : memref<!tpu.dma_semaphore, #tpu.memory_space<semaphore_mem>>
      %dma_start3A_278 = arith.constant 0 : i32
      %dma_start3A_279 = arith.constant 0 : i32
      %dma_start3A_280 = tpu.memref_slice %arg15[%run_scoped3A_92, %dma_start3A_278, %dma_start3A_279] : memref<3x80x128xf32, #tpu.memory_space<vmem>> -> memref<1x80x128xf32, #tpu.memory_space<vmem>>
      %dma_start3A_281 = tpu.memref_squeeze %dma_start3A_280 : memref<1x80x128xf32, #tpu.memory_space<vmem>> -> memref<80x128xf32, #tpu.memory_space<vmem>>
      %dma_start3A_282 = arith.constant 0 : i32
      %dma_start3A_283 = tpu.memref_slice %arg18[%add3A_91, %dma_start3A_282] : memref<10240x128xf32, #tpu.memory_space<vmem_shared>> -> memref<80x128xf32, #tpu.memory_space<vmem_shared>>
      %dma_start3A_284 = arith.constant 0 : i32
      %dma_start3A_285 = tpu.memref_slice %arg18[%add3A_91, %dma_start3A_284] : memref<10240x128xf32, #tpu.memory_space<vmem_shared>> -> memref<80x128xf32, #tpu.memory_space<vmem_shared>>
      %dma_start3A_286 = arith.constant 0 : i32
      %dma_start3A_287 = arith.constant 0 : i32
      %dma_start3A_288 = tpu.memref_slice %arg15[%run_scoped3A_92, %dma_start3A_286, %dma_start3A_287] : memref<3x80x128xf32, #tpu.memory_space<vmem>> -> memref<1x80x128xf32, #tpu.memory_space<vmem>>
      %dma_start3A_289 = tpu.memref_squeeze %dma_start3A_288 : memref<1x80x128xf32, #tpu.memory_space<vmem>> -> memref<80x128xf32, #tpu.memory_space<vmem>>
      tpu.enqueue_dma source(%dma_start3A_289 : memref<80x128xf32, #tpu.memory_space<vmem>>) target(%dma_start3A_285 : memref<80x128xf32, #tpu.memory_space<vmem_shared>>) target_semaphore(%run_scoped3A_277 : memref<!tpu.dma_semaphore, #tpu.memory_space<semaphore_mem>>)
      %dma_wait3A_290 = arith.constant 0 : i32
      %dma_wait3A_291 = arith.constant 0 : i32
      %dma_wait3A_292 = tpu.memref_slice %arg15[%run_scoped3A_92, %dma_wait3A_290, %dma_wait3A_291] : memref<3x80x128xf32, #tpu.memory_space<vmem>> -> memref<1x80x128xf32, #tpu.memory_space<vmem>>
      %dma_wait3A_293 = tpu.memref_squeeze %dma_wait3A_292 : memref<1x80x128xf32, #tpu.memory_space<vmem>> -> memref<80x128xf32, #tpu.memory_space<vmem>>
      %dma_wait3A_294 = arith.constant 0 : i32
      %dma_wait3A_295 = tpu.memref_slice %arg18[%add3A_91, %dma_wait3A_294] : memref<10240x128xf32, #tpu.memory_space<vmem_shared>> -> memref<80x128xf32, #tpu.memory_space<vmem_shared>>
      %dma_wait3A_296 = arith.constant 0 : i32
      %dma_wait3A_297 = tpu.memref_slice %arg18[%add3A_91, %dma_wait3A_296] : memref<10240x128xf32, #tpu.memory_space<vmem_shared>> -> memref<80x128xf32, #tpu.memory_space<vmem_shared>>
      %dma_wait3A_298 = arith.constant 0 : i32
      %dma_wait3A_299 = arith.constant 0 : i32
      %dma_wait3A_300 = tpu.memref_slice %arg15[%run_scoped3A_92, %dma_wait3A_298, %dma_wait3A_299] : memref<3x80x128xf32, #tpu.memory_space<vmem>> -> memref<1x80x128xf32, #tpu.memory_space<vmem>>
      %dma_wait3A_301 = tpu.memref_squeeze %dma_wait3A_300 : memref<1x80x128xf32, #tpu.memory_space<vmem>> -> memref<80x128xf32, #tpu.memory_space<vmem>>
      tpu.wait_dma2 semaphore(%run_scoped3A_277 : memref<!tpu.dma_semaphore, #tpu.memory_space<semaphore_mem>>) src(%dma_wait3A_301 : memref<80x128xf32, #tpu.memory_space<vmem>>) dst(%dma_wait3A_297 : memref<80x128xf32, #tpu.memory_space<vmem_shared>>)
      tpu.yield
    }) : () -> ()
    %add3A_93 = arith.constant 160 : i32
    %add3A_94 = arith.addi %mul3A_87, %add3A_93 : i32
    %run_scoped3A_95 = arith.constant 0 : i32
    "tpu.region"() ({
      %run_scoped3A_277 = tpu.sem_alloc : memref<!tpu.dma_semaphore, #tpu.memory_space<semaphore_mem>>
      %dma_start3A_278 = arith.constant 0 : i32
      %dma_start3A_279 = arith.constant 0 : i32
      %dma_start3A_280 = tpu.memref_slice %arg15[%run_scoped3A_95, %dma_start3A_278, %dma_start3A_279] : memref<3x80x128xf32, #tpu.memory_space<vmem>> -> memref<1x80x128xf32, #tpu.memory_space<vmem>>
      %dma_start3A_281 = tpu.memref_squeeze %dma_start3A_280 : memref<1x80x128xf32, #tpu.memory_space<vmem>> -> memref<80x128xf32, #tpu.memory_space<vmem>>
      %dma_start3A_282 = arith.constant 0 : i32
      %dma_start3A_283 = tpu.memref_slice %arg18[%add3A_94, %dma_start3A_282] : memref<10240x128xf32, #tpu.memory_space<vmem_shared>> -> memref<80x128xf32, #tpu.memory_space<vmem_shared>>
      %dma_start3A_284 = arith.constant 0 : i32
      %dma_start3A_285 = tpu.memref_slice %arg18[%add3A_94, %dma_start3A_284] : memref<10240x128xf32, #tpu.memory_space<vmem_shared>> -> memref<80x128xf32, #tpu.memory_space<vmem_shared>>
      %dma_start3A_286 = arith.constant 0 : i32
      %dma_start3A_287 = arith.constant 0 : i32
      %dma_start3A_288 = tpu.memref_slice %arg15[%run_scoped3A_95, %dma_start3A_286, %dma_start3A_287] : memref<3x80x128xf32, #tpu.memory_space<vmem>> -> memref<1x80x128xf32, #tpu.memory_space<vmem>>
      %dma_start3A_289 = tpu.memref_squeeze %dma_start3A_288 : memref<1x80x128xf32, #tpu.memory_space<vmem>> -> memref<80x128xf32, #tpu.memory_space<vmem>>
      tpu.enqueue_dma source(%dma_start3A_289 : memref<80x128xf32, #tpu.memory_space<vmem>>) target(%dma_start3A_285 : memref<80x128xf32, #tpu.memory_space<vmem_shared>>) target_semaphore(%run_scoped3A_277 : memref<!tpu.dma_semaphore, #tpu.memory_space<semaphore_mem>>)
      %dma_wait3A_290 = arith.constant 0 : i32
      %dma_wait3A_291 = arith.constant 0 : i32
      %dma_wait3A_292 = tpu.memref_slice %arg15[%run_scoped3A_95, %dma_wait3A_290, %dma_wait3A_291] : memref<3x80x128xf32, #tpu.memory_space<vmem>> -> memref<1x80x128xf32, #tpu.memory_space<vmem>>
      %dma_wait3A_293 = tpu.memref_squeeze %dma_wait3A_292 : memref<1x80x128xf32, #tpu.memory_space<vmem>> -> memref<80x128xf32, #tpu.memory_space<vmem>>
      %dma_wait3A_294 = arith.constant 0 : i32
      %dma_wait3A_295 = tpu.memref_slice %arg18[%add3A_94, %dma_wait3A_294] : memref<10240x128xf32, #tpu.memory_space<vmem_shared>> -> memref<80x128xf32, #tpu.memory_space<vmem_shared>>
      %dma_wait3A_296 = arith.constant 0 : i32
      %dma_wait3A_297 = tpu.memref_slice %arg18[%add3A_94, %dma_wait3A_296] : memref<10240x128xf32, #tpu.memory_space<vmem_shared>> -> memref<80x128xf32, #tpu.memory_space<vmem_shared>>
      %dma_wait3A_298 = arith.constant 0 : i32
      %dma_wait3A_299 = arith.constant 0 : i32
      %dma_wait3A_300 = tpu.memref_slice %arg15[%run_scoped3A_95, %dma_wait3A_298, %dma_wait3A_299] : memref<3x80x128xf32, #tpu.memory_space<vmem>> -> memref<1x80x128xf32, #tpu.memory_space<vmem>>
      %dma_wait3A_301 = tpu.memref_squeeze %dma_wait3A_300 : memref<1x80x128xf32, #tpu.memory_space<vmem>> -> memref<80x128xf32, #tpu.memory_space<vmem>>
      tpu.wait_dma2 semaphore(%run_scoped3A_277 : memref<!tpu.dma_semaphore, #tpu.memory_space<semaphore_mem>>) src(%dma_wait3A_301 : memref<80x128xf32, #tpu.memory_space<vmem>>) dst(%dma_wait3A_297 : memref<80x128xf32, #tpu.memory_space<vmem_shared>>)
      tpu.yield
    }) : () -> ()
    %add3A_96 = arith.constant 240 : i32
    %add3A_97 = arith.addi %mul3A_87, %add3A_96 : i32
    %run_scoped3A_98 = arith.constant 0 : i32
    "tpu.region"() ({
      %run_scoped3A_277 = tpu.sem_alloc : memref<!tpu.dma_semaphore, #tpu.memory_space<semaphore_mem>>
      %dma_start3A_278 = arith.constant 0 : i32
      %dma_start3A_279 = arith.constant 0 : i32
      %dma_start3A_280 = tpu.memref_slice %arg15[%run_scoped3A_98, %dma_start3A_278, %dma_start3A_279] : memref<3x80x128xf32, #tpu.memory_space<vmem>> -> memref<1x80x128xf32, #tpu.memory_space<vmem>>
      %dma_start3A_281 = tpu.memref_squeeze %dma_start3A_280 : memref<1x80x128xf32, #tpu.memory_space<vmem>> -> memref<80x128xf32, #tpu.memory_space<vmem>>
      %dma_start3A_282 = arith.constant 0 : i32
      %dma_start3A_283 = tpu.memref_slice %arg18[%add3A_97, %dma_start3A_282] : memref<10240x128xf32, #tpu.memory_space<vmem_shared>> -> memref<80x128xf32, #tpu.memory_space<vmem_shared>>
      %dma_start3A_284 = arith.constant 0 : i32
      %dma_start3A_285 = tpu.memref_slice %arg18[%add3A_97, %dma_start3A_284] : memref<10240x128xf32, #tpu.memory_space<vmem_shared>> -> memref<80x128xf32, #tpu.memory_space<vmem_shared>>
      %dma_start3A_286 = arith.constant 0 : i32
      %dma_start3A_287 = arith.constant 0 : i32
      %dma_start3A_288 = tpu.memref_slice %arg15[%run_scoped3A_98, %dma_start3A_286, %dma_start3A_287] : memref<3x80x128xf32, #tpu.memory_space<vmem>> -> memref<1x80x128xf32, #tpu.memory_space<vmem>>
      %dma_start3A_289 = tpu.memref_squeeze %dma_start3A_288 : memref<1x80x128xf32, #tpu.memory_space<vmem>> -> memref<80x128xf32, #tpu.memory_space<vmem>>
      tpu.enqueue_dma source(%dma_start3A_289 : memref<80x128xf32, #tpu.memory_space<vmem>>) target(%dma_start3A_285 : memref<80x128xf32, #tpu.memory_space<vmem_shared>>) target_semaphore(%run_scoped3A_277 : memref<!tpu.dma_semaphore, #tpu.memory_space<semaphore_mem>>)
      %dma_wait3A_290 = arith.constant 0 : i32
      %dma_wait3A_291 = arith.constant 0 : i32
      %dma_wait3A_292 = tpu.memref_slice %arg15[%run_scoped3A_98, %dma_wait3A_290, %dma_wait3A_291] : memref<3x80x128xf32, #tpu.memory_space<vmem>> -> memref<1x80x128xf32, #tpu.memory_space<vmem>>
      %dma_wait3A_293 = tpu.memref_squeeze %dma_wait3A_292 : memref<1x80x128xf32, #tpu.memory_space<vmem>> -> memref<80x128xf32, #tpu.memory_space<vmem>>
      %dma_wait3A_294 = arith.constant 0 : i32
      %dma_wait3A_295 = tpu.memref_slice %arg18[%add3A_97, %dma_wait3A_294] : memref<10240x128xf32, #tpu.memory_space<vmem_shared>> -> memref<80x128xf32, #tpu.memory_space<vmem_shared>>
      %dma_wait3A_296 = arith.constant 0 : i32
      %dma_wait3A_297 = tpu.memref_slice %arg18[%add3A_97, %dma_wait3A_296] : memref<10240x128xf32, #tpu.memory_space<vmem_shared>> -> memref<80x128xf32, #tpu.memory_space<vmem_shared>>
      %dma_wait3A_298 = arith.constant 0 : i32
      %dma_wait3A_299 = arith.constant 0 : i32
      %dma_wait3A_300 = tpu.memref_slice %arg15[%run_scoped3A_98, %dma_wait3A_298, %dma_wait3A_299] : memref<3x80x128xf32, #tpu.memory_space<vmem>> -> memref<1x80x128xf32, #tpu.memory_space<vmem>>
      %dma_wait3A_301 = tpu.memref_squeeze %dma_wait3A_300 : memref<1x80x128xf32, #tpu.memory_space<vmem>> -> memref<80x128xf32, #tpu.memory_space<vmem>>
      tpu.wait_dma2 semaphore(%run_scoped3A_277 : memref<!tpu.dma_semaphore, #tpu.memory_space<semaphore_mem>>) src(%dma_wait3A_301 : memref<80x128xf32, #tpu.memory_space<vmem>>) dst(%dma_wait3A_297 : memref<80x128xf32, #tpu.memory_space<vmem_shared>>)
      tpu.yield
    }) : () -> ()
    %add3A_99 = arith.constant 320 : i32
    %add3A_100 = arith.addi %mul3A_87, %add3A_99 : i32
    %run_scoped3A_101 = arith.constant 0 : i32
    "tpu.region"() ({
      %run_scoped3A_277 = tpu.sem_alloc : memref<!tpu.dma_semaphore, #tpu.memory_space<semaphore_mem>>
      %dma_start3A_278 = arith.constant 0 : i32
      %dma_start3A_279 = arith.constant 0 : i32
      %dma_start3A_280 = tpu.memref_slice %arg15[%run_scoped3A_101, %dma_start3A_278, %dma_start3A_279] : memref<3x80x128xf32, #tpu.memory_space<vmem>> -> memref<1x80x128xf32, #tpu.memory_space<vmem>>
      %dma_start3A_281 = tpu.memref_squeeze %dma_start3A_280 : memref<1x80x128xf32, #tpu.memory_space<vmem>> -> memref<80x128xf32, #tpu.memory_space<vmem>>
      %dma_start3A_282 = arith.constant 0 : i32
      %dma_start3A_283 = tpu.memref_slice %arg18[%add3A_100, %dma_start3A_282] : memref<10240x128xf32, #tpu.memory_space<vmem_shared>> -> memref<80x128xf32, #tpu.memory_space<vmem_shared>>
      %dma_start3A_284 = arith.constant 0 : i32
      %dma_start3A_285 = tpu.memref_slice %arg18[%add3A_100, %dma_start3A_284] : memref<10240x128xf32, #tpu.memory_space<vmem_shared>> -> memref<80x128xf32, #tpu.memory_space<vmem_shared>>
      %dma_start3A_286 = arith.constant 0 : i32
      %dma_start3A_287 = arith.constant 0 : i32
      %dma_start3A_288 = tpu.memref_slice %arg15[%run_scoped3A_101, %dma_start3A_286, %dma_start3A_287] : memref<3x80x128xf32, #tpu.memory_space<vmem>> -> memref<1x80x128xf32, #tpu.memory_space<vmem>>
      %dma_start3A_289 = tpu.memref_squeeze %dma_start3A_288 : memref<1x80x128xf32, #tpu.memory_space<vmem>> -> memref<80x128xf32, #tpu.memory_space<vmem>>
      tpu.enqueue_dma source(%dma_start3A_289 : memref<80x128xf32, #tpu.memory_space<vmem>>) target(%dma_start3A_285 : memref<80x128xf32, #tpu.memory_space<vmem_shared>>) target_semaphore(%run_scoped3A_277 : memref<!tpu.dma_semaphore, #tpu.memory_space<semaphore_mem>>)
      %dma_wait3A_290 = arith.constant 0 : i32
      %dma_wait3A_291 = arith.constant 0 : i32
      %dma_wait3A_292 = tpu.memref_slice %arg15[%run_scoped3A_101, %dma_wait3A_290, %dma_wait3A_291] : memref<3x80x128xf32, #tpu.memory_space<vmem>> -> memref<1x80x128xf32, #tpu.memory_space<vmem>>
      %dma_wait3A_293 = tpu.memref_squeeze %dma_wait3A_292 : memref<1x80x128xf32, #tpu.memory_space<vmem>> -> memref<80x128xf32, #tpu.memory_space<vmem>>
      %dma_wait3A_294 = arith.constant 0 : i32
      %dma_wait3A_295 = tpu.memref_slice %arg18[%add3A_100, %dma_wait3A_294] : memref<10240x128xf32, #tpu.memory_space<vmem_shared>> -> memref<80x128xf32, #tpu.memory_space<vmem_shared>>
      %dma_wait3A_296 = arith.constant 0 : i32
      %dma_wait3A_297 = tpu.memref_slice %arg18[%add3A_100, %dma_wait3A_296] : memref<10240x128xf32, #tpu.memory_space<vmem_shared>> -> memref<80x128xf32, #tpu.memory_space<vmem_shared>>
      %dma_wait3A_298 = arith.constant 0 : i32
      %dma_wait3A_299 = arith.constant 0 : i32
      %dma_wait3A_300 = tpu.memref_slice %arg15[%run_scoped3A_101, %dma_wait3A_298, %dma_wait3A_299] : memref<3x80x128xf32, #tpu.memory_space<vmem>> -> memref<1x80x128xf32, #tpu.memory_space<vmem>>
      %dma_wait3A_301 = tpu.memref_squeeze %dma_wait3A_300 : memref<1x80x128xf32, #tpu.memory_space<vmem>> -> memref<80x128xf32, #tpu.memory_space<vmem>>
      tpu.wait_dma2 semaphore(%run_scoped3A_277 : memref<!tpu.dma_semaphore, #tpu.memory_space<semaphore_mem>>) src(%dma_wait3A_301 : memref<80x128xf32, #tpu.memory_space<vmem>>) dst(%dma_wait3A_297 : memref<80x128xf32, #tpu.memory_space<vmem_shared>>)
      tpu.yield
    }) : () -> ()
    %add3A_102 = arith.constant 400 : i32
    %add3A_103 = arith.addi %mul3A_87, %add3A_102 : i32
    %run_scoped3A_104 = arith.constant 0 : i32
    "tpu.region"() ({
      %run_scoped3A_277 = tpu.sem_alloc : memref<!tpu.dma_semaphore, #tpu.memory_space<semaphore_mem>>
      %dma_start3A_278 = arith.constant 0 : i32
      %dma_start3A_279 = arith.constant 0 : i32
      %dma_start3A_280 = tpu.memref_slice %arg15[%run_scoped3A_104, %dma_start3A_278, %dma_start3A_279] : memref<3x80x128xf32, #tpu.memory_space<vmem>> -> memref<1x80x128xf32, #tpu.memory_space<vmem>>
      %dma_start3A_281 = tpu.memref_squeeze %dma_start3A_280 : memref<1x80x128xf32, #tpu.memory_space<vmem>> -> memref<80x128xf32, #tpu.memory_space<vmem>>
      %dma_start3A_282 = arith.constant 0 : i32
      %dma_start3A_283 = tpu.memref_slice %arg18[%add3A_103, %dma_start3A_282] : memref<10240x128xf32, #tpu.memory_space<vmem_shared>> -> memref<80x128xf32, #tpu.memory_space<vmem_shared>>
      %dma_start3A_284 = arith.constant 0 : i32
      %dma_start3A_285 = tpu.memref_slice %arg18[%add3A_103, %dma_start3A_284] : memref<10240x128xf32, #tpu.memory_space<vmem_shared>> -> memref<80x128xf32, #tpu.memory_space<vmem_shared>>
      %dma_start3A_286 = arith.constant 0 : i32
      %dma_start3A_287 = arith.constant 0 : i32
      %dma_start3A_288 = tpu.memref_slice %arg15[%run_scoped3A_104, %dma_start3A_286, %dma_start3A_287] : memref<3x80x128xf32, #tpu.memory_space<vmem>> -> memref<1x80x128xf32, #tpu.memory_space<vmem>>
      %dma_start3A_289 = tpu.memref_squeeze %dma_start3A_288 : memref<1x80x128xf32, #tpu.memory_space<vmem>> -> memref<80x128xf32, #tpu.memory_space<vmem>>
      tpu.enqueue_dma source(%dma_start3A_289 : memref<80x128xf32, #tpu.memory_space<vmem>>) target(%dma_start3A_285 : memref<80x128xf32, #tpu.memory_space<vmem_shared>>) target_semaphore(%run_scoped3A_277 : memref<!tpu.dma_semaphore, #tpu.memory_space<semaphore_mem>>)
      %dma_wait3A_290 = arith.constant 0 : i32
      %dma_wait3A_291 = arith.constant 0 : i32
      %dma_wait3A_292 = tpu.memref_slice %arg15[%run_scoped3A_104, %dma_wait3A_290, %dma_wait3A_291] : memref<3x80x128xf32, #tpu.memory_space<vmem>> -> memref<1x80x128xf32, #tpu.memory_space<vmem>>
      %dma_wait3A_293 = tpu.memref_squeeze %dma_wait3A_292 : memref<1x80x128xf32, #tpu.memory_space<vmem>> -> memref<80x128xf32, #tpu.memory_space<vmem>>
      %dma_wait3A_294 = arith.constant 0 : i32
      %dma_wait3A_295 = tpu.memref_slice %arg18[%add3A_103, %dma_wait3A_294] : memref<10240x128xf32, #tpu.memory_space<vmem_shared>> -> memref<80x128xf32, #tpu.memory_space<vmem_shared>>
      %dma_wait3A_296 = arith.constant 0 : i32
      %dma_wait3A_297 = tpu.memref_slice %arg18[%add3A_103, %dma_wait3A_296] : memref<10240x128xf32, #tpu.memory_space<vmem_shared>> -> memref<80x128xf32, #tpu.memory_space<vmem_shared>>
      %dma_wait3A_298 = arith.constant 0 : i32
      %dma_wait3A_299 = arith.constant 0 : i32
      %dma_wait3A_300 = tpu.memref_slice %arg15[%run_scoped3A_104, %dma_wait3A_298, %dma_wait3A_299] : memref<3x80x128xf32, #tpu.memory_space<vmem>> -> memref<1x80x128xf32, #tpu.memory_space<vmem>>
      %dma_wait3A_301 = tpu.memref_squeeze %dma_wait3A_300 : memref<1x80x128xf32, #tpu.memory_space<vmem>> -> memref<80x128xf32, #tpu.memory_space<vmem>>
      tpu.wait_dma2 semaphore(%run_scoped3A_277 : memref<!tpu.dma_semaphore, #tpu.memory_space<semaphore_mem>>) src(%dma_wait3A_301 : memref<80x128xf32, #tpu.memory_space<vmem>>) dst(%dma_wait3A_297 : memref<80x128xf32, #tpu.memory_space<vmem_shared>>)
      tpu.yield
    }) : () -> ()
    %add3A_105 = arith.constant 480 : i32
    %add3A_106 = arith.addi %mul3A_87, %add3A_105 : i32
    %run_scoped3A_107 = arith.constant 0 : i32
    "tpu.region"() ({
      %run_scoped3A_277 = tpu.sem_alloc : memref<!tpu.dma_semaphore, #tpu.memory_space<semaphore_mem>>
      %dma_start3A_278 = arith.constant 0 : i32
      %dma_start3A_279 = arith.constant 0 : i32
      %dma_start3A_280 = tpu.memref_slice %arg15[%run_scoped3A_107, %dma_start3A_278, %dma_start3A_279] : memref<3x80x128xf32, #tpu.memory_space<vmem>> -> memref<1x80x128xf32, #tpu.memory_space<vmem>>
      %dma_start3A_281 = tpu.memref_squeeze %dma_start3A_280 : memref<1x80x128xf32, #tpu.memory_space<vmem>> -> memref<80x128xf32, #tpu.memory_space<vmem>>
      %dma_start3A_282 = arith.constant 0 : i32
      %dma_start3A_283 = tpu.memref_slice %arg18[%add3A_106, %dma_start3A_282] : memref<10240x128xf32, #tpu.memory_space<vmem_shared>> -> memref<80x128xf32, #tpu.memory_space<vmem_shared>>
      %dma_start3A_284 = arith.constant 0 : i32
      %dma_start3A_285 = tpu.memref_slice %arg18[%add3A_106, %dma_start3A_284] : memref<10240x128xf32, #tpu.memory_space<vmem_shared>> -> memref<80x128xf32, #tpu.memory_space<vmem_shared>>
      %dma_start3A_286 = arith.constant 0 : i32
      %dma_start3A_287 = arith.constant 0 : i32
      %dma_start3A_288 = tpu.memref_slice %arg15[%run_scoped3A_107, %dma_start3A_286, %dma_start3A_287] : memref<3x80x128xf32, #tpu.memory_space<vmem>> -> memref<1x80x128xf32, #tpu.memory_space<vmem>>
      %dma_start3A_289 = tpu.memref_squeeze %dma_start3A_288 : memref<1x80x128xf32, #tpu.memory_space<vmem>> -> memref<80x128xf32, #tpu.memory_space<vmem>>
      tpu.enqueue_dma source(%dma_start3A_289 : memref<80x128xf32, #tpu.memory_space<vmem>>) target(%dma_start3A_285 : memref<80x128xf32, #tpu.memory_space<vmem_shared>>) target_semaphore(%run_scoped3A_277 : memref<!tpu.dma_semaphore, #tpu.memory_space<semaphore_mem>>)
      %dma_wait3A_290 = arith.constant 0 : i32
      %dma_wait3A_291 = arith.constant 0 : i32
      %dma_wait3A_292 = tpu.memref_slice %arg15[%run_scoped3A_107, %dma_wait3A_290, %dma_wait3A_291] : memref<3x80x128xf32, #tpu.memory_space<vmem>> -> memref<1x80x128xf32, #tpu.memory_space<vmem>>
      %dma_wait3A_293 = tpu.memref_squeeze %dma_wait3A_292 : memref<1x80x128xf32, #tpu.memory_space<vmem>> -> memref<80x128xf32, #tpu.memory_space<vmem>>
      %dma_wait3A_294 = arith.constant 0 : i32
      %dma_wait3A_295 = tpu.memref_slice %arg18[%add3A_106, %dma_wait3A_294] : memref<10240x128xf32, #tpu.memory_space<vmem_shared>> -> memref<80x128xf32, #tpu.memory_space<vmem_shared>>
      %dma_wait3A_296 = arith.constant 0 : i32
      %dma_wait3A_297 = tpu.memref_slice %arg18[%add3A_106, %dma_wait3A_296] : memref<10240x128xf32, #tpu.memory_space<vmem_shared>> -> memref<80x128xf32, #tpu.memory_space<vmem_shared>>
      %dma_wait3A_298 = arith.constant 0 : i32
      %dma_wait3A_299 = arith.constant 0 : i32
      %dma_wait3A_300 = tpu.memref_slice %arg15[%run_scoped3A_107, %dma_wait3A_298, %dma_wait3A_299] : memref<3x80x128xf32, #tpu.memory_space<vmem>> -> memref<1x80x128xf32, #tpu.memory_space<vmem>>
      %dma_wait3A_301 = tpu.memref_squeeze %dma_wait3A_300 : memref<1x80x128xf32, #tpu.memory_space<vmem>> -> memref<80x128xf32, #tpu.memory_space<vmem>>
      tpu.wait_dma2 semaphore(%run_scoped3A_277 : memref<!tpu.dma_semaphore, #tpu.memory_space<semaphore_mem>>) src(%dma_wait3A_301 : memref<80x128xf32, #tpu.memory_space<vmem>>) dst(%dma_wait3A_297 : memref<80x128xf32, #tpu.memory_space<vmem_shared>>)
      tpu.yield
    }) : () -> ()
    %add3A_108 = arith.constant 560 : i32
    %add3A_109 = arith.addi %mul3A_87, %add3A_108 : i32
    %run_scoped3A_110 = arith.constant 0 : i32
    "tpu.region"() ({
      %run_scoped3A_277 = tpu.sem_alloc : memref<!tpu.dma_semaphore, #tpu.memory_space<semaphore_mem>>
      %dma_start3A_278 = arith.constant 0 : i32
      %dma_start3A_279 = arith.constant 0 : i32
      %dma_start3A_280 = tpu.memref_slice %arg15[%run_scoped3A_110, %dma_start3A_278, %dma_start3A_279] : memref<3x80x128xf32, #tpu.memory_space<vmem>> -> memref<1x80x128xf32, #tpu.memory_space<vmem>>
      %dma_start3A_281 = tpu.memref_squeeze %dma_start3A_280 : memref<1x80x128xf32, #tpu.memory_space<vmem>> -> memref<80x128xf32, #tpu.memory_space<vmem>>
      %dma_start3A_282 = arith.constant 0 : i32
      %dma_start3A_283 = tpu.memref_slice %arg18[%add3A_109, %dma_start3A_282] : memref<10240x128xf32, #tpu.memory_space<vmem_shared>> -> memref<80x128xf32, #tpu.memory_space<vmem_shared>>
      %dma_start3A_284 = arith.constant 0 : i32
      %dma_start3A_285 = tpu.memref_slice %arg18[%add3A_109, %dma_start3A_284] : memref<10240x128xf32, #tpu.memory_space<vmem_shared>> -> memref<80x128xf32, #tpu.memory_space<vmem_shared>>
      %dma_start3A_286 = arith.constant 0 : i32
      %dma_start3A_287 = arith.constant 0 : i32
      %dma_start3A_288 = tpu.memref_slice %arg15[%run_scoped3A_110, %dma_start3A_286, %dma_start3A_287] : memref<3x80x128xf32, #tpu.memory_space<vmem>> -> memref<1x80x128xf32, #tpu.memory_space<vmem>>
      %dma_start3A_289 = tpu.memref_squeeze %dma_start3A_288 : memref<1x80x128xf32, #tpu.memory_space<vmem>> -> memref<80x128xf32, #tpu.memory_space<vmem>>
      tpu.enqueue_dma source(%dma_start3A_289 : memref<80x128xf32, #tpu.memory_space<vmem>>) target(%dma_start3A_285 : memref<80x128xf32, #tpu.memory_space<vmem_shared>>) target_semaphore(%run_scoped3A_277 : memref<!tpu.dma_semaphore, #tpu.memory_space<semaphore_mem>>)
      %dma_wait3A_290 = arith.constant 0 : i32
      %dma_wait3A_291 = arith.constant 0 : i32
      %dma_wait3A_292 = tpu.memref_slice %arg15[%run_scoped3A_110, %dma_wait3A_290, %dma_wait3A_291] : memref<3x80x128xf32, #tpu.memory_space<vmem>> -> memref<1x80x128xf32, #tpu.memory_space<vmem>>
      %dma_wait3A_293 = tpu.memref_squeeze %dma_wait3A_292 : memref<1x80x128xf32, #tpu.memory_space<vmem>> -> memref<80x128xf32, #tpu.memory_space<vmem>>
      %dma_wait3A_294 = arith.constant 0 : i32
      %dma_wait3A_295 = tpu.memref_slice %arg18[%add3A_109, %dma_wait3A_294] : memref<10240x128xf32, #tpu.memory_space<vmem_shared>> -> memref<80x128xf32, #tpu.memory_space<vmem_shared>>
      %dma_wait3A_296 = arith.constant 0 : i32
      %dma_wait3A_297 = tpu.memref_slice %arg18[%add3A_109, %dma_wait3A_296] : memref<10240x128xf32, #tpu.memory_space<vmem_shared>> -> memref<80x128xf32, #tpu.memory_space<vmem_shared>>
      %dma_wait3A_298 = arith.constant 0 : i32
      %dma_wait3A_299 = arith.constant 0 : i32
      %dma_wait3A_300 = tpu.memref_slice %arg15[%run_scoped3A_110, %dma_wait3A_298, %dma_wait3A_299] : memref<3x80x128xf32, #tpu.memory_space<vmem>> -> memref<1x80x128xf32, #tpu.memory_space<vmem>>
      %dma_wait3A_301 = tpu.memref_squeeze %dma_wait3A_300 : memref<1x80x128xf32, #tpu.memory_space<vmem>> -> memref<80x128xf32, #tpu.memory_space<vmem>>
      tpu.wait_dma2 semaphore(%run_scoped3A_277 : memref<!tpu.dma_semaphore, #tpu.memory_space<semaphore_mem>>) src(%dma_wait3A_301 : memref<80x128xf32, #tpu.memory_space<vmem>>) dst(%dma_wait3A_297 : memref<80x128xf32, #tpu.memory_space<vmem_shared>>)
      tpu.yield
    }) : () -> ()
    "tpu.region"() ({
      %run_scoped3A_277 = tpu.sem_alloc : memref<!tpu.dma_semaphore, #tpu.memory_space<semaphore_mem>>
      %dma_start3A_278 = tpu.memref_slice %arg19[%mul3A_87] : memref<10240xf32, #tpu.memory_space<vmem_shared>> -> memref<640xf32, #tpu.memory_space<vmem_shared>>
      %dma_start3A_279 = tpu.memref_slice %arg19[%mul3A_87] : memref<10240xf32, #tpu.memory_space<vmem_shared>> -> memref<640xf32, #tpu.memory_space<vmem_shared>>
      tpu.enqueue_dma source(%arg17 : memref<640xf32, #tpu.memory_space<vmem>>) target(%dma_start3A_279 : memref<640xf32, #tpu.memory_space<vmem_shared>>) target_semaphore(%run_scoped3A_277 : memref<!tpu.dma_semaphore, #tpu.memory_space<semaphore_mem>>)
      %dma_wait3A_280 = tpu.memref_slice %arg19[%mul3A_87] : memref<10240xf32, #tpu.memory_space<vmem_shared>> -> memref<640xf32, #tpu.memory_space<vmem_shared>>
      %dma_wait3A_281 = tpu.memref_slice %arg19[%mul3A_87] : memref<10240xf32, #tpu.memory_space<vmem_shared>> -> memref<640xf32, #tpu.memory_space<vmem_shared>>
      tpu.wait_dma2 semaphore(%run_scoped3A_277 : memref<!tpu.dma_semaphore, #tpu.memory_space<semaphore_mem>>) src(%arg17 : memref<640xf32, #tpu.memory_space<vmem>>) dst(%dma_wait3A_281 : memref<640xf32, #tpu.memory_space<vmem_shared>>)
      tpu.yield
    }) : () -> ()
    "tpu.region"() ({
      %run_scoped3A_277 = tpu.sem_alloc : memref<!tpu.dma_semaphore, #tpu.memory_space<semaphore_mem>>
      tpu.enqueue_dma source(%arg6 : memref<16xf32, #tpu.memory_space<hbm>>) target(%arg16 : memref<16xf32, #tpu.memory_space<vmem>>) target_semaphore(%run_scoped3A_277 : memref<!tpu.dma_semaphore, #tpu.memory_space<semaphore_mem>>)
      tpu.wait_dma2 semaphore(%run_scoped3A_277 : memref<!tpu.dma_semaphore, #tpu.memory_space<semaphore_mem>>) src(%arg6 : memref<16xf32, #tpu.memory_space<hbm>>) dst(%arg16 : memref<16xf32, #tpu.memory_space<vmem>>)
      tpu.yield
    }) : () -> ()
    %get3A = arith.constant 0 : index
    %get3A_111 = tpu.vector_load %arg16[%get3A] {strides = array<i32>} : memref<16xf32, #tpu.memory_space<vmem>>, vector<16xf32>,
    %barrier3A = arith.constant 0 : index
    tpu.barrier barrier_id(%barrier3A)
    %dma_start3A = arith.constant 0 : i32
    %dma_start3A_112 = arith.constant 0 : i32
    %dma_start3A_113 = arith.constant 0 : i32
    %dma_start3A_114 = tpu.memref_slice %arg10[%dma_start3A_112, %dma_start3A_113] : memref<3x80xi32, #tpu.memory_space<vmem>> -> memref<1x80xi32, #tpu.memory_space<vmem>>
    %dma_start3A_115 = tpu.memref_squeeze %dma_start3A_114 : memref<1x80xi32, #tpu.memory_space<vmem>> -> memref<80xi32, #tpu.memory_space<vmem>>
    %dma_start3A_116 = arith.constant 0 : i32
    %dma_start3A_117 = tpu.memref_slice %arg2[%add3A, %dma_start3A, %dma_start3A_116] : memref<32x125x80xi32, #tpu.memory_space<hbm>> -> memref<1x1x80xi32, #tpu.memory_space<hbm>>
    %dma_start3A_118 = tpu.memref_squeeze %dma_start3A_117 : memref<1x1x80xi32, #tpu.memory_space<hbm>> -> memref<80xi32, #tpu.memory_space<hbm>>
    %dma_start3A_119 = arith.constant 0 : i32
    %dma_start3A_120 = tpu.memref_slice %arg10[%dma_start3A_112, %dma_start3A_119] : memref<3x80xi32, #tpu.memory_space<vmem>> -> memref<1x80xi32, #tpu.memory_space<vmem>>
    %dma_start3A_121 = tpu.memref_squeeze %dma_start3A_120 : memref<1x80xi32, #tpu.memory_space<vmem>> -> memref<80xi32, #tpu.memory_space<vmem>>
    %dma_start3A_122 = arith.constant 0 : i32
    %dma_start3A_123 = tpu.memref_slice %arg2[%add3A, %dma_start3A, %dma_start3A_122] : memref<32x125x80xi32, #tpu.memory_space<hbm>> -> memref<1x1x80xi32, #tpu.memory_space<hbm>>
    %dma_start3A_124 = tpu.memref_squeeze %dma_start3A_123 : memref<1x1x80xi32, #tpu.memory_space<hbm>> -> memref<80xi32, #tpu.memory_space<hbm>>
    tpu.enqueue_dma source(%dma_start3A_124 : memref<80xi32, #tpu.memory_space<hbm>>) target(%dma_start3A_121 : memref<80xi32, #tpu.memory_space<vmem>>) target_semaphore(%arg20 : memref<!tpu.dma_semaphore, #tpu.memory_space<semaphore_mem>>)
    %dma_start3A_125 = arith.constant 0 : i32
    %dma_start3A_126 = arith.constant 0 : i32
    %dma_start3A_127 = arith.constant 0 : i32
    %dma_start3A_128 = tpu.memref_slice %arg11[%dma_start3A_126, %dma_start3A_127] : memref<4x80xi32, #tpu.memory_space<vmem>> -> memref<1x80xi32, #tpu.memory_space<vmem>>
    %dma_start3A_129 = tpu.memref_squeeze %dma_start3A_128 : memref<1x80xi32, #tpu.memory_space<vmem>> -> memref<80xi32, #tpu.memory_space<vmem>>
    %dma_start3A_130 = arith.constant 0 : i32
    %dma_start3A_131 = tpu.memref_slice %arg3[%add3A, %dma_start3A_125, %dma_start3A_130] : memref<32x125x80xi32, #tpu.memory_space<hbm>> -> memref<1x1x80xi32, #tpu.memory_space<hbm>>
    %dma_start3A_132 = tpu.memref_squeeze %dma_start3A_131 : memref<1x1x80xi32, #tpu.memory_space<hbm>> -> memref<80xi32, #tpu.memory_space<hbm>>
    %dma_start3A_133 = arith.constant 0 : i32
    %dma_start3A_134 = tpu.memref_slice %arg11[%dma_start3A_126, %dma_start3A_133] : memref<4x80xi32, #tpu.memory_space<vmem>> -> memref<1x80xi32, #tpu.memory_space<vmem>>
    %dma_start3A_135 = tpu.memref_squeeze %dma_start3A_134 : memref<1x80xi32, #tpu.memory_space<vmem>> -> memref<80xi32, #tpu.memory_space<vmem>>
    %dma_start3A_136 = arith.constant 0 : i32
    %dma_start3A_137 = tpu.memref_slice %arg3[%add3A, %dma_start3A_125, %dma_start3A_136] : memref<32x125x80xi32, #tpu.memory_space<hbm>> -> memref<1x1x80xi32, #tpu.memory_space<hbm>>
    %dma_start3A_138 = tpu.memref_squeeze %dma_start3A_137 : memref<1x1x80xi32, #tpu.memory_space<hbm>> -> memref<80xi32, #tpu.memory_space<hbm>>
    tpu.enqueue_dma source(%dma_start3A_138 : memref<80xi32, #tpu.memory_space<hbm>>) target(%dma_start3A_135 : memref<80xi32, #tpu.memory_space<vmem>>) target_semaphore(%arg21 : memref<!tpu.dma_semaphore, #tpu.memory_space<semaphore_mem>>)
    %dma_start3A_139 = arith.constant 1 : i32
    %dma_start3A_140 = arith.constant 1 : i32
    %dma_start3A_141 = arith.constant 0 : i32
    %dma_start3A_142 = tpu.memref_slice %arg10[%dma_start3A_140, %dma_start3A_141] : memref<3x80xi32, #tpu.memory_space<vmem>> -> memref<1x80xi32, #tpu.memory_space<vmem>>
    %dma_start3A_143 = tpu.memref_squeeze %dma_start3A_142 : memref<1x80xi32, #tpu.memory_space<vmem>> -> memref<80xi32, #tpu.memory_space<vmem>>
    %dma_start3A_144 = arith.constant 0 : i32
    %dma_start3A_145 = tpu.memref_slice %arg2[%add3A, %dma_start3A_139, %dma_start3A_144] : memref<32x125x80xi32, #tpu.memory_space<hbm>> -> memref<1x1x80xi32, #tpu.memory_space<hbm>>
    %dma_start3A_146 = tpu.memref_squeeze %dma_start3A_145 : memref<1x1x80xi32, #tpu.memory_space<hbm>> -> memref<80xi32, #tpu.memory_space<hbm>>
    %dma_start3A_147 = arith.constant 0 : i32
    %dma_start3A_148 = tpu.memref_slice %arg10[%dma_start3A_140, %dma_start3A_147] : memref<3x80xi32, #tpu.memory_space<vmem>> -> memref<1x80xi32, #tpu.memory_space<vmem>>
    %dma_start3A_149 = tpu.memref_squeeze %dma_start3A_148 : memref<1x80xi32, #tpu.memory_space<vmem>> -> memref<80xi32, #tpu.memory_space<vmem>>
    %dma_start3A_150 = arith.constant 0 : i32
    %dma_start3A_151 = tpu.memref_slice %arg2[%add3A, %dma_start3A_139, %dma_start3A_150] : memref<32x125x80xi32, #tpu.memory_space<hbm>> -> memref<1x1x80xi32, #tpu.memory_space<hbm>>
    %dma_start3A_152 = tpu.memref_squeeze %dma_start3A_151 : memref<1x1x80xi32, #tpu.memory_space<hbm>> -> memref<80xi32, #tpu.memory_space<hbm>>
    tpu.enqueue_dma source(%dma_start3A_152 : memref<80xi32, #tpu.memory_space<hbm>>) target(%dma_start3A_149 : memref<80xi32, #tpu.memory_space<vmem>>) target_semaphore(%arg20 : memref<!tpu.dma_semaphore, #tpu.memory_space<semaphore_mem>>)
    %dma_start3A_153 = arith.constant 1 : i32
    %dma_start3A_154 = arith.constant 1 : i32
    %dma_start3A_155 = arith.constant 0 : i32
    %dma_start3A_156 = tpu.memref_slice %arg11[%dma_start3A_154, %dma_start3A_155] : memref<4x80xi32, #tpu.memory_space<vmem>> -> memref<1x80xi32, #tpu.memory_space<vmem>>
    %dma_start3A_157 = tpu.memref_squeeze %dma_start3A_156 : memref<1x80xi32, #tpu.memory_space<vmem>> -> memref<80xi32, #tpu.memory_space<vmem>>
    %dma_start3A_158 = arith.constant 0 : i32
    %dma_start3A_159 = tpu.memref_slice %arg3[%add3A, %dma_start3A_153, %dma_start3A_158] : memref<32x125x80xi32, #tpu.memory_space<hbm>> -> memref<1x1x80xi32, #tpu.memory_space<hbm>>
    %dma_start3A_160 = tpu.memref_squeeze %dma_start3A_159 : memref<1x1x80xi32, #tpu.memory_space<hbm>> -> memref<80xi32, #tpu.memory_space<hbm>>
    %dma_start3A_161 = arith.constant 0 : i32
    %dma_start3A_162 = tpu.memref_slice %arg11[%dma_start3A_154, %dma_start3A_161] : memref<4x80xi32, #tpu.memory_space<vmem>> -> memref<1x80xi32, #tpu.memory_space<vmem>>
    %dma_start3A_163 = tpu.memref_squeeze %dma_start3A_162 : memref<1x80xi32, #tpu.memory_space<vmem>> -> memref<80xi32, #tpu.memory_space<vmem>>
    %dma_start3A_164 = arith.constant 0 : i32
    %dma_start3A_165 = tpu.memref_slice %arg3[%add3A, %dma_start3A_153, %dma_start3A_164] : memref<32x125x80xi32, #tpu.memory_space<hbm>> -> memref<1x1x80xi32, #tpu.memory_space<hbm>>
    %dma_start3A_166 = tpu.memref_squeeze %dma_start3A_165 : memref<1x1x80xi32, #tpu.memory_space<hbm>> -> memref<80xi32, #tpu.memory_space<hbm>>
    tpu.enqueue_dma source(%dma_start3A_166 : memref<80xi32, #tpu.memory_space<hbm>>) target(%dma_start3A_163 : memref<80xi32, #tpu.memory_space<vmem>>) target_semaphore(%arg21 : memref<!tpu.dma_semaphore, #tpu.memory_space<semaphore_mem>>)
    %dma_wait3A = arith.constant 0 : i32
    %dma_wait3A_167 = arith.constant 0 : i32
    %dma_wait3A_168 = arith.constant 0 : i32
    %dma_wait3A_169 = tpu.memref_slice %arg10[%dma_wait3A_167, %dma_wait3A_168] : memref<3x80xi32, #tpu.memory_space<vmem>> -> memref<1x80xi32, #tpu.memory_space<vmem>>
    %dma_wait3A_170 = tpu.memref_squeeze %dma_wait3A_169 : memref<1x80xi32, #tpu.memory_space<vmem>> -> memref<80xi32, #tpu.memory_space<vmem>>
    %dma_wait3A_171 = arith.constant 0 : i32
    %dma_wait3A_172 = tpu.memref_slice %arg2[%add3A, %dma_wait3A, %dma_wait3A_171] : memref<32x125x80xi32, #tpu.memory_space<hbm>> -> memref<1x1x80xi32, #tpu.memory_space<hbm>>
    %dma_wait3A_173 = tpu.memref_squeeze %dma_wait3A_172 : memref<1x1x80xi32, #tpu.memory_space<hbm>> -> memref<80xi32, #tpu.memory_space<hbm>>
    %dma_wait3A_174 = arith.constant 0 : i32
    %dma_wait3A_175 = tpu.memref_slice %arg10[%dma_wait3A_167, %dma_wait3A_174] : memref<3x80xi32, #tpu.memory_space<vmem>> -> memref<1x80xi32, #tpu.memory_space<vmem>>
    %dma_wait3A_176 = tpu.memref_squeeze %dma_wait3A_175 : memref<1x80xi32, #tpu.memory_space<vmem>> -> memref<80xi32, #tpu.memory_space<vmem>>
    %dma_wait3A_177 = arith.constant 0 : i32
    %dma_wait3A_178 = tpu.memref_slice %arg2[%add3A, %dma_wait3A, %dma_wait3A_177] : memref<32x125x80xi32, #tpu.memory_space<hbm>> -> memref<1x1x80xi32, #tpu.memory_space<hbm>>
    %dma_wait3A_179 = tpu.memref_squeeze %dma_wait3A_178 : memref<1x1x80xi32, #tpu.memory_space<hbm>> -> memref<80xi32, #tpu.memory_space<hbm>>
    tpu.wait_dma2 semaphore(%arg20 : memref<!tpu.dma_semaphore, #tpu.memory_space<semaphore_mem>>) src(%dma_wait3A_179 : memref<80xi32, #tpu.memory_space<hbm>>) dst(%dma_wait3A_176 : memref<80xi32, #tpu.memory_space<vmem>>)
    %dma_wait3A_180 = arith.constant 0 : i32
    %dma_wait3A_181 = arith.constant 0 : i32
    %dma_wait3A_182 = arith.constant 0 : i32
    %dma_wait3A_183 = tpu.memref_slice %arg11[%dma_wait3A_181, %dma_wait3A_182] : memref<4x80xi32, #tpu.memory_space<vmem>> -> memref<1x80xi32, #tpu.memory_space<vmem>>
    %dma_wait3A_184 = tpu.memref_squeeze %dma_wait3A_183 : memref<1x80xi32, #tpu.memory_space<vmem>> -> memref<80xi32, #tpu.memory_space<vmem>>
    %dma_wait3A_185 = arith.constant 0 : i32
    %dma_wait3A_186 = tpu.memref_slice %arg3[%add3A, %dma_wait3A_180, %dma_wait3A_185] : memref<32x125x80xi32, #tpu.memory_space<hbm>> -> memref<1x1x80xi32, #tpu.memory_space<hbm>>
    %dma_wait3A_187 = tpu.memref_squeeze %dma_wait3A_186 : memref<1x1x80xi32, #tpu.memory_space<hbm>> -> memref<80xi32, #tpu.memory_space<hbm>>
    %dma_wait3A_188 = arith.constant 0 : i32
    %dma_wait3A_189 = tpu.memref_slice %arg11[%dma_wait3A_181, %dma_wait3A_188] : memref<4x80xi32, #tpu.memory_space<vmem>> -> memref<1x80xi32, #tpu.memory_space<vmem>>
    %dma_wait3A_190 = tpu.memref_squeeze %dma_wait3A_189 : memref<1x80xi32, #tpu.memory_space<vmem>> -> memref<80xi32, #tpu.memory_space<vmem>>
    %dma_wait3A_191 = arith.constant 0 : i32
    %dma_wait3A_192 = tpu.memref_slice %arg3[%add3A, %dma_wait3A_180, %dma_wait3A_191] : memref<32x125x80xi32, #tpu.memory_space<hbm>> -> memref<1x1x80xi32, #tpu.memory_space<hbm>>
    %dma_wait3A_193 = tpu.memref_squeeze %dma_wait3A_192 : memref<1x1x80xi32, #tpu.memory_space<hbm>> -> memref<80xi32, #tpu.memory_space<hbm>>
    tpu.wait_dma2 semaphore(%arg21 : memref<!tpu.dma_semaphore, #tpu.memory_space<semaphore_mem>>) src(%dma_wait3A_193 : memref<80xi32, #tpu.memory_space<hbm>>) dst(%dma_wait3A_190 : memref<80xi32, #tpu.memory_space<vmem>>)
    %dma_start3A_194 = arith.constant 0 : i32
    %dma_start3A_195 = arith.constant 0 : i32
    %dma_start3A_196 = arith.constant 0 : i32
    %dma_start3A_197 = tpu.memref_slice %arg12[%dma_start3A_195, %dma_start3A_196] : memref<2x80xf32, #tpu.memory_space<vmem>> -> memref<1x80xf32, #tpu.memory_space<vmem>>
    %dma_start3A_198 = tpu.memref_squeeze %dma_start3A_197 : memref<1x80xf32, #tpu.memory_space<vmem>> -> memref<80xf32, #tpu.memory_space<vmem>>
    %dma_start3A_199 = arith.constant 0 : i32
    %dma_start3A_200 = tpu.memref_slice %arg10[%dma_start3A_194, %dma_start3A_199] : memref<3x80xi32, #tpu.memory_space<vmem>> -> memref<1x80xi32, #tpu.memory_space<vmem>>
    %dma_start3A_201 = tpu.memref_squeeze %dma_start3A_200 : memref<1x80xi32, #tpu.memory_space<vmem>> -> memref<80xi32, #tpu.memory_space<vmem>>
    %dma_start3A_202 = arith.constant 0 : i32
    %dma_start3A_203 = tpu.memref_slice %arg4[%dma_start3A_202] : memref<10240xf32, #tpu.memory_space<hbm>> -> memref<10240xf32, #tpu.memory_space<hbm>>
    tpu.enqueue_indirect_dma source(%dma_start3A_203 : memref<10240xf32, #tpu.memory_space<hbm>>) target(%dma_start3A_198 : memref<80xf32, #tpu.memory_space<vmem>>) offsets(%dma_start3A_201 : memref<80xi32, #tpu.memory_space<vmem>>) semaphore(%arg22 : memref<!tpu.dma_semaphore, #tpu.memory_space<semaphore_mem>>)
    %dma_start3A_204 = arith.constant 0 : i32
    %dma_start3A_205 = arith.constant 0 : i32
    %dma_start3A_206 = arith.constant 0 : i32
    %dma_start3A_207 = tpu.memref_slice %arg13[%dma_start3A_205, %dma_start3A_206] : memref<2x80xf32, #tpu.memory_space<vmem>> -> memref<1x80xf32, #tpu.memory_space<vmem>>
    %dma_start3A_208 = tpu.memref_squeeze %dma_start3A_207 : memref<1x80xf32, #tpu.memory_space<vmem>> -> memref<80xf32, #tpu.memory_space<vmem>>
    %dma_start3A_209 = arith.constant 0 : i32
    %dma_start3A_210 = tpu.memref_slice %arg11[%dma_start3A_204, %dma_start3A_209] : memref<4x80xi32, #tpu.memory_space<vmem>> -> memref<1x80xi32, #tpu.memory_space<vmem>>
    %dma_start3A_211 = tpu.memref_squeeze %dma_start3A_210 : memref<1x80xi32, #tpu.memory_space<vmem>> -> memref<80xi32, #tpu.memory_space<vmem>>
    %dma_start3A_212 = arith.constant 0 : i32
    %dma_start3A_213 = tpu.memref_slice %arg5[%dma_start3A_212] : memref<10240xf32, #tpu.memory_space<hbm>> -> memref<10240xf32, #tpu.memory_space<hbm>>
    tpu.enqueue_indirect_dma source(%dma_start3A_213 : memref<10240xf32, #tpu.memory_space<hbm>>) target(%dma_start3A_208 : memref<80xf32, #tpu.memory_space<vmem>>) offsets(%dma_start3A_211 : memref<80xi32, #tpu.memory_space<vmem>>) semaphore(%arg23 : memref<!tpu.dma_semaphore, #tpu.memory_space<semaphore_mem>>)
    %dma_start3A_214 = arith.constant 0 : i32
    %dma_start3A_215 = arith.constant 0 : i32
    %dma_start3A_216 = arith.constant 0 : i32
    %dma_start3A_217 = arith.constant 0 : i32
    %dma_start3A_218 = tpu.memref_slice %arg15[%dma_start3A_215, %dma_start3A_216, %dma_start3A_217] : memref<3x80x128xf32, #tpu.memory_space<vmem>> -> memref<1x80x128xf32, #tpu.memory_space<vmem>>
    %dma_start3A_219 = tpu.memref_squeeze %dma_start3A_218 : memref<1x80x128xf32, #tpu.memory_space<vmem>> -> memref<80x128xf32, #tpu.memory_space<vmem>>
    %dma_start3A_220 = arith.constant 0 : i32
    %dma_start3A_221 = tpu.memref_slice %arg10[%dma_start3A_214, %dma_start3A_220] : memref<3x80xi32, #tpu.memory_space<vmem>> -> memref<1x80xi32, #tpu.memory_space<vmem>>
    %dma_start3A_222 = tpu.memref_squeeze %dma_start3A_221 : memref<1x80xi32, #tpu.memory_space<vmem>> -> memref<80xi32, #tpu.memory_space<vmem>>
    %dma_start3A_223 = arith.constant 0 : i32
    %dma_start3A_224 = arith.constant 0 : i32
    %dma_start3A_225 = tpu.memref_slice %arg7[%dma_start3A_223, %dma_start3A_224] : memref<10240x128xf32, #tpu.memory_space<hbm>> -> memref<10240x128xf32, #tpu.memory_space<hbm>>
    tpu.enqueue_indirect_dma source(%dma_start3A_225 : memref<10240x128xf32, #tpu.memory_space<hbm>>) target(%dma_start3A_219 : memref<80x128xf32, #tpu.memory_space<vmem>>) offsets(%dma_start3A_222 : memref<80xi32, #tpu.memory_space<vmem>>) semaphore(%arg24 : memref<!tpu.dma_semaphore, #tpu.memory_space<semaphore_mem>>)
    %scan3A_226 = arith.constant 0 : i32
    %scan3A_227 = arith.constant 0 : i32
    %scan3A_228 = arith.constant 125 : i32
    %scan3A_229 = arith.addi %scan3A_227, %scan3A_228 : i32
    %scan3A_230 = arith.constant 1 : i32
    scf.for %scan3A_277 = %scan3A_227 to %scan3A_229 step %scan3A_230  : i32 {
      %rem3A = arith.constant 3 : i32
      %rem3A_278 = arith.remsi %scan3A_277, %rem3A : i32
      %rem3A_279 = arith.constant 4 : i32
      %rem3A_280 = arith.remsi %scan3A_277, %rem3A_279 : i32
      %rem3A_281 = arith.constant 2 : i32
      %rem3A_282 = arith.remsi %scan3A_277, %rem3A_281 : i32
      %ge3A = arith.constant 2 : i32
      %ge3A_283 = arith.cmpi sge, %scan3A_277, %ge3A : i32
      %convert_element_type3A = arith.extui %ge3A_283 : i1 to i32
      %cond3A = arith.constant 0 : i32
      %cond3A_284 = arith.cmpi ne, %convert_element_type3A, %cond3A : i32
      scf.if %cond3A_284 {
        %sub3A_441 = arith.constant 2 : i32
        %sub3A_442 = arith.subi %scan3A_277, %sub3A_441 : i32
        %rem3A_443 = arith.constant 3 : i32
        %rem3A_444 = arith.remsi %sub3A_442, %rem3A_443 : i32
        %sub3A_445 = arith.constant 2 : i32
        %sub3A_446 = arith.subi %scan3A_277, %sub3A_445 : i32
        %rem3A_447 = arith.constant 4 : i32
        %rem3A_448 = arith.remsi %sub3A_446, %rem3A_447 : i32
        %dma_wait3A_449 = arith.constant 0 : i32
        %dma_wait3A_450 = tpu.memref_slice %arg14[%rem3A_448, %dma_wait3A_449] : memref<4x80xf32, #tpu.memory_space<vmem>> -> memref<1x80xf32, #tpu.memory_space<vmem>>
        %dma_wait3A_451 = tpu.memref_squeeze %dma_wait3A_450 : memref<1x80xf32, #tpu.memory_space<vmem>> -> memref<80xf32, #tpu.memory_space<vmem>>
        %dma_wait3A_452 = arith.constant 0 : i32
        %dma_wait3A_453 = tpu.memref_slice %arg11[%rem3A_448, %dma_wait3A_452] : memref<4x80xi32, #tpu.memory_space<vmem>> -> memref<1x80xi32, #tpu.memory_space<vmem>>
        %dma_wait3A_454 = tpu.memref_squeeze %dma_wait3A_453 : memref<1x80xi32, #tpu.memory_space<vmem>> -> memref<80xi32, #tpu.memory_space<vmem>>
        %dma_wait3A_455 = arith.constant 0 : i32
        %dma_wait3A_456 = tpu.memref_slice %arg19[%dma_wait3A_455] : memref<10240xf32, #tpu.memory_space<vmem_shared>> -> memref<10240xf32, #tpu.memory_space<vmem_shared>>
        tpu.wait_indirect_dma semaphore(%arg25 : memref<!tpu.dma_semaphore, #tpu.memory_space<semaphore_mem>>) src(%dma_wait3A_451 : memref<80xf32, #tpu.memory_space<vmem>>) dst(%dma_wait3A_456 : memref<10240xf32, #tpu.memory_space<vmem_shared>>)
        %dma_wait3A_457 = arith.constant 0 : i32
        %dma_wait3A_458 = arith.constant 0 : i32
        %dma_wait3A_459 = tpu.memref_slice %arg15[%rem3A_444, %dma_wait3A_457, %dma_wait3A_458] : memref<3x80x128xf32, #tpu.memory_space<vmem>> -> memref<1x80x128xf32, #tpu.memory_space<vmem>>
        %dma_wait3A_460 = tpu.memref_squeeze %dma_wait3A_459 : memref<1x80x128xf32, #tpu.memory_space<vmem>> -> memref<80x128xf32, #tpu.memory_space<vmem>>
        %dma_wait3A_461 = arith.constant 0 : i32
        %dma_wait3A_462 = tpu.memref_slice %arg11[%rem3A_448, %dma_wait3A_461] : memref<4x80xi32, #tpu.memory_space<vmem>> -> memref<1x80xi32, #tpu.memory_space<vmem>>
        %dma_wait3A_463 = tpu.memref_squeeze %dma_wait3A_462 : memref<1x80xi32, #tpu.memory_space<vmem>> -> memref<80xi32, #tpu.memory_space<vmem>>
        %dma_wait3A_464 = arith.constant 0 : i32
        %dma_wait3A_465 = arith.constant 0 : i32
        %dma_wait3A_466 = tpu.memref_slice %arg18[%dma_wait3A_464, %dma_wait3A_465] : memref<10240x128xf32, #tpu.memory_space<vmem_shared>> -> memref<10240x128xf32, #tpu.memory_space<vmem_shared>>
        tpu.wait_indirect_dma semaphore(%arg26 : memref<!tpu.dma_semaphore, #tpu.memory_space<semaphore_mem>>) src(%dma_wait3A_460 : memref<80x128xf32, #tpu.memory_space<vmem>>) dst(%dma_wait3A_466 : memref<10240x128xf32, #tpu.memory_space<vmem_shared>>)
      } else {
      }
      %add3A_285 = arith.constant 2 : i32
      %add3A_286 = arith.addi %scan3A_277, %add3A_285 : i32
      %lt3A = arith.constant 125 : i32
      %lt3A_287 = arith.cmpi slt, %add3A_286, %lt3A : i32
      %convert_element_type3A_288 = arith.extui %lt3A_287 : i1 to i32
      %cond3A_289 = arith.constant 0 : i32
      %cond3A_290 = arith.cmpi ne, %convert_element_type3A_288, %cond3A_289 : i32
      scf.if %cond3A_290 {
        %add3A_441 = arith.constant 2 : i32
        %add3A_442 = arith.addi %scan3A_277, %add3A_441 : i32
        %rem3A_443 = arith.constant 3 : i32
        %rem3A_444 = arith.remsi %add3A_442, %rem3A_443 : i32
        %add3A_445 = arith.constant 2 : i32
        %add3A_446 = arith.addi %scan3A_277, %add3A_445 : i32
        %rem3A_447 = arith.constant 4 : i32
        %rem3A_448 = arith.remsi %add3A_446, %rem3A_447 : i32
        %add3A_449 = arith.constant 2 : i32
        %add3A_450 = arith.addi %scan3A_277, %add3A_449 : i32
        %dma_start3A_451 = arith.constant 0 : i32
        %dma_start3A_452 = tpu.memref_slice %arg10[%rem3A_444, %dma_start3A_451] : memref<3x80xi32, #tpu.memory_space<vmem>> -> memref<1x80xi32, #tpu.memory_space<vmem>>
        %dma_start3A_453 = tpu.memref_squeeze %dma_start3A_452 : memref<1x80xi32, #tpu.memory_space<vmem>> -> memref<80xi32, #tpu.memory_space<vmem>>
        %dma_start3A_454 = arith.constant 0 : i32
        %dma_start3A_455 = tpu.memref_slice %arg2[%add3A, %add3A_450, %dma_start3A_454] : memref<32x125x80xi32, #tpu.memory_space<hbm>> -> memref<1x1x80xi32, #tpu.memory_space<hbm>>
        %dma_start3A_456 = tpu.memref_squeeze %dma_start3A_455 : memref<1x1x80xi32, #tpu.memory_space<hbm>> -> memref<80xi32, #tpu.memory_space<hbm>>
        %dma_start3A_457 = arith.constant 0 : i32
        %dma_start3A_458 = tpu.memref_slice %arg10[%rem3A_444, %dma_start3A_457] : memref<3x80xi32, #tpu.memory_space<vmem>> -> memref<1x80xi32, #tpu.memory_space<vmem>>
        %dma_start3A_459 = tpu.memref_squeeze %dma_start3A_458 : memref<1x80xi32, #tpu.memory_space<vmem>> -> memref<80xi32, #tpu.memory_space<vmem>>
        %dma_start3A_460 = arith.constant 0 : i32
        %dma_start3A_461 = tpu.memref_slice %arg2[%add3A, %add3A_450, %dma_start3A_460] : memref<32x125x80xi32, #tpu.memory_space<hbm>> -> memref<1x1x80xi32, #tpu.memory_space<hbm>>
        %dma_start3A_462 = tpu.memref_squeeze %dma_start3A_461 : memref<1x1x80xi32, #tpu.memory_space<hbm>> -> memref<80xi32, #tpu.memory_space<hbm>>
        tpu.enqueue_dma source(%dma_start3A_462 : memref<80xi32, #tpu.memory_space<hbm>>) target(%dma_start3A_459 : memref<80xi32, #tpu.memory_space<vmem>>) target_semaphore(%arg20 : memref<!tpu.dma_semaphore, #tpu.memory_space<semaphore_mem>>)
        %add3A_463 = arith.constant 2 : i32
        %add3A_464 = arith.addi %scan3A_277, %add3A_463 : i32
        %dma_start3A_465 = arith.constant 0 : i32
        %dma_start3A_466 = tpu.memref_slice %arg11[%rem3A_448, %dma_start3A_465] : memref<4x80xi32, #tpu.memory_space<vmem>> -> memref<1x80xi32, #tpu.memory_space<vmem>>
        %dma_start3A_467 = tpu.memref_squeeze %dma_start3A_466 : memref<1x80xi32, #tpu.memory_space<vmem>> -> memref<80xi32, #tpu.memory_space<vmem>>
        %dma_start3A_468 = arith.constant 0 : i32
        %dma_start3A_469 = tpu.memref_slice %arg3[%add3A, %add3A_464, %dma_start3A_468] : memref<32x125x80xi32, #tpu.memory_space<hbm>> -> memref<1x1x80xi32, #tpu.memory_space<hbm>>
        %dma_start3A_470 = tpu.memref_squeeze %dma_start3A_469 : memref<1x1x80xi32, #tpu.memory_space<hbm>> -> memref<80xi32, #tpu.memory_space<hbm>>
        %dma_start3A_471 = arith.constant 0 : i32
        %dma_start3A_472 = tpu.memref_slice %arg11[%rem3A_448, %dma_start3A_471] : memref<4x80xi32, #tpu.memory_space<vmem>> -> memref<1x80xi32, #tpu.memory_space<vmem>>
        %dma_start3A_473 = tpu.memref_squeeze %dma_start3A_472 : memref<1x80xi32, #tpu.memory_space<vmem>> -> memref<80xi32, #tpu.memory_space<vmem>>
        %dma_start3A_474 = arith.constant 0 : i32
        %dma_start3A_475 = tpu.memref_slice %arg3[%add3A, %add3A_464, %dma_start3A_474] : memref<32x125x80xi32, #tpu.memory_space<hbm>> -> memref<1x1x80xi32, #tpu.memory_space<hbm>>
        %dma_start3A_476 = tpu.memref_squeeze %dma_start3A_475 : memref<1x1x80xi32, #tpu.memory_space<hbm>> -> memref<80xi32, #tpu.memory_space<hbm>>
        tpu.enqueue_dma source(%dma_start3A_476 : memref<80xi32, #tpu.memory_space<hbm>>) target(%dma_start3A_473 : memref<80xi32, #tpu.memory_space<vmem>>) target_semaphore(%arg21 : memref<!tpu.dma_semaphore, #tpu.memory_space<semaphore_mem>>)
      } else {
      }
      %add3A_291 = arith.constant 1 : i32
      %add3A_292 = arith.addi %scan3A_277, %add3A_291 : i32
      %lt3A_293 = arith.constant 125 : i32
      %lt3A_294 = arith.cmpi slt, %add3A_292, %lt3A_293 : i32
      %convert_element_type3A_295 = arith.extui %lt3A_294 : i1 to i32
      %cond3A_296 = arith.constant 0 : i32
      %cond3A_297 = arith.cmpi ne, %convert_element_type3A_295, %cond3A_296 : i32
      scf.if %cond3A_297 {
        %add3A_441 = arith.constant 1 : i32
        %add3A_442 = arith.addi %scan3A_277, %add3A_441 : i32
        %rem3A_443 = arith.constant 3 : i32
        %rem3A_444 = arith.remsi %add3A_442, %rem3A_443 : i32
        %add3A_445 = arith.constant 1 : i32
        %add3A_446 = arith.addi %scan3A_277, %add3A_445 : i32
        %rem3A_447 = arith.constant 4 : i32
        %rem3A_448 = arith.remsi %add3A_446, %rem3A_447 : i32
        %add3A_449 = arith.constant 1 : i32
        %add3A_450 = arith.addi %scan3A_277, %add3A_449 : i32
        %rem3A_451 = arith.constant 2 : i32
        %rem3A_452 = arith.remsi %add3A_450, %rem3A_451 : i32
        %add3A_453 = arith.constant 1 : i32
        %add3A_454 = arith.addi %scan3A_277, %add3A_453 : i32
        %dma_wait3A_455 = arith.constant 0 : i32
        %dma_wait3A_456 = tpu.memref_slice %arg10[%rem3A_444, %dma_wait3A_455] : memref<3x80xi32, #tpu.memory_space<vmem>> -> memref<1x80xi32, #tpu.memory_space<vmem>>
        %dma_wait3A_457 = tpu.memref_squeeze %dma_wait3A_456 : memref<1x80xi32, #tpu.memory_space<vmem>> -> memref<80xi32, #tpu.memory_space<vmem>>
        %dma_wait3A_458 = arith.constant 0 : i32
        %dma_wait3A_459 = tpu.memref_slice %arg2[%add3A, %add3A_454, %dma_wait3A_458] : memref<32x125x80xi32, #tpu.memory_space<hbm>> -> memref<1x1x80xi32, #tpu.memory_space<hbm>>
        %dma_wait3A_460 = tpu.memref_squeeze %dma_wait3A_459 : memref<1x1x80xi32, #tpu.memory_space<hbm>> -> memref<80xi32, #tpu.memory_space<hbm>>
        %dma_wait3A_461 = arith.constant 0 : i32
        %dma_wait3A_462 = tpu.memref_slice %arg10[%rem3A_444, %dma_wait3A_461] : memref<3x80xi32, #tpu.memory_space<vmem>> -> memref<1x80xi32, #tpu.memory_space<vmem>>
        %dma_wait3A_463 = tpu.memref_squeeze %dma_wait3A_462 : memref<1x80xi32, #tpu.memory_space<vmem>> -> memref<80xi32, #tpu.memory_space<vmem>>
        %dma_wait3A_464 = arith.constant 0 : i32
        %dma_wait3A_465 = tpu.memref_slice %arg2[%add3A, %add3A_454, %dma_wait3A_464] : memref<32x125x80xi32, #tpu.memory_space<hbm>> -> memref<1x1x80xi32, #tpu.memory_space<hbm>>
        %dma_wait3A_466 = tpu.memref_squeeze %dma_wait3A_465 : memref<1x1x80xi32, #tpu.memory_space<hbm>> -> memref<80xi32, #tpu.memory_space<hbm>>
        tpu.wait_dma2 semaphore(%arg20 : memref<!tpu.dma_semaphore, #tpu.memory_space<semaphore_mem>>) src(%dma_wait3A_466 : memref<80xi32, #tpu.memory_space<hbm>>) dst(%dma_wait3A_463 : memref<80xi32, #tpu.memory_space<vmem>>)
        %add3A_467 = arith.constant 1 : i32
        %add3A_468 = arith.addi %scan3A_277, %add3A_467 : i32
        %dma_wait3A_469 = arith.constant 0 : i32
        %dma_wait3A_470 = tpu.memref_slice %arg11[%rem3A_448, %dma_wait3A_469] : memref<4x80xi32, #tpu.memory_space<vmem>> -> memref<1x80xi32, #tpu.memory_space<vmem>>
        %dma_wait3A_471 = tpu.memref_squeeze %dma_wait3A_470 : memref<1x80xi32, #tpu.memory_space<vmem>> -> memref<80xi32, #tpu.memory_space<vmem>>
        %dma_wait3A_472 = arith.constant 0 : i32
        %dma_wait3A_473 = tpu.memref_slice %arg3[%add3A, %add3A_468, %dma_wait3A_472] : memref<32x125x80xi32, #tpu.memory_space<hbm>> -> memref<1x1x80xi32, #tpu.memory_space<hbm>>
        %dma_wait3A_474 = tpu.memref_squeeze %dma_wait3A_473 : memref<1x1x80xi32, #tpu.memory_space<hbm>> -> memref<80xi32, #tpu.memory_space<hbm>>
        %dma_wait3A_475 = arith.constant 0 : i32
        %dma_wait3A_476 = tpu.memref_slice %arg11[%rem3A_448, %dma_wait3A_475] : memref<4x80xi32, #tpu.memory_space<vmem>> -> memref<1x80xi32, #tpu.memory_space<vmem>>
        %dma_wait3A_477 = tpu.memref_squeeze %dma_wait3A_476 : memref<1x80xi32, #tpu.memory_space<vmem>> -> memref<80xi32, #tpu.memory_space<vmem>>
        %dma_wait3A_478 = arith.constant 0 : i32
        %dma_wait3A_479 = tpu.memref_slice %arg3[%add3A, %add3A_468, %dma_wait3A_478] : memref<32x125x80xi32, #tpu.memory_space<hbm>> -> memref<1x1x80xi32, #tpu.memory_space<hbm>>
        %dma_wait3A_480 = tpu.memref_squeeze %dma_wait3A_479 : memref<1x1x80xi32, #tpu.memory_space<hbm>> -> memref<80xi32, #tpu.memory_space<hbm>>
        tpu.wait_dma2 semaphore(%arg21 : memref<!tpu.dma_semaphore, #tpu.memory_space<semaphore_mem>>) src(%dma_wait3A_480 : memref<80xi32, #tpu.memory_space<hbm>>) dst(%dma_wait3A_477 : memref<80xi32, #tpu.memory_space<vmem>>)
        %dma_start3A_481 = arith.constant 0 : i32
        %dma_start3A_482 = tpu.memref_slice %arg12[%rem3A_452, %dma_start3A_481] : memref<2x80xf32, #tpu.memory_space<vmem>> -> memref<1x80xf32, #tpu.memory_space<vmem>>
        %dma_start3A_483 = tpu.memref_squeeze %dma_start3A_482 : memref<1x80xf32, #tpu.memory_space<vmem>> -> memref<80xf32, #tpu.memory_space<vmem>>
        %dma_start3A_484 = arith.constant 0 : i32
        %dma_start3A_485 = tpu.memref_slice %arg10[%rem3A_444, %dma_start3A_484] : memref<3x80xi32, #tpu.memory_space<vmem>> -> memref<1x80xi32, #tpu.memory_space<vmem>>
        %dma_start3A_486 = tpu.memref_squeeze %dma_start3A_485 : memref<1x80xi32, #tpu.memory_space<vmem>> -> memref<80xi32, #tpu.memory_space<vmem>>
        %dma_start3A_487 = arith.constant 0 : i32
        %dma_start3A_488 = tpu.memref_slice %arg4[%dma_start3A_487] : memref<10240xf32, #tpu.memory_space<hbm>> -> memref<10240xf32, #tpu.memory_space<hbm>>
        tpu.enqueue_indirect_dma source(%dma_start3A_488 : memref<10240xf32, #tpu.memory_space<hbm>>) target(%dma_start3A_483 : memref<80xf32, #tpu.memory_space<vmem>>) offsets(%dma_start3A_486 : memref<80xi32, #tpu.memory_space<vmem>>) semaphore(%arg22 : memref<!tpu.dma_semaphore, #tpu.memory_space<semaphore_mem>>)
        %dma_start3A_489 = arith.constant 0 : i32
        %dma_start3A_490 = tpu.memref_slice %arg13[%rem3A_452, %dma_start3A_489] : memref<2x80xf32, #tpu.memory_space<vmem>> -> memref<1x80xf32, #tpu.memory_space<vmem>>
        %dma_start3A_491 = tpu.memref_squeeze %dma_start3A_490 : memref<1x80xf32, #tpu.memory_space<vmem>> -> memref<80xf32, #tpu.memory_space<vmem>>
        %dma_start3A_492 = arith.constant 0 : i32
        %dma_start3A_493 = tpu.memref_slice %arg11[%rem3A_448, %dma_start3A_492] : memref<4x80xi32, #tpu.memory_space<vmem>> -> memref<1x80xi32, #tpu.memory_space<vmem>>
        %dma_start3A_494 = tpu.memref_squeeze %dma_start3A_493 : memref<1x80xi32, #tpu.memory_space<vmem>> -> memref<80xi32, #tpu.memory_space<vmem>>
        %dma_start3A_495 = arith.constant 0 : i32
        %dma_start3A_496 = tpu.memref_slice %arg5[%dma_start3A_495] : memref<10240xf32, #tpu.memory_space<hbm>> -> memref<10240xf32, #tpu.memory_space<hbm>>
        tpu.enqueue_indirect_dma source(%dma_start3A_496 : memref<10240xf32, #tpu.memory_space<hbm>>) target(%dma_start3A_491 : memref<80xf32, #tpu.memory_space<vmem>>) offsets(%dma_start3A_494 : memref<80xi32, #tpu.memory_space<vmem>>) semaphore(%arg23 : memref<!tpu.dma_semaphore, #tpu.memory_space<semaphore_mem>>)
        %dma_start3A_497 = arith.constant 0 : i32
        %dma_start3A_498 = arith.constant 0 : i32
        %dma_start3A_499 = tpu.memref_slice %arg15[%rem3A_444, %dma_start3A_497, %dma_start3A_498] : memref<3x80x128xf32, #tpu.memory_space<vmem>> -> memref<1x80x128xf32, #tpu.memory_space<vmem>>
        %dma_start3A_500 = tpu.memref_squeeze %dma_start3A_499 : memref<1x80x128xf32, #tpu.memory_space<vmem>> -> memref<80x128xf32, #tpu.memory_space<vmem>>
        %dma_start3A_501 = arith.constant 0 : i32
        %dma_start3A_502 = tpu.memref_slice %arg10[%rem3A_444, %dma_start3A_501] : memref<3x80xi32, #tpu.memory_space<vmem>> -> memref<1x80xi32, #tpu.memory_space<vmem>>
        %dma_start3A_503 = tpu.memref_squeeze %dma_start3A_502 : memref<1x80xi32, #tpu.memory_space<vmem>> -> memref<80xi32, #tpu.memory_space<vmem>>
        %dma_start3A_504 = arith.constant 0 : i32
        %dma_start3A_505 = arith.constant 0 : i32
        %dma_start3A_506 = tpu.memref_slice %arg7[%dma_start3A_504, %dma_start3A_505] : memref<10240x128xf32, #tpu.memory_space<hbm>> -> memref<10240x128xf32, #tpu.memory_space<hbm>>
        tpu.enqueue_indirect_dma source(%dma_start3A_506 : memref<10240x128xf32, #tpu.memory_space<hbm>>) target(%dma_start3A_500 : memref<80x128xf32, #tpu.memory_space<vmem>>) offsets(%dma_start3A_503 : memref<80xi32, #tpu.memory_space<vmem>>) semaphore(%arg24 : memref<!tpu.dma_semaphore, #tpu.memory_space<semaphore_mem>>)
      } else {
      }
      %dma_wait3A_298 = arith.constant 0 : i32
      %dma_wait3A_299 = tpu.memref_slice %arg12[%rem3A_282, %dma_wait3A_298] : memref<2x80xf32, #tpu.memory_space<vmem>> -> memref<1x80xf32, #tpu.memory_space<vmem>>
      %dma_wait3A_300 = tpu.memref_squeeze %dma_wait3A_299 : memref<1x80xf32, #tpu.memory_space<vmem>> -> memref<80xf32, #tpu.memory_space<vmem>>
      %dma_wait3A_301 = arith.constant 0 : i32
      %dma_wait3A_302 = tpu.memref_slice %arg10[%rem3A_278, %dma_wait3A_301] : memref<3x80xi32, #tpu.memory_space<vmem>> -> memref<1x80xi32, #tpu.memory_space<vmem>>
      %dma_wait3A_303 = tpu.memref_squeeze %dma_wait3A_302 : memref<1x80xi32, #tpu.memory_space<vmem>> -> memref<80xi32, #tpu.memory_space<vmem>>
      %dma_wait3A_304 = arith.constant 0 : i32
      %dma_wait3A_305 = tpu.memref_slice %arg4[%dma_wait3A_304] : memref<10240xf32, #tpu.memory_space<hbm>> -> memref<10240xf32, #tpu.memory_space<hbm>>
      tpu.wait_indirect_dma semaphore(%arg22 : memref<!tpu.dma_semaphore, #tpu.memory_space<semaphore_mem>>) src(%dma_wait3A_305 : memref<10240xf32, #tpu.memory_space<hbm>>) dst(%dma_wait3A_300 : memref<80xf32, #tpu.memory_space<vmem>>)
      %dma_wait3A_306 = arith.constant 0 : i32
      %dma_wait3A_307 = tpu.memref_slice %arg13[%rem3A_282, %dma_wait3A_306] : memref<2x80xf32, #tpu.memory_space<vmem>> -> memref<1x80xf32, #tpu.memory_space<vmem>>
      %dma_wait3A_308 = tpu.memref_squeeze %dma_wait3A_307 : memref<1x80xf32, #tpu.memory_space<vmem>> -> memref<80xf32, #tpu.memory_space<vmem>>
      %dma_wait3A_309 = arith.constant 0 : i32
      %dma_wait3A_310 = tpu.memref_slice %arg11[%rem3A_280, %dma_wait3A_309] : memref<4x80xi32, #tpu.memory_space<vmem>> -> memref<1x80xi32, #tpu.memory_space<vmem>>
      %dma_wait3A_311 = tpu.memref_squeeze %dma_wait3A_310 : memref<1x80xi32, #tpu.memory_space<vmem>> -> memref<80xi32, #tpu.memory_space<vmem>>
      %dma_wait3A_312 = arith.constant 0 : i32
      %dma_wait3A_313 = tpu.memref_slice %arg5[%dma_wait3A_312] : memref<10240xf32, #tpu.memory_space<hbm>> -> memref<10240xf32, #tpu.memory_space<hbm>>
      tpu.wait_indirect_dma semaphore(%arg23 : memref<!tpu.dma_semaphore, #tpu.memory_space<semaphore_mem>>) src(%dma_wait3A_313 : memref<10240xf32, #tpu.memory_space<hbm>>) dst(%dma_wait3A_308 : memref<80xf32, #tpu.memory_space<vmem>>)
      %get3A_314 = arith.index_cast %rem3A_282 : i32 to index
      %get3A_315 = arith.constant 0 : index
      %get3A_316 = tpu.vector_load %arg12[%get3A_314, %get3A_315] {strides = array<i32>} : memref<2x80xf32, #tpu.memory_space<vmem>>, vector<16xf32>,
      %get3A_317 = arith.index_cast %rem3A_282 : i32 to index
      %get3A_318 = arith.constant 0 : index
      %get3A_319 = tpu.vector_load %arg13[%get3A_317, %get3A_318] {strides = array<i32>} : memref<2x80xf32, #tpu.memory_space<vmem>>, vector<16xf32>,
      %add3A_320 = arith.addf %get3A_316, %get3A_319 : vector<16xf32>
      %ge3A_321 = arith.constant 0.000000e+00 : f32
      %ge3A_322 = vector.broadcast %ge3A_321 : f32 to vector<16xf32>
      %ge3A_323 = arith.cmpf oge, %add3A_320, %ge3A_322 : vector<16xf32>
      %mul3A_324 = arith.constant 2.000000e-01 : f32
      %mul3A_325 = vector.broadcast %mul3A_324 : f32 to vector<16xf32>
      %mul3A_326 = arith.mulf %add3A_320, %mul3A_325 : vector<16xf32>
      %select_n3A = arith.select %ge3A_323, %add3A_320, %mul3A_326 : vector<16xi1>, vector<16xf32>
      %sub3A = arith.subf %select_n3A, %get3A_111 : vector<16xf32>
      %exp3A = math.exp %sub3A : vector<16xf32>
      %swap3A_327 = arith.index_cast %rem3A_280 : i32 to index
      %swap3A_328 = arith.constant 0 : index
      %swap3A_329 = tpu.vector_load %arg14[%swap3A_327, %swap3A_328] {strides = array<i32>} : memref<4x80xf32, #tpu.memory_space<vmem>>, vector<16xf32>,
      tpu.vector_store %arg14[%swap3A_327, %swap3A_328], %exp3A {strides = array<i32>} : memref<4x80xf32, #tpu.memory_space<vmem>>, vector<16xf32>,
      %get3A_330 = arith.index_cast %rem3A_282 : i32 to index
      %get3A_331 = arith.constant 16 : index
      %get3A_332 = tpu.vector_load %arg12[%get3A_330, %get3A_331] {strides = array<i32>} : memref<2x80xf32, #tpu.memory_space<vmem>>, vector<16xf32>,
      %get3A_333 = arith.index_cast %rem3A_282 : i32 to index
      %get3A_334 = arith.constant 16 : index
      %get3A_335 = tpu.vector_load %arg13[%get3A_333, %get3A_334] {strides = array<i32>} : memref<2x80xf32, #tpu.memory_space<vmem>>, vector<16xf32>,
      %add3A_336 = arith.addf %get3A_332, %get3A_335 : vector<16xf32>
      %ge3A_337 = arith.constant 0.000000e+00 : f32
      %ge3A_338 = vector.broadcast %ge3A_337 : f32 to vector<16xf32>
      %ge3A_339 = arith.cmpf oge, %add3A_336, %ge3A_338 : vector<16xf32>
      %mul3A_340 = arith.constant 2.000000e-01 : f32
      %mul3A_341 = vector.broadcast %mul3A_340 : f32 to vector<16xf32>
      %mul3A_342 = arith.mulf %add3A_336, %mul3A_341 : vector<16xf32>
      %select_n3A_343 = arith.select %ge3A_339, %add3A_336, %mul3A_342 : vector<16xi1>, vector<16xf32>
      %sub3A_344 = arith.subf %select_n3A_343, %get3A_111 : vector<16xf32>
      %exp3A_345 = math.exp %sub3A_344 : vector<16xf32>
      %swap3A_346 = arith.index_cast %rem3A_280 : i32 to index
      %swap3A_347 = arith.constant 16 : index
      %swap3A_348 = tpu.vector_load %arg14[%swap3A_346, %swap3A_347] {strides = array<i32>} : memref<4x80xf32, #tpu.memory_space<vmem>>, vector<16xf32>,
      tpu.vector_store %arg14[%swap3A_346, %swap3A_347], %exp3A_345 {strides = array<i32>} : memref<4x80xf32, #tpu.memory_space<vmem>>, vector<16xf32>,
      %get3A_349 = arith.index_cast %rem3A_282 : i32 to index
      %get3A_350 = arith.constant 32 : index
      %get3A_351 = tpu.vector_load %arg12[%get3A_349, %get3A_350] {strides = array<i32>} : memref<2x80xf32, #tpu.memory_space<vmem>>, vector<16xf32>,
      %get3A_352 = arith.index_cast %rem3A_282 : i32 to index
      %get3A_353 = arith.constant 32 : index
      %get3A_354 = tpu.vector_load %arg13[%get3A_352, %get3A_353] {strides = array<i32>} : memref<2x80xf32, #tpu.memory_space<vmem>>, vector<16xf32>,
      %add3A_355 = arith.addf %get3A_351, %get3A_354 : vector<16xf32>
      %ge3A_356 = arith.constant 0.000000e+00 : f32
      %ge3A_357 = vector.broadcast %ge3A_356 : f32 to vector<16xf32>
      %ge3A_358 = arith.cmpf oge, %add3A_355, %ge3A_357 : vector<16xf32>
      %mul3A_359 = arith.constant 2.000000e-01 : f32
      %mul3A_360 = vector.broadcast %mul3A_359 : f32 to vector<16xf32>
      %mul3A_361 = arith.mulf %add3A_355, %mul3A_360 : vector<16xf32>
      %select_n3A_362 = arith.select %ge3A_358, %add3A_355, %mul3A_361 : vector<16xi1>, vector<16xf32>
      %sub3A_363 = arith.subf %select_n3A_362, %get3A_111 : vector<16xf32>
      %exp3A_364 = math.exp %sub3A_363 : vector<16xf32>
      %swap3A_365 = arith.index_cast %rem3A_280 : i32 to index
      %swap3A_366 = arith.constant 32 : index
      %swap3A_367 = tpu.vector_load %arg14[%swap3A_365, %swap3A_366] {strides = array<i32>} : memref<4x80xf32, #tpu.memory_space<vmem>>, vector<16xf32>,
      tpu.vector_store %arg14[%swap3A_365, %swap3A_366], %exp3A_364 {strides = array<i32>} : memref<4x80xf32, #tpu.memory_space<vmem>>, vector<16xf32>,
      %get3A_368 = arith.index_cast %rem3A_282 : i32 to index
      %get3A_369 = arith.constant 48 : index
      %get3A_370 = tpu.vector_load %arg12[%get3A_368, %get3A_369] {strides = array<i32>} : memref<2x80xf32, #tpu.memory_space<vmem>>, vector<16xf32>,
      %get3A_371 = arith.index_cast %rem3A_282 : i32 to index
      %get3A_372 = arith.constant 48 : index
      %get3A_373 = tpu.vector_load %arg13[%get3A_371, %get3A_372] {strides = array<i32>} : memref<2x80xf32, #tpu.memory_space<vmem>>, vector<16xf32>,
      %add3A_374 = arith.addf %get3A_370, %get3A_373 : vector<16xf32>
      %ge3A_375 = arith.constant 0.000000e+00 : f32
      %ge3A_376 = vector.broadcast %ge3A_375 : f32 to vector<16xf32>
      %ge3A_377 = arith.cmpf oge, %add3A_374, %ge3A_376 : vector<16xf32>
      %mul3A_378 = arith.constant 2.000000e-01 : f32
      %mul3A_379 = vector.broadcast %mul3A_378 : f32 to vector<16xf32>
      %mul3A_380 = arith.mulf %add3A_374, %mul3A_379 : vector<16xf32>
      %select_n3A_381 = arith.select %ge3A_377, %add3A_374, %mul3A_380 : vector<16xi1>, vector<16xf32>
      %sub3A_382 = arith.subf %select_n3A_381, %get3A_111 : vector<16xf32>
      %exp3A_383 = math.exp %sub3A_382 : vector<16xf32>
      %swap3A_384 = arith.index_cast %rem3A_280 : i32 to index
      %swap3A_385 = arith.constant 48 : index
      %swap3A_386 = tpu.vector_load %arg14[%swap3A_384, %swap3A_385] {strides = array<i32>} : memref<4x80xf32, #tpu.memory_space<vmem>>, vector<16xf32>,
      tpu.vector_store %arg14[%swap3A_384, %swap3A_385], %exp3A_383 {strides = array<i32>} : memref<4x80xf32, #tpu.memory_space<vmem>>, vector<16xf32>,
      %get3A_387 = arith.index_cast %rem3A_282 : i32 to index
      %get3A_388 = arith.constant 64 : index
      %get3A_389 = tpu.vector_load %arg12[%get3A_387, %get3A_388] {strides = array<i32>} : memref<2x80xf32, #tpu.memory_space<vmem>>, vector<16xf32>,
      %get3A_390 = arith.index_cast %rem3A_282 : i32 to index
      %get3A_391 = arith.constant 64 : index
      %get3A_392 = tpu.vector_load %arg13[%get3A_390, %get3A_391] {strides = array<i32>} : memref<2x80xf32, #tpu.memory_space<vmem>>, vector<16xf32>,
      %add3A_393 = arith.addf %get3A_389, %get3A_392 : vector<16xf32>
      %ge3A_394 = arith.constant 0.000000e+00 : f32
      %ge3A_395 = vector.broadcast %ge3A_394 : f32 to vector<16xf32>
      %ge3A_396 = arith.cmpf oge, %add3A_393, %ge3A_395 : vector<16xf32>
      %mul3A_397 = arith.constant 2.000000e-01 : f32
      %mul3A_398 = vector.broadcast %mul3A_397 : f32 to vector<16xf32>
      %mul3A_399 = arith.mulf %add3A_393, %mul3A_398 : vector<16xf32>
      %select_n3A_400 = arith.select %ge3A_396, %add3A_393, %mul3A_399 : vector<16xi1>, vector<16xf32>
      %sub3A_401 = arith.subf %select_n3A_400, %get3A_111 : vector<16xf32>
      %exp3A_402 = math.exp %sub3A_401 : vector<16xf32>
      %swap3A_403 = arith.index_cast %rem3A_280 : i32 to index
      %swap3A_404 = arith.constant 64 : index
      %swap3A_405 = tpu.vector_load %arg14[%swap3A_403, %swap3A_404] {strides = array<i32>} : memref<4x80xf32, #tpu.memory_space<vmem>>, vector<16xf32>,
      tpu.vector_store %arg14[%swap3A_403, %swap3A_404], %exp3A_402 {strides = array<i32>} : memref<4x80xf32, #tpu.memory_space<vmem>>, vector<16xf32>,
      %dma_start3A_406 = arith.constant 0 : i32
      %dma_start3A_407 = tpu.memref_slice %arg14[%rem3A_280, %dma_start3A_406] : memref<4x80xf32, #tpu.memory_space<vmem>> -> memref<1x80xf32, #tpu.memory_space<vmem>>
      %dma_start3A_408 = tpu.memref_squeeze %dma_start3A_407 : memref<1x80xf32, #tpu.memory_space<vmem>> -> memref<80xf32, #tpu.memory_space<vmem>>
      %dma_start3A_409 = arith.constant 0 : i32
      %dma_start3A_410 = tpu.memref_slice %arg11[%rem3A_280, %dma_start3A_409] : memref<4x80xi32, #tpu.memory_space<vmem>> -> memref<1x80xi32, #tpu.memory_space<vmem>>
      %dma_start3A_411 = tpu.memref_squeeze %dma_start3A_410 : memref<1x80xi32, #tpu.memory_space<vmem>> -> memref<80xi32, #tpu.memory_space<vmem>>
      %dma_start3A_412 = arith.constant 0 : i32
      %dma_start3A_413 = tpu.memref_slice %arg19[%dma_start3A_412] : memref<10240xf32, #tpu.memory_space<vmem_shared>> -> memref<10240xf32, #tpu.memory_space<vmem_shared>>
      tpu.enqueue_indirect_dma source(%dma_start3A_408 : memref<80xf32, #tpu.memory_space<vmem>>) target(%dma_start3A_413 : memref<10240xf32, #tpu.memory_space<vmem_shared>>) offsets(%dma_start3A_411 : memref<80xi32, #tpu.memory_space<vmem>>) semaphore(%arg25 : memref<!tpu.dma_semaphore, #tpu.memory_space<semaphore_mem>>) {add = true}
      %dma_wait3A_414 = arith.constant 0 : i32
      %dma_wait3A_415 = arith.constant 0 : i32
      %dma_wait3A_416 = tpu.memref_slice %arg15[%rem3A_278, %dma_wait3A_414, %dma_wait3A_415] : memref<3x80x128xf32, #tpu.memory_space<vmem>> -> memref<1x80x128xf32, #tpu.memory_space<vmem>>
      %dma_wait3A_417 = tpu.memref_squeeze %dma_wait3A_416 : memref<1x80x128xf32, #tpu.memory_space<vmem>> -> memref<80x128xf32, #tpu.memory_space<vmem>>
      %dma_wait3A_418 = arith.constant 0 : i32
      %dma_wait3A_419 = tpu.memref_slice %arg10[%rem3A_278, %dma_wait3A_418] : memref<3x80xi32, #tpu.memory_space<vmem>> -> memref<1x80xi32, #tpu.memory_space<vmem>>
      %dma_wait3A_420 = tpu.memref_squeeze %dma_wait3A_419 : memref<1x80xi32, #tpu.memory_space<vmem>> -> memref<80xi32, #tpu.memory_space<vmem>>
      %dma_wait3A_421 = arith.constant 0 : i32
      %dma_wait3A_422 = arith.constant 0 : i32
      %dma_wait3A_423 = tpu.memref_slice %arg7[%dma_wait3A_421, %dma_wait3A_422] : memref<10240x128xf32, #tpu.memory_space<hbm>> -> memref<10240x128xf32, #tpu.memory_space<hbm>>
      tpu.wait_indirect_dma semaphore(%arg24 : memref<!tpu.dma_semaphore, #tpu.memory_space<semaphore_mem>>) src(%dma_wait3A_423 : memref<10240x128xf32, #tpu.memory_space<hbm>>) dst(%dma_wait3A_417 : memref<80x128xf32, #tpu.memory_space<vmem>>)
      %broadcast_in_dim3A_424 = vector.broadcast %rem3A_280 : i32 to vector<16xi32>
      %scan3A_425 = arith.constant 0 : i32
      %scan3A_426 = arith.constant 0 : i32
      %scan3A_427 = arith.constant 40 : i32
      %scan3A_428 = arith.addi %scan3A_426, %scan3A_427 : i32
      %scan3A_429 = arith.constant 1 : i32
      scf.for %scan3A_441 = %scan3A_426 to %scan3A_428 step %scan3A_429  : i32 {
        %mul3A_442 = arith.constant 2 : i32
        %mul3A_443 = arith.muli %scan3A_441, %mul3A_442 : i32
        %broadcast_in_dim3A_444 = vector.broadcast %mul3A_443 : i32 to vector<16xi32>
        %gather3A = tpu.vector_load_idx %arg14[%broadcast_in_dim3A_424, %broadcast_in_dim3A_444] : memref<4x80xf32, #tpu.memory_space<vmem>>[vector<16xi32>, vector<16xi32>], vector<16xf32>,
        %add3A_445 = arith.constant 1 : i32
        %add3A_446 = arith.addi %mul3A_443, %add3A_445 : i32
        %broadcast_in_dim3A_447 = vector.broadcast %add3A_446 : i32 to vector<16xi32>
        %gather3A_448 = tpu.vector_load_idx %arg14[%broadcast_in_dim3A_424, %broadcast_in_dim3A_447] : memref<4x80xf32, #tpu.memory_space<vmem>>[vector<16xi32>, vector<16xi32>], vector<16xf32>,
        %get3A_449 = arith.index_cast %rem3A_278 : i32 to index
        %get3A_450 = arith.index_cast %mul3A_443 : i32 to index
        %get3A_451 = arith.constant 0 : index
        %get3A_452 = tpu.vector_load %arg15[%get3A_449, %get3A_450, %get3A_451] {strides = array<i32>} : memref<3x80x128xf32, #tpu.memory_space<vmem>>, vector<16xf32>,
        %mul3A_453 = arith.mulf %get3A_452, %gather3A : vector<16xf32>
        %swap3A_454 = arith.index_cast %rem3A_278 : i32 to index
        %swap3A_455 = arith.index_cast %mul3A_443 : i32 to index
        %swap3A_456 = arith.constant 0 : index
        %swap3A_457 = tpu.vector_load %arg15[%swap3A_454, %swap3A_455, %swap3A_456] {strides = array<i32>} : memref<3x80x128xf32, #tpu.memory_space<vmem>>, vector<16xf32>,
        tpu.vector_store %arg15[%swap3A_454, %swap3A_455, %swap3A_456], %mul3A_453 {strides = array<i32>} : memref<3x80x128xf32, #tpu.memory_space<vmem>>, vector<16xf32>,
        %add3A_458 = arith.constant 1 : i32
        %add3A_459 = arith.addi %mul3A_443, %add3A_458 : i32
        %get3A_460 = arith.index_cast %rem3A_278 : i32 to index
        %get3A_461 = arith.index_cast %add3A_459 : i32 to index
        %get3A_462 = arith.constant 0 : index
        %get3A_463 = tpu.vector_load %arg15[%get3A_460, %get3A_461, %get3A_462] {strides = array<i32>} : memref<3x80x128xf32, #tpu.memory_space<vmem>>, vector<16xf32>,
        %mul3A_464 = arith.mulf %get3A_463, %gather3A_448 : vector<16xf32>
        %add3A_465 = arith.constant 1 : i32
        %add3A_466 = arith.addi %mul3A_443, %add3A_465 : i32
        %swap3A_467 = arith.index_cast %rem3A_278 : i32 to index
        %swap3A_468 = arith.index_cast %add3A_466 : i32 to index
        %swap3A_469 = arith.constant 0 : index
        %swap3A_470 = tpu.vector_load %arg15[%swap3A_467, %swap3A_468, %swap3A_469] {strides = array<i32>} : memref<3x80x128xf32, #tpu.memory_space<vmem>>, vector<16xf32>,
        tpu.vector_store %arg15[%swap3A_467, %swap3A_468, %swap3A_469], %mul3A_464 {strides = array<i32>} : memref<3x80x128xf32, #tpu.memory_space<vmem>>, vector<16xf32>,
        %get3A_471 = arith.index_cast %rem3A_278 : i32 to index
        %get3A_472 = arith.index_cast %mul3A_443 : i32 to index
        %get3A_473 = arith.constant 16 : index
        %get3A_474 = tpu.vector_load %arg15[%get3A_471, %get3A_472, %get3A_473] {strides = array<i32>} : memref<3x80x128xf32, #tpu.memory_space<vmem>>, vector<16xf32>,
        %mul3A_475 = arith.mulf %get3A_474, %gather3A : vector<16xf32>
        %swap3A_476 = arith.index_cast %rem3A_278 : i32 to index
        %swap3A_477 = arith.index_cast %mul3A_443 : i32 to index
        %swap3A_478 = arith.constant 16 : index
        %swap3A_479 = tpu.vector_load %arg15[%swap3A_476, %swap3A_477, %swap3A_478] {strides = array<i32>} : memref<3x80x128xf32, #tpu.memory_space<vmem>>, vector<16xf32>,
        tpu.vector_store %arg15[%swap3A_476, %swap3A_477, %swap3A_478], %mul3A_475 {strides = array<i32>} : memref<3x80x128xf32, #tpu.memory_space<vmem>>, vector<16xf32>,
        %add3A_480 = arith.constant 1 : i32
        %add3A_481 = arith.addi %mul3A_443, %add3A_480 : i32
        %get3A_482 = arith.index_cast %rem3A_278 : i32 to index
        %get3A_483 = arith.index_cast %add3A_481 : i32 to index
        %get3A_484 = arith.constant 16 : index
        %get3A_485 = tpu.vector_load %arg15[%get3A_482, %get3A_483, %get3A_484] {strides = array<i32>} : memref<3x80x128xf32, #tpu.memory_space<vmem>>, vector<16xf32>,
        %mul3A_486 = arith.mulf %get3A_485, %gather3A_448 : vector<16xf32>
        %add3A_487 = arith.constant 1 : i32
        %add3A_488 = arith.addi %mul3A_443, %add3A_487 : i32
        %swap3A_489 = arith.index_cast %rem3A_278 : i32 to index
        %swap3A_490 = arith.index_cast %add3A_488 : i32 to index
        %swap3A_491 = arith.constant 16 : index
        %swap3A_492 = tpu.vector_load %arg15[%swap3A_489, %swap3A_490, %swap3A_491] {strides = array<i32>} : memref<3x80x128xf32, #tpu.memory_space<vmem>>, vector<16xf32>,
        tpu.vector_store %arg15[%swap3A_489, %swap3A_490, %swap3A_491], %mul3A_486 {strides = array<i32>} : memref<3x80x128xf32, #tpu.memory_space<vmem>>, vector<16xf32>,
        %get3A_493 = arith.index_cast %rem3A_278 : i32 to index
        %get3A_494 = arith.index_cast %mul3A_443 : i32 to index
        %get3A_495 = arith.constant 32 : index
        %get3A_496 = tpu.vector_load %arg15[%get3A_493, %get3A_494, %get3A_495] {strides = array<i32>} : memref<3x80x128xf32, #tpu.memory_space<vmem>>, vector<16xf32>,
        %mul3A_497 = arith.mulf %get3A_496, %gather3A : vector<16xf32>
        %swap3A_498 = arith.index_cast %rem3A_278 : i32 to index
        %swap3A_499 = arith.index_cast %mul3A_443 : i32 to index
        %swap3A_500 = arith.constant 32 : index
        %swap3A_501 = tpu.vector_load %arg15[%swap3A_498, %swap3A_499, %swap3A_500] {strides = array<i32>} : memref<3x80x128xf32, #tpu.memory_space<vmem>>, vector<16xf32>,
        tpu.vector_store %arg15[%swap3A_498, %swap3A_499, %swap3A_500], %mul3A_497 {strides = array<i32>} : memref<3x80x128xf32, #tpu.memory_space<vmem>>, vector<16xf32>,
        %add3A_502 = arith.constant 1 : i32
        %add3A_503 = arith.addi %mul3A_443, %add3A_502 : i32
        %get3A_504 = arith.index_cast %rem3A_278 : i32 to index
        %get3A_505 = arith.index_cast %add3A_503 : i32 to index
        %get3A_506 = arith.constant 32 : index
        %get3A_507 = tpu.vector_load %arg15[%get3A_504, %get3A_505, %get3A_506] {strides = array<i32>} : memref<3x80x128xf32, #tpu.memory_space<vmem>>, vector<16xf32>,
        %mul3A_508 = arith.mulf %get3A_507, %gather3A_448 : vector<16xf32>
        %add3A_509 = arith.constant 1 : i32
        %add3A_510 = arith.addi %mul3A_443, %add3A_509 : i32
        %swap3A_511 = arith.index_cast %rem3A_278 : i32 to index
        %swap3A_512 = arith.index_cast %add3A_510 : i32 to index
        %swap3A_513 = arith.constant 32 : index
        %swap3A_514 = tpu.vector_load %arg15[%swap3A_511, %swap3A_512, %swap3A_513] {strides = array<i32>} : memref<3x80x128xf32, #tpu.memory_space<vmem>>, vector<16xf32>,
        tpu.vector_store %arg15[%swap3A_511, %swap3A_512, %swap3A_513], %mul3A_508 {strides = array<i32>} : memref<3x80x128xf32, #tpu.memory_space<vmem>>, vector<16xf32>,
        %get3A_515 = arith.index_cast %rem3A_278 : i32 to index
        %get3A_516 = arith.index_cast %mul3A_443 : i32 to index
        %get3A_517 = arith.constant 48 : index
        %get3A_518 = tpu.vector_load %arg15[%get3A_515, %get3A_516, %get3A_517] {strides = array<i32>} : memref<3x80x128xf32, #tpu.memory_space<vmem>>, vector<16xf32>,
        %mul3A_519 = arith.mulf %get3A_518, %gather3A : vector<16xf32>
        %swap3A_520 = arith.index_cast %rem3A_278 : i32 to index
        %swap3A_521 = arith.index_cast %mul3A_443 : i32 to index
        %swap3A_522 = arith.constant 48 : index
        %swap3A_523 = tpu.vector_load %arg15[%swap3A_520, %swap3A_521, %swap3A_522] {strides = array<i32>} : memref<3x80x128xf32, #tpu.memory_space<vmem>>, vector<16xf32>,
        tpu.vector_store %arg15[%swap3A_520, %swap3A_521, %swap3A_522], %mul3A_519 {strides = array<i32>} : memref<3x80x128xf32, #tpu.memory_space<vmem>>, vector<16xf32>,
        %add3A_524 = arith.constant 1 : i32
        %add3A_525 = arith.addi %mul3A_443, %add3A_524 : i32
        %get3A_526 = arith.index_cast %rem3A_278 : i32 to index
        %get3A_527 = arith.index_cast %add3A_525 : i32 to index
        %get3A_528 = arith.constant 48 : index
        %get3A_529 = tpu.vector_load %arg15[%get3A_526, %get3A_527, %get3A_528] {strides = array<i32>} : memref<3x80x128xf32, #tpu.memory_space<vmem>>, vector<16xf32>,
        %mul3A_530 = arith.mulf %get3A_529, %gather3A_448 : vector<16xf32>
        %add3A_531 = arith.constant 1 : i32
        %add3A_532 = arith.addi %mul3A_443, %add3A_531 : i32
        %swap3A_533 = arith.index_cast %rem3A_278 : i32 to index
        %swap3A_534 = arith.index_cast %add3A_532 : i32 to index
        %swap3A_535 = arith.constant 48 : index
        %swap3A_536 = tpu.vector_load %arg15[%swap3A_533, %swap3A_534, %swap3A_535] {strides = array<i32>} : memref<3x80x128xf32, #tpu.memory_space<vmem>>, vector<16xf32>,
        tpu.vector_store %arg15[%swap3A_533, %swap3A_534, %swap3A_535], %mul3A_530 {strides = array<i32>} : memref<3x80x128xf32, #tpu.memory_space<vmem>>, vector<16xf32>,
        %get3A_537 = arith.index_cast %rem3A_278 : i32 to index
        %get3A_538 = arith.index_cast %mul3A_443 : i32 to index
        %get3A_539 = arith.constant 64 : index
        %get3A_540 = tpu.vector_load %arg15[%get3A_537, %get3A_538, %get3A_539] {strides = array<i32>} : memref<3x80x128xf32, #tpu.memory_space<vmem>>, vector<16xf32>,
        %mul3A_541 = arith.mulf %get3A_540, %gather3A : vector<16xf32>
        %swap3A_542 = arith.index_cast %rem3A_278 : i32 to index
        %swap3A_543 = arith.index_cast %mul3A_443 : i32 to index
        %swap3A_544 = arith.constant 64 : index
        %swap3A_545 = tpu.vector_load %arg15[%swap3A_542, %swap3A_543, %swap3A_544] {strides = array<i32>} : memref<3x80x128xf32, #tpu.memory_space<vmem>>, vector<16xf32>,
        tpu.vector_store %arg15[%swap3A_542, %swap3A_543, %swap3A_544], %mul3A_541 {strides = array<i32>} : memref<3x80x128xf32, #tpu.memory_space<vmem>>, vector<16xf32>,
        %add3A_546 = arith.constant 1 : i32
        %add3A_547 = arith.addi %mul3A_443, %add3A_546 : i32
        %get3A_548 = arith.index_cast %rem3A_278 : i32 to index
        %get3A_549 = arith.index_cast %add3A_547 : i32 to index
        %get3A_550 = arith.constant 64 : index
        %get3A_551 = tpu.vector_load %arg15[%get3A_548, %get3A_549, %get3A_550] {strides = array<i32>} : memref<3x80x128xf32, #tpu.memory_space<vmem>>, vector<16xf32>,
        %mul3A_552 = arith.mulf %get3A_551, %gather3A_448 : vector<16xf32>
        %add3A_553 = arith.constant 1 : i32
        %add3A_554 = arith.addi %mul3A_443, %add3A_553 : i32
        %swap3A_555 = arith.index_cast %rem3A_278 : i32 to index
        %swap3A_556 = arith.index_cast %add3A_554 : i32 to index
        %swap3A_557 = arith.constant 64 : index
        %swap3A_558 = tpu.vector_load %arg15[%swap3A_555, %swap3A_556, %swap3A_557] {strides = array<i32>} : memref<3x80x128xf32, #tpu.memory_space<vmem>>, vector<16xf32>,
        tpu.vector_store %arg15[%swap3A_555, %swap3A_556, %swap3A_557], %mul3A_552 {strides = array<i32>} : memref<3x80x128xf32, #tpu.memory_space<vmem>>, vector<16xf32>,
        %get3A_559 = arith.index_cast %rem3A_278 : i32 to index
        %get3A_560 = arith.index_cast %mul3A_443 : i32 to index
        %get3A_561 = arith.constant 80 : index
        %get3A_562 = tpu.vector_load %arg15[%get3A_559, %get3A_560, %get3A_561] {strides = array<i32>} : memref<3x80x128xf32, #tpu.memory_space<vmem>>, vector<16xf32>,
        %mul3A_563 = arith.mulf %get3A_562, %gather3A : vector<16xf32>
        %swap3A_564 = arith.index_cast %rem3A_278 : i32 to index
        %swap3A_565 = arith.index_cast %mul3A_443 : i32 to index
        %swap3A_566 = arith.constant 80 : index
        %swap3A_567 = tpu.vector_load %arg15[%swap3A_564, %swap3A_565, %swap3A_566] {strides = array<i32>} : memref<3x80x128xf32, #tpu.memory_space<vmem>>, vector<16xf32>,
        tpu.vector_store %arg15[%swap3A_564, %swap3A_565, %swap3A_566], %mul3A_563 {strides = array<i32>} : memref<3x80x128xf32, #tpu.memory_space<vmem>>, vector<16xf32>,
        %add3A_568 = arith.constant 1 : i32
        %add3A_569 = arith.addi %mul3A_443, %add3A_568 : i32
        %get3A_570 = arith.index_cast %rem3A_278 : i32 to index
        %get3A_571 = arith.index_cast %add3A_569 : i32 to index
        %get3A_572 = arith.constant 80 : index
        %get3A_573 = tpu.vector_load %arg15[%get3A_570, %get3A_571, %get3A_572] {strides = array<i32>} : memref<3x80x128xf32, #tpu.memory_space<vmem>>, vector<16xf32>,
        %mul3A_574 = arith.mulf %get3A_573, %gather3A_448 : vector<16xf32>
        %add3A_575 = arith.constant 1 : i32
        %add3A_576 = arith.addi %mul3A_443, %add3A_575 : i32
        %swap3A_577 = arith.index_cast %rem3A_278 : i32 to index
        %swap3A_578 = arith.index_cast %add3A_576 : i32 to index
        %swap3A_579 = arith.constant 80 : index
        %swap3A_580 = tpu.vector_load %arg15[%swap3A_577, %swap3A_578, %swap3A_579] {strides = array<i32>} : memref<3x80x128xf32, #tpu.memory_space<vmem>>, vector<16xf32>,
        tpu.vector_store %arg15[%swap3A_577, %swap3A_578, %swap3A_579], %mul3A_574 {strides = array<i32>} : memref<3x80x128xf32, #tpu.memory_space<vmem>>, vector<16xf32>,
        %get3A_581 = arith.index_cast %rem3A_278 : i32 to index
        %get3A_582 = arith.index_cast %mul3A_443 : i32 to index
        %get3A_583 = arith.constant 96 : index
        %get3A_584 = tpu.vector_load %arg15[%get3A_581, %get3A_582, %get3A_583] {strides = array<i32>} : memref<3x80x128xf32, #tpu.memory_space<vmem>>, vector<16xf32>,
        %mul3A_585 = arith.mulf %get3A_584, %gather3A : vector<16xf32>
        %swap3A_586 = arith.index_cast %rem3A_278 : i32 to index
        %swap3A_587 = arith.index_cast %mul3A_443 : i32 to index
        %swap3A_588 = arith.constant 96 : index
        %swap3A_589 = tpu.vector_load %arg15[%swap3A_586, %swap3A_587, %swap3A_588] {strides = array<i32>} : memref<3x80x128xf32, #tpu.memory_space<vmem>>, vector<16xf32>,
        tpu.vector_store %arg15[%swap3A_586, %swap3A_587, %swap3A_588], %mul3A_585 {strides = array<i32>} : memref<3x80x128xf32, #tpu.memory_space<vmem>>, vector<16xf32>,
        %add3A_590 = arith.constant 1 : i32
        %add3A_591 = arith.addi %mul3A_443, %add3A_590 : i32
        %get3A_592 = arith.index_cast %rem3A_278 : i32 to index
        %get3A_593 = arith.index_cast %add3A_591 : i32 to index
        %get3A_594 = arith.constant 96 : index
        %get3A_595 = tpu.vector_load %arg15[%get3A_592, %get3A_593, %get3A_594] {strides = array<i32>} : memref<3x80x128xf32, #tpu.memory_space<vmem>>, vector<16xf32>,
        %mul3A_596 = arith.mulf %get3A_595, %gather3A_448 : vector<16xf32>
        %add3A_597 = arith.constant 1 : i32
        %add3A_598 = arith.addi %mul3A_443, %add3A_597 : i32
        %swap3A_599 = arith.index_cast %rem3A_278 : i32 to index
        %swap3A_600 = arith.index_cast %add3A_598 : i32 to index
        %swap3A_601 = arith.constant 96 : index
        %swap3A_602 = tpu.vector_load %arg15[%swap3A_599, %swap3A_600, %swap3A_601] {strides = array<i32>} : memref<3x80x128xf32, #tpu.memory_space<vmem>>, vector<16xf32>,
        tpu.vector_store %arg15[%swap3A_599, %swap3A_600, %swap3A_601], %mul3A_596 {strides = array<i32>} : memref<3x80x128xf32, #tpu.memory_space<vmem>>, vector<16xf32>,
        %get3A_603 = arith.index_cast %rem3A_278 : i32 to index
        %get3A_604 = arith.index_cast %mul3A_443 : i32 to index
        %get3A_605 = arith.constant 112 : index
        %get3A_606 = tpu.vector_load %arg15[%get3A_603, %get3A_604, %get3A_605] {strides = array<i32>} : memref<3x80x128xf32, #tpu.memory_space<vmem>>, vector<16xf32>,
        %mul3A_607 = arith.mulf %get3A_606, %gather3A : vector<16xf32>
        %swap3A_608 = arith.index_cast %rem3A_278 : i32 to index
        %swap3A_609 = arith.index_cast %mul3A_443 : i32 to index
        %swap3A_610 = arith.constant 112 : index
        %swap3A_611 = tpu.vector_load %arg15[%swap3A_608, %swap3A_609, %swap3A_610] {strides = array<i32>} : memref<3x80x128xf32, #tpu.memory_space<vmem>>, vector<16xf32>,
        tpu.vector_store %arg15[%swap3A_608, %swap3A_609, %swap3A_610], %mul3A_607 {strides = array<i32>} : memref<3x80x128xf32, #tpu.memory_space<vmem>>, vector<16xf32>,
        %add3A_612 = arith.constant 1 : i32
        %add3A_613 = arith.addi %mul3A_443, %add3A_612 : i32
        %get3A_614 = arith.index_cast %rem3A_278 : i32 to index
        %get3A_615 = arith.index_cast %add3A_613 : i32 to index
        %get3A_616 = arith.constant 112 : index
        %get3A_617 = tpu.vector_load %arg15[%get3A_614, %get3A_615, %get3A_616] {strides = array<i32>} : memref<3x80x128xf32, #tpu.memory_space<vmem>>, vector<16xf32>,
        %mul3A_618 = arith.mulf %get3A_617, %gather3A_448 : vector<16xf32>
        %add3A_619 = arith.constant 1 : i32
        %add3A_620 = arith.addi %mul3A_443, %add3A_619 : i32
        %swap3A_621 = arith.index_cast %rem3A_278 : i32 to index
        %swap3A_622 = arith.index_cast %add3A_620 : i32 to index
        %swap3A_623 = arith.constant 112 : index
        %swap3A_624 = tpu.vector_load %arg15[%swap3A_621, %swap3A_622, %swap3A_623] {strides = array<i32>} : memref<3x80x128xf32, #tpu.memory_space<vmem>>, vector<16xf32>,
        tpu.vector_store %arg15[%swap3A_621, %swap3A_622, %swap3A_623], %mul3A_618 {strides = array<i32>} : memref<3x80x128xf32, #tpu.memory_space<vmem>>, vector<16xf32>,
      }
      %scan3A_430 = arith.constant 40 : i32
      %dma_start3A_431 = arith.constant 0 : i32
      %dma_start3A_432 = arith.constant 0 : i32
      %dma_start3A_433 = tpu.memref_slice %arg15[%rem3A_278, %dma_start3A_431, %dma_start3A_432] : memref<3x80x128xf32, #tpu.memory_space<vmem>> -> memref<1x80x128xf32, #tpu.memory_space<vmem>>
      %dma_start3A_434 = tpu.memref_squeeze %dma_start3A_433 : memref<1x80x128xf32, #tpu.memory_space<vmem>> -> memref<80x128xf32, #tpu.memory_space<vmem>>
      %dma_start3A_435 = arith.constant 0 : i32
      %dma_start3A_436 = tpu.memref_slice %arg11[%rem3A_280, %dma_start3A_435] : memref<4x80xi32, #tpu.memory_space<vmem>> -> memref<1x80xi32, #tpu.memory_space<vmem>>
      %dma_start3A_437 = tpu.memref_squeeze %dma_start3A_436 : memref<1x80xi32, #tpu.memory_space<vmem>> -> memref<80xi32, #tpu.memory_space<vmem>>
      %dma_start3A_438 = arith.constant 0 : i32
      %dma_start3A_439 = arith.constant 0 : i32
      %dma_start3A_440 = tpu.memref_slice %arg18[%dma_start3A_438, %dma_start3A_439] : memref<10240x128xf32, #tpu.memory_space<vmem_shared>> -> memref<10240x128xf32, #tpu.memory_space<vmem_shared>>
      tpu.enqueue_indirect_dma source(%dma_start3A_434 : memref<80x128xf32, #tpu.memory_space<vmem>>) target(%dma_start3A_440 : memref<10240x128xf32, #tpu.memory_space<vmem_shared>>) offsets(%dma_start3A_437 : memref<80xi32, #tpu.memory_space<vmem>>) semaphore(%arg26 : memref<!tpu.dma_semaphore, #tpu.memory_space<semaphore_mem>>) {add = true}
    }
    %scan3A_231 = arith.constant 125 : i32
    %dma_wait3A_232 = arith.constant 3 : i32
    %dma_wait3A_233 = arith.constant 3 : i32
    %dma_wait3A_234 = arith.constant 0 : i32
    %dma_wait3A_235 = tpu.memref_slice %arg14[%dma_wait3A_232, %dma_wait3A_234] : memref<4x80xf32, #tpu.memory_space<vmem>> -> memref<1x80xf32, #tpu.memory_space<vmem>>
    %dma_wait3A_236 = tpu.memref_squeeze %dma_wait3A_235 : memref<1x80xf32, #tpu.memory_space<vmem>> -> memref<80xf32, #tpu.memory_space<vmem>>
    %dma_wait3A_237 = arith.constant 0 : i32
    %dma_wait3A_238 = tpu.memref_slice %arg11[%dma_wait3A_233, %dma_wait3A_237] : memref<4x80xi32, #tpu.memory_space<vmem>> -> memref<1x80xi32, #tpu.memory_space<vmem>>
    %dma_wait3A_239 = tpu.memref_squeeze %dma_wait3A_238 : memref<1x80xi32, #tpu.memory_space<vmem>> -> memref<80xi32, #tpu.memory_space<vmem>>
    %dma_wait3A_240 = arith.constant 0 : i32
    %dma_wait3A_241 = tpu.memref_slice %arg19[%dma_wait3A_240] : memref<10240xf32, #tpu.memory_space<vmem_shared>> -> memref<10240xf32, #tpu.memory_space<vmem_shared>>
    tpu.wait_indirect_dma semaphore(%arg25 : memref<!tpu.dma_semaphore, #tpu.memory_space<semaphore_mem>>) src(%dma_wait3A_236 : memref<80xf32, #tpu.memory_space<vmem>>) dst(%dma_wait3A_241 : memref<10240xf32, #tpu.memory_space<vmem_shared>>)
    %dma_wait3A_242 = arith.constant 0 : i32
    %dma_wait3A_243 = arith.constant 3 : i32
    %dma_wait3A_244 = arith.constant 0 : i32
    %dma_wait3A_245 = arith.constant 0 : i32
    %dma_wait3A_246 = tpu.memref_slice %arg15[%dma_wait3A_242, %dma_wait3A_244, %dma_wait3A_245] : memref<3x80x128xf32, #tpu.memory_space<vmem>> -> memref<1x80x128xf32, #tpu.memory_space<vmem>>
    %dma_wait3A_247 = tpu.memref_squeeze %dma_wait3A_246 : memref<1x80x128xf32, #tpu.memory_space<vmem>> -> memref<80x128xf32, #tpu.memory_space<vmem>>
    %dma_wait3A_248 = arith.constant 0 : i32
    %dma_wait3A_249 = tpu.memref_slice %arg11[%dma_wait3A_243, %dma_wait3A_248] : memref<4x80xi32, #tpu.memory_space<vmem>> -> memref<1x80xi32, #tpu.memory_space<vmem>>
    %dma_wait3A_250 = tpu.memref_squeeze %dma_wait3A_249 : memref<1x80xi32, #tpu.memory_space<vmem>> -> memref<80xi32, #tpu.memory_space<vmem>>
    %dma_wait3A_251 = arith.constant 0 : i32
    %dma_wait3A_252 = arith.constant 0 : i32
    %dma_wait3A_253 = tpu.memref_slice %arg18[%dma_wait3A_251, %dma_wait3A_252] : memref<10240x128xf32, #tpu.memory_space<vmem_shared>> -> memref<10240x128xf32, #tpu.memory_space<vmem_shared>>
    tpu.wait_indirect_dma semaphore(%arg26 : memref<!tpu.dma_semaphore, #tpu.memory_space<semaphore_mem>>) src(%dma_wait3A_247 : memref<80x128xf32, #tpu.memory_space<vmem>>) dst(%dma_wait3A_253 : memref<10240x128xf32, #tpu.memory_space<vmem_shared>>)
    %dma_wait3A_254 = arith.constant 0 : i32
    %dma_wait3A_255 = arith.constant 0 : i32
    %dma_wait3A_256 = arith.constant 0 : i32
    %dma_wait3A_257 = tpu.memref_slice %arg14[%dma_wait3A_254, %dma_wait3A_256] : memref<4x80xf32, #tpu.memory_space<vmem>> -> memref<1x80xf32, #tpu.memory_space<vmem>>
    %dma_wait3A_258 = tpu.memref_squeeze %dma_wait3A_257 : memref<1x80xf32, #tpu.memory_space<vmem>> -> memref<80xf32, #tpu.memory_space<vmem>>
    %dma_wait3A_259 = arith.constant 0 : i32
    %dma_wait3A_260 = tpu.memref_slice %arg11[%dma_wait3A_255, %dma_wait3A_259] : memref<4x80xi32, #tpu.memory_space<vmem>> -> memref<1x80xi32, #tpu.memory_space<vmem>>
    %dma_wait3A_261 = tpu.memref_squeeze %dma_wait3A_260 : memref<1x80xi32, #tpu.memory_space<vmem>> -> memref<80xi32, #tpu.memory_space<vmem>>
    %dma_wait3A_262 = arith.constant 0 : i32
    %dma_wait3A_263 = tpu.memref_slice %arg19[%dma_wait3A_262] : memref<10240xf32, #tpu.memory_space<vmem_shared>> -> memref<10240xf32, #tpu.memory_space<vmem_shared>>
    tpu.wait_indirect_dma semaphore(%arg25 : memref<!tpu.dma_semaphore, #tpu.memory_space<semaphore_mem>>) src(%dma_wait3A_258 : memref<80xf32, #tpu.memory_space<vmem>>) dst(%dma_wait3A_263 : memref<10240xf32, #tpu.memory_space<vmem_shared>>)
    %dma_wait3A_264 = arith.constant 1 : i32
    %dma_wait3A_265 = arith.constant 0 : i32
    %dma_wait3A_266 = arith.constant 0 : i32
    %dma_wait3A_267 = arith.constant 0 : i32
    %dma_wait3A_268 = tpu.memref_slice %arg15[%dma_wait3A_264, %dma_wait3A_266, %dma_wait3A_267] : memref<3x80x128xf32, #tpu.memory_space<vmem>> -> memref<1x80x128xf32, #tpu.memory_space<vmem>>
    %dma_wait3A_269 = tpu.memref_squeeze %dma_wait3A_268 : memref<1x80x128xf32, #tpu.memory_space<vmem>> -> memref<80x128xf32, #tpu.memory_space<vmem>>
    %dma_wait3A_270 = arith.constant 0 : i32
    %dma_wait3A_271 = tpu.memref_slice %arg11[%dma_wait3A_265, %dma_wait3A_270] : memref<4x80xi32, #tpu.memory_space<vmem>> -> memref<1x80xi32, #tpu.memory_space<vmem>>
    %dma_wait3A_272 = tpu.memref_squeeze %dma_wait3A_271 : memref<1x80xi32, #tpu.memory_space<vmem>> -> memref<80xi32, #tpu.memory_space<vmem>>
    %dma_wait3A_273 = arith.constant 0 : i32
    %dma_wait3A_274 = arith.constant 0 : i32
    %dma_wait3A_275 = tpu.memref_slice %arg18[%dma_wait3A_273, %dma_wait3A_274] : memref<10240x128xf32, #tpu.memory_space<vmem_shared>> -> memref<10240x128xf32, #tpu.memory_space<vmem_shared>>
    tpu.wait_indirect_dma semaphore(%arg26 : memref<!tpu.dma_semaphore, #tpu.memory_space<semaphore_mem>>) src(%dma_wait3A_269 : memref<80x128xf32, #tpu.memory_space<vmem>>) dst(%dma_wait3A_275 : memref<10240x128xf32, #tpu.memory_space<vmem_shared>>)
    %barrier3A_276 = arith.constant 0 : index
    tpu.barrier barrier_id(%barrier3A_276)
    "tpu.region"() ({
      %run_scoped3A_277 = tpu.sem_alloc : memref<!tpu.dma_semaphore, #tpu.memory_space<semaphore_mem>>
      %dma_start3A_278 = arith.constant 0 : i32
      %dma_start3A_279 = tpu.memref_slice %arg8[%arg0, %mul3A_87, %dma_start3A_278] : memref<2x10240x128xf32, #tpu.memory_space<hbm>> -> memref<1x640x128xf32, #tpu.memory_space<hbm>>
      %dma_start3A_280 = tpu.memref_squeeze %dma_start3A_279 : memref<1x640x128xf32, #tpu.memory_space<hbm>> -> memref<640x128xf32, #tpu.memory_space<hbm>>
      %dma_start3A_281 = arith.constant 0 : i32
      %dma_start3A_282 = tpu.memref_slice %arg18[%mul3A_87, %dma_start3A_281] : memref<10240x128xf32, #tpu.memory_space<vmem_shared>> -> memref<640x128xf32, #tpu.memory_space<vmem_shared>>
      tpu.enqueue_dma source(%dma_start3A_282 : memref<640x128xf32, #tpu.memory_space<vmem_shared>>) target(%dma_start3A_280 : memref<640x128xf32, #tpu.memory_space<hbm>>) target_semaphore(%run_scoped3A_277 : memref<!tpu.dma_semaphore, #tpu.memory_space<semaphore_mem>>)
      %dma_wait3A_283 = arith.constant 0 : i32
      %dma_wait3A_284 = tpu.memref_slice %arg8[%arg0, %mul3A_87, %dma_wait3A_283] : memref<2x10240x128xf32, #tpu.memory_space<hbm>> -> memref<1x640x128xf32, #tpu.memory_space<hbm>>
      %dma_wait3A_285 = tpu.memref_squeeze %dma_wait3A_284 : memref<1x640x128xf32, #tpu.memory_space<hbm>> -> memref<640x128xf32, #tpu.memory_space<hbm>>
      %dma_wait3A_286 = arith.constant 0 : i32
      %dma_wait3A_287 = tpu.memref_slice %arg18[%mul3A_87, %dma_wait3A_286] : memref<10240x128xf32, #tpu.memory_space<vmem_shared>> -> memref<640x128xf32, #tpu.memory_space<vmem_shared>>
      tpu.wait_dma2 semaphore(%run_scoped3A_277 : memref<!tpu.dma_semaphore, #tpu.memory_space<semaphore_mem>>) src(%dma_wait3A_287 : memref<640x128xf32, #tpu.memory_space<vmem_shared>>) dst(%dma_wait3A_285 : memref<640x128xf32, #tpu.memory_space<hbm>>)
      tpu.yield
    }) : () -> ()
    "tpu.region"() ({
      %run_scoped3A_277 = tpu.sem_alloc : memref<!tpu.dma_semaphore, #tpu.memory_space<semaphore_mem>>
      %dma_start3A_278 = tpu.memref_slice %arg9[%arg0, %mul3A_87] : memref<2x10240xf32, #tpu.memory_space<hbm>> -> memref<1x640xf32, #tpu.memory_space<hbm>>
      %dma_start3A_279 = tpu.memref_squeeze %dma_start3A_278 : memref<1x640xf32, #tpu.memory_space<hbm>> -> memref<640xf32, #tpu.memory_space<hbm>>
      %dma_start3A_280 = tpu.memref_slice %arg19[%mul3A_87] : memref<10240xf32, #tpu.memory_space<vmem_shared>> -> memref<640xf32, #tpu.memory_space<vmem_shared>>
      tpu.enqueue_dma source(%dma_start3A_280 : memref<640xf32, #tpu.memory_space<vmem_shared>>) target(%dma_start3A_279 : memref<640xf32, #tpu.memory_space<hbm>>) target_semaphore(%run_scoped3A_277 : memref<!tpu.dma_semaphore, #tpu.memory_space<semaphore_mem>>)
      %dma_wait3A_281 = tpu.memref_slice %arg9[%arg0, %mul3A_87] : memref<2x10240xf32, #tpu.memory_space<hbm>> -> memref<1x640xf32, #tpu.memory_space<hbm>>
      %dma_wait3A_282 = tpu.memref_squeeze %dma_wait3A_281 : memref<1x640xf32, #tpu.memory_space<hbm>> -> memref<640xf32, #tpu.memory_space<hbm>>
      %dma_wait3A_283 = tpu.memref_slice %arg19[%mul3A_87] : memref<10240xf32, #tpu.memory_space<vmem_shared>> -> memref<640xf32, #tpu.memory_space<vmem_shared>>
      tpu.wait_dma2 semaphore(%run_scoped3A_277 : memref<!tpu.dma_semaphore, #tpu.memory_space<semaphore_mem>>) src(%dma_wait3A_283 : memref<640xf32, #tpu.memory_space<vmem_shared>>) dst(%dma_wait3A_282 : memref<640xf32, #tpu.memory_space<hbm>>)
      tpu.yield
    }) : () -> ()
    return
  }
}

module attributes {stable_mosaic.version = 14 : i64} {
  func.func @_proj_body(%arg0: memref<10240x128xf32, #tpu.memory_space<vmem>>, %arg1: memref<128x128xf32, #tpu.memory_space<vmem>>, %arg2: memref<128xf32, #tpu.memory_space<vmem>>, %arg3: memref<128xf32, #tpu.memory_space<vmem>>, %arg4: memref<10240x128xf32, #tpu.memory_space<vmem>>, %arg5: memref<10240xf32, #tpu.memory_space<vmem>>, %arg6: memref<10240xf32, #tpu.memory_space<vmem>>, %arg7: memref<16xf32, #tpu.memory_space<vmem>>) attributes {dimension_semantics = [], scalar_prefetch = 0 : i64, scratch_operands = 0 : i64, tpu.core_type = #tpu.core_type<tc>} {
    %get3A = arith.constant 0 : index
    %get3A_0 = arith.constant 0 : index
    %get3A_1 = vector.load %arg0[%get3A, %get3A_0] : memref<10240x128xf32, #tpu.memory_space<vmem>>, vector<10240x128xf32>
    %get3A_2 = arith.constant 0 : index
    %get3A_3 = arith.constant 0 : index
    %get3A_4 = vector.load %arg1[%get3A_2, %get3A_3] : memref<128x128xf32, #tpu.memory_space<vmem>>, vector<128x128xf32>
    %dot_general3A = arith.constant dense<0.000000e+00> : vector<10240x128xf32>
    %dot_general3A_5 = tpu.matmul %get3A_1, %get3A_4, %dot_general3A {dimension_numbers = #tpu.dot_dimension_numbers<[1], [0], [0], [1], [0, 0, 1, 1], [], []>, transpose_lhs_hint = false} : vector<10240x128xf32>, vector<128x128xf32>, vector<10240x128xf32> -> vector<10240x128xf32>
    %swap3A = arith.constant 0 : index
    %swap3A_6 = arith.constant 0 : index
    %swap3A_7 = vector.load %arg4[%swap3A, %swap3A_6] : memref<10240x128xf32, #tpu.memory_space<vmem>>, vector<10240x128xf32>
    tpu.vector_store %arg4[%swap3A, %swap3A_6], %dot_general3A_5 {strides = array<i32>} : memref<10240x128xf32, #tpu.memory_space<vmem>>, vector<10240x128xf32>,
    %get3A_8 = arith.constant 0 : index
    %get3A_9 = vector.load %arg2[%get3A_8] : memref<128xf32, #tpu.memory_space<vmem>>, vector<128xf32>
    %reshape3A = vector.shape_cast %get3A_9 : vector<128xf32> to vector<128x1xf32>
    %dot_general3A_10 = arith.constant dense<0.000000e+00> : vector<10240x1xf32>
    %dot_general3A_11 = tpu.matmul %dot_general3A_5, %reshape3A, %dot_general3A_10 {dimension_numbers = #tpu.dot_dimension_numbers<[1], [0], [0], [1], [0, 0, 1, 1], [], []>, precision = #tpu.contract_precision<fp32>, transpose_lhs_hint = false} : vector<10240x128xf32>, vector<128x1xf32>, vector<10240x1xf32> -> vector<10240x1xf32>
    %get3A_12 = arith.constant 0 : index
    %get3A_13 = vector.load %arg3[%get3A_12] : memref<128xf32, #tpu.memory_space<vmem>>, vector<128xf32>
    %reshape3A_14 = vector.shape_cast %get3A_13 : vector<128xf32> to vector<128x1xf32>
    %dot_general3A_15 = arith.constant dense<0.000000e+00> : vector<10240x1xf32>
    %dot_general3A_16 = tpu.matmul %dot_general3A_5, %reshape3A_14, %dot_general3A_15 {dimension_numbers = #tpu.dot_dimension_numbers<[1], [0], [0], [1], [0, 0, 1, 1], [], []>, precision = #tpu.contract_precision<fp32>, transpose_lhs_hint = false} : vector<10240x128xf32>, vector<128x1xf32>, vector<10240x1xf32> -> vector<10240x1xf32>
    %squeeze3A = vector.shape_cast %dot_general3A_11 : vector<10240x1xf32> to vector<10240xf32>
    %swap3A_17 = arith.constant 0 : index
    %swap3A_18 = vector.load %arg5[%swap3A_17] : memref<10240xf32, #tpu.memory_space<vmem>>, vector<10240xf32>
    tpu.vector_store %arg5[%swap3A_17], %squeeze3A {strides = array<i32>} : memref<10240xf32, #tpu.memory_space<vmem>>, vector<10240xf32>,
    %squeeze3A_19 = vector.shape_cast %dot_general3A_16 : vector<10240x1xf32> to vector<10240xf32>
    %swap3A_20 = arith.constant 0 : index
    %swap3A_21 = vector.load %arg6[%swap3A_20] : memref<10240xf32, #tpu.memory_space<vmem>>, vector<10240xf32>
    tpu.vector_store %arg6[%swap3A_20], %squeeze3A_19 {strides = array<i32>} : memref<10240xf32, #tpu.memory_space<vmem>>, vector<10240xf32>,
    %reduce_max3A = vector.shape_cast %dot_general3A_11 : vector<10240x1xf32> to vector<1x10240x1xf32>
    %reduce_max3A_22 = arith.constant dense<0xFF800000> : vector<1xf32>
    %reduce_max3A_23 = vector.multi_reduction <maximumf>, %reduce_max3A, %reduce_max3A_22 [1, 2] : vector<1x10240x1xf32> to vector<1xf32>
    %reduce_max3A_24 = vector.shape_cast %reduce_max3A_23 : vector<1xf32> to vector<1x1x1xf32>
    %reduce_max3A_25 = vector.extract %reduce_max3A_24[0, 0, 0] : f32 from vector<1x1x1xf32>
    %reduce_max3A_26 = vector.shape_cast %dot_general3A_16 : vector<10240x1xf32> to vector<1x10240x1xf32>
    %reduce_max3A_27 = arith.constant dense<0xFF800000> : vector<1xf32>
    %reduce_max3A_28 = vector.multi_reduction <maximumf>, %reduce_max3A_26, %reduce_max3A_27 [1, 2] : vector<1x10240x1xf32> to vector<1xf32>
    %reduce_max3A_29 = vector.shape_cast %reduce_max3A_28 : vector<1xf32> to vector<1x1x1xf32>
    %reduce_max3A_30 = vector.extract %reduce_max3A_29[0, 0, 0] : f32 from vector<1x1x1xf32>
    %add3A = arith.addf %reduce_max3A_25, %reduce_max3A_30 : f32
    %broadcast_in_dim3A = vector.broadcast %add3A : f32 to vector<16xf32>
    %swap3A_31 = arith.constant 0 : index
    %swap3A_32 = vector.load %arg7[%swap3A_31] : memref<16xf32, #tpu.memory_space<vmem>>, vector<16xf32>
    tpu.vector_store %arg7[%swap3A_31], %broadcast_in_dim3A {strides = array<i32>} : memref<16xf32, #tpu.memory_space<vmem>>, vector<16xf32>,
    return
  }
}

module attributes {stable_mosaic.version = 14 : i64} {
  func.func @body(%arg0: memref<2x10240x128xf32, #tpu.memory_space<vmem>>, %arg1: memref<2x10240xf32, #tpu.memory_space<vmem>>, %arg2: memref<128xf32, #tpu.memory_space<vmem>>, %arg3: memref<128xf32, #tpu.memory_space<vmem>>, %arg4: memref<128xf32, #tpu.memory_space<vmem>>, %arg5: memref<10240x128xf32, #tpu.memory_space<vmem>>) attributes {dimension_semantics = [], scalar_prefetch = 0 : i64, scratch_operands = 0 : i64, tpu.core_type = #tpu.core_type<tc>} {
    %get3A = arith.constant 0 : index
    %get3A_0 = arith.constant 0 : index
    %get3A_1 = arith.constant 0 : index
    %get3A_2 = vector.load %arg0[%get3A, %get3A_0, %get3A_1] : memref<2x10240x128xf32, #tpu.memory_space<vmem>>, vector<1x10240x128xf32>
    %get3A_3 = vector.shape_cast %get3A_2 : vector<1x10240x128xf32> to vector<10240x128xf32>
    %get3A_4 = arith.constant 1 : index
    %get3A_5 = arith.constant 0 : index
    %get3A_6 = arith.constant 0 : index
    %get3A_7 = vector.load %arg0[%get3A_4, %get3A_5, %get3A_6] : memref<2x10240x128xf32, #tpu.memory_space<vmem>>, vector<1x10240x128xf32>
    %get3A_8 = vector.shape_cast %get3A_7 : vector<1x10240x128xf32> to vector<10240x128xf32>
    %add3A = arith.addf %get3A_3, %get3A_8 : vector<10240x128xf32>
    %get3A_9 = arith.constant 0 : index
    %get3A_10 = arith.constant 0 : index
    %get3A_11 = vector.load %arg1[%get3A_9, %get3A_10] : memref<2x10240xf32, #tpu.memory_space<vmem>>, vector<1x10240xf32>
    %get3A_12 = vector.shape_cast %get3A_11 : vector<1x10240xf32> to vector<10240xf32>
    %get3A_13 = arith.constant 1 : index
    %get3A_14 = arith.constant 0 : index
    %get3A_15 = vector.load %arg1[%get3A_13, %get3A_14] : memref<2x10240xf32, #tpu.memory_space<vmem>>, vector<1x10240xf32>
    %get3A_16 = vector.shape_cast %get3A_15 : vector<1x10240xf32> to vector<10240xf32>
    %add3A_17 = arith.addf %get3A_12, %get3A_16 : vector<10240xf32>
    %max3A = arith.constant 1.000000e-30 : f32
    %max3A_18 = vector.broadcast %max3A : f32 to vector<10240xf32>
    %max3A_19 = arith.maximumf %add3A_17, %max3A_18 : vector<10240xf32>
    %broadcast_in_dim3A = vector.shape_cast %max3A_19 : vector<10240xf32> to vector<10240x1xf32>
    %div3A = vector.broadcast %broadcast_in_dim3A : vector<10240x1xf32> to vector<10240x128xf32>
    %div3A_20 = arith.divf %add3A, %div3A : vector<10240x128xf32>
    %get3A_21 = arith.constant 0 : index
    %get3A_22 = vector.load %arg2[%get3A_21] : memref<128xf32, #tpu.memory_space<vmem>>, vector<128xf32>
    %broadcast_in_dim3A_23 = vector.shape_cast %get3A_22 : vector<128xf32> to vector<1x128xf32>
    %add3A_24 = vector.broadcast %broadcast_in_dim3A_23 : vector<1x128xf32> to vector<10240x128xf32>
    %add3A_25 = arith.addf %div3A_20, %add3A_24 : vector<10240x128xf32>
    %get3A_26 = arith.constant 0 : index
    %get3A_27 = vector.load %arg3[%get3A_26] : memref<128xf32, #tpu.memory_space<vmem>>, vector<128xf32>
    %sqrt3A = arith.constant 1.000010e+00 : f32
    %sqrt3A_28 = math.sqrt %sqrt3A : f32
    %div3A_29 = arith.constant 1.000000e+00 : f32
    %div3A_30 = arith.divf %div3A_29, %sqrt3A_28 : f32
    %mul3A = vector.broadcast %div3A_30 : f32 to vector<128xf32>
    %mul3A_31 = arith.mulf %get3A_27, %mul3A : vector<128xf32>
    %broadcast_in_dim3A_32 = vector.shape_cast %mul3A_31 : vector<128xf32> to vector<1x128xf32>
    %mul3A_33 = vector.broadcast %broadcast_in_dim3A_32 : vector<1x128xf32> to vector<10240x128xf32>
    %mul3A_34 = arith.mulf %add3A_25, %mul3A_33 : vector<10240x128xf32>
    %get3A_35 = arith.constant 0 : index
    %get3A_36 = vector.load %arg4[%get3A_35] : memref<128xf32, #tpu.memory_space<vmem>>, vector<128xf32>
    %broadcast_in_dim3A_37 = vector.shape_cast %get3A_36 : vector<128xf32> to vector<1x128xf32>
    %add3A_38 = vector.broadcast %broadcast_in_dim3A_37 : vector<1x128xf32> to vector<10240x128xf32>
    %add3A_39 = arith.addf %mul3A_34, %add3A_38 : vector<10240x128xf32>
    %max3A_40 = arith.constant 0.000000e+00 : f32
    %max3A_41 = vector.broadcast %max3A_40 : f32 to vector<10240x128xf32>
    %max3A_42 = arith.maximumf %add3A_39, %max3A_41 : vector<10240x128xf32>
    %swap3A = arith.constant 0 : index
    %swap3A_43 = arith.constant 0 : index
    %swap3A_44 = vector.load %arg5[%swap3A, %swap3A_43] : memref<10240x128xf32, #tpu.memory_space<vmem>>, vector<10240x128xf32>
    tpu.vector_store %arg5[%swap3A, %swap3A_43], %max3A_42 {strides = array<i32>} : memref<10240x128xf32, #tpu.memory_space<vmem>>, vector<10240x128xf32>,
    return
  }
}

module attributes {stable_mosaic.version = 14 : i64} {
  func.func @body(%arg0: memref<2x10240x128xf32, #tpu.memory_space<vmem>>, %arg1: memref<2x10240xf32, #tpu.memory_space<vmem>>, %arg2: memref<128xf32, #tpu.memory_space<vmem>>, %arg3: memref<128xf32, #tpu.memory_space<vmem>>, %arg4: memref<128xf32, #tpu.memory_space<vmem>>, %arg5: memref<10240x128xf32, #tpu.memory_space<vmem>>) attributes {dimension_semantics = [], scalar_prefetch = 0 : i64, scratch_operands = 0 : i64, tpu.core_type = #tpu.core_type<tc>} {
    %get3A = arith.constant 0 : index
    %get3A_0 = arith.constant 0 : index
    %get3A_1 = arith.constant 0 : index
    %get3A_2 = vector.load %arg0[%get3A, %get3A_0, %get3A_1] : memref<2x10240x128xf32, #tpu.memory_space<vmem>>, vector<1x10240x128xf32>
    %get3A_3 = vector.shape_cast %get3A_2 : vector<1x10240x128xf32> to vector<10240x128xf32>
    %get3A_4 = arith.constant 1 : index
    %get3A_5 = arith.constant 0 : index
    %get3A_6 = arith.constant 0 : index
    %get3A_7 = vector.load %arg0[%get3A_4, %get3A_5, %get3A_6] : memref<2x10240x128xf32, #tpu.memory_space<vmem>>, vector<1x10240x128xf32>
    %get3A_8 = vector.shape_cast %get3A_7 : vector<1x10240x128xf32> to vector<10240x128xf32>
    %add3A = arith.addf %get3A_3, %get3A_8 : vector<10240x128xf32>
    %get3A_9 = arith.constant 0 : index
    %get3A_10 = arith.constant 0 : index
    %get3A_11 = vector.load %arg1[%get3A_9, %get3A_10] : memref<2x10240xf32, #tpu.memory_space<vmem>>, vector<1x10240xf32>
    %get3A_12 = vector.shape_cast %get3A_11 : vector<1x10240xf32> to vector<10240xf32>
    %get3A_13 = arith.constant 1 : index
    %get3A_14 = arith.constant 0 : index
    %get3A_15 = vector.load %arg1[%get3A_13, %get3A_14] : memref<2x10240xf32, #tpu.memory_space<vmem>>, vector<1x10240xf32>
    %get3A_16 = vector.shape_cast %get3A_15 : vector<1x10240xf32> to vector<10240xf32>
    %add3A_17 = arith.addf %get3A_12, %get3A_16 : vector<10240xf32>
    %max3A = arith.constant 1.000000e-30 : f32
    %max3A_18 = vector.broadcast %max3A : f32 to vector<10240xf32>
    %max3A_19 = arith.maximumf %add3A_17, %max3A_18 : vector<10240xf32>
    %broadcast_in_dim3A = vector.shape_cast %max3A_19 : vector<10240xf32> to vector<10240x1xf32>
    %div3A = vector.broadcast %broadcast_in_dim3A : vector<10240x1xf32> to vector<10240x128xf32>
    %div3A_20 = arith.divf %add3A, %div3A : vector<10240x128xf32>
    %get3A_21 = arith.constant 0 : index
    %get3A_22 = vector.load %arg2[%get3A_21] : memref<128xf32, #tpu.memory_space<vmem>>, vector<128xf32>
    %broadcast_in_dim3A_23 = vector.shape_cast %get3A_22 : vector<128xf32> to vector<1x128xf32>
    %add3A_24 = vector.broadcast %broadcast_in_dim3A_23 : vector<1x128xf32> to vector<10240x128xf32>
    %add3A_25 = arith.addf %div3A_20, %add3A_24 : vector<10240x128xf32>
    %swap3A = arith.constant 0 : index
    %swap3A_26 = arith.constant 0 : index
    %swap3A_27 = vector.load %arg5[%swap3A, %swap3A_26] : memref<10240x128xf32, #tpu.memory_space<vmem>>, vector<10240x128xf32>
    tpu.vector_store %arg5[%swap3A, %swap3A_26], %add3A_25 {strides = array<i32>} : memref<10240x128xf32, #tpu.memory_space<vmem>>, vector<10240x128xf32>,
    return
  }
}

module attributes {stable_mosaic.version = 14 : i64} {
  func.func @_mlp_body(%arg0: i32, %arg1: memref<2048x128xf32, #tpu.memory_space<vmem>>, %arg2: memref<128x128xf32, #tpu.memory_space<vmem>>, %arg3: memref<128xf32, #tpu.memory_space<vmem>>, %arg4: memref<128x1xf32, #tpu.memory_space<vmem>>, %arg5: memref<1xf32, #tpu.memory_space<smem>>, %arg6: memref<2048x1xf32, #tpu.memory_space<vmem>>) attributes {dimension_semantics = [#tpu.dimension_semantics<arbitrary>], iteration_bounds = array<i64: 50>, scalar_prefetch = 0 : i64, scratch_operands = 0 : i64, tpu.core_type = #tpu.core_type<tc>, window_params = [{transform_indices = @transform_0, window_bounds = array<i64: 2048, 128>}, {pipeline_mode = #tpu.pipeline_mode<synchronous>, transform_indices = @transform_1, window_bounds = array<i64: 128, 128>}, {pipeline_mode = #tpu.pipeline_mode<synchronous>, transform_indices = @transform_2, window_bounds = array<i64: 128>}, {pipeline_mode = #tpu.pipeline_mode<synchronous>, transform_indices = @transform_3, window_bounds = array<i64: 128, 1>}, {transform_indices = @transform_4, window_bounds = array<i64: 1>}, {transform_indices = @transform_5, window_bounds = array<i64: 2048, 1>}]} {
    %get3A = arith.constant 0 : index
    %get3A_0 = arith.constant 0 : index
    %get3A_1 = vector.load %arg1[%get3A, %get3A_0] : memref<2048x128xf32, #tpu.memory_space<vmem>>, vector<2048x128xf32>
    %get3A_2 = arith.constant 0 : index
    %get3A_3 = arith.constant 0 : index
    %get3A_4 = vector.load %arg2[%get3A_2, %get3A_3] : memref<128x128xf32, #tpu.memory_space<vmem>>, vector<128x128xf32>
    %dot_general3A = arith.constant dense<0.000000e+00> : vector<2048x128xf32>
    %dot_general3A_5 = tpu.matmul %get3A_1, %get3A_4, %dot_general3A {dimension_numbers = #tpu.dot_dimension_numbers<[1], [1], [0], [0], [0, 0, 1, 0], [], []>, transpose_lhs_hint = false} : vector<2048x128xf32>, vector<128x128xf32>, vector<2048x128xf32> -> vector<2048x128xf32>
    %get3A_6 = arith.constant 0 : index
    %get3A_7 = vector.load %arg3[%get3A_6] : memref<128xf32, #tpu.memory_space<vmem>>, vector<128xf32>
    %broadcast_in_dim3A = vector.shape_cast %get3A_7 : vector<128xf32> to vector<1x128xf32>
    %add3A = vector.broadcast %broadcast_in_dim3A : vector<1x128xf32> to vector<2048x128xf32>
    %add3A_8 = arith.addf %dot_general3A_5, %add3A : vector<2048x128xf32>
    %max3A = arith.constant 0.000000e+00 : f32
    %max3A_9 = vector.broadcast %max3A : f32 to vector<2048x128xf32>
    %max3A_10 = arith.maximumf %add3A_8, %max3A_9 : vector<2048x128xf32>
    %get3A_11 = arith.constant 0 : index
    %get3A_12 = arith.constant 0 : index
    %get3A_13 = vector.load %arg4[%get3A_11, %get3A_12] : memref<128x1xf32, #tpu.memory_space<vmem>>, vector<128x1xf32>
    %dot_general3A_14 = arith.constant dense<0.000000e+00> : vector<2048x1xf32>
    %dot_general3A_15 = tpu.matmul %max3A_10, %get3A_13, %dot_general3A_14 {dimension_numbers = #tpu.dot_dimension_numbers<[1], [0], [0], [1], [0, 0, 1, 1], [], []>, transpose_lhs_hint = false} : vector<2048x128xf32>, vector<128x1xf32>, vector<2048x1xf32> -> vector<2048x1xf32>
    %get3A_16 = arith.constant 0 : index
    %get3A_17 = memref.load %arg5[%get3A_16] : memref<1xf32, #tpu.memory_space<smem>>
    %add3A_18 = vector.broadcast %get3A_17 : f32 to vector<2048x1xf32>
    %add3A_19 = arith.addf %dot_general3A_15, %add3A_18 : vector<2048x1xf32>
    %neg3A = arith.constant 0.000000e+00 : f32
    %neg3A_20 = vector.broadcast %neg3A : f32 to vector<2048x1xf32>
    %neg3A_21 = arith.subf %neg3A_20, %add3A_19 : vector<2048x1xf32>
    %exp3A = math.exp %neg3A_21 : vector<2048x1xf32>
    %add3A_22 = arith.constant 1.000000e+00 : f32
    %add3A_23 = vector.broadcast %add3A_22 : f32 to vector<2048x1xf32>
    %add3A_24 = arith.addf %add3A_23, %exp3A : vector<2048x1xf32>
    %div3A = arith.constant 1.000000e+00 : f32
    %div3A_25 = vector.broadcast %div3A : f32 to vector<2048x1xf32>
    %div3A_26 = arith.divf %div3A_25, %add3A_24 : vector<2048x1xf32>
    %swap3A = arith.constant 0 : index
    %swap3A_27 = arith.constant 0 : index
    %swap3A_28 = vector.load %arg6[%swap3A, %swap3A_27] : memref<2048x1xf32, #tpu.memory_space<vmem>>, vector<2048x1xf32>
    tpu.vector_store %arg6[%swap3A, %swap3A_27], %div3A_26 {strides = array<i32>} : memref<2048x1xf32, #tpu.memory_space<vmem>>, vector<2048x1xf32>,
    return
  }
  func.func @transform_0(%arg0: i32) -> (i32, i32) {
    %c0_i32 = arith.constant 0 : i32
    %c0_i32_0 = arith.constant 0 : i32
    return %arg0, %c0_i32 : i32, i32
  }
  func.func @transform_1(%arg0: i32) -> (i32, i32) {
    %c0_i32 = arith.constant 0 : i32
    %c0_i32_0 = arith.constant 0 : i32
    %c0_i32_1 = arith.constant 0 : i32
    return %c0_i32, %c0_i32_0 : i32, i32
  }
  func.func @transform_2(%arg0: i32) -> i32 {
    %c0_i32 = arith.constant 0 : i32
    %c0_i32_0 = arith.constant 0 : i32
    return %c0_i32 : i32
  }
  func.func @transform_3(%arg0: i32) -> (i32, i32) {
    %c0_i32 = arith.constant 0 : i32
    %c0_i32_0 = arith.constant 0 : i32
    %c0_i32_1 = arith.constant 0 : i32
    return %c0_i32, %c0_i32_0 : i32, i32
  }
  func.func @transform_4(%arg0: i32) -> i32 {
    %c0_i32 = arith.constant 0 : i32
    %c0_i32_0 = arith.constant 0 : i32
    return %c0_i32 : i32
  }
  func.func @transform_5(%arg0: i32) -> (i32, i32) {
    %c0_i32 = arith.constant 0 : i32
    %c0_i32_0 = arith.constant 0 : i32
    return %arg0, %c0_i32 : i32, i32
  }
}

</mosaic_0001>

<sc_bundles>
// kernel: kernel.10.cloned.1.call-start
scs
__scs_entry_jumppad:
0x0: {  	(pc) =	sbr.rel $0x88, $3  }
0x1: {  	(tag) =	ssettag $0x0;
	lr =	simm.s32 $0x1  }
0x2: {  	[smem:$0x3F90] =	sst lr;
	_ =	strace $0xD0000000  }
0x3: {  	_ = 	snop  }
0x4: {  	_ = 	snop  }
0x5: {  	_ = 	snop  }
0x6: {  	_ = 	snop  }
0x7: {  	_ = 	snop  }
__scs_overlays_trampoline_lowered:
0x8: {  	[smem:$0x3F9F] =	sst s0  }
0x9: {  	[smem:$0x3FA0] =	sst s1  }
0xa: {  	[smem:$0x3FA1] =	sst s2  }
0xb: {  	[smem:$0x3FA2] =	sst s3  }
0xc: {  	[smem:$0x3FA3] =	sst s4  }
0xd: {  	[smem:$0x3FA4] =	sst s5  }
0xe: {  	[smem:$0x3FA5] =	sst s6  }
0xf: {  	[smem:$0x3FA6] =	sst s7  }
0x10: {  	[smem:$0x3FA7] =	sst s8  }
0x11: {  	[smem:$0x3FA8] =	sst s9;
	s0 =	simm.s32 @!p0 $0x0  }
0x12: {  	s1 =	sld [smem:$0x3F8E];
	s0 =	simm.s32 @p0 $0x1  }
0x13: {  	[smem:$0x3FA9] =	sst s0;
	s0 =	simm.s32 @!p1 $0x0  }
0x14: {  	s2 =	sld [smem:$0x3F8D];
	s0 =	simm.s32 @p1 $0x1  }
0x15: {  	[smem:$0x3FAA] =	sst s0;
	s0 =	simm.s32 @!p2 $0x0  }
0x16: {  	s3 =	sld [smem:$0x3FDB];
	s0 =	simm.s32 @p2 $0x1  }
0x17: {  	s4 =	simm.s32 $0x1BF5;
	[smem:$0x3FAC] =	sst s0  }
0x18: {  	s0 =	sld [smem:$0x3F8F];
	_ =	swait.ge [sflag:s4], $0x0  }
0x19: {  	s7 =	sld [smem:$0x3F90]  }
0x1a: {  	s8 =	sadd.s32 $0xFFFFE003, lr  }
0x1b: {  	s9 =	sadd.s32 $0xFFFFFEF7, lr;
	s5 =	simm.s32 $0xFFFFFFFF;
	p2 =	slt.u32 s8, $0xFFFFF086  }
0x1c: {  	p1 =	slt.u32 s9, $0xF7A;
	s5 =	simm.s32 @!p2 $0x0  }
0x1d: {  	s5 =	simm.s32 @p1 $0x1;
	p0 =	seq.s32 s7, s2  }
0x1e: {  	s7 =	smul.u32 @!p0 $0xF7A, s2;
	p2 =	seq.s32 @!p0 s5, $0x0  }
0x1f: {  	s9 =	smul.u32 $0xF7A, s1;
	s8 =	simm.s32 @!p0 $0x1BF5;
	p2 =	por !p2, p0  }
0x20: {  	[sflag:s8] =	ssyncset.s32 @!p0 $0xFFFFF086;
	s6 =	sadd.s32 @!p0 s3, s7;
	s7 =	simm.s32 @!p0 $0x108  }
0x21: {  	s3 =	sadd.s32 s3, s9;
	s6 =	sadd.s32 @!p0 $0x88, s6;
	s7 =	simm.s32 @p2 $0x1082  }
0x22: {  	[simem:s7], [sflag:s8] =	dma.local @!p0 [hbm:s6], $0xF7A  }
0x23: {  	s9 =	sor.u32 $0xD0000000, s2;
	s6 =	simm.s32 $0x108;
	_ =	swait.ge @!p0 [sflag:s8], $0x0  }
0x24: {  	s3 =	sadd.s32 $0x88, s3;
	s6 =	simm.s32 @!p1 $0x1082;
	[sflag:s4] =	ssyncset.s32 $0xFFFFF086  }
0x25: {  	[simem:s6], [sflag:s4] =	dma.local [hbm:s3], $0xF7A  }
0x26: {  	[smem:$0x3F90] =	sst s1;
	(tag) =	ssettag s2;
	_ =	strace s9  }
0x27: {  	s1 =	sld [smem:$0x3FA0]  }
0x28: {  	s2 =	sld [smem:$0x3FA1]  }
0x29: {  	s4 =	sld [smem:$0x3FA3]  }
0x2a: {  	p0 =	seq.s32 s5, $0x0;
	s5 =	sld [smem:$0x3FA4]  }
0x2b: {  	s6 =	sld [smem:$0x3FA5]  }
0x2c: {  	s7 =	sld [smem:$0x3FA6]  }
0x2d: {  	s3 =	simm.s32 $0x108;
	s8 =	sld [smem:$0x3FA7]  }
0x2e: {  	s3 =	simm.s32 @!p0 $0x1082;
	s9 =	sld [smem:$0x3FA8]  }
0x2f: {  	lr =	sadd.s32 s0, s3;
	s0 =	sld [smem:$0x3F9F]  }
0x30: {  	s3 =	sld [smem:$0x3FA2]  }
0x31: {  	[smem:$0x3FAB] =	sst s10  }
0x32: {  	s10 =	sld [smem:$0x3FA9];
	_ =	sdelay $0x3  }
0x33: {  	p0 =	seq.s32 s10, $0x1;
	s10 =	sld [smem:$0x3FAB];
	_ =	sdelay $0x3  }
0x34: {  	[smem:$0x3FAB] =	sst s10  }
0x35: {  	s10 =	sld [smem:$0x3FAA];
	_ =	sdelay $0x3  }
0x36: {  	p1 =	seq.s32 s10, $0x1;
	s10 =	sld [smem:$0x3FAB];
	_ =	sdelay $0x3  }
0x37: {  	[smem:$0x3FAB] =	sst s10  }
0x38: {  	s10 =	sld [smem:$0x3FAC]  }
0x39: {  	_ = 	snop;
	(pc) =	sbr.ind lr, $3  }
0x3a: {  	_ = 	snop  }
0x3b: {  	_ = 	snop  }
0x3c: {  	p2 =	seq.s32 s10, $0x1;
	s10 =	sld [smem:$0x3FAB]  }
0x3d: {  	_ =	shalt  }
0x3e: {  	_ =	shalt  }
0x3f: {  	_ =	shalt  }
0x40: {  	_ =	shalt  }
0x41: {  	_ =	shalt  }
0x42: {  	_ =	shalt  }
0x43: {  	_ =	shalt  }
0x44: {  	_ =	shalt  }
0x45: {  	_ =	shalt  }
0x46: {  	_ =	shalt  }
0x47: {  	_ =	shalt  }
0x48: {  	_ =	shalt  }
0x49: {  	_ =	shalt  }
0x4a: {  	_ =	shalt  }
0x4b: {  	_ =	shalt  }
0x4c: {  	_ =	shalt  }
0x4d: {  	_ =	shalt  }
0x4e: {  	_ =	shalt  }
0x4f: {  	_ =	shalt  }
0x50: {  	_ =	shalt  }
0x51: {  	_ =	shalt  }
0x52: {  	_ =	shalt  }
0x53: {  	_ =	shalt  }
0x54: {  	_ =	shalt  }
0x55: {  	_ =	shalt  }
0x56: {  	_ =	shalt  }
0x57: {  	_ =	shalt  }
0x58: {  	_ =	shalt  }
0x59: {  	_ =	shalt  }
0x5a: {  	_ =	shalt  }
0x5b: {  	_ =	shalt  }
0x5c: {  	_ =	shalt  }
0x5d: {  	_ =	shalt  }
0x5e: {  	_ =	shalt  }
0x5f: {  	_ =	shalt  }
0x60: {  	_ =	shalt  }
0x61: {  	_ =	shalt  }
0x62: {  	_ =	shalt  }
0x63: {  	_ =	shalt  }
0x64: {  	_ =	shalt  }
0x65: {  	_ =	shalt  }
0x66: {  	_ =	shalt  }
0x67: {  	_ =	shalt  }
0x68: {  	_ =	shalt  }
0x69: {  	_ =	shalt  }
0x6a: {  	_ =	shalt  }
0x6b: {  	_ =	shalt  }
0x6c: {  	_ =	shalt  }
0x6d: {  	_ =	shalt  }
0x6e: {  	_ =	shalt  }
0x6f: {  	_ =	shalt  }
0x70: {  	_ =	shalt  }
0x71: {  	_ =	shalt  }
0x72: {  	_ =	shalt  }
0x73: {  	_ =	shalt  }
0x74: {  	_ =	shalt  }
0x75: {  	_ =	shalt  }
0x76: {  	_ =	shalt  }
0x77: {  	_ =	shalt  }
0x78: {  	_ =	shalt  }
0x79: {  	_ =	shalt  }
0x7a: {  	_ =	shalt  }
0x7b: {  	_ =	shalt  }
0x7c: {  	_ =	shalt  }
0x7d: {  	_ =	shalt  }
0x7e: {  	_ =	shalt  }
0x7f: {  	_ =	shalt  }
0x80: {  	_ =	shalt  }
0x81: {  	_ =	shalt  }
0x82: {  	_ =	shalt  }
0x83: {  	_ =	shalt  }
0x84: {  	_ =	shalt  }
0x85: {  	_ =	shalt  }
0x86: {  	_ =	shalt  }
0x87: {  	_ =	shalt  }
.Lfunc_end0:
.L_simem_size_0:
called_computation_lowered:
.L_overlay_start_0:
0x88: {  	s2 =	sld [smem:$0x3FD9]  }
0x89: {  	s3 =	sld [smem:$0x3FFE];
	_ =	sdelay $0x1  }
0x8a: {  	s1 =	srdreg.scid  }
0x8b: {  	s0 =	sand.u32 $0x1, s1  }
0x8c: {  	s17 =	sshll.u32 s0, $0xA;
	s2 =	sadd.s32 s3, s2  }
0x8d: {  	s2 =	sadd.s32 s2, s17  }
0x8e: {  	[smem:$0x3FB7] =	sst s2  }
0x8f: {  	_ = 	snop  }
0x90: {  	s2 =	sld [smem:$0x3FD0];
	(tm) =	ssettm $0x1  }
0x91: {  	s18 =	sld [smem:$0x3FFB];
	_ =	sdelay $0x3  }
0x92: {  	_ =	strace s18  }
0x93: {  	s3 =	sld [smem:$0x3FFC];
	_ =	sdelay $0x3  }
0x94: {  	_ =	strace s3  }
0x95: {  	s3 =	sld [smem:$0x3FFD];
	_ =	sdelay $0x3  }
0x96: {  	_ =	strace s3  }
0x97: {  	_ =	strace $0x8FFFFFFF  }
0x98: {  	s19 =	sld [smem:$0x3FDB];
	_ =	sdelay $0x1  }
0x99: {  	s4 =	simm.s32 $_scs_section_size  }
0x9a: {  	s5 =	simm.s32 $_size__tile_overlayer_lowered;
	s6 =	simm.s32 $_tile_overlayer_lowered  }
0x9b: {  	s22 =	simm.s32 $0x1BFF;
	s21 =	sshll.u32 s6, $0x1;
	s3 =	sadd.s32 s4, s19  }
0x9c: {  	s7 =	simm.s32 $0x0;
	s20 =	sshll.u32 s5, $0x1;
	s5 =	sadd.s32 s21, s3  }
0x9d: {  	[timem:s7], [sflag:s22] =	dma.local [hbm:s5], s20  }
0x9e: {  	_ =	swait.ge [sflag:s22], s20  }
0x9f: {  	s4 =	ssub.s32 $0x0, s20;
	[sflag:s22] =	ssyncset.done $0x0  }
0xa0: {  	[sflag:s22] =	ssyncadd.s32 s4;
	_ =	sdelay $0x1  }
0xa1: {  	s23 =	simm.s32 $0x1B8B  }
0xa2: {  	_ =	swait.ge [sflag:s23], $0x1  }
0xa3: {  	[sflag:s23] =	ssyncset.done $0x0  }
0xa4: {  	s25 =	simm.s32 $0x1B8E;
	s24 =	sld [smem:$0x3FFE];
	[sflag:s23] =	ssyncadd.s32 $0xFFFFFFFF  }
0xa5: {  	s26 =	simm.s32 $execute0_lowered;
	[smem:$0x3FD2] =	sst s25  }
0xa6: {  	s5 =	sshll.u32 s26, $0x1;
	_ =	strace $0x80000046;
	[dreg:$0x1] =	wrdreg $0xFFFFFFFF  }
0xa7: {  	s28 =	simm.s32 $_size_execute0_lowered;
	s3 =	sadd.s32 s3, s5;
	[dreg:$0x0] =	wrdreg $0x0  }
0xa8: {  	s5 =	sshll.u32 s28, $0x1;
	[dreg:$0x2] =	wrdreg s3  }
0xa9: {  	[dreg:$0x3] =	wrdreg s5  }
0xaa: {  	[dreg:$0x4] =	wrdreg $0xC0  }
0xab: {  	_ =	task [dreg:s7], $0x5FFFF  }
0xac: {  	[dreg:$0x1] =	wrdreg $0xFFFFFFFF  }
0xad: {  	[dreg:$0x0] =	wrdreg $0x60  }
0xae: {  	[dreg:$0x2] =	wrdreg s24  }
0xaf: {  	[dreg:$0x3] =	wrdreg s2  }
0xb0: {  	[dreg:$0x4] =	wrdreg $0x83000  }
0xb1: {  	[dreg:$0x5] =	wrdreg $0x1C3000  }
0xb2: {  	[dreg:$0x6] =	wrdreg $0x9  }
0xb3: {  	_ =	task.clear_ibuf [dreg:s7], $0x7FFFF;
	_ =	strace $0x90000046  }
0xb4: {  	s29 =	simm.s32 $0x9;
	_ =	strace $0x80000048  }
0xb5: {  	_ =	swait.ge [sflag:s29], $0x1  }
0xb6: {  	[sflag:s29] =	ssyncadd.s32 $0xFFFFFFFF  }
0xb7: {  	_ =	strace $0x90000048  }
0xb8: {  	_ =	sfence  }
0xb9: {  	s30 =	sld [smem:$0x0];
	_ =	sdelay $0x2  }
0xba: {  	s31 =	sshll.u32 s1, $0xD;
	s1 =	sshrl.u32 s1, $0x2  }
0xbb: {  	s3 =	sand.u32 $0x4000, s31;
	s1 =	sadd.s32 s1, s30  }
0xbc: {  	s0 =	sor.u32 s3, s0;
	s1 =	sshll.u32 s1, $0x11  }
0xbd: {  	s0 =	sor.u32 s1, s0  }
0xbe: {  	s0 =	sadd.s32 $0x8F2B, s0  }
0xbf: {  	[sflag:s0] =	ssyncadd.remote.s32 $0x1  }
0xc0: {  	_ =	sfence.sel $0xFFFF  }
0xc1: {  	[dreg:$0x0] =	wrdreg $0xFFFFFFFF;
	(pc) =	sbr.abs _section_cstart, $3  }
0xc2: {  	[dreg:$0x1] =	wrdreg $0xFFFFFFFF  }
0xc3: {  	_ =	task.clear_ibuf [dreg:s7], $0x2FFFF;
	_ =	strace $0x9FFFFFFF  }
0xc4: {  	(tm) =	ssettm $0x7FFFFFFF  }
0xc5: {  	_ =	shalt  }
tec
execute0_lowered:
.L_overlay_start_1:
0x0: {  	(tag) =	ssettag $0x1  }
0x1: {  	s0 =	rddreg [dreg:$0x0]  }
0x2: {  	s4 =	rddreg [dreg:$0x1]  }
0x3: {  	s1 =	rddreg [dreg:$0x2]  }
0x4: {  	s2 =	rddreg [dreg:$0x3]  }
0x5: {  	s3 =	simm.s32 $0x0;
	s5 =	srdreg.scid;
	s16 =	stileid.u32  }
0x6: {  	s29 =	simm.s32 $0x800;
	s30 =	simm.s32 $0x8;
	s12 =	smul.u32 $0x14000, s16  }
0x7: {  	[smem:$0x7FF] =	sst s3;
	s9 =	sand.u32 $0x1, s5;
	s13 =	smul.u32 $0x50000, s16  }
0x8: {  	s5 =	sadd.s32 $0x13800, s0;
	s6 =	sadd.s32 $0x3800, s0;
	s19 =	smul.u32 $0xA00, s16  }
0x9: {  	s7 =	sadd.s32 $0x4B800, s0;
	s20 =	sshll.u32 s16, $0xF;
	s16 =	smul.u32 $0x500, s16  }
0xa: {  	s8 =	sadd.s32 $0x4BE00, s0;
	s10 =	sadd.s32 $0x4C400, s0;
	s11 =	smul.u32 $0x140000, s9  }
0xb: {  	_ =	strace $0x80000047;
	[dreg:$0x5] =	wrdreg s10;
	s31 =	ssub.s32 $0x2, s9  }
0xc: {  	s10 =	sadd.s32 $0x23800, s0;
	s14 =	sshrl.u32 s31, $0x1;
	s11 =	sadd.s32 s12, s11  }
0xd: {  	s13 =	sshrl.u32 s13, $0x2;
	s12 =	ssub.s32 s31, s14;
	s11 =	sshrl.u32 s11, $0x3  }
0xe: {  	s26 =	smax.u32 s12, $0x1;
	s0 =	sadd.s32 s11, s0;
	s11 =	sadd.s32 s13, s1  }
0xf: {  	s12 =	simm.s32 $0x3;
	[dreg:$0x11] =	wrdreg s26;
	s13 =	sadd.s32 $0x2800, s11  }
0x10: {  	s15 =	sadd.s32 $0x5000, s11;
	s17 =	sadd.s32 $0x7800, s11;
	[dreg:$0x6] =	wrdreg s13  }
0x11: {  	s18 =	sadd.s32 $0xA000, s11;
	s0 =	sadd.s32 $0x4C600, s0;
	[dreg:$0x7] =	wrdreg s15  }
0x12: {  	s31 =	sadd.s32 $0xF000, s11;
	s28 =	sadd.s32 $0x11800, s11;
	[dreg:$0x8] =	wrdreg s17  }
0x13: {  	[dreg:$0x9] =	wrdreg s18;
	s15 =	sshll.u32 s9, $0xE;
	s17 =	sadd.s32 $0xC800, s11  }
0x14: {  	s9 =	sshll.u32 s9, $0x7;
	s13 =	sshrl.u32 s19, $0x2;
	[dreg:$0x10] =	wrdreg s0  }
0x15: {  	[dreg:$0x12] =	wrdreg s31;
	s0 =	simm.s32 $0x1;
	s19 =	simm.s32 $0x7  }
0x16: {  	[dreg:$0xa] =	wrdreg s17;
	s17 =	sor.u32 s15, s20;
	s9 =	sor.u32 s9, s16  }
0x17: {  	s18 =	sadd.s32 s13, s2;
	s13 =	simm.s32 $0x4;
	s14 =	sshrl.u32 s17, $0x3  }
0x18: {  	s15 =	simm.s32 $0x600;
	s16 =	simm.s32 $0x6;
	s21 =	sadd.s32 s5, s14  }
0x19: {  	s9 =	sshrl.u32 s9, $0x3;
	s22 =	sadd.s32 s6, s14;
	[dreg:$0xb] =	wrdreg s21  }
0x1a: {  	s23 =	sor.u32 $0x10, s14;
	s4 =	sadd.s32 s4, s9;
	[dreg:$0xc] =	wrdreg s22  }
0x1b: {  	s20 =	simm.s32 $0x0;
	[dreg:$0xd] =	wrdreg s4;
	s24 =	sadd.s32 s5, s23  }
0x1c: {  	s9 =	simm.s32 $0x50;
	s25 =	sadd.s32 s6, s23;
	[dreg:$0xe] =	wrdreg s24  }
0x1d: {  	v0 =	vimm.f32 $0.0e+00;
	s14 =	simm.s32 $0x5;
	s4 =	simm.s32 $0x2;
	[dreg:$0xf] =	wrdreg s25  }
.LBB2_1:
0x1e: {  	s21 =	simm.s32 $0x0;
	s22 =	simm.s32 $0x200  }
.LBB2_2:
0x1f: {  	p0 =	sne.s32 s22, $0x9E00;
	[tilespmem:s21+$0x870] =	vst v0  }
0x20: {  	[tilespmem:s21+$0x800] =	vst v0  }
0x21: {  	[tilespmem:s21+$0x810] =	vst v0  }
.Ltmp0:
0x22: {  	[tilespmem:s21+$0x820] =	vst v0;
	(pc) =	sbr.rel @p0 .LBB2_2-.Ltmp0, $4  }
0x23: {  	[tilespmem:s21+$0x830] =	vst v0  }
0x24: {  	[tilespmem:s21+$0x840] =	vst v0  }
0x25: {  	[tilespmem:s21+$0x850] =	vst v0  }
0x26: {  	[tilespmem:s21+$0x860] =	vst v0;
	s21 =	sshra.s32 s22, $0x2;
	s22 =	sadd.s32 $0x200, s22  }
0x27: {  	[tilespmem:s21+$0x870] =	vst v0  }
0x28: {  	[tilespmem:s21+$0x800] =	vst v0  }
0x29: {  	[tilespmem:s21+$0x810] =	vst v0  }
0x2a: {  	[tilespmem:s21+$0x820] =	vst v0  }
0x2b: {  	[tilespmem:s21+$0x830] =	vst v0  }
0x2c: {  	[tilespmem:s21+$0x840] =	vst v0  }
0x2d: {  	[tilespmem:s21+$0x850] =	vst v0  }
0x2e: {  	[tilespmem:s21+$0x860] =	vst v0  }
0x2f: {  	[tilespmem:$0x8080] =	vst v0  }
0x30: {  	[tilespmem:$0x8090] =	vst v0  }
0x31: {  	[tilespmem:$0x80A0] =	vst v0  }
0x32: {  	[tilespmem:$0x80B0] =	vst v0  }
0x33: {  	[tilespmem:$0x80C0] =	vst v0  }
0x34: {  	[tilespmem:$0x80D0] =	vst v0  }
0x35: {  	[tilespmem:$0x80E0] =	vst v0  }
0x36: {  	[tilespmem:$0x80F0] =	vst v0  }
0x37: {  	[tilespmem:$0x8100] =	vst v0  }
0x38: {  	[tilespmem:$0x8110] =	vst v0  }
0x39: {  	[tilespmem:$0x8120] =	vst v0  }
0x3a: {  	[tilespmem:$0x8130] =	vst v0  }
0x3b: {  	[tilespmem:$0x8140] =	vst v0  }
0x3c: {  	[tilespmem:$0x8150] =	vst v0  }
0x3d: {  	[tilespmem:$0x8160] =	vst v0  }
0x3e: {  	[tilespmem:$0x8170] =	vst v0  }
0x3f: {  	[tilespmem:$0x8180] =	vst v0  }
0x40: {  	[tilespmem:$0x8190] =	vst v0  }
0x41: {  	[tilespmem:$0x81A0] =	vst v0  }
0x42: {  	[tilespmem:$0x81B0] =	vst v0  }
0x43: {  	[tilespmem:$0x81C0] =	vst v0  }
0x44: {  	[tilespmem:$0x81D0] =	vst v0  }
0x45: {  	[tilespmem:$0x81E0] =	vst v0  }
0x46: {  	[tilespmem:$0x81F0] =	vst v0  }
0x47: {  	[tilespmem:$0x8200] =	vst v0  }
0x48: {  	[tilespmem:$0x8210] =	vst v0  }
0x49: {  	[tilespmem:$0x8220] =	vst v0  }
0x4a: {  	[tilespmem:$0x8230] =	vst v0  }
0x4b: {  	[tilespmem:$0x8240] =	vst v0  }
0x4c: {  	[tilespmem:$0x8250] =	vst v0  }
0x4d: {  	[tilespmem:$0x8260] =	vst v0  }
0x4e: {  	[tilespmem:$0x8270] =	vst v0  }
0x4f: {  	[tilespmem:$0x8280] =	vst v0  }
0x50: {  	[tilespmem:$0x8290] =	vst v0  }
0x51: {  	[tilespmem:$0x82A0] =	vst v0  }
0x52: {  	[tilespmem:$0x82B0] =	vst v0  }
0x53: {  	[tilespmem:$0x82C0] =	vst v0  }
0x54: {  	[tilespmem:$0x82D0] =	vst v0  }
0x55: {  	[tilespmem:$0x82E0] =	vst v0  }
0x56: {  	[tilespmem:$0x82F0] =	vst v0  }
0x57: {  	[spmem:s11] =	stream.linear.scatter [tilespmem:s29], [sflag:$0x8], $0x2800, $0x38;
	[tilespmem:$0x1C580] =	vst v63  }
0x58: {  	_ =	swait.ge [sflag:s30], $0x2800  }
0x59: {  	[sflag:s30] =	ssyncset.done $0x0  }
0x5a: {  	s23 =	rddreg [dreg:$0x6];
	[sflag:s30] =	ssyncadd.s32 $0xFFFFD800  }
0x5b: {  	[spmem:s23] =	stream.linear.scatter [tilespmem:s29], [sflag:$0x8], $0x2800, $0x38;
	[tilespmem:$0x1C580] =	vst v63  }
0x5c: {  	_ =	swait.ge [sflag:s30], $0x2800  }
0x5d: {  	[sflag:s30] =	ssyncset.done $0x0  }
0x5e: {  	s24 =	rddreg [dreg:$0x7];
	[sflag:s30] =	ssyncadd.s32 $0xFFFFD800  }
0x5f: {  	[spmem:s24] =	stream.linear.scatter [tilespmem:s29], [sflag:$0x8], $0x2800, $0x38;
	[tilespmem:$0x1C580] =	vst v63  }
0x60: {  	_ =	swait.ge [sflag:s30], $0x2800  }
0x61: {  	[sflag:s30] =	ssyncset.done $0x0  }
0x62: {  	s25 =	rddreg [dreg:$0x8];
	[sflag:s30] =	ssyncadd.s32 $0xFFFFD800  }
0x63: {  	[spmem:s25] =	stream.linear.scatter [tilespmem:s29], [sflag:$0x8], $0x2800, $0x38;
	[tilespmem:$0x1C580] =	vst v63  }
0x64: {  	_ =	swait.ge [sflag:s30], $0x2800  }
0x65: {  	[sflag:s30] =	ssyncset.done $0x0  }
0x66: {  	s26 =	rddreg [dreg:$0x9];
	[sflag:s30] =	ssyncadd.s32 $0xFFFFD800  }
0x67: {  	[spmem:s26] =	stream.linear.scatter [tilespmem:s29], [sflag:$0x8], $0x2800, $0x38;
	[tilespmem:$0x1C580] =	vst v63  }
0x68: {  	_ =	swait.ge [sflag:s30], $0x2800  }
0x69: {  	[sflag:s30] =	ssyncset.done $0x0  }
0x6a: {  	s31 =	rddreg [dreg:$0xa];
	[sflag:s30] =	ssyncadd.s32 $0xFFFFD800  }
0x6b: {  	[spmem:s31] =	stream.linear.scatter [tilespmem:s29], [sflag:$0x8], $0x2800, $0x38;
	[tilespmem:$0x1C580] =	vst v63  }
0x6c: {  	_ =	swait.ge [sflag:s30], $0x2800  }
0x6d: {  	[sflag:s30] =	ssyncset.done $0x0  }
0x6e: {  	s22 =	rddreg [dreg:$0x12];
	[sflag:s30] =	ssyncadd.s32 $0xFFFFD800  }
0x6f: {  	[spmem:s22] =	stream.linear.scatter [tilespmem:s29], [sflag:$0x8], $0x2800, $0x38;
	[tilespmem:$0x1C580] =	vst v63  }
0x70: {  	_ =	swait.ge [sflag:s30], $0x2800  }
0x71: {  	[sflag:s30] =	ssyncset.done $0x0  }
0x72: {  	[sflag:s30] =	ssyncadd.s32 $0xFFFFD800  }
0x73: {  	[spmem:s28] =	stream.linear.scatter [tilespmem:s29], [sflag:$0x8], $0x2800, $0x38;
	[tilespmem:$0x1C580] =	vst v63  }
0x74: {  	_ =	swait.ge [sflag:s30], $0x2800  }
0x75: {  	[sflag:s30] =	ssyncset.done $0x0  }
0x76: {  	s23 =	simm.s32 $0x8080;
	[sflag:s30] =	ssyncadd.s32 $0xFFFFD800  }
0x77: {  	[spmem:s18] =	stream.linear.scatter [tilespmem:s23], [sflag:$0x8], $0x280, $0x38;
	[tilespmem:$0x1C580] =	vst v63  }
0x78: {  	_ =	swait.ge [sflag:s30], $0x280  }
0x79: {  	s22 =	simm.s32 $0x0;
	[sflag:s30] =	ssyncset.done $0x0  }
0x7a: {  	s23 =	simm.s32 $0x8000;
	s24 =	rddreg [dreg:$0x5];
	[sflag:s30] =	ssyncadd.s32 $0xFFFFFD80  }
0x7b: {  	[tilespmem:s23], [sflag:$0x8] =	stream.linear.gather [hbm4b:s24+s22], $0x80, $0x38;
	[tilespmem:$0x1C580] =	vst v63  }
0x7c: {  	_ =	swait.ge [sflag:s30], $0x80  }
0x7d: {  	[sflag:s30] =	ssyncset.done $0x0  }
0x7e: {  	[sflag:s30] =	ssyncadd.s32 $0xFFFFFF80  }
0x7f: {  	v1 =	vld [tilespmem:$0x8000];
	[bflag:$0x0] =	sbarrier.arrive $0xFFFF  }
0x80: {  	s25 =	rddreg [dreg:$0xb]  }
0x81: {  	[tilespmem:s22], [sflag:$0x1] =	stream.linear.gather [hbm4b:s25+s22], $0x80, $0x38;
	[tilespmem:$0x1C580] =	vst v63  }
0x82: {  	s23 =	simm.s32 $0x200;
	s26 =	rddreg [dreg:$0xc]  }
0x83: {  	[tilespmem:s23], [sflag:$0x2] =	stream.linear.gather [hbm4b:s26+s22], $0x80, $0x38;
	[tilespmem:$0x1C580] =	vst v63  }
0x84: {  	s24 =	simm.s32 $0x80;
	s31 =	rddreg [dreg:$0xe]  }
0x85: {  	[tilespmem:s24], [sflag:$0x1] =	stream.linear.gather [hbm4b:s31+s22], $0x80, $0x38;
	[tilespmem:$0x1C580] =	vst v63  }
0x86: {  	s25 =	simm.s32 $0x280;
	s24 =	rddreg [dreg:$0xf]  }
0x87: {  	[tilespmem:s25], [sflag:$0x2] =	stream.linear.gather [hbm4b:s24+s22], $0x80, $0x38;
	[tilespmem:$0x1C580] =	vst v63  }
0x88: {  	_ =	swait.ge [sflag:s0], $0x80  }
0x89: {  	[sflag:s0] =	ssyncset.done $0x0  }
0x8a: {  	[sflag:s0] =	ssyncadd.s32 $0xFFFFFF80  }
0x8b: {  	_ =	swait.ge [sflag:s4], $0x80  }
0x8c: {  	[sflag:s4] =	ssyncset.done $0x0  }
0x8d: {  	s26 =	simm.s32 $0x400;
	[sflag:s4] =	ssyncadd.s32 $0xFFFFFF80  }
0x8e: {  	[tilespmem:s26], [sflag:$0x3] =	stream.indirect.gather [hbm4b:s7+s9], $0x1, s22, s9, $0xb8;
	[tilespmem:$0x1C580] =	vst v63  }
0x8f: {  	s31 =	simm.s32 $0x500  }
0x90: {  	[tilespmem:s31], [sflag:$0x4] =	stream.indirect.gather [hbm4b:s8+s9], $0x1, s23, s9, $0xb8;
	[tilespmem:$0x1C580] =	vst v63  }
0x91: {  	_ = 	snop  }
0x92: {  	[tilespmem:s29], [sflag:$0x5] =	stream.indirect.gather [hbm4b:s10+s9], $0x80, s22, s9, $0xb8;
	[tilespmem:$0x1C580] =	vst v63  }
.LBB2_4:
0x93: {  	p0 =	slt.u32 s22, $0x2  }
0x94: {  	s21 =	simm.s32 @!p0 $0x6;
	p1 =	sgt.u32 @!p0 s22, $0x7A  }
0x95: {  	_ =	swait.ge @!p0 [sflag:s21], $0x50;
	p1 =	por p0, !p1  }
.Ltmp1:
0x96: {  	[sflag:s21] =	ssyncset.done @!p0 $0x0;
	(pc) =	sbr.rel @!p1 .LBB2_6-.Ltmp1, $4  }
0x97: {  	[sflag:s21] =	ssyncadd.s32 @!p0 $0xFFFFFFB0;
	s21 =	simm.s32 @!p0 $0x7  }
0x98: {  	_ =	swait.ge @!p0 [sflag:s21], $0x2800  }
0x99: {  	[sflag:s21] =	ssyncset.done @!p0 $0x0  }
0x9a: {  	[sflag:s21] =	ssyncadd.s32 @!p0 $0xFFFFD800  }
0x9b: {  	s21 =	sadd.s32 $0x2, s22  }
0x9c: {  	s23 =	smul.u32 $0xAB, s21;
	_ =	sdelay $0x1  }
0x9d: {  	s23 =	sshrl.u32 s23, $0x9  }
0x9e: {  	s24 =	sshll.u32 s21, $0x7;
	s23 =	sand.u32 $0x7F, s23  }
0x9f: {  	s25 =	sand.u32 $0x7C00, s24;
	s23 =	smul.u32 $0x3, s23  }
0xa0: {  	s31 =	sand.u32 $0x380, s24;
	s25 =	sadd.s32 s17, s25  }
0xa1: {  	s25 =	sor.u32 s31, s25;
	s21 =	ssub.s32 s21, s23  }
0xa2: {  	s31 =	sand.u32 $0x180, s24;
	s26 =	sshrl.u32 s25, $0x3;
	s21 =	sand.u32 $0xFF, s21  }
.Ltmp2:
0xa3: {  	s25 =	sadd.s32 s5, s26;
	s21 =	sshll.u32 s21, $0x7;
	(pc) =	sbr.rel .LBB2_7-.Ltmp2, $4  }
0xa4: {  	[tilespmem:s21], [sflag:$0x1] =	stream.linear.gather [hbm4b:s25+s3], $0x80, $0x38;
	[tilespmem:$0x1C580] =	vst v63  }
0xa5: {  	s23 =	sadd.s32 s6, s26;
	s21 =	sor.u32 $0x200, s31  }
0xa6: {  	[tilespmem:s21], [sflag:$0x2] =	stream.linear.gather [hbm4b:s23+s3], $0x80, $0x38;
	[tilespmem:$0x1C580] =	vst v63  }
0xa7: {  	s23 =	sadd.s32 $0x1, s22  }
.LBB2_6:
0xa8: {  	p0 =	seq.s32 s22, $0x7C  }
.Ltmp3:
0xa9: {  	_ = 	snop;
	(pc) =	sbr.rel @p0 .LBB2_8-.Ltmp3, $2  }
0xaa: {  	_ =	sdelay $0x2  }
0xab: {  	s23 =	simm.s32 $0x7C;
	s21 =	simm.s32 $0x7D  }
.LBB2_7:
0xac: {  	s21 =	smul.u32 $0xAB, s23;
	_ =	sdelay $0x1  }
0xad: {  	s21 =	sshrl.u32 s21, $0x9  }
0xae: {  	_ =	swait.ge [sflag:s0], $0x80;
	s21 =	sand.u32 $0x7F, s21  }
0xaf: {  	s24 =	sshll.u32 s23, $0x7;
	[sflag:s0] =	ssyncset.done $0x0;
	s21 =	smul.u32 $0x3, s21  }
0xb0: {  	s31 =	sand.u32 $0x80, s24;
	[sflag:s0] =	ssyncadd.s32 $0xFFFFFF80  }
0xb1: {  	s24 =	sand.u32 $0x180, s24;
	_ =	swait.ge [sflag:s4], $0x80;
	s21 =	ssub.s32 s23, s21  }
0xb2: {  	s26 =	sor.u32 $0x400, s31;
	[sflag:s4] =	ssyncset.done $0x0;
	s21 =	sand.u32 $0xFF, s21  }
0xb3: {  	[sflag:s4] =	ssyncadd.s32 $0xFFFFFF80;
	s25 =	sshll.u32 s21, $0x7;
	s21 =	smul.u32 $0xA000, s21  }
0xb4: {  	[tilespmem:s26], [sflag:$0x3] =	stream.indirect.gather [hbm4b:s7+s9], $0x1, s25, s9, $0xb8;
	[tilespmem:$0x1C580] =	vst v63  }
0xb5: {  	s24 =	sor.u32 $0x200, s24;
	s31 =	sor.u32 $0x500, s31;
	s21 =	sshrl.u32 s21, $0x2  }
0xb6: {  	[tilespmem:s31], [sflag:$0x4] =	stream.indirect.gather [hbm4b:s8+s9], $0x1, s24, s9, $0xb8;
	[tilespmem:$0x1C580] =	vst v63  }
0xb7: {  	s21 =	sadd.s32 $0x800, s21  }
0xb8: {  	[tilespmem:s21], [sflag:$0x5] =	stream.indirect.gather [hbm4b:s10+s9], $0x80, s25, s9, $0xb8;
	[tilespmem:$0x1C580] =	vst v63  }
0xb9: {  	s21 =	smov.u32 s23  }
.LBB2_8:
0xba: {  	_ =	swait.ge [sflag:s12], $0x50  }
0xbb: {  	[sflag:s12] =	ssyncset.done $0x0  }
0xbc: {  	[sflag:s12] =	ssyncadd.s32 $0xFFFFFFB0  }
0xbd: {  	_ =	swait.ge [sflag:s13], $0x50  }
0xbe: {  	s23 =	sshll.u32 s22, $0x7;
	[sflag:s13] =	ssyncset.done $0x0  }
0xbf: {  	s23 =	sand.u32 $0x80, s23;
	[sflag:s13] =	ssyncadd.s32 $0xFFFFFFB0  }
0xc0: {  	v2 =	vld [tilespmem:s23+$0x400]  }
0xc1: {  	v3 =	vld [tilespmem:s23+$0x500];
	_ =	sdelay $0x4  }
0xc2: {  	v2 =	vadd.f32 v3, v2;
	_ =	sdelay $0x1  }
0xc3: {  	v3 =	vmul.f32 $2.000000030e-01, v2  }
0xc4: {  	vm0 =	vge.f32 v2, $0.0e+00  }
0xc5: {  	v2 =	vsel vm0, v2, v3  }
0xc6: {  	v2 =	vsub.f32 v2, v1;
	_ =	sdelay $0x1  }
0xc7: {  	v2 =	vmul.f32 $1.442695020e+00, v2;
	_ =	sdelay $0x1  }
0xc8: {  	(erf) = vpow2.f32 v2;
	_ =	sdelay $0x7  }
0xc9: {  	s24 =	sand.u32 $0x3, s22  }
0xca: {  	s24 =	sshll.u32 s24, $0x7;
	v2 =	vpop (erf)  }
0xcb: {  	[tilespmem:s24+$0x600] =	vst v2  }
0xcc: {  	v2 =	vld [tilespmem:s23+$0x410]  }
0xcd: {  	v3 =	vld [tilespmem:s23+$0x510];
	_ =	sdelay $0x4  }
0xce: {  	v2 =	vadd.f32 v3, v2;
	_ =	sdelay $0x1  }
0xcf: {  	v3 =	vmul.f32 $2.000000030e-01, v2  }
0xd0: {  	vm12 =	vge.f32 v2, $0.0e+00  }
0xd1: {  	v2 =	vsel vm12, v2, v3  }
0xd2: {  	v2 =	vsub.f32 v2, v1;
	_ =	sdelay $0x1  }
0xd3: {  	v2 =	vmul.f32 $1.442695020e+00, v2;
	_ =	sdelay $0x1  }
0xd4: {  	(erf) = vpow2.f32 v2;
	_ =	sdelay $0x8  }
0xd5: {  	v2 =	vpop (erf)  }
0xd6: {  	[tilespmem:s24+$0x610] =	vst v2  }
0xd7: {  	v2 =	vld [tilespmem:s23+$0x420]  }
0xd8: {  	v3 =	vld [tilespmem:s23+$0x520];
	_ =	sdelay $0x4  }
0xd9: {  	v2 =	vadd.f32 v3, v2;
	_ =	sdelay $0x1  }
0xda: {  	v3 =	vmul.f32 $2.000000030e-01, v2  }
0xdb: {  	vm13 =	vge.f32 v2, $0.0e+00  }
0xdc: {  	v2 =	vsel vm13, v2, v3  }
0xdd: {  	v2 =	vsub.f32 v2, v1;
	_ =	sdelay $0x1  }
0xde: {  	v2 =	vmul.f32 $1.442695020e+00, v2;
	_ =	sdelay $0x1  }
0xdf: {  	(erf) = vpow2.f32 v2;
	_ =	sdelay $0x8  }
0xe0: {  	v2 =	vpop (erf)  }
0xe1: {  	[tilespmem:s24+$0x620] =	vst v2  }
0xe2: {  	v2 =	vld [tilespmem:s23+$0x430]  }
0xe3: {  	v3 =	vld [tilespmem:s23+$0x530];
	_ =	sdelay $0x4  }
0xe4: {  	v2 =	vadd.f32 v3, v2;
	_ =	sdelay $0x1  }
0xe5: {  	v3 =	vmul.f32 $2.000000030e-01, v2  }
0xe6: {  	vm14 =	vge.f32 v2, $0.0e+00  }
0xe7: {  	v2 =	vsel vm14, v2, v3  }
0xe8: {  	v2 =	vsub.f32 v2, v1;
	_ =	sdelay $0x1  }
0xe9: {  	v2 =	vmul.f32 $1.442695020e+00, v2;
	_ =	sdelay $0x1  }
0xea: {  	(erf) = vpow2.f32 v2;
	_ =	sdelay $0x8  }
0xeb: {  	v2 =	vpop (erf)  }
0xec: {  	[tilespmem:s24+$0x630] =	vst v2  }
0xed: {  	v2 =	vld [tilespmem:s23+$0x440]  }
0xee: {  	v3 =	vld [tilespmem:s23+$0x540];
	_ =	sdelay $0x4  }
0xef: {  	v2 =	vadd.f32 v3, v2;
	_ =	sdelay $0x1  }
0xf0: {  	v3 =	vmul.f32 $2.000000030e-01, v2  }
0xf1: {  	vm15 =	vge.f32 v2, $0.0e+00  }
0xf2: {  	v2 =	vsel vm15, v2, v3  }
0xf3: {  	v2 =	vsub.f32 v2, v1;
	_ =	sdelay $0x1  }
0xf4: {  	v2 =	vmul.f32 $1.442695020e+00, v2;
	_ =	sdelay $0x1  }
0xf5: {  	(erf) = vpow2.f32 v2;
	_ =	sdelay $0x1  }
0xf6: {  	s26 =	sand.u32 $0xFF, s22  }
0xf7: {  	s23 =	smul.u32 $0xAB, s26;
	_ =	sdelay $0x1  }
0xf8: {  	s23 =	sshrl.u32 s23, $0x9  }
0xf9: {  	s23 =	smul.u32 $0x3, s23;
	_ =	sdelay $0x1  }
0xfa: {  	s25 =	ssub.s32 s22, s23  }
0xfb: {  	s26 =	simm.s32 $0x1;
	s23 =	sand.u32 $0xFF, s25;
	v2 =	vpop (erf)  }
0xfc: {  	s22 =	sor.u32 $0x200, s24;
	s25 =	sor.u32 $0x600, s24;
	s23 =	smul.u32 $0xA000, s23;
	v3 =	vmov s26;
	[tilespmem:s24+$0x640] =	vst v2  }
0xfd: {  	v3 =	vand.u32 $0x7F, v3;
	v2 =	vmov s24;
	[spmem:s2] =	stream.indirect.scatter.add.f32 [tilespmem:s25], [sflag:$0x6], $0x1, s22, s9, $0xb8;
	[tilespmem:$0x1C580] =	vst v63  }
0xfe: {  	v3 =	vor.u32 v2, v3;
	_ =	swait.ge [sflag:s14], $0x2800  }
0xff: {  	s23 =	sshrl.u32 s23, $0x2;
	v3 =	vbroadcast v3, $0x0;
	[sflag:s14] =	ssyncset.done $0x0  }
0x100: {  	s25 =	sadd.s32 $0x880, s23;
	[sflag:s14] =	ssyncadd.s32 $0xFFFFD800  }
0x101: {  	v8 =	vld [tilespmem:s25+$0xFFFFFFF0]  }
0x102: {  	s26 =	simm.s32 $0x0;
	v5 =	vld [tilespmem:s25+$0x50]  }
0x103: {  	v4 =	vmov s26;
	v6 =	vld [tilespmem:s25+$0x70]  }
0x104: {  	v4 =	vand.u32 $0x7E, v4;
	v7 =	vld [tilespmem:s25+$0x30]  }
0x105: {  	v4 =	vor.u32 v2, v4;
	v9 =	vld.idx.msk [tilespmem:v3+s15+$0x0], $0xffff  }
0x106: {  	v3 =	vbroadcast v4, $0x0;
	v4 =	vld [tilespmem:s25+$0x0]  }
0x107: {  	v10 =	vld [tilespmem:s25+$0x10]  }
0x108: {  	v11 =	vld [tilespmem:s25+$0x40]  }
0x109: {  	v12 =	vld [tilespmem:s25+$0x20]  }
0x10a: {  	v13 =	vld [tilespmem:s25+$0x60]  }
0x10b: {  	v14 =	vld [tilespmem:s25+$0xFFFFFFD0];
	v15 =	vmul.f32 v4, v9  }
0x10c: {  	v16 =	vld [tilespmem:s25+$0xFFFFFF80];
	v10 =	vmul.f32 v10, v9  }
0x10d: {  	v7 =	vmul.f32 v7, v9;
	v4 =	vld.idx.msk [tilespmem:v3+s15+$0x0], $0xffff;
	[tilespmem:s25+$0x0] =	vst v15  }
0x10e: {  	v3 =	vmul.f32 v11, v9;
	v15 =	vld [tilespmem:s25+$0xFFFFFFA0];
	[tilespmem:s25+$0x10] =	vst v10;
	v10 =	vmul.f32 v12, v9  }
0x10f: {  	v12 =	vmul.f32 v6, v9;
	v6 =	vmul.f32 v5, v9;
	v5 =	vld [tilespmem:s25+$0xFFFFFFE0]  }
0x110: {  	[tilespmem:s25+$0x30] =	vst v7;
	v7 =	vld [tilespmem:s25+$0xFFFFFF90]  }
0x111: {  	v13 =	vmul.f32 v13, v9;
	[tilespmem:s25+$0x40] =	vst v3;
	v3 =	vld [tilespmem:s25+$0xFFFFFFB0]  }
0x112: {  	[tilespmem:s25+$0x20] =	vst v10;
	v10 =	vld [tilespmem:s25+$0xFFFFFFC0]  }
0x113: {  	[tilespmem:s25+$0x60] =	vst v13;
	v9 =	vmul.f32 v16, v4;
	v11 =	vmul.f32 v8, v4  }
0x114: {  	s31 =	simm.s32 $0x3;
	s24 =	sadd.s32 $0x800, s23;
	s23 =	smov.u32 s25;
	[tilespmem:s25+$0x70] =	vst v12;
	v12 =	vmul.f32 v14, v4;
	v8 =	vmul.f32 v15, v4  }
.LBB2_9:
0x115: {  	p0 =	sne.s32 s31, $0x4F  }
0x116: {  	v13 =	vmov s31;
	v7 =	vmul.f32 v7, v4;
	[tilespmem:s25+$0x50] =	vst v6;
	v5 =	vmul.f32 v5, v4;
	s23 =	sadd.s32 $0x100, s23;
	s26 =	smov.u32 s31;
	s31 =	sadd.s32 $0x2, s31  }
0x117: {  	v3 =	vmul.f32 v3, v4;
	v6 =	vand.u32 $0x7F, v13;
	v4 =	vmul.f32 v10, v4;
	[tilespmem:s25+$0xFFFFFFF0] =	vst v11  }
0x118: {  	v6 =	vor.u32 v2, v6;
	[tilespmem:s25+$0xFFFFFF80] =	vst v9  }
0x119: {  	v6 =	vbroadcast v6, $0x0;
	v11 =	vld [tilespmem:s23+$0xFFFFFFF0];
	[tilespmem:s25+$0xFFFFFFD0] =	vst v12  }
0x11a: {  	v9 =	vld [tilespmem:s23+$0x50];
	[tilespmem:s25+$0xFFFFFFA0] =	vst v8  }
0x11b: {  	v8 =	vld [tilespmem:s23+$0x70];
	[tilespmem:s25+$0xFFFFFFB0] =	vst v3  }
0x11c: {  	s26 =	sadd.s32 $0xFFFFFFFF, s26;
	v3 =	vld [tilespmem:s23+$0xFFFFFFB0];
	[tilespmem:s25+$0xFFFFFFC0] =	vst v4  }
0x11d: {  	v4 =	vmov s26;
	v10 =	vld [tilespmem:s23+$0x30];
	[tilespmem:s25+$0xFFFFFFE0] =	vst v5  }
0x11e: {  	v4 =	vand.u32 $0x7E, v4;
	v5 =	vld [tilespmem:s23+$0x10];
	[tilespmem:s25+$0xFFFFFF90] =	vst v7;
	s25 =	smov.u32 s23  }
0x11f: {  	v4 =	vor.u32 v2, v4;
	v7 =	vld.idx.msk [tilespmem:v6+s15+$0x0], $0xffff  }
0x120: {  	v4 =	vbroadcast v4, $0x0;
	v6 =	vld [tilespmem:s23+$0x0]  }
0x121: {  	v12 =	vld [tilespmem:s23+$0x20]  }
0x122: {  	v13 =	vld [tilespmem:s23+$0x40]  }
0x123: {  	v14 =	vld [tilespmem:s23+$0x60]  }
0x124: {  	v15 =	vld [tilespmem:s23+$0xFFFFFFD0]  }
0x125: {  	v5 =	vmul.f32 v5, v7;
	v16 =	vld [tilespmem:s23+$0xFFFFFF80];
	v6 =	vmul.f32 v6, v7  }
0x126: {  	v10 =	vmul.f32 v10, v7;
	v4 =	vld.idx.msk [tilespmem:v4+s15+$0x0], $0xffff;
	v12 =	vmul.f32 v12, v7  }
0x127: {  	[tilespmem:s23+$0x0] =	vst v6;
	v17 =	vld [tilespmem:s23+$0xFFFFFFA0];
	v13 =	vmul.f32 v13, v7;
	v6 =	vmul.f32 v9, v7  }
0x128: {  	v8 =	vmul.f32 v8, v7;
	[tilespmem:s23+$0x10] =	vst v5;
	v5 =	vld [tilespmem:s23+$0xFFFFFFE0];
	v14 =	vmul.f32 v14, v7  }
.Ltmp4:
0x129: {  	v7 =	vld [tilespmem:s23+$0xFFFFFF90];
	[tilespmem:s23+$0x40] =	vst v13;
	(pc) =	sbr.rel @p0 .LBB2_9-.Ltmp4, $4  }
0x12a: {  	[tilespmem:s23+$0x30] =	vst v10;
	v10 =	vld [tilespmem:s23+$0xFFFFFFC0]  }
0x12b: {  	[tilespmem:s23+$0x20] =	vst v12  }
0x12c: {  	v9 =	vmul.f32 v16, v4;
	v11 =	vmul.f32 v11, v4;
	[tilespmem:s23+$0x70] =	vst v8  }
0x12d: {  	v12 =	vmul.f32 v15, v4;
	v8 =	vmul.f32 v17, v4;
	[tilespmem:s23+$0x60] =	vst v14  }
0x12e: {  	[tilespmem:s25+$0x50] =	vst v6  }
0x12f: {  	[tilespmem:s25+$0xFFFFFFF0] =	vst v11  }
0x130: {  	[tilespmem:s25+$0xFFFFFF80] =	vst v9  }
0x131: {  	v2 =	vmul.f32 v3, v4;
	[tilespmem:s25+$0xFFFFFFD0] =	vst v12  }
0x132: {  	v5 =	vmul.f32 v5, v4;
	[tilespmem:s25+$0xFFFFFFA0] =	vst v8  }
0x133: {  	p0 =	slt.u32 s21, $0x7D;
	v3 =	vmul.f32 v10, v4;
	[tilespmem:s25+$0xFFFFFFB0] =	vst v2  }
.Ltmp5:
0x134: {  	v2 =	vmul.f32 v7, v4;
	[tilespmem:s25+$0xFFFFFFE0] =	vst v5;
	(pc) =	sbr.rel @p0 .LBB2_4-.Ltmp5, $4  }
0x135: {  	[tilespmem:s25+$0xFFFFFFC0] =	vst v3  }
0x136: {  	[tilespmem:s25+$0xFFFFFF90] =	vst v2  }
0x137: {  	[spmem:s1] =	stream.indirect.scatter.add.f32 [tilespmem:s24], [sflag:$0x7], $0x80, s22, s9, $0xb8;
	[tilespmem:$0x1C580] =	vst v63  }
0x138: {  	s22 =	smov.u32 s21  }
0x139: {  	_ =	swait.ge [sflag:s16], $0x50  }
0x13a: {  	[sflag:s16] =	ssyncset.done $0x0  }
0x13b: {  	[sflag:s16] =	ssyncadd.s32 $0xFFFFFFB0  }
0x13c: {  	_ =	swait.ge [sflag:s19], $0x2800  }
0x13d: {  	[sflag:s19] =	ssyncset.done $0x0  }
0x13e: {  	[sflag:s19] =	ssyncadd.s32 $0xFFFFD800  }
0x13f: {  	_ =	swait.ge [sflag:s16], $0x50  }
0x140: {  	[sflag:s16] =	ssyncset.done $0x0  }
0x141: {  	[sflag:s16] =	ssyncadd.s32 $0xFFFFFFB0  }
0x142: {  	_ =	swait.ge [sflag:s19], $0x2800  }
0x143: {  	[sflag:s19] =	ssyncset.done $0x0  }
0x144: {  	s21 =	stileid.u32;
	[sflag:s19] =	ssyncadd.s32 $0xFFFFD800  }
0x145: {  	s21 =	sshll.u32 s21, $0x6;
	[bflag:$0x0] =	sbarrier.arrive $0xFFFF  }
0x146: {  	s22 =	sshrl.u32 s11, $0x3;
	s21 =	sor.u32 $0x1C08, s21;
	s23 =	rddreg [dreg:$0x10]  }
0x147: {  	[hbm:s23], [sflag:s21] =	dma.local [spmem:s22], $0x2800  }
0x148: {  	_ =	swait.ge [sflag:s30], $0x2800  }
0x149: {  	s24 =	simm.s32 $0x20;
	s25 =	simm.s32 $0x10;
	[sflag:s30] =	ssyncset.done $0x0  }
0x14a: {  	s23 =	sshrl.u32 s18, $0x3;
	s26 =	rddreg [dreg:$0xd];
	[sflag:s30] =	ssyncadd.s32 $0xFFFFD800  }
0x14b: {  	[hbm:s26@s24], [sflag:s21] =	dma.strided [spmem:s23@s25], $0x50, s0, $0x10   }
0x14c: {  	_ =	swait.ge [sflag:s30], $0x50  }
0x14d: {  	s20 =	sadd.s32 $0x1, s20;
	s31 =	rddreg [dreg:$0x11]  }
0x14e: {  	p0 =	sne.s32 s20, s31  }
.Ltmp6:
0x14f: {  	_ = 	snop;
	(pc) =	sbr.rel @p0 .LBB2_1-.Ltmp6, $3  }
0x150: {  	_ =	sdelay $0x1  }
0x151: {  	[sflag:s30] =	ssyncset.done $0x0  }
0x152: {  	[sflag:s30] =	ssyncadd.s32 $0xFFFFFFB0  }
0x153: {  	_ =	sfence.sel $0x180000  }
0x154: {  	[bflag:$0x0] =	sbarrier.arrive $0xFFFF  }
0x155: {  	_ =	strace $0x90000047  }
0x156: {  	s0 =	stileid.u32;
	[bflag:$0x2] =	sbarrier.arrive $0xFFFF  }
0x157: {  	p0 =	sne.s32 s0, $0x0;
	s0 =	rddreg [dreg:$0x4]  }
0x158: {  	s0 =	sadd.s32 @!p0 $0x100000, s0  }
0x159: {  	[sflag:s0] =	ssyncadd.tile.s32 @!p0 $0x1;
	_ =	shalt  }
.Lfunc_end2:
_tile_overlayer_lowered:
.L_overlay_start_2:
0x15a: {  	(tag) =	ssettag $0x2  }
0x15b: {  	s0 =	rddreg [dreg:$0x0];
	s2 =	stileid.u32  }
0x15c: {  	s1 =	rddreg [dreg:$0x1];
	p0 =	sne.s32 s2, $0x0  }
0x15d: {  	s3 =	rddreg [dreg:$0x2];
	[bflag:$0x3] =	sbarrier.arrive $0xFFFF;
	s2 =	simm.s32 @!p0 $0x1C08  }
0x15e: {  	[timem:s3], [sflag:s2] =	dma.local @!p0 [hbm:s0], s1  }
0x15f: {  	s0 =	simm.s32 @!p0 $0x8  }
0x160: {  	_ =	swait.ge @!p0 [sflag:s0], s1  }
0x161: {  	s1 =	ssub.s32 @!p0 $0x0, s1;
	[sflag:s0] =	ssyncset.done @!p0 $0x0  }
0x162: {  	[sflag:s0] =	ssyncadd.s32 @!p0 s1  }
0x163: {  	[bflag:$0x3] =	sbarrier.arrive $0xFFFF  }
0x164: {  	_ =	shalt  }

// kernel: kernel.13.cloned.1.call-start
scs
__scs_entry_jumppad:
0x0: {  	(pc) =	sbr.rel $0x88, $3  }
0x1: {  	(tag) =	ssettag $0x0;
	lr =	simm.s32 $0x1  }
0x2: {  	[smem:$0x3F90] =	sst lr;
	_ =	strace $0xD0000000  }
0x3: {  	_ = 	snop  }
0x4: {  	_ = 	snop  }
0x5: {  	_ = 	snop  }
0x6: {  	_ = 	snop  }
0x7: {  	_ = 	snop  }
__scs_overlays_trampoline_lowered:
0x8: {  	[smem:$0x3F9F] =	sst s0  }
0x9: {  	[smem:$0x3FA0] =	sst s1  }
0xa: {  	[smem:$0x3FA1] =	sst s2  }
0xb: {  	[smem:$0x3FA2] =	sst s3  }
0xc: {  	[smem:$0x3FA3] =	sst s4  }
0xd: {  	[smem:$0x3FA4] =	sst s5  }
0xe: {  	[smem:$0x3FA5] =	sst s6  }
0xf: {  	[smem:$0x3FA6] =	sst s7  }
0x10: {  	[smem:$0x3FA7] =	sst s8  }
0x11: {  	[smem:$0x3FA8] =	sst s9;
	s0 =	simm.s32 @!p0 $0x0  }
0x12: {  	s1 =	sld [smem:$0x3F8E];
	s0 =	simm.s32 @p0 $0x1  }
0x13: {  	[smem:$0x3FA9] =	sst s0;
	s0 =	simm.s32 @!p1 $0x0  }
0x14: {  	s2 =	sld [smem:$0x3F8D];
	s0 =	simm.s32 @p1 $0x1  }
0x15: {  	[smem:$0x3FAA] =	sst s0;
	s0 =	simm.s32 @!p2 $0x0  }
0x16: {  	s3 =	sld [smem:$0x3FDB];
	s0 =	simm.s32 @p2 $0x1  }
0x17: {  	s4 =	simm.s32 $0x1BF5;
	[smem:$0x3FAC] =	sst s0  }
0x18: {  	s0 =	sld [smem:$0x3F8F];
	_ =	swait.ge [sflag:s4], $0x0  }
0x19: {  	s7 =	sld [smem:$0x3F90]  }
0x1a: {  	s8 =	sadd.s32 $0xFFFFE003, lr  }
0x1b: {  	s9 =	sadd.s32 $0xFFFFFEF7, lr;
	s5 =	simm.s32 $0xFFFFFFFF;
	p2 =	slt.u32 s8, $0xFFFFF086  }
0x1c: {  	p1 =	slt.u32 s9, $0xF7A;
	s5 =	simm.s32 @!p2 $0x0  }
0x1d: {  	s5 =	simm.s32 @p1 $0x1;
	p0 =	seq.s32 s7, s2  }
0x1e: {  	s7 =	smul.u32 @!p0 $0xF7A, s2;
	p2 =	seq.s32 @!p0 s5, $0x0  }
0x1f: {  	s9 =	smul.u32 $0xF7A, s1;
	s8 =	simm.s32 @!p0 $0x1BF5;
	p2 =	por !p2, p0  }
0x20: {  	[sflag:s8] =	ssyncset.s32 @!p0 $0xFFFFF086;
	s6 =	sadd.s32 @!p0 s3, s7;
	s7 =	simm.s32 @!p0 $0x108  }
0x21: {  	s3 =	sadd.s32 s3, s9;
	s6 =	sadd.s32 @!p0 $0x88, s6;
	s7 =	simm.s32 @p2 $0x1082  }
0x22: {  	[simem:s7], [sflag:s8] =	dma.local @!p0 [hbm:s6], $0xF7A  }
0x23: {  	s9 =	sor.u32 $0xD0000000, s2;
	s6 =	simm.s32 $0x108;
	_ =	swait.ge @!p0 [sflag:s8], $0x0  }
0x24: {  	s3 =	sadd.s32 $0x88, s3;
	s6 =	simm.s32 @!p1 $0x1082;
	[sflag:s4] =	ssyncset.s32 $0xFFFFF086  }
0x25: {  	[simem:s6], [sflag:s4] =	dma.local [hbm:s3], $0xF7A  }
0x26: {  	[smem:$0x3F90] =	sst s1;
	(tag) =	ssettag s2;
	_ =	strace s9  }
0x27: {  	s1 =	sld [smem:$0x3FA0]  }
0x28: {  	s2 =	sld [smem:$0x3FA1]  }
0x29: {  	s4 =	sld [smem:$0x3FA3]  }
0x2a: {  	p0 =	seq.s32 s5, $0x0;
	s5 =	sld [smem:$0x3FA4]  }
0x2b: {  	s6 =	sld [smem:$0x3FA5]  }
0x2c: {  	s7 =	sld [smem:$0x3FA6]  }
0x2d: {  	s3 =	simm.s32 $0x108;
	s8 =	sld [smem:$0x3FA7]  }
0x2e: {  	s3 =	simm.s32 @!p0 $0x1082;
	s9 =	sld [smem:$0x3FA8]  }
0x2f: {  	lr =	sadd.s32 s0, s3;
	s0 =	sld [smem:$0x3F9F]  }
0x30: {  	s3 =	sld [smem:$0x3FA2]  }
0x31: {  	[smem:$0x3FAB] =	sst s10  }
0x32: {  	s10 =	sld [smem:$0x3FA9];
	_ =	sdelay $0x3  }
0x33: {  	p0 =	seq.s32 s10, $0x1;
	s10 =	sld [smem:$0x3FAB];
	_ =	sdelay $0x3  }
0x34: {  	[smem:$0x3FAB] =	sst s10  }
0x35: {  	s10 =	sld [smem:$0x3FAA];
	_ =	sdelay $0x3  }
0x36: {  	p1 =	seq.s32 s10, $0x1;
	s10 =	sld [smem:$0x3FAB];
	_ =	sdelay $0x3  }
0x37: {  	[smem:$0x3FAB] =	sst s10  }
0x38: {  	s10 =	sld [smem:$0x3FAC]  }
0x39: {  	_ = 	snop;
	(pc) =	sbr.ind lr, $3  }
0x3a: {  	_ = 	snop  }
0x3b: {  	_ = 	snop  }
0x3c: {  	p2 =	seq.s32 s10, $0x1;
	s10 =	sld [smem:$0x3FAB]  }
0x3d: {  	_ =	shalt  }
0x3e: {  	_ =	shalt  }
0x3f: {  	_ =	shalt  }
0x40: {  	_ =	shalt  }
0x41: {  	_ =	shalt  }
0x42: {  	_ =	shalt  }
0x43: {  	_ =	shalt  }
0x44: {  	_ =	shalt  }
0x45: {  	_ =	shalt  }
0x46: {  	_ =	shalt  }
0x47: {  	_ =	shalt  }
0x48: {  	_ =	shalt  }
0x49: {  	_ =	shalt  }
0x4a: {  	_ =	shalt  }
0x4b: {  	_ =	shalt  }
0x4c: {  	_ =	shalt  }
0x4d: {  	_ =	shalt  }
0x4e: {  	_ =	shalt  }
0x4f: {  	_ =	shalt  }
0x50: {  	_ =	shalt  }
0x51: {  	_ =	shalt  }
0x52: {  	_ =	shalt  }
0x53: {  	_ =	shalt  }
0x54: {  	_ =	shalt  }
0x55: {  	_ =	shalt  }
0x56: {  	_ =	shalt  }
0x57: {  	_ =	shalt  }
0x58: {  	_ =	shalt  }
0x59: {  	_ =	shalt  }
0x5a: {  	_ =	shalt  }
0x5b: {  	_ =	shalt  }
0x5c: {  	_ =	shalt  }
0x5d: {  	_ =	shalt  }
0x5e: {  	_ =	shalt  }
0x5f: {  	_ =	shalt  }
0x60: {  	_ =	shalt  }
0x61: {  	_ =	shalt  }
0x62: {  	_ =	shalt  }
0x63: {  	_ =	shalt  }
0x64: {  	_ =	shalt  }
0x65: {  	_ =	shalt  }
0x66: {  	_ =	shalt  }
0x67: {  	_ =	shalt  }
0x68: {  	_ =	shalt  }
0x69: {  	_ =	shalt  }
0x6a: {  	_ =	shalt  }
0x6b: {  	_ =	shalt  }
0x6c: {  	_ =	shalt  }
0x6d: {  	_ =	shalt  }
0x6e: {  	_ =	shalt  }
0x6f: {  	_ =	shalt  }
0x70: {  	_ =	shalt  }
0x71: {  	_ =	shalt  }
0x72: {  	_ =	shalt  }
0x73: {  	_ =	shalt  }
0x74: {  	_ =	shalt  }
0x75: {  	_ =	shalt  }
0x76: {  	_ =	shalt  }
0x77: {  	_ =	shalt  }
0x78: {  	_ =	shalt  }
0x79: {  	_ =	shalt  }
0x7a: {  	_ =	shalt  }
0x7b: {  	_ =	shalt  }
0x7c: {  	_ =	shalt  }
0x7d: {  	_ =	shalt  }
0x7e: {  	_ =	shalt  }
0x7f: {  	_ =	shalt  }
0x80: {  	_ =	shalt  }
0x81: {  	_ =	shalt  }
0x82: {  	_ =	shalt  }
0x83: {  	_ =	shalt  }
0x84: {  	_ =	shalt  }
0x85: {  	_ =	shalt  }
0x86: {  	_ =	shalt  }
0x87: {  	_ =	shalt  }
.Lfunc_end0:
.L_simem_size_0:
called_computation.1_lowered:
.L_overlay_start_0:
0x88: {  	s2 =	sld [smem:$0x3FD9]  }
0x89: {  	s3 =	sld [smem:$0x3FFE];
	_ =	sdelay $0x1  }
0x8a: {  	s1 =	srdreg.scid  }
0x8b: {  	s0 =	sand.u32 $0x1, s1  }
0x8c: {  	s17 =	sshll.u32 s0, $0xA;
	s2 =	sadd.s32 s3, s2  }
0x8d: {  	s2 =	sadd.s32 s2, s17  }
0x8e: {  	[smem:$0x3FB7] =	sst s2  }
0x8f: {  	_ = 	snop  }
0x90: {  	s2 =	sld [smem:$0x3FD0];
	(tm) =	ssettm $0x1  }
0x91: {  	s18 =	sld [smem:$0x3FFB];
	_ =	sdelay $0x3  }
0x92: {  	_ =	strace s18  }
0x93: {  	s3 =	sld [smem:$0x3FFC];
	_ =	sdelay $0x3  }
0x94: {  	_ =	strace s3  }
0x95: {  	s3 =	sld [smem:$0x3FFD];
	_ =	sdelay $0x3  }
0x96: {  	_ =	strace s3  }
0x97: {  	_ =	strace $0x8FFFFFFF  }
0x98: {  	s19 =	sld [smem:$0x3FDB];
	_ =	sdelay $0x1  }
0x99: {  	s4 =	simm.s32 $_scs_section_size  }
0x9a: {  	s5 =	simm.s32 $_size__tile_overlayer_lowered;
	s6 =	simm.s32 $_tile_overlayer_lowered  }
0x9b: {  	s22 =	simm.s32 $0x1BFF;
	s21 =	sshll.u32 s6, $0x1;
	s3 =	sadd.s32 s4, s19  }
0x9c: {  	s7 =	simm.s32 $0x0;
	s20 =	sshll.u32 s5, $0x1;
	s5 =	sadd.s32 s21, s3  }
0x9d: {  	[timem:s7], [sflag:s22] =	dma.local [hbm:s5], s20  }
0x9e: {  	_ =	swait.ge [sflag:s22], s20  }
0x9f: {  	s4 =	ssub.s32 $0x0, s20;
	[sflag:s22] =	ssyncset.done $0x0  }
0xa0: {  	[sflag:s22] =	ssyncadd.s32 s4;
	_ =	sdelay $0x1  }
0xa1: {  	s23 =	simm.s32 $0x1B8B  }
0xa2: {  	_ =	swait.ge [sflag:s23], $0x1  }
0xa3: {  	[sflag:s23] =	ssyncset.done $0x0  }
0xa4: {  	s25 =	simm.s32 $0x1B8E;
	s24 =	sld [smem:$0x3FFE];
	[sflag:s23] =	ssyncadd.s32 $0xFFFFFFFF  }
0xa5: {  	s26 =	simm.s32 $execute0_lowered;
	[smem:$0x3FD2] =	sst s25  }
0xa6: {  	s5 =	sshll.u32 s26, $0x1;
	_ =	strace $0x80000049;
	[dreg:$0x1] =	wrdreg $0xFFFFFFFF  }
0xa7: {  	s28 =	simm.s32 $_size_execute0_lowered;
	s3 =	sadd.s32 s3, s5;
	[dreg:$0x0] =	wrdreg $0x0  }
0xa8: {  	s5 =	sshll.u32 s28, $0x1;
	[dreg:$0x2] =	wrdreg s3  }
0xa9: {  	[dreg:$0x3] =	wrdreg s5  }
0xaa: {  	[dreg:$0x4] =	wrdreg $0xC0  }
0xab: {  	_ =	task [dreg:s7], $0x5FFFF  }
0xac: {  	[dreg:$0x1] =	wrdreg $0xFFFFFFFF  }
0xad: {  	[dreg:$0x0] =	wrdreg $0x60  }
0xae: {  	[dreg:$0x2] =	wrdreg s24  }
0xaf: {  	[dreg:$0x3] =	wrdreg s2  }
0xb0: {  	[dreg:$0x4] =	wrdreg $0x83000  }
0xb1: {  	[dreg:$0x5] =	wrdreg $0x1C3000  }
0xb2: {  	[dreg:$0x6] =	wrdreg $0x9  }
0xb3: {  	_ =	task.clear_ibuf [dreg:s7], $0x7FFFF;
	_ =	strace $0x90000049  }
0xb4: {  	s29 =	simm.s32 $0x9;
	_ =	strace $0x8000004B  }
0xb5: {  	_ =	swait.ge [sflag:s29], $0x1  }
0xb6: {  	[sflag:s29] =	ssyncadd.s32 $0xFFFFFFFF  }
0xb7: {  	_ =	strace $0x9000004B  }
0xb8: {  	_ =	sfence  }
0xb9: {  	s30 =	sld [smem:$0x0];
	_ =	sdelay $0x2  }
0xba: {  	s31 =	sshll.u32 s1, $0xD;
	s1 =	sshrl.u32 s1, $0x2  }
0xbb: {  	s3 =	sand.u32 $0x4000, s31;
	s1 =	sadd.s32 s1, s30  }
0xbc: {  	s0 =	sor.u32 s3, s0;
	s1 =	sshll.u32 s1, $0x11  }
0xbd: {  	s0 =	sor.u32 s1, s0  }
0xbe: {  	s0 =	sadd.s32 $0x8F2B, s0  }
0xbf: {  	[sflag:s0] =	ssyncadd.remote.s32 $0x1  }
0xc0: {  	_ =	sfence.sel $0xFFFF  }
0xc1: {  	[dreg:$0x0] =	wrdreg $0xFFFFFFFF;
	(pc) =	sbr.abs _section_cstart, $3  }
0xc2: {  	[dreg:$0x1] =	wrdreg $0xFFFFFFFF  }
0xc3: {  	_ =	task.clear_ibuf [dreg:s7], $0x2FFFF;
	_ =	strace $0x9FFFFFFF  }
0xc4: {  	(tm) =	ssettm $0x7FFFFFFF  }
0xc5: {  	_ =	shalt  }
tec
execute0_lowered:
.L_overlay_start_1:
0x0: {  	(tag) =	ssettag $0x1  }
0x1: {  	s0 =	rddreg [dreg:$0x0]  }
0x2: {  	s4 =	rddreg [dreg:$0x1]  }
0x3: {  	s1 =	rddreg [dreg:$0x2]  }
0x4: {  	s2 =	rddreg [dreg:$0x3]  }
0x5: {  	s3 =	simm.s32 $0x0;
	s5 =	srdreg.scid;
	s16 =	stileid.u32  }
0x6: {  	s29 =	simm.s32 $0x800;
	s30 =	simm.s32 $0x8;
	s12 =	smul.u32 $0x14000, s16  }
0x7: {  	[smem:$0x7FF] =	sst s3;
	s9 =	sand.u32 $0x1, s5;
	s13 =	smul.u32 $0x50000, s16  }
0x8: {  	s5 =	sadd.s32 $0x13800, s0;
	s6 =	sadd.s32 $0x3800, s0;
	s19 =	smul.u32 $0xA00, s16  }
0x9: {  	s7 =	sadd.s32 $0x4B800, s0;
	s20 =	sshll.u32 s16, $0xF;
	s16 =	smul.u32 $0x500, s16  }
0xa: {  	s8 =	sadd.s32 $0x4BE00, s0;
	s10 =	sadd.s32 $0x4C400, s0;
	s11 =	smul.u32 $0x140000, s9  }
0xb: {  	_ =	strace $0x8000004A;
	[dreg:$0x5] =	wrdreg s10;
	s31 =	ssub.s32 $0x2, s9  }
0xc: {  	s10 =	sadd.s32 $0x23800, s0;
	s14 =	sshrl.u32 s31, $0x1;
	s11 =	sadd.s32 s12, s11  }
0xd: {  	s13 =	sshrl.u32 s13, $0x2;
	s12 =	ssub.s32 s31, s14;
	s11 =	sshrl.u32 s11, $0x3  }
0xe: {  	s26 =	smax.u32 s12, $0x1;
	s0 =	sadd.s32 s11, s0;
	s11 =	sadd.s32 s13, s1  }
0xf: {  	s12 =	simm.s32 $0x3;
	[dreg:$0x11] =	wrdreg s26;
	s13 =	sadd.s32 $0x2800, s11  }
0x10: {  	s15 =	sadd.s32 $0x5000, s11;
	s17 =	sadd.s32 $0x7800, s11;
	[dreg:$0x6] =	wrdreg s13  }
0x11: {  	s18 =	sadd.s32 $0xA000, s11;
	s0 =	sadd.s32 $0x4C600, s0;
	[dreg:$0x7] =	wrdreg s15  }
0x12: {  	s31 =	sadd.s32 $0xF000, s11;
	s28 =	sadd.s32 $0x11800, s11;
	[dreg:$0x8] =	wrdreg s17  }
0x13: {  	[dreg:$0x9] =	wrdreg s18;
	s15 =	sshll.u32 s9, $0xE;
	s17 =	sadd.s32 $0xC800, s11  }
0x14: {  	s9 =	sshll.u32 s9, $0x7;
	s13 =	sshrl.u32 s19, $0x2;
	[dreg:$0x10] =	wrdreg s0  }
0x15: {  	[dreg:$0x12] =	wrdreg s31;
	s0 =	simm.s32 $0x1;
	s19 =	simm.s32 $0x7  }
0x16: {  	[dreg:$0xa] =	wrdreg s17;
	s17 =	sor.u32 s15, s20;
	s9 =	sor.u32 s9, s16  }
0x17: {  	s18 =	sadd.s32 s13, s2;
	s13 =	simm.s32 $0x4;
	s14 =	sshrl.u32 s17, $0x3  }
0x18: {  	s15 =	simm.s32 $0x600;
	s16 =	simm.s32 $0x6;
	s21 =	sadd.s32 s5, s14  }
0x19: {  	s9 =	sshrl.u32 s9, $0x3;
	s22 =	sadd.s32 s6, s14;
	[dreg:$0xb] =	wrdreg s21  }
0x1a: {  	s23 =	sor.u32 $0x10, s14;
	s4 =	sadd.s32 s4, s9;
	[dreg:$0xc] =	wrdreg s22  }
0x1b: {  	s20 =	simm.s32 $0x0;
	[dreg:$0xd] =	wrdreg s4;
	s24 =	sadd.s32 s5, s23  }
0x1c: {  	s9 =	simm.s32 $0x50;
	s25 =	sadd.s32 s6, s23;
	[dreg:$0xe] =	wrdreg s24  }
0x1d: {  	v0 =	vimm.f32 $0.0e+00;
	s14 =	simm.s32 $0x5;
	s4 =	simm.s32 $0x2;
	[dreg:$0xf] =	wrdreg s25  }
.LBB2_1:
0x1e: {  	s21 =	simm.s32 $0x0;
	s22 =	simm.s32 $0x200  }
.LBB2_2:
0x1f: {  	p0 =	sne.s32 s22, $0x9E00;
	[tilespmem:s21+$0x870] =	vst v0  }
0x20: {  	[tilespmem:s21+$0x800] =	vst v0  }
0x21: {  	[tilespmem:s21+$0x810] =	vst v0  }
.Ltmp0:
0x22: {  	[tilespmem:s21+$0x820] =	vst v0;
	(pc) =	sbr.rel @p0 .LBB2_2-.Ltmp0, $4  }
0x23: {  	[tilespmem:s21+$0x830] =	vst v0  }
0x24: {  	[tilespmem:s21+$0x840] =	vst v0  }
0x25: {  	[tilespmem:s21+$0x850] =	vst v0  }
0x26: {  	[tilespmem:s21+$0x860] =	vst v0;
	s21 =	sshra.s32 s22, $0x2;
	s22 =	sadd.s32 $0x200, s22  }
0x27: {  	[tilespmem:s21+$0x870] =	vst v0  }
0x28: {  	[tilespmem:s21+$0x800] =	vst v0  }
0x29: {  	[tilespmem:s21+$0x810] =	vst v0  }
0x2a: {  	[tilespmem:s21+$0x820] =	vst v0  }
0x2b: {  	[tilespmem:s21+$0x830] =	vst v0  }
0x2c: {  	[tilespmem:s21+$0x840] =	vst v0  }
0x2d: {  	[tilespmem:s21+$0x850] =	vst v0  }
0x2e: {  	[tilespmem:s21+$0x860] =	vst v0  }
0x2f: {  	[tilespmem:$0x8080] =	vst v0  }
0x30: {  	[tilespmem:$0x8090] =	vst v0  }
0x31: {  	[tilespmem:$0x80A0] =	vst v0  }
0x32: {  	[tilespmem:$0x80B0] =	vst v0  }
0x33: {  	[tilespmem:$0x80C0] =	vst v0  }
0x34: {  	[tilespmem:$0x80D0] =	vst v0  }
0x35: {  	[tilespmem:$0x80E0] =	vst v0  }
0x36: {  	[tilespmem:$0x80F0] =	vst v0  }
0x37: {  	[tilespmem:$0x8100] =	vst v0  }
0x38: {  	[tilespmem:$0x8110] =	vst v0  }
0x39: {  	[tilespmem:$0x8120] =	vst v0  }
0x3a: {  	[tilespmem:$0x8130] =	vst v0  }
0x3b: {  	[tilespmem:$0x8140] =	vst v0  }
0x3c: {  	[tilespmem:$0x8150] =	vst v0  }
0x3d: {  	[tilespmem:$0x8160] =	vst v0  }
0x3e: {  	[tilespmem:$0x8170] =	vst v0  }
0x3f: {  	[tilespmem:$0x8180] =	vst v0  }
0x40: {  	[tilespmem:$0x8190] =	vst v0  }
0x41: {  	[tilespmem:$0x81A0] =	vst v0  }
0x42: {  	[tilespmem:$0x81B0] =	vst v0  }
0x43: {  	[tilespmem:$0x81C0] =	vst v0  }
0x44: {  	[tilespmem:$0x81D0] =	vst v0  }
0x45: {  	[tilespmem:$0x81E0] =	vst v0  }
0x46: {  	[tilespmem:$0x81F0] =	vst v0  }
0x47: {  	[tilespmem:$0x8200] =	vst v0  }
0x48: {  	[tilespmem:$0x8210] =	vst v0  }
0x49: {  	[tilespmem:$0x8220] =	vst v0  }
0x4a: {  	[tilespmem:$0x8230] =	vst v0  }
0x4b: {  	[tilespmem:$0x8240] =	vst v0  }
0x4c: {  	[tilespmem:$0x8250] =	vst v0  }
0x4d: {  	[tilespmem:$0x8260] =	vst v0  }
0x4e: {  	[tilespmem:$0x8270] =	vst v0  }
0x4f: {  	[tilespmem:$0x8280] =	vst v0  }
0x50: {  	[tilespmem:$0x8290] =	vst v0  }
0x51: {  	[tilespmem:$0x82A0] =	vst v0  }
0x52: {  	[tilespmem:$0x82B0] =	vst v0  }
0x53: {  	[tilespmem:$0x82C0] =	vst v0  }
0x54: {  	[tilespmem:$0x82D0] =	vst v0  }
0x55: {  	[tilespmem:$0x82E0] =	vst v0  }
0x56: {  	[tilespmem:$0x82F0] =	vst v0  }
0x57: {  	[spmem:s11] =	stream.linear.scatter [tilespmem:s29], [sflag:$0x8], $0x2800, $0x38;
	[tilespmem:$0x1C580] =	vst v63  }
0x58: {  	_ =	swait.ge [sflag:s30], $0x2800  }
0x59: {  	[sflag:s30] =	ssyncset.done $0x0  }
0x5a: {  	s23 =	rddreg [dreg:$0x6];
	[sflag:s30] =	ssyncadd.s32 $0xFFFFD800  }
0x5b: {  	[spmem:s23] =	stream.linear.scatter [tilespmem:s29], [sflag:$0x8], $0x2800, $0x38;
	[tilespmem:$0x1C580] =	vst v63  }
0x5c: {  	_ =	swait.ge [sflag:s30], $0x2800  }
0x5d: {  	[sflag:s30] =	ssyncset.done $0x0  }
0x5e: {  	s24 =	rddreg [dreg:$0x7];
	[sflag:s30] =	ssyncadd.s32 $0xFFFFD800  }
0x5f: {  	[spmem:s24] =	stream.linear.scatter [tilespmem:s29], [sflag:$0x8], $0x2800, $0x38;
	[tilespmem:$0x1C580] =	vst v63  }
0x60: {  	_ =	swait.ge [sflag:s30], $0x2800  }
0x61: {  	[sflag:s30] =	ssyncset.done $0x0  }
0x62: {  	s25 =	rddreg [dreg:$0x8];
	[sflag:s30] =	ssyncadd.s32 $0xFFFFD800  }
0x63: {  	[spmem:s25] =	stream.linear.scatter [tilespmem:s29], [sflag:$0x8], $0x2800, $0x38;
	[tilespmem:$0x1C580] =	vst v63  }
0x64: {  	_ =	swait.ge [sflag:s30], $0x2800  }
0x65: {  	[sflag:s30] =	ssyncset.done $0x0  }
0x66: {  	s26 =	rddreg [dreg:$0x9];
	[sflag:s30] =	ssyncadd.s32 $0xFFFFD800  }
0x67: {  	[spmem:s26] =	stream.linear.scatter [tilespmem:s29], [sflag:$0x8], $0x2800, $0x38;
	[tilespmem:$0x1C580] =	vst v63  }
0x68: {  	_ =	swait.ge [sflag:s30], $0x2800  }
0x69: {  	[sflag:s30] =	ssyncset.done $0x0  }
0x6a: {  	s31 =	rddreg [dreg:$0xa];
	[sflag:s30] =	ssyncadd.s32 $0xFFFFD800  }
0x6b: {  	[spmem:s31] =	stream.linear.scatter [tilespmem:s29], [sflag:$0x8], $0x2800, $0x38;
	[tilespmem:$0x1C580] =	vst v63  }
0x6c: {  	_ =	swait.ge [sflag:s30], $0x2800  }
0x6d: {  	[sflag:s30] =	ssyncset.done $0x0  }
0x6e: {  	s22 =	rddreg [dreg:$0x12];
	[sflag:s30] =	ssyncadd.s32 $0xFFFFD800  }
0x6f: {  	[spmem:s22] =	stream.linear.scatter [tilespmem:s29], [sflag:$0x8], $0x2800, $0x38;
	[tilespmem:$0x1C580] =	vst v63  }
0x70: {  	_ =	swait.ge [sflag:s30], $0x2800  }
0x71: {  	[sflag:s30] =	ssyncset.done $0x0  }
0x72: {  	[sflag:s30] =	ssyncadd.s32 $0xFFFFD800  }
0x73: {  	[spmem:s28] =	stream.linear.scatter [tilespmem:s29], [sflag:$0x8], $0x2800, $0x38;
	[tilespmem:$0x1C580] =	vst v63  }
0x74: {  	_ =	swait.ge [sflag:s30], $0x2800  }
0x75: {  	[sflag:s30] =	ssyncset.done $0x0  }
0x76: {  	s23 =	simm.s32 $0x8080;
	[sflag:s30] =	ssyncadd.s32 $0xFFFFD800  }
0x77: {  	[spmem:s18] =	stream.linear.scatter [tilespmem:s23], [sflag:$0x8], $0x280, $0x38;
	[tilespmem:$0x1C580] =	vst v63  }
0x78: {  	_ =	swait.ge [sflag:s30], $0x280  }
0x79: {  	s22 =	simm.s32 $0x0;
	[sflag:s30] =	ssyncset.done $0x0  }
0x7a: {  	s23 =	simm.s32 $0x8000;
	s24 =	rddreg [dreg:$0x5];
	[sflag:s30] =	ssyncadd.s32 $0xFFFFFD80  }
0x7b: {  	[tilespmem:s23], [sflag:$0x8] =	stream.linear.gather [hbm4b:s24+s22], $0x80, $0x38;
	[tilespmem:$0x1C580] =	vst v63  }
0x7c: {  	_ =	swait.ge [sflag:s30], $0x80  }
0x7d: {  	[sflag:s30] =	ssyncset.done $0x0  }
0x7e: {  	[sflag:s30] =	ssyncadd.s32 $0xFFFFFF80  }
0x7f: {  	v1 =	vld [tilespmem:$0x8000];
	[bflag:$0x0] =	sbarrier.arrive $0xFFFF  }
0x80: {  	s25 =	rddreg [dreg:$0xb]  }
0x81: {  	[tilespmem:s22], [sflag:$0x1] =	stream.linear.gather [hbm4b:s25+s22], $0x80, $0x38;
	[tilespmem:$0x1C580] =	vst v63  }
0x82: {  	s23 =	simm.s32 $0x200;
	s26 =	rddreg [dreg:$0xc]  }
0x83: {  	[tilespmem:s23], [sflag:$0x2] =	stream.linear.gather [hbm4b:s26+s22], $0x80, $0x38;
	[tilespmem:$0x1C580] =	vst v63  }
0x84: {  	s24 =	simm.s32 $0x80;
	s31 =	rddreg [dreg:$0xe]  }
0x85: {  	[tilespmem:s24], [sflag:$0x1] =	stream.linear.gather [hbm4b:s31+s22], $0x80, $0x38;
	[tilespmem:$0x1C580] =	vst v63  }
0x86: {  	s25 =	simm.s32 $0x280;
	s24 =	rddreg [dreg:$0xf]  }
0x87: {  	[tilespmem:s25], [sflag:$0x2] =	stream.linear.gather [hbm4b:s24+s22], $0x80, $0x38;
	[tilespmem:$0x1C580] =	vst v63  }
0x88: {  	_ =	swait.ge [sflag:s0], $0x80  }
0x89: {  	[sflag:s0] =	ssyncset.done $0x0  }
0x8a: {  	[sflag:s0] =	ssyncadd.s32 $0xFFFFFF80  }
0x8b: {  	_ =	swait.ge [sflag:s4], $0x80  }
0x8c: {  	[sflag:s4] =	ssyncset.done $0x0  }
0x8d: {  	s26 =	simm.s32 $0x400;
	[sflag:s4] =	ssyncadd.s32 $0xFFFFFF80  }
0x8e: {  	[tilespmem:s26], [sflag:$0x3] =	stream.indirect.gather [hbm4b:s7+s9], $0x1, s22, s9, $0xb8;
	[tilespmem:$0x1C580] =	vst v63  }
0x8f: {  	s31 =	simm.s32 $0x500  }
0x90: {  	[tilespmem:s31], [sflag:$0x4] =	stream.indirect.gather [hbm4b:s8+s9], $0x1, s23, s9, $0xb8;
	[tilespmem:$0x1C580] =	vst v63  }
0x91: {  	_ = 	snop  }
0x92: {  	[tilespmem:s29], [sflag:$0x5] =	stream.indirect.gather [hbm4b:s10+s9], $0x80, s22, s9, $0xb8;
	[tilespmem:$0x1C580] =	vst v63  }
.LBB2_4:
0x93: {  	p0 =	slt.u32 s22, $0x2  }
0x94: {  	s21 =	simm.s32 @!p0 $0x6;
	p1 =	sgt.u32 @!p0 s22, $0x7A  }
0x95: {  	_ =	swait.ge @!p0 [sflag:s21], $0x50;
	p1 =	por p0, !p1  }
.Ltmp1:
0x96: {  	[sflag:s21] =	ssyncset.done @!p0 $0x0;
	(pc) =	sbr.rel @!p1 .LBB2_6-.Ltmp1, $4  }
0x97: {  	[sflag:s21] =	ssyncadd.s32 @!p0 $0xFFFFFFB0;
	s21 =	simm.s32 @!p0 $0x7  }
0x98: {  	_ =	swait.ge @!p0 [sflag:s21], $0x2800  }
0x99: {  	[sflag:s21] =	ssyncset.done @!p0 $0x0  }
0x9a: {  	[sflag:s21] =	ssyncadd.s32 @!p0 $0xFFFFD800  }
0x9b: {  	s21 =	sadd.s32 $0x2, s22  }
0x9c: {  	s23 =	smul.u32 $0xAB, s21;
	_ =	sdelay $0x1  }
0x9d: {  	s23 =	sshrl.u32 s23, $0x9  }
0x9e: {  	s24 =	sshll.u32 s21, $0x7;
	s23 =	sand.u32 $0x7F, s23  }
0x9f: {  	s25 =	sand.u32 $0x7C00, s24;
	s23 =	smul.u32 $0x3, s23  }
0xa0: {  	s31 =	sand.u32 $0x380, s24;
	s25 =	sadd.s32 s17, s25  }
0xa1: {  	s25 =	sor.u32 s31, s25;
	s21 =	ssub.s32 s21, s23  }
0xa2: {  	s31 =	sand.u32 $0x180, s24;
	s26 =	sshrl.u32 s25, $0x3;
	s21 =	sand.u32 $0xFF, s21  }
.Ltmp2:
0xa3: {  	s25 =	sadd.s32 s5, s26;
	s21 =	sshll.u32 s21, $0x7;
	(pc) =	sbr.rel .LBB2_7-.Ltmp2, $4  }
0xa4: {  	[tilespmem:s21], [sflag:$0x1] =	stream.linear.gather [hbm4b:s25+s3], $0x80, $0x38;
	[tilespmem:$0x1C580] =	vst v63  }
0xa5: {  	s23 =	sadd.s32 s6, s26;
	s21 =	sor.u32 $0x200, s31  }
0xa6: {  	[tilespmem:s21], [sflag:$0x2] =	stream.linear.gather [hbm4b:s23+s3], $0x80, $0x38;
	[tilespmem:$0x1C580] =	vst v63  }
0xa7: {  	s23 =	sadd.s32 $0x1, s22  }
.LBB2_6:
0xa8: {  	p0 =	seq.s32 s22, $0x7C  }
.Ltmp3:
0xa9: {  	_ = 	snop;
	(pc) =	sbr.rel @p0 .LBB2_8-.Ltmp3, $2  }
0xaa: {  	_ =	sdelay $0x2  }
0xab: {  	s23 =	simm.s32 $0x7C;
	s21 =	simm.s32 $0x7D  }
.LBB2_7:
0xac: {  	s21 =	smul.u32 $0xAB, s23;
	_ =	sdelay $0x1  }
0xad: {  	s21 =	sshrl.u32 s21, $0x9  }
0xae: {  	_ =	swait.ge [sflag:s0], $0x80;
	s21 =	sand.u32 $0x7F, s21  }
0xaf: {  	s24 =	sshll.u32 s23, $0x7;
	[sflag:s0] =	ssyncset.done $0x0;
	s21 =	smul.u32 $0x3, s21  }
0xb0: {  	s31 =	sand.u32 $0x80, s24;
	[sflag:s0] =	ssyncadd.s32 $0xFFFFFF80  }
0xb1: {  	s24 =	sand.u32 $0x180, s24;
	_ =	swait.ge [sflag:s4], $0x80;
	s21 =	ssub.s32 s23, s21  }
0xb2: {  	s26 =	sor.u32 $0x400, s31;
	[sflag:s4] =	ssyncset.done $0x0;
	s21 =	sand.u32 $0xFF, s21  }
0xb3: {  	[sflag:s4] =	ssyncadd.s32 $0xFFFFFF80;
	s25 =	sshll.u32 s21, $0x7;
	s21 =	smul.u32 $0xA000, s21  }
0xb4: {  	[tilespmem:s26], [sflag:$0x3] =	stream.indirect.gather [hbm4b:s7+s9], $0x1, s25, s9, $0xb8;
	[tilespmem:$0x1C580] =	vst v63  }
0xb5: {  	s24 =	sor.u32 $0x200, s24;
	s31 =	sor.u32 $0x500, s31;
	s21 =	sshrl.u32 s21, $0x2  }
0xb6: {  	[tilespmem:s31], [sflag:$0x4] =	stream.indirect.gather [hbm4b:s8+s9], $0x1, s24, s9, $0xb8;
	[tilespmem:$0x1C580] =	vst v63  }
0xb7: {  	s21 =	sadd.s32 $0x800, s21  }
0xb8: {  	[tilespmem:s21], [sflag:$0x5] =	stream.indirect.gather [hbm4b:s10+s9], $0x80, s25, s9, $0xb8;
	[tilespmem:$0x1C580] =	vst v63  }
0xb9: {  	s21 =	smov.u32 s23  }
.LBB2_8:
0xba: {  	_ =	swait.ge [sflag:s12], $0x50  }
0xbb: {  	[sflag:s12] =	ssyncset.done $0x0  }
0xbc: {  	[sflag:s12] =	ssyncadd.s32 $0xFFFFFFB0  }
0xbd: {  	_ =	swait.ge [sflag:s13], $0x50  }
0xbe: {  	s23 =	sshll.u32 s22, $0x7;
	[sflag:s13] =	ssyncset.done $0x0  }
0xbf: {  	s23 =	sand.u32 $0x80, s23;
	[sflag:s13] =	ssyncadd.s32 $0xFFFFFFB0  }
0xc0: {  	v2 =	vld [tilespmem:s23+$0x400]  }
0xc1: {  	v3 =	vld [tilespmem:s23+$0x500];
	_ =	sdelay $0x4  }
0xc2: {  	v2 =	vadd.f32 v3, v2;
	_ =	sdelay $0x1  }
0xc3: {  	v3 =	vmul.f32 $2.000000030e-01, v2  }
0xc4: {  	vm0 =	vge.f32 v2, $0.0e+00  }
0xc5: {  	v2 =	vsel vm0, v2, v3  }
0xc6: {  	v2 =	vsub.f32 v2, v1;
	_ =	sdelay $0x1  }
0xc7: {  	v2 =	vmul.f32 $1.442695020e+00, v2;
	_ =	sdelay $0x1  }
0xc8: {  	(erf) = vpow2.f32 v2;
	_ =	sdelay $0x7  }
0xc9: {  	s24 =	sand.u32 $0x3, s22  }
0xca: {  	s24 =	sshll.u32 s24, $0x7;
	v2 =	vpop (erf)  }
0xcb: {  	[tilespmem:s24+$0x600] =	vst v2  }
0xcc: {  	v2 =	vld [tilespmem:s23+$0x410]  }
0xcd: {  	v3 =	vld [tilespmem:s23+$0x510];
	_ =	sdelay $0x4  }
0xce: {  	v2 =	vadd.f32 v3, v2;
	_ =	sdelay $0x1  }
0xcf: {  	v3 =	vmul.f32 $2.000000030e-01, v2  }
0xd0: {  	vm12 =	vge.f32 v2, $0.0e+00  }
0xd1: {  	v2 =	vsel vm12, v2, v3  }
0xd2: {  	v2 =	vsub.f32 v2, v1;
	_ =	sdelay $0x1  }
0xd3: {  	v2 =	vmul.f32 $1.442695020e+00, v2;
	_ =	sdelay $0x1  }
0xd4: {  	(erf) = vpow2.f32 v2;
	_ =	sdelay $0x8  }
0xd5: {  	v2 =	vpop (erf)  }
0xd6: {  	[tilespmem:s24+$0x610] =	vst v2  }
0xd7: {  	v2 =	vld [tilespmem:s23+$0x420]  }
0xd8: {  	v3 =	vld [tilespmem:s23+$0x520];
	_ =	sdelay $0x4  }
0xd9: {  	v2 =	vadd.f32 v3, v2;
	_ =	sdelay $0x1  }
0xda: {  	v3 =	vmul.f32 $2.000000030e-01, v2  }
0xdb: {  	vm13 =	vge.f32 v2, $0.0e+00  }
0xdc: {  	v2 =	vsel vm13, v2, v3  }
0xdd: {  	v2 =	vsub.f32 v2, v1;
	_ =	sdelay $0x1  }
0xde: {  	v2 =	vmul.f32 $1.442695020e+00, v2;
	_ =	sdelay $0x1  }
0xdf: {  	(erf) = vpow2.f32 v2;
	_ =	sdelay $0x8  }
0xe0: {  	v2 =	vpop (erf)  }
0xe1: {  	[tilespmem:s24+$0x620] =	vst v2  }
0xe2: {  	v2 =	vld [tilespmem:s23+$0x430]  }
0xe3: {  	v3 =	vld [tilespmem:s23+$0x530];
	_ =	sdelay $0x4  }
0xe4: {  	v2 =	vadd.f32 v3, v2;
	_ =	sdelay $0x1  }
0xe5: {  	v3 =	vmul.f32 $2.000000030e-01, v2  }
0xe6: {  	vm14 =	vge.f32 v2, $0.0e+00  }
0xe7: {  	v2 =	vsel vm14, v2, v3  }
0xe8: {  	v2 =	vsub.f32 v2, v1;
	_ =	sdelay $0x1  }
0xe9: {  	v2 =	vmul.f32 $1.442695020e+00, v2;
	_ =	sdelay $0x1  }
0xea: {  	(erf) = vpow2.f32 v2;
	_ =	sdelay $0x8  }
0xeb: {  	v2 =	vpop (erf)  }
0xec: {  	[tilespmem:s24+$0x630] =	vst v2  }
0xed: {  	v2 =	vld [tilespmem:s23+$0x440]  }
0xee: {  	v3 =	vld [tilespmem:s23+$0x540];
	_ =	sdelay $0x4  }
0xef: {  	v2 =	vadd.f32 v3, v2;
	_ =	sdelay $0x1  }
0xf0: {  	v3 =	vmul.f32 $2.000000030e-01, v2  }
0xf1: {  	vm15 =	vge.f32 v2, $0.0e+00  }
0xf2: {  	v2 =	vsel vm15, v2, v3  }
0xf3: {  	v2 =	vsub.f32 v2, v1;
	_ =	sdelay $0x1  }
0xf4: {  	v2 =	vmul.f32 $1.442695020e+00, v2;
	_ =	sdelay $0x1  }
0xf5: {  	(erf) = vpow2.f32 v2;
	_ =	sdelay $0x1  }
0xf6: {  	s26 =	sand.u32 $0xFF, s22  }
0xf7: {  	s23 =	smul.u32 $0xAB, s26;
	_ =	sdelay $0x1  }
0xf8: {  	s23 =	sshrl.u32 s23, $0x9  }
0xf9: {  	s23 =	smul.u32 $0x3, s23;
	_ =	sdelay $0x1  }
0xfa: {  	s25 =	ssub.s32 s22, s23  }
0xfb: {  	s26 =	simm.s32 $0x1;
	s23 =	sand.u32 $0xFF, s25;
	v2 =	vpop (erf)  }
0xfc: {  	s22 =	sor.u32 $0x200, s24;
	s25 =	sor.u32 $0x600, s24;
	s23 =	smul.u32 $0xA000, s23;
	v3 =	vmov s26;
	[tilespmem:s24+$0x640] =	vst v2  }
0xfd: {  	v3 =	vand.u32 $0x7F, v3;
	v2 =	vmov s24;
	[spmem:s2] =	stream.indirect.scatter.add.f32 [tilespmem:s25], [sflag:$0x6], $0x1, s22, s9, $0xb8;
	[tilespmem:$0x1C580] =	vst v63  }
0xfe: {  	v3 =	vor.u32 v2, v3;
	_ =	swait.ge [sflag:s14], $0x2800  }
0xff: {  	s23 =	sshrl.u32 s23, $0x2;
	v3 =	vbroadcast v3, $0x0;
	[sflag:s14] =	ssyncset.done $0x0  }
0x100: {  	s25 =	sadd.s32 $0x880, s23;
	[sflag:s14] =	ssyncadd.s32 $0xFFFFD800  }
0x101: {  	v8 =	vld [tilespmem:s25+$0xFFFFFFF0]  }
0x102: {  	s26 =	simm.s32 $0x0;
	v5 =	vld [tilespmem:s25+$0x50]  }
0x103: {  	v4 =	vmov s26;
	v6 =	vld [tilespmem:s25+$0x70]  }
0x104: {  	v4 =	vand.u32 $0x7E, v4;
	v7 =	vld [tilespmem:s25+$0x30]  }
0x105: {  	v4 =	vor.u32 v2, v4;
	v9 =	vld.idx.msk [tilespmem:v3+s15+$0x0], $0xffff  }
0x106: {  	v3 =	vbroadcast v4, $0x0;
	v4 =	vld [tilespmem:s25+$0x0]  }
0x107: {  	v10 =	vld [tilespmem:s25+$0x10]  }
0x108: {  	v11 =	vld [tilespmem:s25+$0x40]  }
0x109: {  	v12 =	vld [tilespmem:s25+$0x20]  }
0x10a: {  	v13 =	vld [tilespmem:s25+$0x60]  }
0x10b: {  	v14 =	vld [tilespmem:s25+$0xFFFFFFD0];
	v15 =	vmul.f32 v4, v9  }
0x10c: {  	v16 =	vld [tilespmem:s25+$0xFFFFFF80];
	v10 =	vmul.f32 v10, v9  }
0x10d: {  	v7 =	vmul.f32 v7, v9;
	v4 =	vld.idx.msk [tilespmem:v3+s15+$0x0], $0xffff;
	[tilespmem:s25+$0x0] =	vst v15  }
0x10e: {  	v3 =	vmul.f32 v11, v9;
	v15 =	vld [tilespmem:s25+$0xFFFFFFA0];
	[tilespmem:s25+$0x10] =	vst v10;
	v10 =	vmul.f32 v12, v9  }
0x10f: {  	v12 =	vmul.f32 v6, v9;
	v6 =	vmul.f32 v5, v9;
	v5 =	vld [tilespmem:s25+$0xFFFFFFE0]  }
0x110: {  	[tilespmem:s25+$0x30] =	vst v7;
	v7 =	vld [tilespmem:s25+$0xFFFFFF90]  }
0x111: {  	v13 =	vmul.f32 v13, v9;
	[tilespmem:s25+$0x40] =	vst v3;
	v3 =	vld [tilespmem:s25+$0xFFFFFFB0]  }
0x112: {  	[tilespmem:s25+$0x20] =	vst v10;
	v10 =	vld [tilespmem:s25+$0xFFFFFFC0]  }
0x113: {  	[tilespmem:s25+$0x60] =	vst v13;
	v9 =	vmul.f32 v16, v4;
	v11 =	vmul.f32 v8, v4  }
0x114: {  	s31 =	simm.s32 $0x3;
	s24 =	sadd.s32 $0x800, s23;
	s23 =	smov.u32 s25;
	[tilespmem:s25+$0x70] =	vst v12;
	v12 =	vmul.f32 v14, v4;
	v8 =	vmul.f32 v15, v4  }
.LBB2_9:
0x115: {  	p0 =	sne.s32 s31, $0x4F  }
0x116: {  	v13 =	vmov s31;
	v7 =	vmul.f32 v7, v4;
	[tilespmem:s25+$0x50] =	vst v6;
	v5 =	vmul.f32 v5, v4;
	s23 =	sadd.s32 $0x100, s23;
	s26 =	smov.u32 s31;
	s31 =	sadd.s32 $0x2, s31  }
0x117: {  	v3 =	vmul.f32 v3, v4;
	v6 =	vand.u32 $0x7F, v13;
	v4 =	vmul.f32 v10, v4;
	[tilespmem:s25+$0xFFFFFFF0] =	vst v11  }
0x118: {  	v6 =	vor.u32 v2, v6;
	[tilespmem:s25+$0xFFFFFF80] =	vst v9  }
0x119: {  	v6 =	vbroadcast v6, $0x0;
	v11 =	vld [tilespmem:s23+$0xFFFFFFF0];
	[tilespmem:s25+$0xFFFFFFD0] =	vst v12  }
0x11a: {  	v9 =	vld [tilespmem:s23+$0x50];
	[tilespmem:s25+$0xFFFFFFA0] =	vst v8  }
0x11b: {  	v8 =	vld [tilespmem:s23+$0x70];
	[tilespmem:s25+$0xFFFFFFB0] =	vst v3  }
0x11c: {  	s26 =	sadd.s32 $0xFFFFFFFF, s26;
	v3 =	vld [tilespmem:s23+$0xFFFFFFB0];
	[tilespmem:s25+$0xFFFFFFC0] =	vst v4  }
0x11d: {  	v4 =	vmov s26;
	v10 =	vld [tilespmem:s23+$0x30];
	[tilespmem:s25+$0xFFFFFFE0] =	vst v5  }
0x11e: {  	v4 =	vand.u32 $0x7E, v4;
	v5 =	vld [tilespmem:s23+$0x10];
	[tilespmem:s25+$0xFFFFFF90] =	vst v7;
	s25 =	smov.u32 s23  }
0x11f: {  	v4 =	vor.u32 v2, v4;
	v7 =	vld.idx.msk [tilespmem:v6+s15+$0x0], $0xffff  }
0x120: {  	v4 =	vbroadcast v4, $0x0;
	v6 =	vld [tilespmem:s23+$0x0]  }
0x121: {  	v12 =	vld [tilespmem:s23+$0x20]  }
0x122: {  	v13 =	vld [tilespmem:s23+$0x40]  }
0x123: {  	v14 =	vld [tilespmem:s23+$0x60]  }
0x124: {  	v15 =	vld [tilespmem:s23+$0xFFFFFFD0]  }
0x125: {  	v5 =	vmul.f32 v5, v7;
	v16 =	vld [tilespmem:s23+$0xFFFFFF80];
	v6 =	vmul.f32 v6, v7  }
0x126: {  	v10 =	vmul.f32 v10, v7;
	v4 =	vld.idx.msk [tilespmem:v4+s15+$0x0], $0xffff;
	v12 =	vmul.f32 v12, v7  }
0x127: {  	[tilespmem:s23+$0x0] =	vst v6;
	v17 =	vld [tilespmem:s23+$0xFFFFFFA0];
	v13 =	vmul.f32 v13, v7;
	v6 =	vmul.f32 v9, v7  }
0x128: {  	v8 =	vmul.f32 v8, v7;
	[tilespmem:s23+$0x10] =	vst v5;
	v5 =	vld [tilespmem:s23+$0xFFFFFFE0];
	v14 =	vmul.f32 v14, v7  }
.Ltmp4:
0x129: {  	v7 =	vld [tilespmem:s23+$0xFFFFFF90];
	[tilespmem:s23+$0x40] =	vst v13;
	(pc) =	sbr.rel @p0 .LBB2_9-.Ltmp4, $4  }
0x12a: {  	[tilespmem:s23+$0x30] =	vst v10;
	v10 =	vld [tilespmem:s23+$0xFFFFFFC0]  }
0x12b: {  	[tilespmem:s23+$0x20] =	vst v12  }
0x12c: {  	v9 =	vmul.f32 v16, v4;
	v11 =	vmul.f32 v11, v4;
	[tilespmem:s23+$0x70] =	vst v8  }
0x12d: {  	v12 =	vmul.f32 v15, v4;
	v8 =	vmul.f32 v17, v4;
	[tilespmem:s23+$0x60] =	vst v14  }
0x12e: {  	[tilespmem:s25+$0x50] =	vst v6  }
0x12f: {  	[tilespmem:s25+$0xFFFFFFF0] =	vst v11  }
0x130: {  	[tilespmem:s25+$0xFFFFFF80] =	vst v9  }
0x131: {  	v2 =	vmul.f32 v3, v4;
	[tilespmem:s25+$0xFFFFFFD0] =	vst v12  }
0x132: {  	v5 =	vmul.f32 v5, v4;
	[tilespmem:s25+$0xFFFFFFA0] =	vst v8  }
0x133: {  	p0 =	slt.u32 s21, $0x7D;
	v3 =	vmul.f32 v10, v4;
	[tilespmem:s25+$0xFFFFFFB0] =	vst v2  }
.Ltmp5:
0x134: {  	v2 =	vmul.f32 v7, v4;
	[tilespmem:s25+$0xFFFFFFE0] =	vst v5;
	(pc) =	sbr.rel @p0 .LBB2_4-.Ltmp5, $4  }
0x135: {  	[tilespmem:s25+$0xFFFFFFC0] =	vst v3  }
0x136: {  	[tilespmem:s25+$0xFFFFFF90] =	vst v2  }
0x137: {  	[spmem:s1] =	stream.indirect.scatter.add.f32 [tilespmem:s24], [sflag:$0x7], $0x80, s22, s9, $0xb8;
	[tilespmem:$0x1C580] =	vst v63  }
0x138: {  	s22 =	smov.u32 s21  }
0x139: {  	_ =	swait.ge [sflag:s16], $0x50  }
0x13a: {  	[sflag:s16] =	ssyncset.done $0x0  }
0x13b: {  	[sflag:s16] =	ssyncadd.s32 $0xFFFFFFB0  }
0x13c: {  	_ =	swait.ge [sflag:s19], $0x2800  }
0x13d: {  	[sflag:s19] =	ssyncset.done $0x0  }
0x13e: {  	[sflag:s19] =	ssyncadd.s32 $0xFFFFD800  }
0x13f: {  	_ =	swait.ge [sflag:s16], $0x50  }
0x140: {  	[sflag:s16] =	ssyncset.done $0x0  }
0x141: {  	[sflag:s16] =	ssyncadd.s32 $0xFFFFFFB0  }
0x142: {  	_ =	swait.ge [sflag:s19], $0x2800  }
0x143: {  	[sflag:s19] =	ssyncset.done $0x0  }
0x144: {  	s21 =	stileid.u32;
	[sflag:s19] =	ssyncadd.s32 $0xFFFFD800  }
0x145: {  	s21 =	sshll.u32 s21, $0x6;
	[bflag:$0x0] =	sbarrier.arrive $0xFFFF  }
0x146: {  	s22 =	sshrl.u32 s11, $0x3;
	s21 =	sor.u32 $0x1C08, s21;
	s23 =	rddreg [dreg:$0x10]  }
0x147: {  	[hbm:s23], [sflag:s21] =	dma.local [spmem:s22], $0x2800  }
0x148: {  	_ =	swait.ge [sflag:s30], $0x2800  }
0x149: {  	s24 =	simm.s32 $0x20;
	s25 =	simm.s32 $0x10;
	[sflag:s30] =	ssyncset.done $0x0  }
0x14a: {  	s23 =	sshrl.u32 s18, $0x3;
	s26 =	rddreg [dreg:$0xd];
	[sflag:s30] =	ssyncadd.s32 $0xFFFFD800  }
0x14b: {  	[hbm:s26@s24], [sflag:s21] =	dma.strided [spmem:s23@s25], $0x50, s0, $0x10   }
0x14c: {  	_ =	swait.ge [sflag:s30], $0x50  }
0x14d: {  	s20 =	sadd.s32 $0x1, s20;
	s31 =	rddreg [dreg:$0x11]  }
0x14e: {  	p0 =	sne.s32 s20, s31  }
.Ltmp6:
0x14f: {  	_ = 	snop;
	(pc) =	sbr.rel @p0 .LBB2_1-.Ltmp6, $3  }
0x150: {  	_ =	sdelay $0x1  }
0x151: {  	[sflag:s30] =	ssyncset.done $0x0  }
0x152: {  	[sflag:s30] =	ssyncadd.s32 $0xFFFFFFB0  }
0x153: {  	_ =	sfence.sel $0x180000  }
0x154: {  	[bflag:$0x0] =	sbarrier.arrive $0xFFFF  }
0x155: {  	_ =	strace $0x9000004A  }
0x156: {  	s0 =	stileid.u32;
	[bflag:$0x2] =	sbarrier.arrive $0xFFFF  }
0x157: {  	p0 =	sne.s32 s0, $0x0;
	s0 =	rddreg [dreg:$0x4]  }
0x158: {  	s0 =	sadd.s32 @!p0 $0x100000, s0  }
0x159: {  	[sflag:s0] =	ssyncadd.tile.s32 @!p0 $0x1;
	_ =	shalt  }
.Lfunc_end2:
_tile_overlayer_lowered:
.L_overlay_start_2:
0x15a: {  	(tag) =	ssettag $0x2  }
0x15b: {  	s0 =	rddreg [dreg:$0x0];
	s2 =	stileid.u32  }
0x15c: {  	s1 =	rddreg [dreg:$0x1];
	p0 =	sne.s32 s2, $0x0  }
0x15d: {  	s3 =	rddreg [dreg:$0x2];
	[bflag:$0x3] =	sbarrier.arrive $0xFFFF;
	s2 =	simm.s32 @!p0 $0x1C08  }
0x15e: {  	[timem:s3], [sflag:s2] =	dma.local @!p0 [hbm:s0], s1  }
0x15f: {  	s0 =	simm.s32 @!p0 $0x8  }
0x160: {  	_ =	swait.ge @!p0 [sflag:s0], s1  }
0x161: {  	s1 =	ssub.s32 @!p0 $0x0, s1;
	[sflag:s0] =	ssyncset.done @!p0 $0x0  }
0x162: {  	[sflag:s0] =	ssyncadd.s32 @!p0 s1  }
0x163: {  	[bflag:$0x3] =	sbarrier.arrive $0xFFFF  }
0x164: {  	_ =	shalt  }

// kernel: kernel.16.cloned.1.call-start
scs
__scs_entry_jumppad:
0x0: {  	(pc) =	sbr.rel $0x88, $3  }
0x1: {  	(tag) =	ssettag $0x0;
	lr =	simm.s32 $0x1  }
0x2: {  	[smem:$0x3F90] =	sst lr;
	_ =	strace $0xD0000000  }
0x3: {  	_ = 	snop  }
0x4: {  	_ = 	snop  }
0x5: {  	_ = 	snop  }
0x6: {  	_ = 	snop  }
0x7: {  	_ = 	snop  }
__scs_overlays_trampoline_lowered:
0x8: {  	[smem:$0x3F9F] =	sst s0  }
0x9: {  	[smem:$0x3FA0] =	sst s1  }
0xa: {  	[smem:$0x3FA1] =	sst s2  }
0xb: {  	[smem:$0x3FA2] =	sst s3  }
0xc: {  	[smem:$0x3FA3] =	sst s4  }
0xd: {  	[smem:$0x3FA4] =	sst s5  }
0xe: {  	[smem:$0x3FA5] =	sst s6  }
0xf: {  	[smem:$0x3FA6] =	sst s7  }
0x10: {  	[smem:$0x3FA7] =	sst s8  }
0x11: {  	[smem:$0x3FA8] =	sst s9;
	s0 =	simm.s32 @!p0 $0x0  }
0x12: {  	s1 =	sld [smem:$0x3F8E];
	s0 =	simm.s32 @p0 $0x1  }
0x13: {  	[smem:$0x3FA9] =	sst s0;
	s0 =	simm.s32 @!p1 $0x0  }
0x14: {  	s2 =	sld [smem:$0x3F8D];
	s0 =	simm.s32 @p1 $0x1  }
0x15: {  	[smem:$0x3FAA] =	sst s0;
	s0 =	simm.s32 @!p2 $0x0  }
0x16: {  	s3 =	sld [smem:$0x3FDB];
	s0 =	simm.s32 @p2 $0x1  }
0x17: {  	s4 =	simm.s32 $0x1BF5;
	[smem:$0x3FAC] =	sst s0  }
0x18: {  	s0 =	sld [smem:$0x3F8F];
	_ =	swait.ge [sflag:s4], $0x0  }
0x19: {  	s7 =	sld [smem:$0x3F90]  }
0x1a: {  	s8 =	sadd.s32 $0xFFFFE003, lr  }
0x1b: {  	s9 =	sadd.s32 $0xFFFFFEF7, lr;
	s5 =	simm.s32 $0xFFFFFFFF;
	p2 =	slt.u32 s8, $0xFFFFF086  }
0x1c: {  	p1 =	slt.u32 s9, $0xF7A;
	s5 =	simm.s32 @!p2 $0x0  }
0x1d: {  	s5 =	simm.s32 @p1 $0x1;
	p0 =	seq.s32 s7, s2  }
0x1e: {  	s7 =	smul.u32 @!p0 $0xF7A, s2;
	p2 =	seq.s32 @!p0 s5, $0x0  }
0x1f: {  	s9 =	smul.u32 $0xF7A, s1;
	s8 =	simm.s32 @!p0 $0x1BF5;
	p2 =	por !p2, p0  }
0x20: {  	[sflag:s8] =	ssyncset.s32 @!p0 $0xFFFFF086;
	s6 =	sadd.s32 @!p0 s3, s7;
	s7 =	simm.s32 @!p0 $0x108  }
0x21: {  	s3 =	sadd.s32 s3, s9;
	s6 =	sadd.s32 @!p0 $0x88, s6;
	s7 =	simm.s32 @p2 $0x1082  }
0x22: {  	[simem:s7], [sflag:s8] =	dma.local @!p0 [hbm:s6], $0xF7A  }
0x23: {  	s9 =	sor.u32 $0xD0000000, s2;
	s6 =	simm.s32 $0x108;
	_ =	swait.ge @!p0 [sflag:s8], $0x0  }
0x24: {  	s3 =	sadd.s32 $0x88, s3;
	s6 =	simm.s32 @!p1 $0x1082;
	[sflag:s4] =	ssyncset.s32 $0xFFFFF086  }
0x25: {  	[simem:s6], [sflag:s4] =	dma.local [hbm:s3], $0xF7A  }
0x26: {  	[smem:$0x3F90] =	sst s1;
	(tag) =	ssettag s2;
	_ =	strace s9  }
0x27: {  	s1 =	sld [smem:$0x3FA0]  }
0x28: {  	s2 =	sld [smem:$0x3FA1]  }
0x29: {  	s4 =	sld [smem:$0x3FA3]  }
0x2a: {  	p0 =	seq.s32 s5, $0x0;
	s5 =	sld [smem:$0x3FA4]  }
0x2b: {  	s6 =	sld [smem:$0x3FA5]  }
0x2c: {  	s7 =	sld [smem:$0x3FA6]  }
0x2d: {  	s3 =	simm.s32 $0x108;
	s8 =	sld [smem:$0x3FA7]  }
0x2e: {  	s3 =	simm.s32 @!p0 $0x1082;
	s9 =	sld [smem:$0x3FA8]  }
0x2f: {  	lr =	sadd.s32 s0, s3;
	s0 =	sld [smem:$0x3F9F]  }
0x30: {  	s3 =	sld [smem:$0x3FA2]  }
0x31: {  	[smem:$0x3FAB] =	sst s10  }
0x32: {  	s10 =	sld [smem:$0x3FA9];
	_ =	sdelay $0x3  }
0x33: {  	p0 =	seq.s32 s10, $0x1;
	s10 =	sld [smem:$0x3FAB];
	_ =	sdelay $0x3  }
0x34: {  	[smem:$0x3FAB] =	sst s10  }
0x35: {  	s10 =	sld [smem:$0x3FAA];
	_ =	sdelay $0x3  }
0x36: {  	p1 =	seq.s32 s10, $0x1;
	s10 =	sld [smem:$0x3FAB];
	_ =	sdelay $0x3  }
0x37: {  	[smem:$0x3FAB] =	sst s10  }
0x38: {  	s10 =	sld [smem:$0x3FAC]  }
0x39: {  	_ = 	snop;
	(pc) =	sbr.ind lr, $3  }
0x3a: {  	_ = 	snop  }
0x3b: {  	_ = 	snop  }
0x3c: {  	p2 =	seq.s32 s10, $0x1;
	s10 =	sld [smem:$0x3FAB]  }
0x3d: {  	_ =	shalt  }
0x3e: {  	_ =	shalt  }
0x3f: {  	_ =	shalt  }
0x40: {  	_ =	shalt  }
0x41: {  	_ =	shalt  }
0x42: {  	_ =	shalt  }
0x43: {  	_ =	shalt  }
0x44: {  	_ =	shalt  }
0x45: {  	_ =	shalt  }
0x46: {  	_ =	shalt  }
0x47: {  	_ =	shalt  }
0x48: {  	_ =	shalt  }
0x49: {  	_ =	shalt  }
0x4a: {  	_ =	shalt  }
0x4b: {  	_ =	shalt  }
0x4c: {  	_ =	shalt  }
0x4d: {  	_ =	shalt  }
0x4e: {  	_ =	shalt  }
0x4f: {  	_ =	shalt  }
0x50: {  	_ =	shalt  }
0x51: {  	_ =	shalt  }
0x52: {  	_ =	shalt  }
0x53: {  	_ =	shalt  }
0x54: {  	_ =	shalt  }
0x55: {  	_ =	shalt  }
0x56: {  	_ =	shalt  }
0x57: {  	_ =	shalt  }
0x58: {  	_ =	shalt  }
0x59: {  	_ =	shalt  }
0x5a: {  	_ =	shalt  }
0x5b: {  	_ =	shalt  }
0x5c: {  	_ =	shalt  }
0x5d: {  	_ =	shalt  }
0x5e: {  	_ =	shalt  }
0x5f: {  	_ =	shalt  }
0x60: {  	_ =	shalt  }
0x61: {  	_ =	shalt  }
0x62: {  	_ =	shalt  }
0x63: {  	_ =	shalt  }
0x64: {  	_ =	shalt  }
0x65: {  	_ =	shalt  }
0x66: {  	_ =	shalt  }
0x67: {  	_ =	shalt  }
0x68: {  	_ =	shalt  }
0x69: {  	_ =	shalt  }
0x6a: {  	_ =	shalt  }
0x6b: {  	_ =	shalt  }
0x6c: {  	_ =	shalt  }
0x6d: {  	_ =	shalt  }
0x6e: {  	_ =	shalt  }
0x6f: {  	_ =	shalt  }
0x70: {  	_ =	shalt  }
0x71: {  	_ =	shalt  }
0x72: {  	_ =	shalt  }
0x73: {  	_ =	shalt  }
0x74: {  	_ =	shalt  }
0x75: {  	_ =	shalt  }
0x76: {  	_ =	shalt  }
0x77: {  	_ =	shalt  }
0x78: {  	_ =	shalt  }
0x79: {  	_ =	shalt  }
0x7a: {  	_ =	shalt  }
0x7b: {  	_ =	shalt  }
0x7c: {  	_ =	shalt  }
0x7d: {  	_ =	shalt  }
0x7e: {  	_ =	shalt  }
0x7f: {  	_ =	shalt  }
0x80: {  	_ =	shalt  }
0x81: {  	_ =	shalt  }
0x82: {  	_ =	shalt  }
0x83: {  	_ =	shalt  }
0x84: {  	_ =	shalt  }
0x85: {  	_ =	shalt  }
0x86: {  	_ =	shalt  }
0x87: {  	_ =	shalt  }
.Lfunc_end0:
.L_simem_size_0:
called_computation.2_lowered:
.L_overlay_start_0:
0x88: {  	s2 =	sld [smem:$0x3FD9]  }
0x89: {  	s3 =	sld [smem:$0x3FFE];
	_ =	sdelay $0x1  }
0x8a: {  	s1 =	srdreg.scid  }
0x8b: {  	s0 =	sand.u32 $0x1, s1  }
0x8c: {  	s16 =	sshll.u32 s0, $0xA;
	s2 =	sadd.s32 s3, s2  }
0x8d: {  	s2 =	sadd.s32 s2, s16  }
0x8e: {  	[smem:$0x3FB7] =	sst s2  }
0x8f: {  	_ = 	snop  }
0x90: {  	(tm) =	ssettm $0x1  }
0x91: {  	s17 =	sld [smem:$0x3FFB];
	_ =	sdelay $0x3  }
0x92: {  	_ =	strace s17  }
0x93: {  	s2 =	sld [smem:$0x3FFC];
	_ =	sdelay $0x3  }
0x94: {  	_ =	strace s2  }
0x95: {  	s2 =	sld [smem:$0x3FFD];
	_ =	sdelay $0x3  }
0x96: {  	_ =	strace s2  }
0x97: {  	_ =	strace $0x8FFFFFFF  }
0x98: {  	s18 =	sld [smem:$0x3FDB];
	_ =	sdelay $0x1  }
0x99: {  	s19 =	simm.s32 $_scs_section_size  }
0x9a: {  	s4 =	simm.s32 $_size__tile_overlayer_lowered;
	s5 =	simm.s32 $_tile_overlayer_lowered  }
0x9b: {  	s22 =	simm.s32 $0x1BFF;
	s21 =	sshll.u32 s5, $0x1;
	s2 =	sadd.s32 s19, s18  }
0x9c: {  	s6 =	simm.s32 $0x0;
	s20 =	sshll.u32 s4, $0x1;
	s4 =	sadd.s32 s21, s2  }
0x9d: {  	[timem:s6], [sflag:s22] =	dma.local [hbm:s4], s20  }
0x9e: {  	_ =	swait.ge [sflag:s22], s20  }
0x9f: {  	s3 =	ssub.s32 $0x0, s20;
	[sflag:s22] =	ssyncset.done $0x0  }
0xa0: {  	[sflag:s22] =	ssyncadd.s32 s3;
	_ =	sdelay $0x1  }
0xa1: {  	s23 =	simm.s32 $0x1B8B  }
0xa2: {  	_ =	swait.ge [sflag:s23], $0x1  }
0xa3: {  	[sflag:s23] =	ssyncset.done $0x0  }
0xa4: {  	s25 =	simm.s32 $0x1B8E;
	s24 =	sld [smem:$0x3FFE];
	[sflag:s23] =	ssyncadd.s32 $0xFFFFFFFF  }
0xa5: {  	s26 =	simm.s32 $execute0_lowered;
	[smem:$0x3FD2] =	sst s25  }
0xa6: {  	s4 =	sshll.u32 s26, $0x1;
	_ =	strace $0x8000004C;
	[dreg:$0x1] =	wrdreg $0xFFFFFFFF  }
0xa7: {  	s28 =	simm.s32 $_size_execute0_lowered;
	s2 =	sadd.s32 s2, s4;
	[dreg:$0x0] =	wrdreg $0x0  }
0xa8: {  	s4 =	sshll.u32 s28, $0x1;
	[dreg:$0x2] =	wrdreg s2  }
0xa9: {  	[dreg:$0x3] =	wrdreg s4  }
0xaa: {  	[dreg:$0x4] =	wrdreg $0xC0  }
0xab: {  	_ =	task [dreg:s6], $0x5FFFF  }
0xac: {  	[dreg:$0x1] =	wrdreg $0xFFFFFFFF  }
0xad: {  	[dreg:$0x0] =	wrdreg $0x60  }
0xae: {  	[dreg:$0x2] =	wrdreg s24  }
0xaf: {  	[dreg:$0x3] =	wrdreg $0x9  }
0xb0: {  	_ =	task.clear_ibuf [dreg:s6], $0x4FFFF;
	_ =	strace $0x9000004C  }
0xb1: {  	s29 =	simm.s32 $0x9;
	_ =	strace $0x8000004E  }
0xb2: {  	_ =	swait.ge [sflag:s29], $0x1  }
0xb3: {  	[sflag:s29] =	ssyncadd.s32 $0xFFFFFFFF  }
0xb4: {  	_ =	strace $0x9000004E  }
0xb5: {  	_ =	sfence  }
0xb6: {  	s30 =	sld [smem:$0x0];
	_ =	sdelay $0x2  }
0xb7: {  	s31 =	sshll.u32 s1, $0xD;
	s1 =	sshrl.u32 s1, $0x2  }
0xb8: {  	s3 =	sand.u32 $0x4000, s31;
	s1 =	sadd.s32 s1, s30  }
0xb9: {  	s0 =	sor.u32 s3, s0;
	s1 =	sshll.u32 s1, $0x11  }
0xba: {  	s0 =	sor.u32 s1, s0  }
0xbb: {  	s0 =	sadd.s32 $0x8F2B, s0  }
0xbc: {  	[sflag:s0] =	ssyncadd.remote.s32 $0x1  }
0xbd: {  	_ =	sfence.sel $0xFFFF  }
0xbe: {  	[dreg:$0x0] =	wrdreg $0xFFFFFFFF;
	(pc) =	sbr.abs _section_cstart, $3  }
0xbf: {  	[dreg:$0x1] =	wrdreg $0xFFFFFFFF  }
0xc0: {  	_ =	task.clear_ibuf [dreg:s6], $0x2FFFF;
	_ =	strace $0x9FFFFFFF  }
0xc1: {  	(tm) =	ssettm $0x7FFFFFFF  }
tec
execute0_lowered:
.L_overlay_start_1:
0x0: {  	(tag) =	ssettag $0x1  }
0x1: {  	s7 =	rddreg [dreg:$0x0]  }
0x2: {  	s0 =	rddreg [dreg:$0x1];
	s3 =	srdreg.scid  }
0x3: {  	s1 =	stileid.u32;
	s2 =	simm.s32 $0x0;
	s14 =	simm.s32 $0x80  }
0x4: {  	s15 =	simm.s32 $0x280;
	s16 =	simm.s32 $0x1;
	s17 =	simm.s32 $0x2  }
0x5: {  	s18 =	simm.s32 $0x50;
	s19 =	simm.s32 $0x400;
	s20 =	simm.s32 $0x7C00  }
0x6: {  	s21 =	simm.s32 $0x3;
	s22 =	simm.s32 $0x4;
	s23 =	simm.s32 $0x5  }
0x7: {  	s24 =	simm.s32 $0x0;
	s6 =	sand.u32 $0x1, s3;
	s30 =	sshll.u32 s1, $0x1  }
0x8: {  	[smem:$0x7FF] =	sst s2;
	s3 =	sadd.s32 $0x9C600, s7;
	s8 =	sor.u32 s6, s30  }
0x9: {  	s5 =	sadd.s32 $0xA1600, s7;
	s9 =	ssub.s32 $0x2, s6;
	s4 =	smul.u32 $0x1400, s8  }
0xa: {  	_ =	strace $0x8000004D;
	s8 =	smul.u32 $0xC800, s8;
	s10 =	sshrl.u32 s9, $0x1  }
0xb: {  	s6 =	sadd.s32 $0x3800, s7;
	s13 =	ssub.s32 s9, s10;
	s11 =	sshrl.u32 s4, $0x3  }
0xc: {  	s12 =	sadd.s32 s8, s7;
	s31 =	sor.u32 $0x10, s11;
	s7 =	sadd.s32 s3, s11  }
0xd: {  	s8 =	sadd.s32 s5, s11;
	s11 =	sadd.s32 $0xA6600, s12;
	s12 =	smax.u32 s13, $0x1  }
0xe: {  	s13 =	simm.s32 $0x200;
	s9 =	sadd.s32 s3, s31;
	s10 =	sadd.s32 s5, s31  }
.LBB2_1:
0xf: {  	[tilespmem:s2], [sflag:$0x1] =	stream.linear.gather [hbm4b:s7+s2], $0x80, $0x38;
	[tilespmem:$0xF400] =	vst v63  }
0x10: {  	_ = 	snop  }
0x11: {  	[tilespmem:s13], [sflag:$0x2] =	stream.linear.gather [hbm4b:s8+s2], $0x80, $0x38;
	[tilespmem:$0xF400] =	vst v63  }
0x12: {  	_ = 	snop  }
0x13: {  	[tilespmem:s14], [sflag:$0x1] =	stream.linear.gather [hbm4b:s9+s2], $0x80, $0x38;
	[tilespmem:$0xF400] =	vst v63  }
0x14: {  	_ = 	snop  }
0x15: {  	[tilespmem:s15], [sflag:$0x2] =	stream.linear.gather [hbm4b:s10+s2], $0x80, $0x38;
	[tilespmem:$0xF400] =	vst v63  }
0x16: {  	_ =	swait.ge [sflag:s16], $0x80  }
0x17: {  	[sflag:s16] =	ssyncset.done $0x0  }
0x18: {  	[sflag:s16] =	ssyncadd.s32 $0xFFFFFF80  }
0x19: {  	_ =	swait.ge [sflag:s17], $0x80  }
0x1a: {  	[sflag:s17] =	ssyncset.done $0x0  }
0x1b: {  	[sflag:s17] =	ssyncadd.s32 $0xFFFFFF80  }
0x1c: {  	[tilespmem:s19], [sflag:$0x3] =	stream.indirect.gather [hbm4b:s6+s18], $0x80, s2, s18, $0xb8;
	[tilespmem:$0xF400] =	vst v63  }
0x1d: {  	s25 =	simm.s32 $0x0  }
0x1e: {  	[tilespmem:s20], [sflag:$0x4] =	stream.indirect.gather [hbm4b:s6+s18], $0x80, s13, s18, $0xb8;
	[tilespmem:$0xF400] =	vst v63  }
.LBB2_2:
0x1f: {  	p0 =	slt.u32 s25, $0x2  }
0x20: {  	p1 =	sgt.u32 @!p0 s25, $0x25  }
0x21: {  	p1 =	por p0, !p1  }
.Ltmp0:
0x22: {  	_ = 	snop;
	(pc) =	sbr.rel @!p1 .LBB2_4-.Ltmp0, $4  }
0x23: {  	s26 =	simm.s32 @!p0 $0x5  }
0x24: {  	_ =	swait.ge @!p0 [sflag:s26], $0x2800  }
0x25: {  	[sflag:s26] =	ssyncset.done @!p0 $0x0  }
0x26: {  	[sflag:s26] =	ssyncadd.s32 @!p0 $0xFFFFD800  }
0x27: {  	s26 =	sadd.s32 $0x2, s25  }
0x28: {  	s28 =	smul.u32 $0xAB, s26;
	_ =	sdelay $0x1  }
0x29: {  	s28 =	sshrl.u32 s28, $0x9  }
0x2a: {  	s29 =	sshll.u32 s26, $0x7;
	s28 =	sand.u32 $0x7F, s28  }
0x2b: {  	s30 =	sand.u32 $0x3C00, s29;
	s28 =	smul.u32 $0x3, s28  }
0x2c: {  	s29 =	sand.u32 $0x380, s29;
	s30 =	sadd.s32 s4, s30  }
0x2d: {  	s29 =	sor.u32 s29, s30;
	s26 =	ssub.s32 s26, s28  }
0x2e: {  	s28 =	sshrl.u32 s29, $0x3;
	s26 =	sand.u32 $0xFF, s26  }
.Ltmp1:
0x2f: {  	s29 =	sadd.s32 s3, s28;
	s26 =	sshll.u32 s26, $0x7;
	(pc) =	sbr.rel .LBB2_5-.Ltmp1, $4  }
0x30: {  	[tilespmem:s26], [sflag:$0x1] =	stream.linear.gather [hbm4b:s29+s2], $0x80, $0x38;
	[tilespmem:$0xF400] =	vst v63  }
0x31: {  	s28 =	sadd.s32 s5, s28;
	s26 =	sor.u32 $0x200, s26  }
0x32: {  	[tilespmem:s26], [sflag:$0x2] =	stream.linear.gather [hbm4b:s28+s2], $0x80, $0x38;
	[tilespmem:$0xF400] =	vst v63  }
0x33: {  	s28 =	sadd.s32 $0x1, s25  }
.LBB2_4:
0x34: {  	p0 =	seq.s32 s25, $0x27  }
.Ltmp2:
0x35: {  	_ = 	snop;
	(pc) =	sbr.rel @p0 .LBB2_6-.Ltmp2, $2  }
0x36: {  	_ =	sdelay $0x2  }
0x37: {  	s28 =	simm.s32 $0x27;
	s26 =	simm.s32 $0x28  }
.LBB2_5:
0x38: {  	s26 =	smul.u32 $0xAB, s28;
	_ =	sdelay $0x1  }
0x39: {  	s26 =	sshrl.u32 s26, $0x9  }
0x3a: {  	s26 =	sand.u32 $0x7F, s26  }
0x3b: {  	s26 =	smul.u32 $0x3, s26  }
0x3c: {  	_ =	swait.ge [sflag:s16], $0x80  }
0x3d: {  	[sflag:s16] =	ssyncset.done $0x0;
	s26 =	ssub.s32 s28, s26  }
0x3e: {  	[sflag:s16] =	ssyncadd.s32 $0xFFFFFF80;
	s26 =	sand.u32 $0xFF, s26  }
0x3f: {  	_ =	swait.ge [sflag:s17], $0x80;
	s29 =	smul.u32 $0x2800, s26  }
0x40: {  	[sflag:s17] =	ssyncset.done $0x0  }
0x41: {  	[sflag:s17] =	ssyncadd.s32 $0xFFFFFF80;
	s26 =	sshll.u32 s26, $0x7;
	s30 =	sor.u32 $0x400, s29  }
0x42: {  	[tilespmem:s30], [sflag:$0x3] =	stream.indirect.gather [hbm4b:s6+s18], $0x80, s26, s18, $0xb8;
	[tilespmem:$0xF400] =	vst v63  }
0x43: {  	s29 =	sadd.s32 $0x7C00, s29;
	s26 =	sor.u32 $0x200, s26  }
0x44: {  	[tilespmem:s29], [sflag:$0x4] =	stream.indirect.gather [hbm4b:s6+s18], $0x80, s26, s18, $0xb8;
	[tilespmem:$0xF400] =	vst v63  }
0x45: {  	s26 =	smov.u32 s28  }
.LBB2_6:
0x46: {  	s28 =	sand.u32 $0xFF, s25  }
0x47: {  	s28 =	smul.u32 $0xAB, s28;
	_ =	sdelay $0x1  }
0x48: {  	s28 =	sshrl.u32 s28, $0x9  }
0x49: {  	s28 =	smul.u32 $0x3, s28;
	_ =	sdelay $0x1  }
0x4a: {  	s28 =	ssub.s32 s25, s28  }
0x4b: {  	s28 =	sand.u32 $0xFF, s28  }
0x4c: {  	s28 =	smul.u32 $0xA000, s28;
	_ =	sdelay $0x1  }
0x4d: {  	s29 =	sshrl.u32 s28, $0x2  }
0x4e: {  	_ =	swait.ge [sflag:s21], $0x2800;
	s28 =	sor.u32 $0x400, s29  }
0x4f: {  	[sflag:s21] =	ssyncset.done $0x0;
	s29 =	sadd.s32 $0x7C00, s29;
	v0 =	vmov s28  }
0x50: {  	[sflag:s21] =	ssyncadd.s32 $0xFFFFD800;
	v1 =	vmov s29  }
0x51: {  	_ =	swait.ge [sflag:s22], $0x2800  }
0x52: {  	[sflag:s22] =	ssyncset.done $0x0  }
0x53: {  	[sflag:s22] =	ssyncadd.s32 $0xFFFFD800;
	s29 =	simm.s32 $0x0  }
0x54: {  	v2 =	vld.idx.msk [tilespmem:v0+s29+$0x0 ss:$0x1], $0xffff  }
0x55: {  	v3 =	vld.idx.msk [tilespmem:v1+s29+$0x0 ss:$0x1], $0xffff;
	_ =	sdelay $0x4  }
0x56: {  	v2 =	vmul.f32 v3, v2;
	_ =	sdelay $0x1  }
0x57: {  	[tilespmem:v0+s29+$0x0 ss:$0x1] =	vst.idx.msk $0xffff, v2;
	v2 =	vld.idx.msk [tilespmem:v0+s29+$0x80 ss:$0x1], $0xffff  }
0x58: {  	v3 =	vld.idx.msk [tilespmem:v1+s29+$0x80 ss:$0x1], $0xffff;
	_ =	sdelay $0x4  }
0x59: {  	v2 =	vmul.f32 v3, v2;
	_ =	sdelay $0x1  }
0x5a: {  	[tilespmem:v0+s29+$0x80 ss:$0x1] =	vst.idx.msk $0xffff, v2;
	v2 =	vld.idx.msk [tilespmem:v0+s29+$0x10 ss:$0x1], $0xffff  }
0x5b: {  	v3 =	vld.idx.msk [tilespmem:v1+s29+$0x10 ss:$0x1], $0xffff;
	_ =	sdelay $0x4  }
0x5c: {  	v2 =	vmul.f32 v3, v2;
	_ =	sdelay $0x1  }
0x5d: {  	[tilespmem:v0+s29+$0x10 ss:$0x1] =	vst.idx.msk $0xffff, v2;
	v2 =	vld.idx.msk [tilespmem:v0+s29+$0x90 ss:$0x1], $0xffff  }
0x5e: {  	v3 =	vld.idx.msk [tilespmem:v1+s29+$0x90 ss:$0x1], $0xffff;
	_ =	sdelay $0x4  }
0x5f: {  	v2 =	vmul.f32 v3, v2;
	_ =	sdelay $0x1  }
0x60: {  	[tilespmem:v0+s29+$0x90 ss:$0x1] =	vst.idx.msk $0xffff, v2;
	v2 =	vld.idx.msk [tilespmem:v0+s29+$0x20 ss:$0x1], $0xffff  }
0x61: {  	v3 =	vld.idx.msk [tilespmem:v1+s29+$0x20 ss:$0x1], $0xffff;
	_ =	sdelay $0x4  }
0x62: {  	v2 =	vmul.f32 v3, v2;
	_ =	sdelay $0x1  }
0x63: {  	[tilespmem:v0+s29+$0x20 ss:$0x1] =	vst.idx.msk $0xffff, v2;
	v2 =	vld.idx.msk [tilespmem:v0+s29+$0xA0 ss:$0x1], $0xffff  }
0x64: {  	v3 =	vld.idx.msk [tilespmem:v1+s29+$0xA0 ss:$0x1], $0xffff;
	_ =	sdelay $0x4  }
0x65: {  	v2 =	vmul.f32 v3, v2;
	_ =	sdelay $0x1  }
0x66: {  	[tilespmem:v0+s29+$0xA0 ss:$0x1] =	vst.idx.msk $0xffff, v2;
	v2 =	vld.idx.msk [tilespmem:v0+s29+$0x30 ss:$0x1], $0xffff  }
0x67: {  	v3 =	vld.idx.msk [tilespmem:v1+s29+$0x30 ss:$0x1], $0xffff;
	_ =	sdelay $0x4  }
0x68: {  	v2 =	vmul.f32 v3, v2;
	_ =	sdelay $0x1  }
0x69: {  	[tilespmem:v0+s29+$0x30 ss:$0x1] =	vst.idx.msk $0xffff, v2;
	v2 =	vld.idx.msk [tilespmem:v0+s29+$0xB0 ss:$0x1], $0xffff  }
0x6a: {  	v3 =	vld.idx.msk [tilespmem:v1+s29+$0xB0 ss:$0x1], $0xffff;
	_ =	sdelay $0x4  }
0x6b: {  	v2 =	vmul.f32 v3, v2;
	_ =	sdelay $0x1  }
0x6c: {  	[tilespmem:v0+s29+$0xB0 ss:$0x1] =	vst.idx.msk $0xffff, v2;
	v2 =	vld.idx.msk [tilespmem:v0+s29+$0x40 ss:$0x1], $0xffff  }
0x6d: {  	v3 =	vld.idx.msk [tilespmem:v1+s29+$0x40 ss:$0x1], $0xffff;
	_ =	sdelay $0x4  }
0x6e: {  	v2 =	vmul.f32 v3, v2;
	_ =	sdelay $0x1  }
0x6f: {  	[tilespmem:v0+s29+$0x40 ss:$0x1] =	vst.idx.msk $0xffff, v2;
	v2 =	vld.idx.msk [tilespmem:v0+s29+$0xC0 ss:$0x1], $0xffff  }
0x70: {  	v3 =	vld.idx.msk [tilespmem:v1+s29+$0xC0 ss:$0x1], $0xffff;
	_ =	sdelay $0x4  }
0x71: {  	v2 =	vmul.f32 v3, v2;
	_ =	sdelay $0x1  }
0x72: {  	v3 =	vld.idx.msk [tilespmem:v0+s29+$0x50 ss:$0x1], $0xffff;
	[tilespmem:v0+s29+$0xC0 ss:$0x1] =	vst.idx.msk $0xffff, v2  }
0x73: {  	v2 =	vld.idx.msk [tilespmem:v1+s29+$0x50 ss:$0x1], $0xffff;
	_ =	sdelay $0x4  }
0x74: {  	v2 =	vmul.f32 v2, v3;
	_ =	sdelay $0x1  }
0x75: {  	v3 =	vld.idx.msk [tilespmem:v0+s29+$0xD0 ss:$0x1], $0xffff;
	[tilespmem:v0+s29+$0x50 ss:$0x1] =	vst.idx.msk $0xffff, v2  }
0x76: {  	v2 =	vld.idx.msk [tilespmem:v1+s29+$0xD0 ss:$0x1], $0xffff;
	_ =	sdelay $0x4  }
0x77: {  	v2 =	vmul.f32 v2, v3;
	_ =	sdelay $0x1  }
0x78: {  	v3 =	vld.idx.msk [tilespmem:v0+s29+$0x60 ss:$0x1], $0xffff;
	[tilespmem:v0+s29+$0xD0 ss:$0x1] =	vst.idx.msk $0xffff, v2  }
0x79: {  	v2 =	vld.idx.msk [tilespmem:v1+s29+$0x60 ss:$0x1], $0xffff;
	_ =	sdelay $0x4  }
0x7a: {  	v2 =	vmul.f32 v2, v3;
	_ =	sdelay $0x1  }
0x7b: {  	v3 =	vld.idx.msk [tilespmem:v0+s29+$0xE0 ss:$0x1], $0xffff;
	[tilespmem:v0+s29+$0x60 ss:$0x1] =	vst.idx.msk $0xffff, v2  }
0x7c: {  	v2 =	vld.idx.msk [tilespmem:v1+s29+$0xE0 ss:$0x1], $0xffff;
	_ =	sdelay $0x4  }
0x7d: {  	v2 =	vmul.f32 v2, v3;
	_ =	sdelay $0x1  }
0x7e: {  	v3 =	vld.idx.msk [tilespmem:v0+s29+$0x70 ss:$0x1], $0xffff;
	[tilespmem:v0+s29+$0xE0 ss:$0x1] =	vst.idx.msk $0xffff, v2  }
0x7f: {  	v2 =	vld.idx.msk [tilespmem:v1+s29+$0x70 ss:$0x1], $0xffff;
	_ =	sdelay $0x4  }
0x80: {  	v2 =	vmul.f32 v2, v3;
	_ =	sdelay $0x1  }
0x81: {  	v3 =	vld.idx.msk [tilespmem:v0+s29+$0xF0 ss:$0x1], $0xffff;
	[tilespmem:v0+s29+$0x70 ss:$0x1] =	vst.idx.msk $0xffff, v2  }
0x82: {  	v2 =	vld.idx.msk [tilespmem:v1+s29+$0xF0 ss:$0x1], $0xffff;
	_ =	sdelay $0x4  }
0x83: {  	s30 =	simm.s32 $0x400;
	v2 =	vmul.f32 v2, v3  }
.LBB2_7:
0x84: {  	p0 =	sne.s32 s30, $0x9C00;
	s31 =	smov.u32 s30;
	s30 =	sadd.s32 $0x400, s30  }
0x85: {  	[tilespmem:v0+s29+$0xF0 ss:$0x1] =	vst.idx.msk $0xffff, v2;
	s29 =	sshra.s32 s31, $0x2  }
0x86: {  	v2 =	vld.idx.msk [tilespmem:v0+s29+$0x0 ss:$0x1], $0xffff  }
0x87: {  	v3 =	vld.idx.msk [tilespmem:v1+s29+$0x0 ss:$0x1], $0xffff;
	_ =	sdelay $0x5  }
0x88: {  	v2 =	vmul.f32 v3, v2;
	_ =	sdelay $0x1  }
0x89: {  	[tilespmem:v0+s29+$0x0 ss:$0x1] =	vst.idx.msk $0xffff, v2;
	v2 =	vld.idx.msk [tilespmem:v0+s29+$0x80 ss:$0x1], $0xffff  }
0x8a: {  	v3 =	vld.idx.msk [tilespmem:v1+s29+$0x80 ss:$0x1], $0xffff;
	_ =	sdelay $0x5  }
0x8b: {  	v2 =	vmul.f32 v3, v2;
	_ =	sdelay $0x1  }
0x8c: {  	[tilespmem:v0+s29+$0x80 ss:$0x1] =	vst.idx.msk $0xffff, v2;
	v2 =	vld.idx.msk [tilespmem:v0+s29+$0x10 ss:$0x1], $0xffff  }
0x8d: {  	v3 =	vld.idx.msk [tilespmem:v1+s29+$0x10 ss:$0x1], $0xffff;
	_ =	sdelay $0x5  }
0x8e: {  	v2 =	vmul.f32 v3, v2;
	_ =	sdelay $0x1  }
0x8f: {  	[tilespmem:v0+s29+$0x10 ss:$0x1] =	vst.idx.msk $0xffff, v2;
	v2 =	vld.idx.msk [tilespmem:v0+s29+$0x90 ss:$0x1], $0xffff  }
0x90: {  	v3 =	vld.idx.msk [tilespmem:v1+s29+$0x90 ss:$0x1], $0xffff;
	_ =	sdelay $0x5  }
0x91: {  	v2 =	vmul.f32 v3, v2;
	_ =	sdelay $0x1  }
0x92: {  	[tilespmem:v0+s29+$0x90 ss:$0x1] =	vst.idx.msk $0xffff, v2;
	v2 =	vld.idx.msk [tilespmem:v0+s29+$0x20 ss:$0x1], $0xffff  }
0x93: {  	v3 =	vld.idx.msk [tilespmem:v1+s29+$0x20 ss:$0x1], $0xffff;
	_ =	sdelay $0x5  }
0x94: {  	v2 =	vmul.f32 v3, v2;
	_ =	sdelay $0x1  }
0x95: {  	[tilespmem:v0+s29+$0x20 ss:$0x1] =	vst.idx.msk $0xffff, v2;
	v2 =	vld.idx.msk [tilespmem:v0+s29+$0xA0 ss:$0x1], $0xffff  }
0x96: {  	v3 =	vld.idx.msk [tilespmem:v1+s29+$0xA0 ss:$0x1], $0xffff;
	_ =	sdelay $0x5  }
0x97: {  	v2 =	vmul.f32 v3, v2;
	_ =	sdelay $0x1  }
0x98: {  	[tilespmem:v0+s29+$0xA0 ss:$0x1] =	vst.idx.msk $0xffff, v2;
	v2 =	vld.idx.msk [tilespmem:v0+s29+$0x30 ss:$0x1], $0xffff  }
0x99: {  	v3 =	vld.idx.msk [tilespmem:v1+s29+$0x30 ss:$0x1], $0xffff;
	_ =	sdelay $0x5  }
0x9a: {  	v2 =	vmul.f32 v3, v2;
	_ =	sdelay $0x1  }
0x9b: {  	[tilespmem:v0+s29+$0x30 ss:$0x1] =	vst.idx.msk $0xffff, v2;
	v2 =	vld.idx.msk [tilespmem:v0+s29+$0xB0 ss:$0x1], $0xffff  }
0x9c: {  	v3 =	vld.idx.msk [tilespmem:v1+s29+$0xB0 ss:$0x1], $0xffff;
	_ =	sdelay $0x5  }
0x9d: {  	v2 =	vmul.f32 v3, v2;
	_ =	sdelay $0x1  }
0x9e: {  	[tilespmem:v0+s29+$0xB0 ss:$0x1] =	vst.idx.msk $0xffff, v2;
	v2 =	vld.idx.msk [tilespmem:v0+s29+$0x40 ss:$0x1], $0xffff  }
0x9f: {  	v3 =	vld.idx.msk [tilespmem:v1+s29+$0x40 ss:$0x1], $0xffff;
	_ =	sdelay $0x5  }
0xa0: {  	v2 =	vmul.f32 v3, v2;
	_ =	sdelay $0x1  }
0xa1: {  	[tilespmem:v0+s29+$0x40 ss:$0x1] =	vst.idx.msk $0xffff, v2;
	v2 =	vld.idx.msk [tilespmem:v0+s29+$0xC0 ss:$0x1], $0xffff  }
0xa2: {  	v3 =	vld.idx.msk [tilespmem:v1+s29+$0xC0 ss:$0x1], $0xffff  }
0xa3: {  	v4 =	vld.idx.msk [tilespmem:v0+s29+$0x50 ss:$0x1], $0xffff;
	_ =	sdelay $0x4  }
0xa4: {  	v2 =	vmul.f32 v3, v2;
	_ =	sdelay $0x1  }
0xa5: {  	[tilespmem:v0+s29+$0xC0 ss:$0x1] =	vst.idx.msk $0xffff, v2  }
0xa6: {  	v2 =	vld.idx.msk [tilespmem:v1+s29+$0x50 ss:$0x1], $0xffff  }
0xa7: {  	v3 =	vld.idx.msk [tilespmem:v0+s29+$0xD0 ss:$0x1], $0xffff;
	_ =	sdelay $0x4  }
0xa8: {  	v2 =	vmul.f32 v2, v4;
	_ =	sdelay $0x1  }
0xa9: {  	[tilespmem:v0+s29+$0x50 ss:$0x1] =	vst.idx.msk $0xffff, v2  }
0xaa: {  	v2 =	vld.idx.msk [tilespmem:v1+s29+$0xD0 ss:$0x1], $0xffff  }
0xab: {  	v4 =	vld.idx.msk [tilespmem:v0+s29+$0x60 ss:$0x1], $0xffff;
	_ =	sdelay $0x4  }
0xac: {  	v2 =	vmul.f32 v2, v3;
	_ =	sdelay $0x1  }
0xad: {  	[tilespmem:v0+s29+$0xD0 ss:$0x1] =	vst.idx.msk $0xffff, v2  }
0xae: {  	v2 =	vld.idx.msk [tilespmem:v1+s29+$0x60 ss:$0x1], $0xffff  }
0xaf: {  	v3 =	vld.idx.msk [tilespmem:v0+s29+$0xE0 ss:$0x1], $0xffff;
	_ =	sdelay $0x4  }
0xb0: {  	v2 =	vmul.f32 v2, v4;
	_ =	sdelay $0x1  }
0xb1: {  	[tilespmem:v0+s29+$0x60 ss:$0x1] =	vst.idx.msk $0xffff, v2  }
0xb2: {  	v2 =	vld.idx.msk [tilespmem:v1+s29+$0xE0 ss:$0x1], $0xffff  }
0xb3: {  	v4 =	vld.idx.msk [tilespmem:v0+s29+$0x70 ss:$0x1], $0xffff;
	_ =	sdelay $0x4  }
0xb4: {  	v2 =	vmul.f32 v2, v3;
	_ =	sdelay $0x1  }
0xb5: {  	[tilespmem:v0+s29+$0xE0 ss:$0x1] =	vst.idx.msk $0xffff, v2  }
0xb6: {  	v2 =	vld.idx.msk [tilespmem:v1+s29+$0x70 ss:$0x1], $0xffff  }
0xb7: {  	v3 =	vld.idx.msk [tilespmem:v0+s29+$0xF0 ss:$0x1], $0xffff;
	_ =	sdelay $0x4  }
0xb8: {  	v2 =	vmul.f32 v2, v4;
	_ =	sdelay $0x1  }
0xb9: {  	[tilespmem:v0+s29+$0x70 ss:$0x1] =	vst.idx.msk $0xffff, v2  }
0xba: {  	v2 =	vld.idx.msk [tilespmem:v1+s29+$0xF0 ss:$0x1], $0xffff;
	_ =	sdelay $0x1  }
.Ltmp3:
0xbb: {  	(pc) =	sbr.rel @p0 .LBB2_7-.Ltmp3, $2  }
0xbc: {  	_ =	sdelay $0x2  }
0xbd: {  	v2 =	vmul.f32 v2, v3  }
0xbe: {  	_ = 	snop  }
0xbf: {  	s25 =	smul.u32 $0x500, s25;
	p0 =	slt.u32 s26, $0x28  }
.Ltmp4:
0xc0: {  	_ = 	snop;
	(pc) =	sbr.rel @p0 .LBB2_2-.Ltmp4, $4  }
0xc1: {  	_ = 	snop  }
0xc2: {  	[tilespmem:v0+s29+$0xF0 ss:$0x1] =	vst.idx.msk $0xffff, v2;
	s25 =	sadd.s32 s11, s25  }
0xc3: {  	[hbm4b:s25+s2] =	stream.linear.scatter [tilespmem:s28], [sflag:$0x5], $0x2800, $0x38;
	[tilespmem:$0xF400] =	vst v63  }
0xc4: {  	s25 =	smov.u32 s26  }
0xc5: {  	s24 =	sadd.s32 $0x1, s24  }
0xc6: {  	_ =	swait.ge [sflag:s23], $0x2800;
	p0 =	sne.s32 s24, s12  }
.Ltmp5:
0xc7: {  	[sflag:s23] =	ssyncset.done $0x0;
	(pc) =	sbr.rel @p0 .LBB2_1-.Ltmp5, $4  }
0xc8: {  	[sflag:s23] =	ssyncadd.s32 $0xFFFFD800  }
0xc9: {  	_ =	swait.ge [sflag:s23], $0x2800  }
0xca: {  	[sflag:s23] =	ssyncset.done $0x0  }
0xcb: {  	[sflag:s23] =	ssyncadd.s32 $0xFFFFD800  }
0xcc: {  	_ =	sfence.sel $0x180000  }
0xcd: {  	[bflag:$0x0] =	sbarrier.arrive $0xFFFF  }
0xce: {  	p0 =	sne.s32 s1, $0x0;
	_ =	strace $0x9000004D  }
0xcf: {  	s0 =	sadd.s32 @!p0 $0x100000, s0;
	[bflag:$0x2] =	sbarrier.arrive $0xFFFF  }
0xd0: {  	[sflag:s0] =	ssyncadd.tile.s32 @!p0 $0x1;
	_ =	shalt  }
.Lfunc_end2:
_tile_overlayer_lowered:
.L_overlay_start_2:
0xd1: {  	(tag) =	ssettag $0x2  }
0xd2: {  	s0 =	rddreg [dreg:$0x0];
	s2 =	stileid.u32  }
0xd3: {  	s1 =	rddreg [dreg:$0x1];
	p0 =	sne.s32 s2, $0x0  }
0xd4: {  	s3 =	rddreg [dreg:$0x2];
	[bflag:$0x3] =	sbarrier.arrive $0xFFFF;
	s2 =	simm.s32 @!p0 $0x1C06  }
0xd5: {  	[timem:s3], [sflag:s2] =	dma.local @!p0 [hbm:s0], s1  }
0xd6: {  	s0 =	simm.s32 @!p0 $0x6  }
0xd7: {  	_ =	swait.ge @!p0 [sflag:s0], s1  }
0xd8: {  	s1 =	ssub.s32 @!p0 $0x0, s1;
	[sflag:s0] =	ssyncset.done @!p0 $0x0  }
0xd9: {  	[sflag:s0] =	ssyncadd.s32 @!p0 s1  }
0xda: {  	[bflag:$0x3] =	sbarrier.arrive $0xFFFF  }
0xdb: {  	_ =	shalt  }

</sc_bundles>
